<compile_context>
chip_gen: v7x
topology: tpu7x:2x2x1
jax: 0.10.2.dev20260603
libtpu: 0.0.44.dev20260713+nightly
codegen_flags: <defaults>
</compile_context>

<pallas_src>
import functools

import jax
import jax.numpy as jnp
from jax import lax
from jax.experimental import pallas as pl
from jax.experimental.pallas import tpu as pltpu, tpu_sc as plsc

N = 8192
K = 8192
D = 256
DH = D // 2
DECAY = 0.99
EPS = 1e-05

BN = 1024
BK = 2048
NBLK = N // BN
KBLK = K // BK

NC = 2
NS = 16
CH = 128
TOK_W = N // (NC * NS)
TOK_S = N // NS
ROWS_S = K // NS


def _argmin_body(z_ref, cb_ref, out_ref, c2_ref):
    i = pl.program_id(0)

    @pl.when(i == 0)
    def _():
        for j in range(KBLK):
            c_blk = cb_ref[pl.ds(j * BK, BK), :]
            c2_ref[:, pl.ds(j * BK, BK)] = (
                jnp.sum(c_blk * c_blk, axis=1)[None, :])

    z = z_ref[...]
    z2 = jnp.sum(z * z, axis=1, keepdims=True)
    z2x = 2.0 * z
    lane = lax.broadcasted_iota(jnp.int32, (1, 128), 1)

    def body(j, carry):
        run_val, run_gid = carry
        c_blk = cb_ref[pl.ds(j * BK, BK), :]
        zc2 = lax.dot_general(z2x, c_blk, (((1,), (1,)), ((), ())),
                              preferred_element_type=jnp.float32)
        dist = (z2 + c2_ref[:, pl.ds(j * BK, BK)]) - zc2
        for g in range(BK // 128):
            dg = dist[:, g * 128:(g + 1) * 128]
            m = dg < run_val
            run_val = jnp.where(m, dg, run_val)
            run_gid = jnp.where(m, jnp.int32(j * (BK // 128) + g), run_gid)
        return run_val, run_gid

    init = (jnp.full((BN, 128), jnp.inf, jnp.float32),
            jnp.full((BN, 128), K // 128, jnp.int32))
    run_val, run_gid = lax.fori_loop(0, KBLK, body, init)
    col = run_gid * 128 + lane
    bmin = jnp.min(run_val, axis=1, keepdims=True)
    cand = jnp.where(run_val == bmin, col, K)
    out_ref[0] = jnp.min(cand, axis=1, keepdims=True)


def _argmin_call(z_flat, codebook):
    return pl.pallas_call(
        _argmin_body,
        grid=(NBLK,),
        in_specs=[
            pl.BlockSpec((BN, D), lambda i: (i, 0)),
            pl.BlockSpec((K, D), lambda i: (0, 0)),
        ],
        out_specs=pl.BlockSpec((1, BN, 1), lambda i: (i, 0, 0)),
        out_shape=jax.ShapeDtypeStruct((NBLK, BN, 1), jnp.int32),
        scratch_shapes=[pltpu.VMEM((1, K), jnp.float32)],
        compiler_params=pltpu.CompilerParams(
            dimension_semantics=("arbitrary",)),
    )(z_flat, codebook)


CHS = 64
CHG = 64


def _sc_body(idx_hbm, z_hbm, cb_hbm,
             quant_hbm, esum_hbm, counts_hbm,
             sidx_a, sidx_b, z_a, z_b, gidx_a, gidx_b, rows_a, rows_b,
             zbuf, zcnt_v, ones_v,
             table_sh, counts_sh,
             semz, sxi_a, sxi_b, sxz_a, sxz_b,
             sgi_a, sgi_b, sgg_a, sgg_b, sgs_a, sgs_b):
    c = lax.axis_index("c")
    s = lax.axis_index("s")
    w = c * NS + s

    for r in range(32):
        for j in range(DH // 16):
            zbuf[r, pl.ds(j * 16, 16)] = jnp.zeros((16,), jnp.float32)
    for j in range(ROWS_S // 16):
        zcnt_v[pl.ds(j * 16, 16)] = jnp.zeros((16,), jnp.float32)
    for j in range(CHS // 16):
        ones_v[pl.ds(j * 16, 16)] = jnp.ones((16,), jnp.float32)

    zd = []
    for q in range(ROWS_S // 32):
        zd.append(pltpu.async_copy(
            zbuf, table_sh.at[pl.ds(s * ROWS_S + q * 32, 32)], semz))
    zd.append(pltpu.async_copy(
        zcnt_v, counts_sh.at[pl.ds(s * ROWS_S, ROWS_S)], semz))

    nch = TOK_S // CHS
    sbase = s * TOK_S
    bufs = [(sidx_a, z_a, sxi_a, sxz_a), (sidx_b, z_b, sxi_b, sxz_b)]
    loads = {}

    def issue_load(t):
        ib, zb_, si, sz = bufs[t % 2]
        b = sbase + t * CHS
        loads[t] = (pltpu.async_copy(idx_hbm.at[pl.ds(b, CHS)], ib, si),
                    pltpu.async_copy(
                        z_hbm.at[pl.ds(b, CHS), pl.ds(c * DH, DH)], zb_, sz))

    issue_load(0)
    for d in zd:
        d.wait()
    plsc.subcore_barrier()

    for t in range(nch):
        if t + 1 < nch:
            issue_load(t + 1)
        di, dz = loads.pop(t)
        di.wait()
        dz.wait()
        ib, zb_, _, _ = bufs[t % 2]
        pltpu.sync_copy(zb_, table_sh.at[ib], add=True)
        pltpu.sync_copy(ones_v, counts_sh.at[ib], add=True)
    plsc.subcore_barrier()

    dr = pltpu.async_copy(
        table_sh.at[pl.ds(s * ROWS_S, ROWS_S)],
        esum_hbm.at[pl.ds(s * ROWS_S, ROWS_S), pl.ds(c * DH, DH)], semz)

    @pl.when(c == 0)
    def _():
        pltpu.sync_copy(counts_sh.at[pl.ds(s * ROWS_S, ROWS_S)],
                        counts_hbm.at[pl.ds(s * ROWS_S, ROWS_S)])

    ngc = TOK_W // CHG
    gbufs = [(gidx_a, rows_a, sgi_a, sgg_a, sgs_a),
             (gidx_b, rows_b, sgi_b, sgg_b, sgs_b)]
    il = {}
    gl = {}
    st = {}

    def g_issue_idx(t):
        gi, _, si, _, _ = gbufs[t % 2]
        il[t] = pltpu.async_copy(
            idx_hbm.at[pl.ds(w * TOK_W + t * CHG, CHG)], gi, si)

    g_issue_idx(0)
    for t in range(ngc):
        gi, rw, _, sg, ss = gbufs[t % 2]
        if t >= 2:
            st[t - 2].wait()
        il[t].wait()
        if t + 1 < ngc:
            g_issue_idx(t + 1)
        gl[t] = pltpu.async_copy(cb_hbm.at[gi], rw, sg)
        gl[t].wait()
        st[t] = pltpu.async_copy(
            rw, quant_hbm.at[pl.ds(w * TOK_W + t * CHG, CHG)], ss)
    for t in (ngc - 2, ngc - 1):
        st[t].wait()
    dr.wait()


def _sc_call(indices, z_flat, codebook):
    mesh = plsc.VectorSubcoreMesh(core_axis_name="c", subcore_axis_name="s")
    f = functools.partial(
        pl.kernel,
        out_type=[
            jax.ShapeDtypeStruct((N, D), jnp.float32),
            jax.ShapeDtypeStruct((K, D), jnp.float32),
            jax.ShapeDtypeStruct((K,), jnp.float32),
        ],
        mesh=mesh,
        scratch_types=[
            pltpu.VMEM((CHS,), jnp.int32),
            pltpu.VMEM((CHS,), jnp.int32),
            pltpu.VMEM((CHS, DH), jnp.float32),
            pltpu.VMEM((CHS, DH), jnp.float32),
            pltpu.VMEM((CHG,), jnp.int32),
            pltpu.VMEM((CHG,), jnp.int32),
            pltpu.VMEM((CHG, D), jnp.float32),
            pltpu.VMEM((CHG, D), jnp.float32),
            pltpu.VMEM((32, DH), jnp.float32),
            pltpu.VMEM((ROWS_S,), jnp.float32),
            pltpu.VMEM((CHS,), jnp.float32),
            pltpu.VMEM_SHARED((K, DH), jnp.float32),
            pltpu.VMEM_SHARED((K,), jnp.float32),
        ] + [pltpu.SemaphoreType.DMA] * 11,
    )(_sc_body)
    return f(indices, z_flat, codebook)


def _combine_body(cnt_ref, cls_ref, esum_ref, eavg_ref,
                  csn_ref, avg_ref, cb_ref):
    i = pl.program_id(0)
    csn_full = cls_ref[...] * DECAY + cnt_ref[...] * (1.0 - DECAY)
    n = jnp.sum(csn_full)
    csn_blk = (cls_ref[pl.ds(i * BN, BN), :] * DECAY
               + cnt_ref[pl.ds(i * BN, BN), :] * (1.0 - DECAY))
    csn_ref[...] = csn_blk
    cs = (csn_blk + EPS) / (n + K * EPS) * n
    avg_new = eavg_ref[...] * DECAY + esum_ref[...] * (1.0 - DECAY)
    avg_ref[...] = avg_new
    cb_ref[...] = avg_new / cs


def _combine_call(counts, cluster_size, embed_sum, embedding_avg):
    return pl.pallas_call(
        _combine_body,
        grid=(NBLK,),
        in_specs=[
            pl.BlockSpec((K, 1), lambda i: (0, 0)),
            pl.BlockSpec((K, 1), lambda i: (0, 0)),
            pl.BlockSpec((BN, D), lambda i: (i, 0)),
            pl.BlockSpec((BN, D), lambda i: (i, 0)),
        ],
        out_specs=[
            pl.BlockSpec((BN, 1), lambda i: (i, 0)),
            pl.BlockSpec((BN, D), lambda i: (i, 0)),
            pl.BlockSpec((BN, D), lambda i: (i, 0)),
        ],
        out_shape=[
            jax.ShapeDtypeStruct((K, 1), jnp.float32),
            jax.ShapeDtypeStruct((K, D), jnp.float32),
            jax.ShapeDtypeStruct((K, D), jnp.float32),
        ],
        compiler_params=pltpu.CompilerParams(
            dimension_semantics=("arbitrary",)),
    )(counts, cluster_size, embed_sum, embedding_avg)


def kernel(z_flat, codebook, embedding_avg, cluster_size):
    indices = _argmin_call(z_flat, codebook).reshape(N)
    quantized, embed_sum, counts = _sc_call(indices, z_flat, codebook)
    csn, avg_new, cb_new = _combine_call(counts.reshape(K, 1),
                                         cluster_size.reshape(K, 1),
                                         embed_sum, embedding_avg)
    return quantized, indices, cb_new, csn.reshape(K), avg_new

# --- scband reference (transcript-rebuilt; emitter-appended) ---
"""Pipeline reference for scband-ema-codebook-83614423318835 (READ-ONLY COPY).

The authoritative reference and input builder live on the scoring server;
editing this copy changes nothing except your own understanding.
"""

import jax, jax.numpy as jnp
import numpy as np

NUM_CODES = 8192
CODE_DIM = 256
DECAY = 0.99
EPS = 1e-05
N_TOKENS = 8192

def setup_inputs(seed: int = 0) -> dict:
    key = jax.random.key(seed)
    k1, k2 = jax.random.split(key)
    z_flat = jax.random.normal(k1, (N_TOKENS, CODE_DIM), dtype=jnp.float32)
    codebook = jax.random.normal(k2, (NUM_CODES, CODE_DIM), dtype=jnp.float32)
    embedding_avg = jnp.array(codebook)
    cluster_size = jnp.zeros((NUM_CODES,), dtype=jnp.float32)
    return {"z_flat": z_flat, "codebook": codebook, "embedding_avg": embedding_avg, "cluster_size": cluster_size}

def reference(z_flat, codebook, embedding_avg, cluster_size):
    # compute_distances: squared Euclidean distance (N, K)
    z2 = jnp.sum(z_flat ** 2, axis=1, keepdims=True)
    c2 = jnp.sum(codebook ** 2, axis=1)[None, :]
    zc = z_flat @ codebook.T
    distance_matrix = z2 + c2 - 2.0 * zc
    # nearest-code assignment + lookup
    indices = jnp.argmin(distance_matrix, axis=1)
    quantized = jnp.take(codebook, indices, axis=0)
    # EMA update (torch.no_grad path)
    one_hot = jnp.zeros((NUM_CODES,), dtype=jnp.float32).at[indices].add(1.0)
    cluster_size_new = cluster_size * DECAY + one_hot * (1.0 - DECAY)
    embed_sum = jnp.zeros_like(embedding_avg).at[indices].add(z_flat)
    embedding_avg_new = embedding_avg * DECAY + embed_sum * (1.0 - DECAY)
    n = jnp.sum(cluster_size_new)
    cs = (cluster_size_new + EPS) / (n + NUM_CODES * EPS) * n
    codebook_new = embedding_avg_new / cs[:, None]
    return quantized, indices, codebook_new, cluster_size_new, embedding_avg_new

if __name__ == "__main__":
    import jax
    _d = setup_inputs()
    print(jax.jit(kernel)(*tuple(_d.values())))

</pallas_src>

<mosaic_0001>
#map = affine_map<(d0, d1) -> (0)>
#map1 = affine_map<(d0, d1) -> (0, 0)>
module attributes {stable_mosaic.version = 14 : i64} {
  func.func @_sc_body(%arg0: i32, %arg1: i32, %arg2: memref<8192xi32, #tpu.memory_space<hbm>>, %arg3: memref<8192x256xf32, #tpu.memory_space<hbm>>, %arg4: memref<8192x256xf32, #tpu.memory_space<hbm>>, %arg5: memref<8192x256xf32, #tpu.memory_space<hbm>>, %arg6: memref<8192x256xf32, #tpu.memory_space<hbm>>, %arg7: memref<8192xf32, #tpu.memory_space<hbm>>, %arg8: memref<64xi32, #tpu.memory_space<vmem>>, %arg9: memref<64xi32, #tpu.memory_space<vmem>>, %arg10: memref<64x128xf32, #tpu.memory_space<vmem>>, %arg11: memref<64x128xf32, #tpu.memory_space<vmem>>, %arg12: memref<64xi32, #tpu.memory_space<vmem>>, %arg13: memref<64xi32, #tpu.memory_space<vmem>>, %arg14: memref<64x256xf32, #tpu.memory_space<vmem>>, %arg15: memref<64x256xf32, #tpu.memory_space<vmem>>, %arg16: memref<32x128xf32, #tpu.memory_space<vmem>>, %arg17: memref<512xf32, #tpu.memory_space<vmem>>, %arg18: memref<64xf32, #tpu.memory_space<vmem>>, %arg19: memref<8192x128xf32, #tpu.memory_space<vmem_shared>>, %arg20: memref<8192xf32, #tpu.memory_space<vmem_shared>>, %arg21: memref<!tpu.dma_semaphore, #tpu.memory_space<semaphore_mem>>, %arg22: memref<!tpu.dma_semaphore, #tpu.memory_space<semaphore_mem>>, %arg23: memref<!tpu.dma_semaphore, #tpu.memory_space<semaphore_mem>>, %arg24: memref<!tpu.dma_semaphore, #tpu.memory_space<semaphore_mem>>, %arg25: memref<!tpu.dma_semaphore, #tpu.memory_space<semaphore_mem>>, %arg26: memref<!tpu.dma_semaphore, #tpu.memory_space<semaphore_mem>>, %arg27: memref<!tpu.dma_semaphore, #tpu.memory_space<semaphore_mem>>, %arg28: memref<!tpu.dma_semaphore, #tpu.memory_space<semaphore_mem>>, %arg29: memref<!tpu.dma_semaphore, #tpu.memory_space<semaphore_mem>>, %arg30: memref<!tpu.dma_semaphore, #tpu.memory_space<semaphore_mem>>, %arg31: memref<!tpu.dma_semaphore, #tpu.memory_space<semaphore_mem>>) attributes {dimension_semantics = [#tpu.dimension_semantics<core_parallel>, #tpu.dimension_semantics<subcore_parallel>], iteration_bounds = array<i64: 2, 16>, scalar_prefetch = 0 : i64, scratch_operands = 24 : i64, tpu.core_type = #tpu.core_type<sc_vector_subcore>, window_params = [{transform_indices = #map}, {transform_indices = #map1}, {transform_indices = #map1}, {transform_indices = #map1}, {transform_indices = #map1}, {transform_indices = #map}]} {
    %mul3A = arith.constant 16 : i32
    %mul3A_0 = arith.muli %arg0, %mul3A : i32
    %add3A = arith.addi %mul3A_0, %arg1 : i32
    %broadcast_in_dim3A = arith.constant 0.000000e+00 : f32
    %broadcast_in_dim3A_1 = vector.broadcast %broadcast_in_dim3A : f32 to vector<16xf32>
    %swap3A = arith.constant 0 : i32
    %swap3A_2 = arith.index_cast %swap3A : i32 to index
    %swap3A_3 = arith.constant 0 : index
    %swap3A_4 = tpu.vector_load %arg16[%swap3A_2, %swap3A_3] {strides = array<i32>} : memref<32x128xf32, #tpu.memory_space<vmem>>, vector<1x16xf32>,
    %swap3A_5 = vector.shape_cast %swap3A_4 : vector<1x16xf32> to vector<16xf32>
    %swap3A_6 = vector.shape_cast %broadcast_in_dim3A_1 : vector<16xf32> to vector<1x16xf32>
    tpu.vector_store %arg16[%swap3A_2, %swap3A_3], %swap3A_6 {strides = array<i32>} : memref<32x128xf32, #tpu.memory_space<vmem>>, vector<1x16xf32>,
    %broadcast_in_dim3A_7 = arith.constant 0.000000e+00 : f32
    %broadcast_in_dim3A_8 = vector.broadcast %broadcast_in_dim3A_7 : f32 to vector<16xf32>
    %swap3A_9 = arith.constant 0 : i32
    %swap3A_10 = arith.index_cast %swap3A_9 : i32 to index
    %swap3A_11 = arith.constant 16 : index
    %swap3A_12 = tpu.vector_load %arg16[%swap3A_10, %swap3A_11] {strides = array<i32>} : memref<32x128xf32, #tpu.memory_space<vmem>>, vector<1x16xf32>,
    %swap3A_13 = vector.shape_cast %swap3A_12 : vector<1x16xf32> to vector<16xf32>
    %swap3A_14 = vector.shape_cast %broadcast_in_dim3A_8 : vector<16xf32> to vector<1x16xf32>
    tpu.vector_store %arg16[%swap3A_10, %swap3A_11], %swap3A_14 {strides = array<i32>} : memref<32x128xf32, #tpu.memory_space<vmem>>, vector<1x16xf32>,
    %broadcast_in_dim3A_15 = arith.constant 0.000000e+00 : f32
    %broadcast_in_dim3A_16 = vector.broadcast %broadcast_in_dim3A_15 : f32 to vector<16xf32>
    %swap3A_17 = arith.constant 0 : i32
    %swap3A_18 = arith.index_cast %swap3A_17 : i32 to index
    %swap3A_19 = arith.constant 32 : index
    %swap3A_20 = tpu.vector_load %arg16[%swap3A_18, %swap3A_19] {strides = array<i32>} : memref<32x128xf32, #tpu.memory_space<vmem>>, vector<1x16xf32>,
    %swap3A_21 = vector.shape_cast %swap3A_20 : vector<1x16xf32> to vector<16xf32>
    %swap3A_22 = vector.shape_cast %broadcast_in_dim3A_16 : vector<16xf32> to vector<1x16xf32>
    tpu.vector_store %arg16[%swap3A_18, %swap3A_19], %swap3A_22 {strides = array<i32>} : memref<32x128xf32, #tpu.memory_space<vmem>>, vector<1x16xf32>,
    %broadcast_in_dim3A_23 = arith.constant 0.000000e+00 : f32
    %broadcast_in_dim3A_24 = vector.broadcast %broadcast_in_dim3A_23 : f32 to vector<16xf32>
    %swap3A_25 = arith.constant 0 : i32
    %swap3A_26 = arith.index_cast %swap3A_25 : i32 to index
    %swap3A_27 = arith.constant 48 : index
    %swap3A_28 = tpu.vector_load %arg16[%swap3A_26, %swap3A_27] {strides = array<i32>} : memref<32x128xf32, #tpu.memory_space<vmem>>, vector<1x16xf32>,
    %swap3A_29 = vector.shape_cast %swap3A_28 : vector<1x16xf32> to vector<16xf32>
    %swap3A_30 = vector.shape_cast %broadcast_in_dim3A_24 : vector<16xf32> to vector<1x16xf32>
    tpu.vector_store %arg16[%swap3A_26, %swap3A_27], %swap3A_30 {strides = array<i32>} : memref<32x128xf32, #tpu.memory_space<vmem>>, vector<1x16xf32>,
    %broadcast_in_dim3A_31 = arith.constant 0.000000e+00 : f32
    %broadcast_in_dim3A_32 = vector.broadcast %broadcast_in_dim3A_31 : f32 to vector<16xf32>
    %swap3A_33 = arith.constant 0 : i32
    %swap3A_34 = arith.index_cast %swap3A_33 : i32 to index
    %swap3A_35 = arith.constant 64 : index
    %swap3A_36 = tpu.vector_load %arg16[%swap3A_34, %swap3A_35] {strides = array<i32>} : memref<32x128xf32, #tpu.memory_space<vmem>>, vector<1x16xf32>,
    %swap3A_37 = vector.shape_cast %swap3A_36 : vector<1x16xf32> to vector<16xf32>
    %swap3A_38 = vector.shape_cast %broadcast_in_dim3A_32 : vector<16xf32> to vector<1x16xf32>
    tpu.vector_store %arg16[%swap3A_34, %swap3A_35], %swap3A_38 {strides = array<i32>} : memref<32x128xf32, #tpu.memory_space<vmem>>, vector<1x16xf32>,
    %broadcast_in_dim3A_39 = arith.constant 0.000000e+00 : f32
    %broadcast_in_dim3A_40 = vector.broadcast %broadcast_in_dim3A_39 : f32 to vector<16xf32>
    %swap3A_41 = arith.constant 0 : i32
    %swap3A_42 = arith.index_cast %swap3A_41 : i32 to index
    %swap3A_43 = arith.constant 80 : index
    %swap3A_44 = tpu.vector_load %arg16[%swap3A_42, %swap3A_43] {strides = array<i32>} : memref<32x128xf32, #tpu.memory_space<vmem>>, vector<1x16xf32>,
    %swap3A_45 = vector.shape_cast %swap3A_44 : vector<1x16xf32> to vector<16xf32>
    %swap3A_46 = vector.shape_cast %broadcast_in_dim3A_40 : vector<16xf32> to vector<1x16xf32>
    tpu.vector_store %arg16[%swap3A_42, %swap3A_43], %swap3A_46 {strides = array<i32>} : memref<32x128xf32, #tpu.memory_space<vmem>>, vector<1x16xf32>,
    %broadcast_in_dim3A_47 = arith.constant 0.000000e+00 : f32
    %broadcast_in_dim3A_48 = vector.broadcast %broadcast_in_dim3A_47 : f32 to vector<16xf32>
    %swap3A_49 = arith.constant 0 : i32
    %swap3A_50 = arith.index_cast %swap3A_49 : i32 to index
    %swap3A_51 = arith.constant 96 : index
    %swap3A_52 = tpu.vector_load %arg16[%swap3A_50, %swap3A_51] {strides = array<i32>} : memref<32x128xf32, #tpu.memory_space<vmem>>, vector<1x16xf32>,
    %swap3A_53 = vector.shape_cast %swap3A_52 : vector<1x16xf32> to vector<16xf32>
    %swap3A_54 = vector.shape_cast %broadcast_in_dim3A_48 : vector<16xf32> to vector<1x16xf32>
    tpu.vector_store %arg16[%swap3A_50, %swap3A_51], %swap3A_54 {strides = array<i32>} : memref<32x128xf32, #tpu.memory_space<vmem>>, vector<1x16xf32>,
    %broadcast_in_dim3A_55 = arith.constant 0.000000e+00 : f32
    %broadcast_in_dim3A_56 = vector.broadcast %broadcast_in_dim3A_55 : f32 to vector<16xf32>
    %swap3A_57 = arith.constant 0 : i32
    %swap3A_58 = arith.index_cast %swap3A_57 : i32 to index
    %swap3A_59 = arith.constant 112 : index
    %swap3A_60 = tpu.vector_load %arg16[%swap3A_58, %swap3A_59] {strides = array<i32>} : memref<32x128xf32, #tpu.memory_space<vmem>>, vector<1x16xf32>,
    %swap3A_61 = vector.shape_cast %swap3A_60 : vector<1x16xf32> to vector<16xf32>
    %swap3A_62 = vector.shape_cast %broadcast_in_dim3A_56 : vector<16xf32> to vector<1x16xf32>
    tpu.vector_store %arg16[%swap3A_58, %swap3A_59], %swap3A_62 {strides = array<i32>} : memref<32x128xf32, #tpu.memory_space<vmem>>, vector<1x16xf32>,
    %broadcast_in_dim3A_63 = arith.constant 0.000000e+00 : f32
    %broadcast_in_dim3A_64 = vector.broadcast %broadcast_in_dim3A_63 : f32 to vector<16xf32>
    %swap3A_65 = arith.constant 1 : i32
    %swap3A_66 = arith.index_cast %swap3A_65 : i32 to index
    %swap3A_67 = arith.constant 0 : index
    %swap3A_68 = tpu.vector_load %arg16[%swap3A_66, %swap3A_67] {strides = array<i32>} : memref<32x128xf32, #tpu.memory_space<vmem>>, vector<1x16xf32>,
    %swap3A_69 = vector.shape_cast %swap3A_68 : vector<1x16xf32> to vector<16xf32>
    %swap3A_70 = vector.shape_cast %broadcast_in_dim3A_64 : vector<16xf32> to vector<1x16xf32>
    tpu.vector_store %arg16[%swap3A_66, %swap3A_67], %swap3A_70 {strides = array<i32>} : memref<32x128xf32, #tpu.memory_space<vmem>>, vector<1x16xf32>,
    %broadcast_in_dim3A_71 = arith.constant 0.000000e+00 : f32
    %broadcast_in_dim3A_72 = vector.broadcast %broadcast_in_dim3A_71 : f32 to vector<16xf32>
    %swap3A_73 = arith.constant 1 : i32
    %swap3A_74 = arith.index_cast %swap3A_73 : i32 to index
    %swap3A_75 = arith.constant 16 : index
    %swap3A_76 = tpu.vector_load %arg16[%swap3A_74, %swap3A_75] {strides = array<i32>} : memref<32x128xf32, #tpu.memory_space<vmem>>, vector<1x16xf32>,
    %swap3A_77 = vector.shape_cast %swap3A_76 : vector<1x16xf32> to vector<16xf32>
    %swap3A_78 = vector.shape_cast %broadcast_in_dim3A_72 : vector<16xf32> to vector<1x16xf32>
    tpu.vector_store %arg16[%swap3A_74, %swap3A_75], %swap3A_78 {strides = array<i32>} : memref<32x128xf32, #tpu.memory_space<vmem>>, vector<1x16xf32>,
    %broadcast_in_dim3A_79 = arith.constant 0.000000e+00 : f32
    %broadcast_in_dim3A_80 = vector.broadcast %broadcast_in_dim3A_79 : f32 to vector<16xf32>
    %swap3A_81 = arith.constant 1 : i32
    %swap3A_82 = arith.index_cast %swap3A_81 : i32 to index
    %swap3A_83 = arith.constant 32 : index
    %swap3A_84 = tpu.vector_load %arg16[%swap3A_82, %swap3A_83] {strides = array<i32>} : memref<32x128xf32, #tpu.memory_space<vmem>>, vector<1x16xf32>,
    %swap3A_85 = vector.shape_cast %swap3A_84 : vector<1x16xf32> to vector<16xf32>
    %swap3A_86 = vector.shape_cast %broadcast_in_dim3A_80 : vector<16xf32> to vector<1x16xf32>
    tpu.vector_store %arg16[%swap3A_82, %swap3A_83], %swap3A_86 {strides = array<i32>} : memref<32x128xf32, #tpu.memory_space<vmem>>, vector<1x16xf32>,
    %broadcast_in_dim3A_87 = arith.constant 0.000000e+00 : f32
    %broadcast_in_dim3A_88 = vector.broadcast %broadcast_in_dim3A_87 : f32 to vector<16xf32>
    %swap3A_89 = arith.constant 1 : i32
    %swap3A_90 = arith.index_cast %swap3A_89 : i32 to index
    %swap3A_91 = arith.constant 48 : index
    %swap3A_92 = tpu.vector_load %arg16[%swap3A_90, %swap3A_91] {strides = array<i32>} : memref<32x128xf32, #tpu.memory_space<vmem>>, vector<1x16xf32>,
    %swap3A_93 = vector.shape_cast %swap3A_92 : vector<1x16xf32> to vector<16xf32>
    %swap3A_94 = vector.shape_cast %broadcast_in_dim3A_88 : vector<16xf32> to vector<1x16xf32>
    tpu.vector_store %arg16[%swap3A_90, %swap3A_91], %swap3A_94 {strides = array<i32>} : memref<32x128xf32, #tpu.memory_space<vmem>>, vector<1x16xf32>,
    %broadcast_in_dim3A_95 = arith.constant 0.000000e+00 : f32
    %broadcast_in_dim3A_96 = vector.broadcast %broadcast_in_dim3A_95 : f32 to vector<16xf32>
    %swap3A_97 = arith.constant 1 : i32
    %swap3A_98 = arith.index_cast %swap3A_97 : i32 to index
    %swap3A_99 = arith.constant 64 : index
    %swap3A_100 = tpu.vector_load %arg16[%swap3A_98, %swap3A_99] {strides = array<i32>} : memref<32x128xf32, #tpu.memory_space<vmem>>, vector<1x16xf32>,
    %swap3A_101 = vector.shape_cast %swap3A_100 : vector<1x16xf32> to vector<16xf32>
    %swap3A_102 = vector.shape_cast %broadcast_in_dim3A_96 : vector<16xf32> to vector<1x16xf32>
    tpu.vector_store %arg16[%swap3A_98, %swap3A_99], %swap3A_102 {strides = array<i32>} : memref<32x128xf32, #tpu.memory_space<vmem>>, vector<1x16xf32>,
    %broadcast_in_dim3A_103 = arith.constant 0.000000e+00 : f32
    %broadcast_in_dim3A_104 = vector.broadcast %broadcast_in_dim3A_103 : f32 to vector<16xf32>
    %swap3A_105 = arith.constant 1 : i32
    %swap3A_106 = arith.index_cast %swap3A_105 : i32 to index
    %swap3A_107 = arith.constant 80 : index
    %swap3A_108 = tpu.vector_load %arg16[%swap3A_106, %swap3A_107] {strides = array<i32>} : memref<32x128xf32, #tpu.memory_space<vmem>>, vector<1x16xf32>,
    %swap3A_109 = vector.shape_cast %swap3A_108 : vector<1x16xf32> to vector<16xf32>
    %swap3A_110 = vector.shape_cast %broadcast_in_dim3A_104 : vector<16xf32> to vector<1x16xf32>
    tpu.vector_store %arg16[%swap3A_106, %swap3A_107], %swap3A_110 {strides = array<i32>} : memref<32x128xf32, #tpu.memory_space<vmem>>, vector<1x16xf32>,
    %broadcast_in_dim3A_111 = arith.constant 0.000000e+00 : f32
    %broadcast_in_dim3A_112 = vector.broadcast %broadcast_in_dim3A_111 : f32 to vector<16xf32>
    %swap3A_113 = arith.constant 1 : i32
    %swap3A_114 = arith.index_cast %swap3A_113 : i32 to index
    %swap3A_115 = arith.constant 96 : index
    %swap3A_116 = tpu.vector_load %arg16[%swap3A_114, %swap3A_115] {strides = array<i32>} : memref<32x128xf32, #tpu.memory_space<vmem>>, vector<1x16xf32>,
    %swap3A_117 = vector.shape_cast %swap3A_116 : vector<1x16xf32> to vector<16xf32>
    %swap3A_118 = vector.shape_cast %broadcast_in_dim3A_112 : vector<16xf32> to vector<1x16xf32>
    tpu.vector_store %arg16[%swap3A_114, %swap3A_115], %swap3A_118 {strides = array<i32>} : memref<32x128xf32, #tpu.memory_space<vmem>>, vector<1x16xf32>,
    %broadcast_in_dim3A_119 = arith.constant 0.000000e+00 : f32
    %broadcast_in_dim3A_120 = vector.broadcast %broadcast_in_dim3A_119 : f32 to vector<16xf32>
    %swap3A_121 = arith.constant 1 : i32
    %swap3A_122 = arith.index_cast %swap3A_121 : i32 to index
    %swap3A_123 = arith.constant 112 : index
    %swap3A_124 = tpu.vector_load %arg16[%swap3A_122, %swap3A_123] {strides = array<i32>} : memref<32x128xf32, #tpu.memory_space<vmem>>, vector<1x16xf32>,
    %swap3A_125 = vector.shape_cast %swap3A_124 : vector<1x16xf32> to vector<16xf32>
    %swap3A_126 = vector.shape_cast %broadcast_in_dim3A_120 : vector<16xf32> to vector<1x16xf32>
    tpu.vector_store %arg16[%swap3A_122, %swap3A_123], %swap3A_126 {strides = array<i32>} : memref<32x128xf32, #tpu.memory_space<vmem>>, vector<1x16xf32>,
    %broadcast_in_dim3A_127 = arith.constant 0.000000e+00 : f32
    %broadcast_in_dim3A_128 = vector.broadcast %broadcast_in_dim3A_127 : f32 to vector<16xf32>
    %swap3A_129 = arith.constant 2 : i32
    %swap3A_130 = arith.index_cast %swap3A_129 : i32 to index
    %swap3A_131 = arith.constant 0 : index
    %swap3A_132 = tpu.vector_load %arg16[%swap3A_130, %swap3A_131] {strides = array<i32>} : memref<32x128xf32, #tpu.memory_space<vmem>>, vector<1x16xf32>,
    %swap3A_133 = vector.shape_cast %swap3A_132 : vector<1x16xf32> to vector<16xf32>
    %swap3A_134 = vector.shape_cast %broadcast_in_dim3A_128 : vector<16xf32> to vector<1x16xf32>
    tpu.vector_store %arg16[%swap3A_130, %swap3A_131], %swap3A_134 {strides = array<i32>} : memref<32x128xf32, #tpu.memory_space<vmem>>, vector<1x16xf32>,
    %broadcast_in_dim3A_135 = arith.constant 0.000000e+00 : f32
    %broadcast_in_dim3A_136 = vector.broadcast %broadcast_in_dim3A_135 : f32 to vector<16xf32>
    %swap3A_137 = arith.constant 2 : i32
    %swap3A_138 = arith.index_cast %swap3A_137 : i32 to index
    %swap3A_139 = arith.constant 16 : index
    %swap3A_140 = tpu.vector_load %arg16[%swap3A_138, %swap3A_139] {strides = array<i32>} : memref<32x128xf32, #tpu.memory_space<vmem>>, vector<1x16xf32>,
    %swap3A_141 = vector.shape_cast %swap3A_140 : vector<1x16xf32> to vector<16xf32>
    %swap3A_142 = vector.shape_cast %broadcast_in_dim3A_136 : vector<16xf32> to vector<1x16xf32>
    tpu.vector_store %arg16[%swap3A_138, %swap3A_139], %swap3A_142 {strides = array<i32>} : memref<32x128xf32, #tpu.memory_space<vmem>>, vector<1x16xf32>,
    %broadcast_in_dim3A_143 = arith.constant 0.000000e+00 : f32
    %broadcast_in_dim3A_144 = vector.broadcast %broadcast_in_dim3A_143 : f32 to vector<16xf32>
    %swap3A_145 = arith.constant 2 : i32
    %swap3A_146 = arith.index_cast %swap3A_145 : i32 to index
    %swap3A_147 = arith.constant 32 : index
    %swap3A_148 = tpu.vector_load %arg16[%swap3A_146, %swap3A_147] {strides = array<i32>} : memref<32x128xf32, #tpu.memory_space<vmem>>, vector<1x16xf32>,
    %swap3A_149 = vector.shape_cast %swap3A_148 : vector<1x16xf32> to vector<16xf32>
    %swap3A_150 = vector.shape_cast %broadcast_in_dim3A_144 : vector<16xf32> to vector<1x16xf32>
    tpu.vector_store %arg16[%swap3A_146, %swap3A_147], %swap3A_150 {strides = array<i32>} : memref<32x128xf32, #tpu.memory_space<vmem>>, vector<1x16xf32>,
    %broadcast_in_dim3A_151 = arith.constant 0.000000e+00 : f32
    %broadcast_in_dim3A_152 = vector.broadcast %broadcast_in_dim3A_151 : f32 to vector<16xf32>
    %swap3A_153 = arith.constant 2 : i32
    %swap3A_154 = arith.index_cast %swap3A_153 : i32 to index
    %swap3A_155 = arith.constant 48 : index
    %swap3A_156 = tpu.vector_load %arg16[%swap3A_154, %swap3A_155] {strides = array<i32>} : memref<32x128xf32, #tpu.memory_space<vmem>>, vector<1x16xf32>,
    %swap3A_157 = vector.shape_cast %swap3A_156 : vector<1x16xf32> to vector<16xf32>
    %swap3A_158 = vector.shape_cast %broadcast_in_dim3A_152 : vector<16xf32> to vector<1x16xf32>
    tpu.vector_store %arg16[%swap3A_154, %swap3A_155], %swap3A_158 {strides = array<i32>} : memref<32x128xf32, #tpu.memory_space<vmem>>, vector<1x16xf32>,
    %broadcast_in_dim3A_159 = arith.constant 0.000000e+00 : f32
    %broadcast_in_dim3A_160 = vector.broadcast %broadcast_in_dim3A_159 : f32 to vector<16xf32>
    %swap3A_161 = arith.constant 2 : i32
    %swap3A_162 = arith.index_cast %swap3A_161 : i32 to index
    %swap3A_163 = arith.constant 64 : index
    %swap3A_164 = tpu.vector_load %arg16[%swap3A_162, %swap3A_163] {strides = array<i32>} : memref<32x128xf32, #tpu.memory_space<vmem>>, vector<1x16xf32>,
    %swap3A_165 = vector.shape_cast %swap3A_164 : vector<1x16xf32> to vector<16xf32>
    %swap3A_166 = vector.shape_cast %broadcast_in_dim3A_160 : vector<16xf32> to vector<1x16xf32>
    tpu.vector_store %arg16[%swap3A_162, %swap3A_163], %swap3A_166 {strides = array<i32>} : memref<32x128xf32, #tpu.memory_space<vmem>>, vector<1x16xf32>,
    %broadcast_in_dim3A_167 = arith.constant 0.000000e+00 : f32
    %broadcast_in_dim3A_168 = vector.broadcast %broadcast_in_dim3A_167 : f32 to vector<16xf32>
    %swap3A_169 = arith.constant 2 : i32
    %swap3A_170 = arith.index_cast %swap3A_169 : i32 to index
    %swap3A_171 = arith.constant 80 : index
    %swap3A_172 = tpu.vector_load %arg16[%swap3A_170, %swap3A_171] {strides = array<i32>} : memref<32x128xf32, #tpu.memory_space<vmem>>, vector<1x16xf32>,
    %swap3A_173 = vector.shape_cast %swap3A_172 : vector<1x16xf32> to vector<16xf32>
    %swap3A_174 = vector.shape_cast %broadcast_in_dim3A_168 : vector<16xf32> to vector<1x16xf32>
    tpu.vector_store %arg16[%swap3A_170, %swap3A_171], %swap3A_174 {strides = array<i32>} : memref<32x128xf32, #tpu.memory_space<vmem>>, vector<1x16xf32>,
    %broadcast_in_dim3A_175 = arith.constant 0.000000e+00 : f32
    %broadcast_in_dim3A_176 = vector.broadcast %broadcast_in_dim3A_175 : f32 to vector<16xf32>
    %swap3A_177 = arith.constant 2 : i32
    %swap3A_178 = arith.index_cast %swap3A_177 : i32 to index
    %swap3A_179 = arith.constant 96 : index
    %swap3A_180 = tpu.vector_load %arg16[%swap3A_178, %swap3A_179] {strides = array<i32>} : memref<32x128xf32, #tpu.memory_space<vmem>>, vector<1x16xf32>,
    %swap3A_181 = vector.shape_cast %swap3A_180 : vector<1x16xf32> to vector<16xf32>
    %swap3A_182 = vector.shape_cast %broadcast_in_dim3A_176 : vector<16xf32> to vector<1x16xf32>
    tpu.vector_store %arg16[%swap3A_178, %swap3A_179], %swap3A_182 {strides = array<i32>} : memref<32x128xf32, #tpu.memory_space<vmem>>, vector<1x16xf32>,
    %broadcast_in_dim3A_183 = arith.constant 0.000000e+00 : f32
    %broadcast_in_dim3A_184 = vector.broadcast %broadcast_in_dim3A_183 : f32 to vector<16xf32>
    %swap3A_185 = arith.constant 2 : i32
    %swap3A_186 = arith.index_cast %swap3A_185 : i32 to index
    %swap3A_187 = arith.constant 112 : index
    %swap3A_188 = tpu.vector_load %arg16[%swap3A_186, %swap3A_187] {strides = array<i32>} : memref<32x128xf32, #tpu.memory_space<vmem>>, vector<1x16xf32>,
    %swap3A_189 = vector.shape_cast %swap3A_188 : vector<1x16xf32> to vector<16xf32>
    %swap3A_190 = vector.shape_cast %broadcast_in_dim3A_184 : vector<16xf32> to vector<1x16xf32>
    tpu.vector_store %arg16[%swap3A_186, %swap3A_187], %swap3A_190 {strides = array<i32>} : memref<32x128xf32, #tpu.memory_space<vmem>>, vector<1x16xf32>,
    %broadcast_in_dim3A_191 = arith.constant 0.000000e+00 : f32
    %broadcast_in_dim3A_192 = vector.broadcast %broadcast_in_dim3A_191 : f32 to vector<16xf32>
    %swap3A_193 = arith.constant 3 : i32
    %swap3A_194 = arith.index_cast %swap3A_193 : i32 to index
    %swap3A_195 = arith.constant 0 : index
    %swap3A_196 = tpu.vector_load %arg16[%swap3A_194, %swap3A_195] {strides = array<i32>} : memref<32x128xf32, #tpu.memory_space<vmem>>, vector<1x16xf32>,
    %swap3A_197 = vector.shape_cast %swap3A_196 : vector<1x16xf32> to vector<16xf32>
    %swap3A_198 = vector.shape_cast %broadcast_in_dim3A_192 : vector<16xf32> to vector<1x16xf32>
    tpu.vector_store %arg16[%swap3A_194, %swap3A_195], %swap3A_198 {strides = array<i32>} : memref<32x128xf32, #tpu.memory_space<vmem>>, vector<1x16xf32>,
    %broadcast_in_dim3A_199 = arith.constant 0.000000e+00 : f32
    %broadcast_in_dim3A_200 = vector.broadcast %broadcast_in_dim3A_199 : f32 to vector<16xf32>
    %swap3A_201 = arith.constant 3 : i32
    %swap3A_202 = arith.index_cast %swap3A_201 : i32 to index
    %swap3A_203 = arith.constant 16 : index
    %swap3A_204 = tpu.vector_load %arg16[%swap3A_202, %swap3A_203] {strides = array<i32>} : memref<32x128xf32, #tpu.memory_space<vmem>>, vector<1x16xf32>,
    %swap3A_205 = vector.shape_cast %swap3A_204 : vector<1x16xf32> to vector<16xf32>
    %swap3A_206 = vector.shape_cast %broadcast_in_dim3A_200 : vector<16xf32> to vector<1x16xf32>
    tpu.vector_store %arg16[%swap3A_202, %swap3A_203], %swap3A_206 {strides = array<i32>} : memref<32x128xf32, #tpu.memory_space<vmem>>, vector<1x16xf32>,
    %broadcast_in_dim3A_207 = arith.constant 0.000000e+00 : f32
    %broadcast_in_dim3A_208 = vector.broadcast %broadcast_in_dim3A_207 : f32 to vector<16xf32>
    %swap3A_209 = arith.constant 3 : i32
    %swap3A_210 = arith.index_cast %swap3A_209 : i32 to index
    %swap3A_211 = arith.constant 32 : index
    %swap3A_212 = tpu.vector_load %arg16[%swap3A_210, %swap3A_211] {strides = array<i32>} : memref<32x128xf32, #tpu.memory_space<vmem>>, vector<1x16xf32>,
    %swap3A_213 = vector.shape_cast %swap3A_212 : vector<1x16xf32> to vector<16xf32>
    %swap3A_214 = vector.shape_cast %broadcast_in_dim3A_208 : vector<16xf32> to vector<1x16xf32>
    tpu.vector_store %arg16[%swap3A_210, %swap3A_211], %swap3A_214 {strides = array<i32>} : memref<32x128xf32, #tpu.memory_space<vmem>>, vector<1x16xf32>,
    %broadcast_in_dim3A_215 = arith.constant 0.000000e+00 : f32
    %broadcast_in_dim3A_216 = vector.broadcast %broadcast_in_dim3A_215 : f32 to vector<16xf32>
    %swap3A_217 = arith.constant 3 : i32
    %swap3A_218 = arith.index_cast %swap3A_217 : i32 to index
    %swap3A_219 = arith.constant 48 : index
    %swap3A_220 = tpu.vector_load %arg16[%swap3A_218, %swap3A_219] {strides = array<i32>} : memref<32x128xf32, #tpu.memory_space<vmem>>, vector<1x16xf32>,
    %swap3A_221 = vector.shape_cast %swap3A_220 : vector<1x16xf32> to vector<16xf32>
    %swap3A_222 = vector.shape_cast %broadcast_in_dim3A_216 : vector<16xf32> to vector<1x16xf32>
    tpu.vector_store %arg16[%swap3A_218, %swap3A_219], %swap3A_222 {strides = array<i32>} : memref<32x128xf32, #tpu.memory_space<vmem>>, vector<1x16xf32>,
    %broadcast_in_dim3A_223 = arith.constant 0.000000e+00 : f32
    %broadcast_in_dim3A_224 = vector.broadcast %broadcast_in_dim3A_223 : f32 to vector<16xf32>
    %swap3A_225 = arith.constant 3 : i32
    %swap3A_226 = arith.index_cast %swap3A_225 : i32 to index
    %swap3A_227 = arith.constant 64 : index
    %swap3A_228 = tpu.vector_load %arg16[%swap3A_226, %swap3A_227] {strides = array<i32>} : memref<32x128xf32, #tpu.memory_space<vmem>>, vector<1x16xf32>,
    %swap3A_229 = vector.shape_cast %swap3A_228 : vector<1x16xf32> to vector<16xf32>
    %swap3A_230 = vector.shape_cast %broadcast_in_dim3A_224 : vector<16xf32> to vector<1x16xf32>
    tpu.vector_store %arg16[%swap3A_226, %swap3A_227], %swap3A_230 {strides = array<i32>} : memref<32x128xf32, #tpu.memory_space<vmem>>, vector<1x16xf32>,
    %broadcast_in_dim3A_231 = arith.constant 0.000000e+00 : f32
    %broadcast_in_dim3A_232 = vector.broadcast %broadcast_in_dim3A_231 : f32 to vector<16xf32>
    %swap3A_233 = arith.constant 3 : i32
    %swap3A_234 = arith.index_cast %swap3A_233 : i32 to index
    %swap3A_235 = arith.constant 80 : index
    %swap3A_236 = tpu.vector_load %arg16[%swap3A_234, %swap3A_235] {strides = array<i32>} : memref<32x128xf32, #tpu.memory_space<vmem>>, vector<1x16xf32>,
    %swap3A_237 = vector.shape_cast %swap3A_236 : vector<1x16xf32> to vector<16xf32>
    %swap3A_238 = vector.shape_cast %broadcast_in_dim3A_232 : vector<16xf32> to vector<1x16xf32>
    tpu.vector_store %arg16[%swap3A_234, %swap3A_235], %swap3A_238 {strides = array<i32>} : memref<32x128xf32, #tpu.memory_space<vmem>>, vector<1x16xf32>,
    %broadcast_in_dim3A_239 = arith.constant 0.000000e+00 : f32
    %broadcast_in_dim3A_240 = vector.broadcast %broadcast_in_dim3A_239 : f32 to vector<16xf32>
    %swap3A_241 = arith.constant 3 : i32
    %swap3A_242 = arith.index_cast %swap3A_241 : i32 to index
    %swap3A_243 = arith.constant 96 : index
    %swap3A_244 = tpu.vector_load %arg16[%swap3A_242, %swap3A_243] {strides = array<i32>} : memref<32x128xf32, #tpu.memory_space<vmem>>, vector<1x16xf32>,
    %swap3A_245 = vector.shape_cast %swap3A_244 : vector<1x16xf32> to vector<16xf32>
    %swap3A_246 = vector.shape_cast %broadcast_in_dim3A_240 : vector<16xf32> to vector<1x16xf32>
    tpu.vector_store %arg16[%swap3A_242, %swap3A_243], %swap3A_246 {strides = array<i32>} : memref<32x128xf32, #tpu.memory_space<vmem>>, vector<1x16xf32>,
    %broadcast_in_dim3A_247 = arith.constant 0.000000e+00 : f32
    %broadcast_in_dim3A_248 = vector.broadcast %broadcast_in_dim3A_247 : f32 to vector<16xf32>
    %swap3A_249 = arith.constant 3 : i32
    %swap3A_250 = arith.index_cast %swap3A_249 : i32 to index
    %swap3A_251 = arith.constant 112 : index
    %swap3A_252 = tpu.vector_load %arg16[%swap3A_250, %swap3A_251] {strides = array<i32>} : memref<32x128xf32, #tpu.memory_space<vmem>>, vector<1x16xf32>,
    %swap3A_253 = vector.shape_cast %swap3A_252 : vector<1x16xf32> to vector<16xf32>
    %swap3A_254 = vector.shape_cast %broadcast_in_dim3A_248 : vector<16xf32> to vector<1x16xf32>
    tpu.vector_store %arg16[%swap3A_250, %swap3A_251], %swap3A_254 {strides = array<i32>} : memref<32x128xf32, #tpu.memory_space<vmem>>, vector<1x16xf32>,
    %broadcast_in_dim3A_255 = arith.constant 0.000000e+00 : f32
    %broadcast_in_dim3A_256 = vector.broadcast %broadcast_in_dim3A_255 : f32 to vector<16xf32>
    %swap3A_257 = arith.constant 4 : i32
    %swap3A_258 = arith.index_cast %swap3A_257 : i32 to index
    %swap3A_259 = arith.constant 0 : index
    %swap3A_260 = tpu.vector_load %arg16[%swap3A_258, %swap3A_259] {strides = array<i32>} : memref<32x128xf32, #tpu.memory_space<vmem>>, vector<1x16xf32>,
    %swap3A_261 = vector.shape_cast %swap3A_260 : vector<1x16xf32> to vector<16xf32>
    %swap3A_262 = vector.shape_cast %broadcast_in_dim3A_256 : vector<16xf32> to vector<1x16xf32>
    tpu.vector_store %arg16[%swap3A_258, %swap3A_259], %swap3A_262 {strides = array<i32>} : memref<32x128xf32, #tpu.memory_space<vmem>>, vector<1x16xf32>,
    %broadcast_in_dim3A_263 = arith.constant 0.000000e+00 : f32
    %broadcast_in_dim3A_264 = vector.broadcast %broadcast_in_dim3A_263 : f32 to vector<16xf32>
    %swap3A_265 = arith.constant 4 : i32
    %swap3A_266 = arith.index_cast %swap3A_265 : i32 to index
    %swap3A_267 = arith.constant 16 : index
    %swap3A_268 = tpu.vector_load %arg16[%swap3A_266, %swap3A_267] {strides = array<i32>} : memref<32x128xf32, #tpu.memory_space<vmem>>, vector<1x16xf32>,
    %swap3A_269 = vector.shape_cast %swap3A_268 : vector<1x16xf32> to vector<16xf32>
    %swap3A_270 = vector.shape_cast %broadcast_in_dim3A_264 : vector<16xf32> to vector<1x16xf32>
    tpu.vector_store %arg16[%swap3A_266, %swap3A_267], %swap3A_270 {strides = array<i32>} : memref<32x128xf32, #tpu.memory_space<vmem>>, vector<1x16xf32>,
    %broadcast_in_dim3A_271 = arith.constant 0.000000e+00 : f32
    %broadcast_in_dim3A_272 = vector.broadcast %broadcast_in_dim3A_271 : f32 to vector<16xf32>
    %swap3A_273 = arith.constant 4 : i32
    %swap3A_274 = arith.index_cast %swap3A_273 : i32 to index
    %swap3A_275 = arith.constant 32 : index
    %swap3A_276 = tpu.vector_load %arg16[%swap3A_274, %swap3A_275] {strides = array<i32>} : memref<32x128xf32, #tpu.memory_space<vmem>>, vector<1x16xf32>,
    %swap3A_277 = vector.shape_cast %swap3A_276 : vector<1x16xf32> to vector<16xf32>
    %swap3A_278 = vector.shape_cast %broadcast_in_dim3A_272 : vector<16xf32> to vector<1x16xf32>
    tpu.vector_store %arg16[%swap3A_274, %swap3A_275], %swap3A_278 {strides = array<i32>} : memref<32x128xf32, #tpu.memory_space<vmem>>, vector<1x16xf32>,
    %broadcast_in_dim3A_279 = arith.constant 0.000000e+00 : f32
    %broadcast_in_dim3A_280 = vector.broadcast %broadcast_in_dim3A_279 : f32 to vector<16xf32>
    %swap3A_281 = arith.constant 4 : i32
    %swap3A_282 = arith.index_cast %swap3A_281 : i32 to index
    %swap3A_283 = arith.constant 48 : index
    %swap3A_284 = tpu.vector_load %arg16[%swap3A_282, %swap3A_283] {strides = array<i32>} : memref<32x128xf32, #tpu.memory_space<vmem>>, vector<1x16xf32>,
    %swap3A_285 = vector.shape_cast %swap3A_284 : vector<1x16xf32> to vector<16xf32>
    %swap3A_286 = vector.shape_cast %broadcast_in_dim3A_280 : vector<16xf32> to vector<1x16xf32>
    tpu.vector_store %arg16[%swap3A_282, %swap3A_283], %swap3A_286 {strides = array<i32>} : memref<32x128xf32, #tpu.memory_space<vmem>>, vector<1x16xf32>,
    %broadcast_in_dim3A_287 = arith.constant 0.000000e+00 : f32
    %broadcast_in_dim3A_288 = vector.broadcast %broadcast_in_dim3A_287 : f32 to vector<16xf32>
    %swap3A_289 = arith.constant 4 : i32
    %swap3A_290 = arith.index_cast %swap3A_289 : i32 to index
    %swap3A_291 = arith.constant 64 : index
    %swap3A_292 = tpu.vector_load %arg16[%swap3A_290, %swap3A_291] {strides = array<i32>} : memref<32x128xf32, #tpu.memory_space<vmem>>, vector<1x16xf32>,
    %swap3A_293 = vector.shape_cast %swap3A_292 : vector<1x16xf32> to vector<16xf32>
    %swap3A_294 = vector.shape_cast %broadcast_in_dim3A_288 : vector<16xf32> to vector<1x16xf32>
    tpu.vector_store %arg16[%swap3A_290, %swap3A_291], %swap3A_294 {strides = array<i32>} : memref<32x128xf32, #tpu.memory_space<vmem>>, vector<1x16xf32>,
    %broadcast_in_dim3A_295 = arith.constant 0.000000e+00 : f32
    %broadcast_in_dim3A_296 = vector.broadcast %broadcast_in_dim3A_295 : f32 to vector<16xf32>
    %swap3A_297 = arith.constant 4 : i32
    %swap3A_298 = arith.index_cast %swap3A_297 : i32 to index
    %swap3A_299 = arith.constant 80 : index
    %swap3A_300 = tpu.vector_load %arg16[%swap3A_298, %swap3A_299] {strides = array<i32>} : memref<32x128xf32, #tpu.memory_space<vmem>>, vector<1x16xf32>,
    %swap3A_301 = vector.shape_cast %swap3A_300 : vector<1x16xf32> to vector<16xf32>
    %swap3A_302 = vector.shape_cast %broadcast_in_dim3A_296 : vector<16xf32> to vector<1x16xf32>
    tpu.vector_store %arg16[%swap3A_298, %swap3A_299], %swap3A_302 {strides = array<i32>} : memref<32x128xf32, #tpu.memory_space<vmem>>, vector<1x16xf32>,
    %broadcast_in_dim3A_303 = arith.constant 0.000000e+00 : f32
    %broadcast_in_dim3A_304 = vector.broadcast %broadcast_in_dim3A_303 : f32 to vector<16xf32>
    %swap3A_305 = arith.constant 4 : i32
    %swap3A_306 = arith.index_cast %swap3A_305 : i32 to index
    %swap3A_307 = arith.constant 96 : index
    %swap3A_308 = tpu.vector_load %arg16[%swap3A_306, %swap3A_307] {strides = array<i32>} : memref<32x128xf32, #tpu.memory_space<vmem>>, vector<1x16xf32>,
    %swap3A_309 = vector.shape_cast %swap3A_308 : vector<1x16xf32> to vector<16xf32>
    %swap3A_310 = vector.shape_cast %broadcast_in_dim3A_304 : vector<16xf32> to vector<1x16xf32>
    tpu.vector_store %arg16[%swap3A_306, %swap3A_307], %swap3A_310 {strides = array<i32>} : memref<32x128xf32, #tpu.memory_space<vmem>>, vector<1x16xf32>,
    %broadcast_in_dim3A_311 = arith.constant 0.000000e+00 : f32
    %broadcast_in_dim3A_312 = vector.broadcast %broadcast_in_dim3A_311 : f32 to vector<16xf32>
    %swap3A_313 = arith.constant 4 : i32
    %swap3A_314 = arith.index_cast %swap3A_313 : i32 to index
    %swap3A_315 = arith.constant 112 : index
    %swap3A_316 = tpu.vector_load %arg16[%swap3A_314, %swap3A_315] {strides = array<i32>} : memref<32x128xf32, #tpu.memory_space<vmem>>, vector<1x16xf32>,
    %swap3A_317 = vector.shape_cast %swap3A_316 : vector<1x16xf32> to vector<16xf32>
    %swap3A_318 = vector.shape_cast %broadcast_in_dim3A_312 : vector<16xf32> to vector<1x16xf32>
    tpu.vector_store %arg16[%swap3A_314, %swap3A_315], %swap3A_318 {strides = array<i32>} : memref<32x128xf32, #tpu.memory_space<vmem>>, vector<1x16xf32>,
    %broadcast_in_dim3A_319 = arith.constant 0.000000e+00 : f32
    %broadcast_in_dim3A_320 = vector.broadcast %broadcast_in_dim3A_319 : f32 to vector<16xf32>
    %swap3A_321 = arith.constant 5 : i32
    %swap3A_322 = arith.index_cast %swap3A_321 : i32 to index
    %swap3A_323 = arith.constant 0 : index
    %swap3A_324 = tpu.vector_load %arg16[%swap3A_322, %swap3A_323] {strides = array<i32>} : memref<32x128xf32, #tpu.memory_space<vmem>>, vector<1x16xf32>,
    %swap3A_325 = vector.shape_cast %swap3A_324 : vector<1x16xf32> to vector<16xf32>
    %swap3A_326 = vector.shape_cast %broadcast_in_dim3A_320 : vector<16xf32> to vector<1x16xf32>
    tpu.vector_store %arg16[%swap3A_322, %swap3A_323], %swap3A_326 {strides = array<i32>} : memref<32x128xf32, #tpu.memory_space<vmem>>, vector<1x16xf32>,
    %broadcast_in_dim3A_327 = arith.constant 0.000000e+00 : f32
    %broadcast_in_dim3A_328 = vector.broadcast %broadcast_in_dim3A_327 : f32 to vector<16xf32>
    %swap3A_329 = arith.constant 5 : i32
    %swap3A_330 = arith.index_cast %swap3A_329 : i32 to index
    %swap3A_331 = arith.constant 16 : index
    %swap3A_332 = tpu.vector_load %arg16[%swap3A_330, %swap3A_331] {strides = array<i32>} : memref<32x128xf32, #tpu.memory_space<vmem>>, vector<1x16xf32>,
    %swap3A_333 = vector.shape_cast %swap3A_332 : vector<1x16xf32> to vector<16xf32>
    %swap3A_334 = vector.shape_cast %broadcast_in_dim3A_328 : vector<16xf32> to vector<1x16xf32>
    tpu.vector_store %arg16[%swap3A_330, %swap3A_331], %swap3A_334 {strides = array<i32>} : memref<32x128xf32, #tpu.memory_space<vmem>>, vector<1x16xf32>,
    %broadcast_in_dim3A_335 = arith.constant 0.000000e+00 : f32
    %broadcast_in_dim3A_336 = vector.broadcast %broadcast_in_dim3A_335 : f32 to vector<16xf32>
    %swap3A_337 = arith.constant 5 : i32
    %swap3A_338 = arith.index_cast %swap3A_337 : i32 to index
    %swap3A_339 = arith.constant 32 : index
    %swap3A_340 = tpu.vector_load %arg16[%swap3A_338, %swap3A_339] {strides = array<i32>} : memref<32x128xf32, #tpu.memory_space<vmem>>, vector<1x16xf32>,
    %swap3A_341 = vector.shape_cast %swap3A_340 : vector<1x16xf32> to vector<16xf32>
    %swap3A_342 = vector.shape_cast %broadcast_in_dim3A_336 : vector<16xf32> to vector<1x16xf32>
    tpu.vector_store %arg16[%swap3A_338, %swap3A_339], %swap3A_342 {strides = array<i32>} : memref<32x128xf32, #tpu.memory_space<vmem>>, vector<1x16xf32>,
    %broadcast_in_dim3A_343 = arith.constant 0.000000e+00 : f32
    %broadcast_in_dim3A_344 = vector.broadcast %broadcast_in_dim3A_343 : f32 to vector<16xf32>
    %swap3A_345 = arith.constant 5 : i32
    %swap3A_346 = arith.index_cast %swap3A_345 : i32 to index
    %swap3A_347 = arith.constant 48 : index
    %swap3A_348 = tpu.vector_load %arg16[%swap3A_346, %swap3A_347] {strides = array<i32>} : memref<32x128xf32, #tpu.memory_space<vmem>>, vector<1x16xf32>,
    %swap3A_349 = vector.shape_cast %swap3A_348 : vector<1x16xf32> to vector<16xf32>
    %swap3A_350 = vector.shape_cast %broadcast_in_dim3A_344 : vector<16xf32> to vector<1x16xf32>
    tpu.vector_store %arg16[%swap3A_346, %swap3A_347], %swap3A_350 {strides = array<i32>} : memref<32x128xf32, #tpu.memory_space<vmem>>, vector<1x16xf32>,
    %broadcast_in_dim3A_351 = arith.constant 0.000000e+00 : f32
    %broadcast_in_dim3A_352 = vector.broadcast %broadcast_in_dim3A_351 : f32 to vector<16xf32>
    %swap3A_353 = arith.constant 5 : i32
    %swap3A_354 = arith.index_cast %swap3A_353 : i32 to index
    %swap3A_355 = arith.constant 64 : index
    %swap3A_356 = tpu.vector_load %arg16[%swap3A_354, %swap3A_355] {strides = array<i32>} : memref<32x128xf32, #tpu.memory_space<vmem>>, vector<1x16xf32>,
    %swap3A_357 = vector.shape_cast %swap3A_356 : vector<1x16xf32> to vector<16xf32>
    %swap3A_358 = vector.shape_cast %broadcast_in_dim3A_352 : vector<16xf32> to vector<1x16xf32>
    tpu.vector_store %arg16[%swap3A_354, %swap3A_355], %swap3A_358 {strides = array<i32>} : memref<32x128xf32, #tpu.memory_space<vmem>>, vector<1x16xf32>,
    %broadcast_in_dim3A_359 = arith.constant 0.000000e+00 : f32
    %broadcast_in_dim3A_360 = vector.broadcast %broadcast_in_dim3A_359 : f32 to vector<16xf32>
    %swap3A_361 = arith.constant 5 : i32
    %swap3A_362 = arith.index_cast %swap3A_361 : i32 to index
    %swap3A_363 = arith.constant 80 : index
    %swap3A_364 = tpu.vector_load %arg16[%swap3A_362, %swap3A_363] {strides = array<i32>} : memref<32x128xf32, #tpu.memory_space<vmem>>, vector<1x16xf32>,
    %swap3A_365 = vector.shape_cast %swap3A_364 : vector<1x16xf32> to vector<16xf32>
    %swap3A_366 = vector.shape_cast %broadcast_in_dim3A_360 : vector<16xf32> to vector<1x16xf32>
    tpu.vector_store %arg16[%swap3A_362, %swap3A_363], %swap3A_366 {strides = array<i32>} : memref<32x128xf32, #tpu.memory_space<vmem>>, vector<1x16xf32>,
    %broadcast_in_dim3A_367 = arith.constant 0.000000e+00 : f32
    %broadcast_in_dim3A_368 = vector.broadcast %broadcast_in_dim3A_367 : f32 to vector<16xf32>
    %swap3A_369 = arith.constant 5 : i32
    %swap3A_370 = arith.index_cast %swap3A_369 : i32 to index
    %swap3A_371 = arith.constant 96 : index
    %swap3A_372 = tpu.vector_load %arg16[%swap3A_370, %swap3A_371] {strides = array<i32>} : memref<32x128xf32, #tpu.memory_space<vmem>>, vector<1x16xf32>,
    %swap3A_373 = vector.shape_cast %swap3A_372 : vector<1x16xf32> to vector<16xf32>
    %swap3A_374 = vector.shape_cast %broadcast_in_dim3A_368 : vector<16xf32> to vector<1x16xf32>
    tpu.vector_store %arg16[%swap3A_370, %swap3A_371], %swap3A_374 {strides = array<i32>} : memref<32x128xf32, #tpu.memory_space<vmem>>, vector<1x16xf32>,
    %broadcast_in_dim3A_375 = arith.constant 0.000000e+00 : f32
    %broadcast_in_dim3A_376 = vector.broadcast %broadcast_in_dim3A_375 : f32 to vector<16xf32>
    %swap3A_377 = arith.constant 5 : i32
    %swap3A_378 = arith.index_cast %swap3A_377 : i32 to index
    %swap3A_379 = arith.constant 112 : index
    %swap3A_380 = tpu.vector_load %arg16[%swap3A_378, %swap3A_379] {strides = array<i32>} : memref<32x128xf32, #tpu.memory_space<vmem>>, vector<1x16xf32>,
    %swap3A_381 = vector.shape_cast %swap3A_380 : vector<1x16xf32> to vector<16xf32>
    %swap3A_382 = vector.shape_cast %broadcast_in_dim3A_376 : vector<16xf32> to vector<1x16xf32>
    tpu.vector_store %arg16[%swap3A_378, %swap3A_379], %swap3A_382 {strides = array<i32>} : memref<32x128xf32, #tpu.memory_space<vmem>>, vector<1x16xf32>,
    %broadcast_in_dim3A_383 = arith.constant 0.000000e+00 : f32
    %broadcast_in_dim3A_384 = vector.broadcast %broadcast_in_dim3A_383 : f32 to vector<16xf32>
    %swap3A_385 = arith.constant 6 : i32
    %swap3A_386 = arith.index_cast %swap3A_385 : i32 to index
    %swap3A_387 = arith.constant 0 : index
    %swap3A_388 = tpu.vector_load %arg16[%swap3A_386, %swap3A_387] {strides = array<i32>} : memref<32x128xf32, #tpu.memory_space<vmem>>, vector<1x16xf32>,
    %swap3A_389 = vector.shape_cast %swap3A_388 : vector<1x16xf32> to vector<16xf32>
    %swap3A_390 = vector.shape_cast %broadcast_in_dim3A_384 : vector<16xf32> to vector<1x16xf32>
    tpu.vector_store %arg16[%swap3A_386, %swap3A_387], %swap3A_390 {strides = array<i32>} : memref<32x128xf32, #tpu.memory_space<vmem>>, vector<1x16xf32>,
    %broadcast_in_dim3A_391 = arith.constant 0.000000e+00 : f32
    %broadcast_in_dim3A_392 = vector.broadcast %broadcast_in_dim3A_391 : f32 to vector<16xf32>
    %swap3A_393 = arith.constant 6 : i32
    %swap3A_394 = arith.index_cast %swap3A_393 : i32 to index
    %swap3A_395 = arith.constant 16 : index
    %swap3A_396 = tpu.vector_load %arg16[%swap3A_394, %swap3A_395] {strides = array<i32>} : memref<32x128xf32, #tpu.memory_space<vmem>>, vector<1x16xf32>,
    %swap3A_397 = vector.shape_cast %swap3A_396 : vector<1x16xf32> to vector<16xf32>
    %swap3A_398 = vector.shape_cast %broadcast_in_dim3A_392 : vector<16xf32> to vector<1x16xf32>
    tpu.vector_store %arg16[%swap3A_394, %swap3A_395], %swap3A_398 {strides = array<i32>} : memref<32x128xf32, #tpu.memory_space<vmem>>, vector<1x16xf32>,
    %broadcast_in_dim3A_399 = arith.constant 0.000000e+00 : f32
    %broadcast_in_dim3A_400 = vector.broadcast %broadcast_in_dim3A_399 : f32 to vector<16xf32>
    %swap3A_401 = arith.constant 6 : i32
    %swap3A_402 = arith.index_cast %swap3A_401 : i32 to index
    %swap3A_403 = arith.constant 32 : index
    %swap3A_404 = tpu.vector_load %arg16[%swap3A_402, %swap3A_403] {strides = array<i32>} : memref<32x128xf32, #tpu.memory_space<vmem>>, vector<1x16xf32>,
    %swap3A_405 = vector.shape_cast %swap3A_404 : vector<1x16xf32> to vector<16xf32>
    %swap3A_406 = vector.shape_cast %broadcast_in_dim3A_400 : vector<16xf32> to vector<1x16xf32>
    tpu.vector_store %arg16[%swap3A_402, %swap3A_403], %swap3A_406 {strides = array<i32>} : memref<32x128xf32, #tpu.memory_space<vmem>>, vector<1x16xf32>,
    %broadcast_in_dim3A_407 = arith.constant 0.000000e+00 : f32
    %broadcast_in_dim3A_408 = vector.broadcast %broadcast_in_dim3A_407 : f32 to vector<16xf32>
    %swap3A_409 = arith.constant 6 : i32
    %swap3A_410 = arith.index_cast %swap3A_409 : i32 to index
    %swap3A_411 = arith.constant 48 : index
    %swap3A_412 = tpu.vector_load %arg16[%swap3A_410, %swap3A_411] {strides = array<i32>} : memref<32x128xf32, #tpu.memory_space<vmem>>, vector<1x16xf32>,
    %swap3A_413 = vector.shape_cast %swap3A_412 : vector<1x16xf32> to vector<16xf32>
    %swap3A_414 = vector.shape_cast %broadcast_in_dim3A_408 : vector<16xf32> to vector<1x16xf32>
    tpu.vector_store %arg16[%swap3A_410, %swap3A_411], %swap3A_414 {strides = array<i32>} : memref<32x128xf32, #tpu.memory_space<vmem>>, vector<1x16xf32>,
    %broadcast_in_dim3A_415 = arith.constant 0.000000e+00 : f32
    %broadcast_in_dim3A_416 = vector.broadcast %broadcast_in_dim3A_415 : f32 to vector<16xf32>
    %swap3A_417 = arith.constant 6 : i32
    %swap3A_418 = arith.index_cast %swap3A_417 : i32 to index
    %swap3A_419 = arith.constant 64 : index
    %swap3A_420 = tpu.vector_load %arg16[%swap3A_418, %swap3A_419] {strides = array<i32>} : memref<32x128xf32, #tpu.memory_space<vmem>>, vector<1x16xf32>,
    %swap3A_421 = vector.shape_cast %swap3A_420 : vector<1x16xf32> to vector<16xf32>
    %swap3A_422 = vector.shape_cast %broadcast_in_dim3A_416 : vector<16xf32> to vector<1x16xf32>
    tpu.vector_store %arg16[%swap3A_418, %swap3A_419], %swap3A_422 {strides = array<i32>} : memref<32x128xf32, #tpu.memory_space<vmem>>, vector<1x16xf32>,
    %broadcast_in_dim3A_423 = arith.constant 0.000000e+00 : f32
    %broadcast_in_dim3A_424 = vector.broadcast %broadcast_in_dim3A_423 : f32 to vector<16xf32>
    %swap3A_425 = arith.constant 6 : i32
    %swap3A_426 = arith.index_cast %swap3A_425 : i32 to index
    %swap3A_427 = arith.constant 80 : index
    %swap3A_428 = tpu.vector_load %arg16[%swap3A_426, %swap3A_427] {strides = array<i32>} : memref<32x128xf32, #tpu.memory_space<vmem>>, vector<1x16xf32>,
    %swap3A_429 = vector.shape_cast %swap3A_428 : vector<1x16xf32> to vector<16xf32>
    %swap3A_430 = vector.shape_cast %broadcast_in_dim3A_424 : vector<16xf32> to vector<1x16xf32>
    tpu.vector_store %arg16[%swap3A_426, %swap3A_427], %swap3A_430 {strides = array<i32>} : memref<32x128xf32, #tpu.memory_space<vmem>>, vector<1x16xf32>,
    %broadcast_in_dim3A_431 = arith.constant 0.000000e+00 : f32
    %broadcast_in_dim3A_432 = vector.broadcast %broadcast_in_dim3A_431 : f32 to vector<16xf32>
    %swap3A_433 = arith.constant 6 : i32
    %swap3A_434 = arith.index_cast %swap3A_433 : i32 to index
    %swap3A_435 = arith.constant 96 : index
    %swap3A_436 = tpu.vector_load %arg16[%swap3A_434, %swap3A_435] {strides = array<i32>} : memref<32x128xf32, #tpu.memory_space<vmem>>, vector<1x16xf32>,
    %swap3A_437 = vector.shape_cast %swap3A_436 : vector<1x16xf32> to vector<16xf32>
    %swap3A_438 = vector.shape_cast %broadcast_in_dim3A_432 : vector<16xf32> to vector<1x16xf32>
    tpu.vector_store %arg16[%swap3A_434, %swap3A_435], %swap3A_438 {strides = array<i32>} : memref<32x128xf32, #tpu.memory_space<vmem>>, vector<1x16xf32>,
    %broadcast_in_dim3A_439 = arith.constant 0.000000e+00 : f32
    %broadcast_in_dim3A_440 = vector.broadcast %broadcast_in_dim3A_439 : f32 to vector<16xf32>
    %swap3A_441 = arith.constant 6 : i32
    %swap3A_442 = arith.index_cast %swap3A_441 : i32 to index
    %swap3A_443 = arith.constant 112 : index
    %swap3A_444 = tpu.vector_load %arg16[%swap3A_442, %swap3A_443] {strides = array<i32>} : memref<32x128xf32, #tpu.memory_space<vmem>>, vector<1x16xf32>,
    %swap3A_445 = vector.shape_cast %swap3A_444 : vector<1x16xf32> to vector<16xf32>
    %swap3A_446 = vector.shape_cast %broadcast_in_dim3A_440 : vector<16xf32> to vector<1x16xf32>
    tpu.vector_store %arg16[%swap3A_442, %swap3A_443], %swap3A_446 {strides = array<i32>} : memref<32x128xf32, #tpu.memory_space<vmem>>, vector<1x16xf32>,
    %broadcast_in_dim3A_447 = arith.constant 0.000000e+00 : f32
    %broadcast_in_dim3A_448 = vector.broadcast %broadcast_in_dim3A_447 : f32 to vector<16xf32>
    %swap3A_449 = arith.constant 7 : i32
    %swap3A_450 = arith.index_cast %swap3A_449 : i32 to index
    %swap3A_451 = arith.constant 0 : index
    %swap3A_452 = tpu.vector_load %arg16[%swap3A_450, %swap3A_451] {strides = array<i32>} : memref<32x128xf32, #tpu.memory_space<vmem>>, vector<1x16xf32>,
    %swap3A_453 = vector.shape_cast %swap3A_452 : vector<1x16xf32> to vector<16xf32>
    %swap3A_454 = vector.shape_cast %broadcast_in_dim3A_448 : vector<16xf32> to vector<1x16xf32>
    tpu.vector_store %arg16[%swap3A_450, %swap3A_451], %swap3A_454 {strides = array<i32>} : memref<32x128xf32, #tpu.memory_space<vmem>>, vector<1x16xf32>,
    %broadcast_in_dim3A_455 = arith.constant 0.000000e+00 : f32
    %broadcast_in_dim3A_456 = vector.broadcast %broadcast_in_dim3A_455 : f32 to vector<16xf32>
    %swap3A_457 = arith.constant 7 : i32
    %swap3A_458 = arith.index_cast %swap3A_457 : i32 to index
    %swap3A_459 = arith.constant 16 : index
    %swap3A_460 = tpu.vector_load %arg16[%swap3A_458, %swap3A_459] {strides = array<i32>} : memref<32x128xf32, #tpu.memory_space<vmem>>, vector<1x16xf32>,
    %swap3A_461 = vector.shape_cast %swap3A_460 : vector<1x16xf32> to vector<16xf32>
    %swap3A_462 = vector.shape_cast %broadcast_in_dim3A_456 : vector<16xf32> to vector<1x16xf32>
    tpu.vector_store %arg16[%swap3A_458, %swap3A_459], %swap3A_462 {strides = array<i32>} : memref<32x128xf32, #tpu.memory_space<vmem>>, vector<1x16xf32>,
    %broadcast_in_dim3A_463 = arith.constant 0.000000e+00 : f32
    %broadcast_in_dim3A_464 = vector.broadcast %broadcast_in_dim3A_463 : f32 to vector<16xf32>
    %swap3A_465 = arith.constant 7 : i32
    %swap3A_466 = arith.index_cast %swap3A_465 : i32 to index
    %swap3A_467 = arith.constant 32 : index
    %swap3A_468 = tpu.vector_load %arg16[%swap3A_466, %swap3A_467] {strides = array<i32>} : memref<32x128xf32, #tpu.memory_space<vmem>>, vector<1x16xf32>,
    %swap3A_469 = vector.shape_cast %swap3A_468 : vector<1x16xf32> to vector<16xf32>
    %swap3A_470 = vector.shape_cast %broadcast_in_dim3A_464 : vector<16xf32> to vector<1x16xf32>
    tpu.vector_store %arg16[%swap3A_466, %swap3A_467], %swap3A_470 {strides = array<i32>} : memref<32x128xf32, #tpu.memory_space<vmem>>, vector<1x16xf32>,
    %broadcast_in_dim3A_471 = arith.constant 0.000000e+00 : f32
    %broadcast_in_dim3A_472 = vector.broadcast %broadcast_in_dim3A_471 : f32 to vector<16xf32>
    %swap3A_473 = arith.constant 7 : i32
    %swap3A_474 = arith.index_cast %swap3A_473 : i32 to index
    %swap3A_475 = arith.constant 48 : index
    %swap3A_476 = tpu.vector_load %arg16[%swap3A_474, %swap3A_475] {strides = array<i32>} : memref<32x128xf32, #tpu.memory_space<vmem>>, vector<1x16xf32>,
    %swap3A_477 = vector.shape_cast %swap3A_476 : vector<1x16xf32> to vector<16xf32>
    %swap3A_478 = vector.shape_cast %broadcast_in_dim3A_472 : vector<16xf32> to vector<1x16xf32>
    tpu.vector_store %arg16[%swap3A_474, %swap3A_475], %swap3A_478 {strides = array<i32>} : memref<32x128xf32, #tpu.memory_space<vmem>>, vector<1x16xf32>,
    %broadcast_in_dim3A_479 = arith.constant 0.000000e+00 : f32
    %broadcast_in_dim3A_480 = vector.broadcast %broadcast_in_dim3A_479 : f32 to vector<16xf32>
    %swap3A_481 = arith.constant 7 : i32
    %swap3A_482 = arith.index_cast %swap3A_481 : i32 to index
    %swap3A_483 = arith.constant 64 : index
    %swap3A_484 = tpu.vector_load %arg16[%swap3A_482, %swap3A_483] {strides = array<i32>} : memref<32x128xf32, #tpu.memory_space<vmem>>, vector<1x16xf32>,
    %swap3A_485 = vector.shape_cast %swap3A_484 : vector<1x16xf32> to vector<16xf32>
    %swap3A_486 = vector.shape_cast %broadcast_in_dim3A_480 : vector<16xf32> to vector<1x16xf32>
    tpu.vector_store %arg16[%swap3A_482, %swap3A_483], %swap3A_486 {strides = array<i32>} : memref<32x128xf32, #tpu.memory_space<vmem>>, vector<1x16xf32>,
    %broadcast_in_dim3A_487 = arith.constant 0.000000e+00 : f32
    %broadcast_in_dim3A_488 = vector.broadcast %broadcast_in_dim3A_487 : f32 to vector<16xf32>
    %swap3A_489 = arith.constant 7 : i32
    %swap3A_490 = arith.index_cast %swap3A_489 : i32 to index
    %swap3A_491 = arith.constant 80 : index
    %swap3A_492 = tpu.vector_load %arg16[%swap3A_490, %swap3A_491] {strides = array<i32>} : memref<32x128xf32, #tpu.memory_space<vmem>>, vector<1x16xf32>,
    %swap3A_493 = vector.shape_cast %swap3A_492 : vector<1x16xf32> to vector<16xf32>
    %swap3A_494 = vector.shape_cast %broadcast_in_dim3A_488 : vector<16xf32> to vector<1x16xf32>
    tpu.vector_store %arg16[%swap3A_490, %swap3A_491], %swap3A_494 {strides = array<i32>} : memref<32x128xf32, #tpu.memory_space<vmem>>, vector<1x16xf32>,
    %broadcast_in_dim3A_495 = arith.constant 0.000000e+00 : f32
    %broadcast_in_dim3A_496 = vector.broadcast %broadcast_in_dim3A_495 : f32 to vector<16xf32>
    %swap3A_497 = arith.constant 7 : i32
    %swap3A_498 = arith.index_cast %swap3A_497 : i32 to index
    %swap3A_499 = arith.constant 96 : index
    %swap3A_500 = tpu.vector_load %arg16[%swap3A_498, %swap3A_499] {strides = array<i32>} : memref<32x128xf32, #tpu.memory_space<vmem>>, vector<1x16xf32>,
    %swap3A_501 = vector.shape_cast %swap3A_500 : vector<1x16xf32> to vector<16xf32>
    %swap3A_502 = vector.shape_cast %broadcast_in_dim3A_496 : vector<16xf32> to vector<1x16xf32>
    tpu.vector_store %arg16[%swap3A_498, %swap3A_499], %swap3A_502 {strides = array<i32>} : memref<32x128xf32, #tpu.memory_space<vmem>>, vector<1x16xf32>,
    %broadcast_in_dim3A_503 = arith.constant 0.000000e+00 : f32
    %broadcast_in_dim3A_504 = vector.broadcast %broadcast_in_dim3A_503 : f32 to vector<16xf32>
    %swap3A_505 = arith.constant 7 : i32
    %swap3A_506 = arith.index_cast %swap3A_505 : i32 to index
    %swap3A_507 = arith.constant 112 : index
    %swap3A_508 = tpu.vector_load %arg16[%swap3A_506, %swap3A_507] {strides = array<i32>} : memref<32x128xf32, #tpu.memory_space<vmem>>, vector<1x16xf32>,
    %swap3A_509 = vector.shape_cast %swap3A_508 : vector<1x16xf32> to vector<16xf32>
    %swap3A_510 = vector.shape_cast %broadcast_in_dim3A_504 : vector<16xf32> to vector<1x16xf32>
    tpu.vector_store %arg16[%swap3A_506, %swap3A_507], %swap3A_510 {strides = array<i32>} : memref<32x128xf32, #tpu.memory_space<vmem>>, vector<1x16xf32>,
    %broadcast_in_dim3A_511 = arith.constant 0.000000e+00 : f32
    %broadcast_in_dim3A_512 = vector.broadcast %broadcast_in_dim3A_511 : f32 to vector<16xf32>
    %swap3A_513 = arith.constant 8 : i32
    %swap3A_514 = arith.index_cast %swap3A_513 : i32 to index
    %swap3A_515 = arith.constant 0 : index
    %swap3A_516 = tpu.vector_load %arg16[%swap3A_514, %swap3A_515] {strides = array<i32>} : memref<32x128xf32, #tpu.memory_space<vmem>>, vector<1x16xf32>,
    %swap3A_517 = vector.shape_cast %swap3A_516 : vector<1x16xf32> to vector<16xf32>
    %swap3A_518 = vector.shape_cast %broadcast_in_dim3A_512 : vector<16xf32> to vector<1x16xf32>
    tpu.vector_store %arg16[%swap3A_514, %swap3A_515], %swap3A_518 {strides = array<i32>} : memref<32x128xf32, #tpu.memory_space<vmem>>, vector<1x16xf32>,
    %broadcast_in_dim3A_519 = arith.constant 0.000000e+00 : f32
    %broadcast_in_dim3A_520 = vector.broadcast %broadcast_in_dim3A_519 : f32 to vector<16xf32>
    %swap3A_521 = arith.constant 8 : i32
    %swap3A_522 = arith.index_cast %swap3A_521 : i32 to index
    %swap3A_523 = arith.constant 16 : index
    %swap3A_524 = tpu.vector_load %arg16[%swap3A_522, %swap3A_523] {strides = array<i32>} : memref<32x128xf32, #tpu.memory_space<vmem>>, vector<1x16xf32>,
    %swap3A_525 = vector.shape_cast %swap3A_524 : vector<1x16xf32> to vector<16xf32>
    %swap3A_526 = vector.shape_cast %broadcast_in_dim3A_520 : vector<16xf32> to vector<1x16xf32>
    tpu.vector_store %arg16[%swap3A_522, %swap3A_523], %swap3A_526 {strides = array<i32>} : memref<32x128xf32, #tpu.memory_space<vmem>>, vector<1x16xf32>,
    %broadcast_in_dim3A_527 = arith.constant 0.000000e+00 : f32
    %broadcast_in_dim3A_528 = vector.broadcast %broadcast_in_dim3A_527 : f32 to vector<16xf32>
    %swap3A_529 = arith.constant 8 : i32
    %swap3A_530 = arith.index_cast %swap3A_529 : i32 to index
    %swap3A_531 = arith.constant 32 : index
    %swap3A_532 = tpu.vector_load %arg16[%swap3A_530, %swap3A_531] {strides = array<i32>} : memref<32x128xf32, #tpu.memory_space<vmem>>, vector<1x16xf32>,
    %swap3A_533 = vector.shape_cast %swap3A_532 : vector<1x16xf32> to vector<16xf32>
    %swap3A_534 = vector.shape_cast %broadcast_in_dim3A_528 : vector<16xf32> to vector<1x16xf32>
    tpu.vector_store %arg16[%swap3A_530, %swap3A_531], %swap3A_534 {strides = array<i32>} : memref<32x128xf32, #tpu.memory_space<vmem>>, vector<1x16xf32>,
    %broadcast_in_dim3A_535 = arith.constant 0.000000e+00 : f32
    %broadcast_in_dim3A_536 = vector.broadcast %broadcast_in_dim3A_535 : f32 to vector<16xf32>
    %swap3A_537 = arith.constant 8 : i32
    %swap3A_538 = arith.index_cast %swap3A_537 : i32 to index
    %swap3A_539 = arith.constant 48 : index
    %swap3A_540 = tpu.vector_load %arg16[%swap3A_538, %swap3A_539] {strides = array<i32>} : memref<32x128xf32, #tpu.memory_space<vmem>>, vector<1x16xf32>,
    %swap3A_541 = vector.shape_cast %swap3A_540 : vector<1x16xf32> to vector<16xf32>
    %swap3A_542 = vector.shape_cast %broadcast_in_dim3A_536 : vector<16xf32> to vector<1x16xf32>
    tpu.vector_store %arg16[%swap3A_538, %swap3A_539], %swap3A_542 {strides = array<i32>} : memref<32x128xf32, #tpu.memory_space<vmem>>, vector<1x16xf32>,
    %broadcast_in_dim3A_543 = arith.constant 0.000000e+00 : f32
    %broadcast_in_dim3A_544 = vector.broadcast %broadcast_in_dim3A_543 : f32 to vector<16xf32>
    %swap3A_545 = arith.constant 8 : i32
    %swap3A_546 = arith.index_cast %swap3A_545 : i32 to index
    %swap3A_547 = arith.constant 64 : index
    %swap3A_548 = tpu.vector_load %arg16[%swap3A_546, %swap3A_547] {strides = array<i32>} : memref<32x128xf32, #tpu.memory_space<vmem>>, vector<1x16xf32>,
    %swap3A_549 = vector.shape_cast %swap3A_548 : vector<1x16xf32> to vector<16xf32>
    %swap3A_550 = vector.shape_cast %broadcast_in_dim3A_544 : vector<16xf32> to vector<1x16xf32>
    tpu.vector_store %arg16[%swap3A_546, %swap3A_547], %swap3A_550 {strides = array<i32>} : memref<32x128xf32, #tpu.memory_space<vmem>>, vector<1x16xf32>,
    %broadcast_in_dim3A_551 = arith.constant 0.000000e+00 : f32
    %broadcast_in_dim3A_552 = vector.broadcast %broadcast_in_dim3A_551 : f32 to vector<16xf32>
    %swap3A_553 = arith.constant 8 : i32
    %swap3A_554 = arith.index_cast %swap3A_553 : i32 to index
    %swap3A_555 = arith.constant 80 : index
    %swap3A_556 = tpu.vector_load %arg16[%swap3A_554, %swap3A_555] {strides = array<i32>} : memref<32x128xf32, #tpu.memory_space<vmem>>, vector<1x16xf32>,
    %swap3A_557 = vector.shape_cast %swap3A_556 : vector<1x16xf32> to vector<16xf32>
    %swap3A_558 = vector.shape_cast %broadcast_in_dim3A_552 : vector<16xf32> to vector<1x16xf32>
    tpu.vector_store %arg16[%swap3A_554, %swap3A_555], %swap3A_558 {strides = array<i32>} : memref<32x128xf32, #tpu.memory_space<vmem>>, vector<1x16xf32>,
    %broadcast_in_dim3A_559 = arith.constant 0.000000e+00 : f32
    %broadcast_in_dim3A_560 = vector.broadcast %broadcast_in_dim3A_559 : f32 to vector<16xf32>
    %swap3A_561 = arith.constant 8 : i32
    %swap3A_562 = arith.index_cast %swap3A_561 : i32 to index
    %swap3A_563 = arith.constant 96 : index
    %swap3A_564 = tpu.vector_load %arg16[%swap3A_562, %swap3A_563] {strides = array<i32>} : memref<32x128xf32, #tpu.memory_space<vmem>>, vector<1x16xf32>,
    %swap3A_565 = vector.shape_cast %swap3A_564 : vector<1x16xf32> to vector<16xf32>
    %swap3A_566 = vector.shape_cast %broadcast_in_dim3A_560 : vector<16xf32> to vector<1x16xf32>
    tpu.vector_store %arg16[%swap3A_562, %swap3A_563], %swap3A_566 {strides = array<i32>} : memref<32x128xf32, #tpu.memory_space<vmem>>, vector<1x16xf32>,
    %broadcast_in_dim3A_567 = arith.constant 0.000000e+00 : f32
    %broadcast_in_dim3A_568 = vector.broadcast %broadcast_in_dim3A_567 : f32 to vector<16xf32>
    %swap3A_569 = arith.constant 8 : i32
    %swap3A_570 = arith.index_cast %swap3A_569 : i32 to index
    %swap3A_571 = arith.constant 112 : index
    %swap3A_572 = tpu.vector_load %arg16[%swap3A_570, %swap3A_571] {strides = array<i32>} : memref<32x128xf32, #tpu.memory_space<vmem>>, vector<1x16xf32>,
    %swap3A_573 = vector.shape_cast %swap3A_572 : vector<1x16xf32> to vector<16xf32>
    %swap3A_574 = vector.shape_cast %broadcast_in_dim3A_568 : vector<16xf32> to vector<1x16xf32>
    tpu.vector_store %arg16[%swap3A_570, %swap3A_571], %swap3A_574 {strides = array<i32>} : memref<32x128xf32, #tpu.memory_space<vmem>>, vector<1x16xf32>,
    %broadcast_in_dim3A_575 = arith.constant 0.000000e+00 : f32
    %broadcast_in_dim3A_576 = vector.broadcast %broadcast_in_dim3A_575 : f32 to vector<16xf32>
    %swap3A_577 = arith.constant 9 : i32
    %swap3A_578 = arith.index_cast %swap3A_577 : i32 to index
    %swap3A_579 = arith.constant 0 : index
    %swap3A_580 = tpu.vector_load %arg16[%swap3A_578, %swap3A_579] {strides = array<i32>} : memref<32x128xf32, #tpu.memory_space<vmem>>, vector<1x16xf32>,
    %swap3A_581 = vector.shape_cast %swap3A_580 : vector<1x16xf32> to vector<16xf32>
    %swap3A_582 = vector.shape_cast %broadcast_in_dim3A_576 : vector<16xf32> to vector<1x16xf32>
    tpu.vector_store %arg16[%swap3A_578, %swap3A_579], %swap3A_582 {strides = array<i32>} : memref<32x128xf32, #tpu.memory_space<vmem>>, vector<1x16xf32>,
    %broadcast_in_dim3A_583 = arith.constant 0.000000e+00 : f32
    %broadcast_in_dim3A_584 = vector.broadcast %broadcast_in_dim3A_583 : f32 to vector<16xf32>
    %swap3A_585 = arith.constant 9 : i32
    %swap3A_586 = arith.index_cast %swap3A_585 : i32 to index
    %swap3A_587 = arith.constant 16 : index
    %swap3A_588 = tpu.vector_load %arg16[%swap3A_586, %swap3A_587] {strides = array<i32>} : memref<32x128xf32, #tpu.memory_space<vmem>>, vector<1x16xf32>,
    %swap3A_589 = vector.shape_cast %swap3A_588 : vector<1x16xf32> to vector<16xf32>
    %swap3A_590 = vector.shape_cast %broadcast_in_dim3A_584 : vector<16xf32> to vector<1x16xf32>
    tpu.vector_store %arg16[%swap3A_586, %swap3A_587], %swap3A_590 {strides = array<i32>} : memref<32x128xf32, #tpu.memory_space<vmem>>, vector<1x16xf32>,
    %broadcast_in_dim3A_591 = arith.constant 0.000000e+00 : f32
    %broadcast_in_dim3A_592 = vector.broadcast %broadcast_in_dim3A_591 : f32 to vector<16xf32>
    %swap3A_593 = arith.constant 9 : i32
    %swap3A_594 = arith.index_cast %swap3A_593 : i32 to index
    %swap3A_595 = arith.constant 32 : index
    %swap3A_596 = tpu.vector_load %arg16[%swap3A_594, %swap3A_595] {strides = array<i32>} : memref<32x128xf32, #tpu.memory_space<vmem>>, vector<1x16xf32>,
    %swap3A_597 = vector.shape_cast %swap3A_596 : vector<1x16xf32> to vector<16xf32>
    %swap3A_598 = vector.shape_cast %broadcast_in_dim3A_592 : vector<16xf32> to vector<1x16xf32>
    tpu.vector_store %arg16[%swap3A_594, %swap3A_595], %swap3A_598 {strides = array<i32>} : memref<32x128xf32, #tpu.memory_space<vmem>>, vector<1x16xf32>,
    %broadcast_in_dim3A_599 = arith.constant 0.000000e+00 : f32
    %broadcast_in_dim3A_600 = vector.broadcast %broadcast_in_dim3A_599 : f32 to vector<16xf32>
    %swap3A_601 = arith.constant 9 : i32
    %swap3A_602 = arith.index_cast %swap3A_601 : i32 to index
    %swap3A_603 = arith.constant 48 : index
    %swap3A_604 = tpu.vector_load %arg16[%swap3A_602, %swap3A_603] {strides = array<i32>} : memref<32x128xf32, #tpu.memory_space<vmem>>, vector<1x16xf32>,
    %swap3A_605 = vector.shape_cast %swap3A_604 : vector<1x16xf32> to vector<16xf32>
    %swap3A_606 = vector.shape_cast %broadcast_in_dim3A_600 : vector<16xf32> to vector<1x16xf32>
    tpu.vector_store %arg16[%swap3A_602, %swap3A_603], %swap3A_606 {strides = array<i32>} : memref<32x128xf32, #tpu.memory_space<vmem>>, vector<1x16xf32>,
    %broadcast_in_dim3A_607 = arith.constant 0.000000e+00 : f32
    %broadcast_in_dim3A_608 = vector.broadcast %broadcast_in_dim3A_607 : f32 to vector<16xf32>
    %swap3A_609 = arith.constant 9 : i32
    %swap3A_610 = arith.index_cast %swap3A_609 : i32 to index
    %swap3A_611 = arith.constant 64 : index
    %swap3A_612 = tpu.vector_load %arg16[%swap3A_610, %swap3A_611] {strides = array<i32>} : memref<32x128xf32, #tpu.memory_space<vmem>>, vector<1x16xf32>,
    %swap3A_613 = vector.shape_cast %swap3A_612 : vector<1x16xf32> to vector<16xf32>
    %swap3A_614 = vector.shape_cast %broadcast_in_dim3A_608 : vector<16xf32> to vector<1x16xf32>
    tpu.vector_store %arg16[%swap3A_610, %swap3A_611], %swap3A_614 {strides = array<i32>} : memref<32x128xf32, #tpu.memory_space<vmem>>, vector<1x16xf32>,
    %broadcast_in_dim3A_615 = arith.constant 0.000000e+00 : f32
    %broadcast_in_dim3A_616 = vector.broadcast %broadcast_in_dim3A_615 : f32 to vector<16xf32>
    %swap3A_617 = arith.constant 9 : i32
    %swap3A_618 = arith.index_cast %swap3A_617 : i32 to index
    %swap3A_619 = arith.constant 80 : index
    %swap3A_620 = tpu.vector_load %arg16[%swap3A_618, %swap3A_619] {strides = array<i32>} : memref<32x128xf32, #tpu.memory_space<vmem>>, vector<1x16xf32>,
    %swap3A_621 = vector.shape_cast %swap3A_620 : vector<1x16xf32> to vector<16xf32>
    %swap3A_622 = vector.shape_cast %broadcast_in_dim3A_616 : vector<16xf32> to vector<1x16xf32>
    tpu.vector_store %arg16[%swap3A_618, %swap3A_619], %swap3A_622 {strides = array<i32>} : memref<32x128xf32, #tpu.memory_space<vmem>>, vector<1x16xf32>,
    %broadcast_in_dim3A_623 = arith.constant 0.000000e+00 : f32
    %broadcast_in_dim3A_624 = vector.broadcast %broadcast_in_dim3A_623 : f32 to vector<16xf32>
    %swap3A_625 = arith.constant 9 : i32
    %swap3A_626 = arith.index_cast %swap3A_625 : i32 to index
    %swap3A_627 = arith.constant 96 : index
    %swap3A_628 = tpu.vector_load %arg16[%swap3A_626, %swap3A_627] {strides = array<i32>} : memref<32x128xf32, #tpu.memory_space<vmem>>, vector<1x16xf32>,
    %swap3A_629 = vector.shape_cast %swap3A_628 : vector<1x16xf32> to vector<16xf32>
    %swap3A_630 = vector.shape_cast %broadcast_in_dim3A_624 : vector<16xf32> to vector<1x16xf32>
    tpu.vector_store %arg16[%swap3A_626, %swap3A_627], %swap3A_630 {strides = array<i32>} : memref<32x128xf32, #tpu.memory_space<vmem>>, vector<1x16xf32>,
    %broadcast_in_dim3A_631 = arith.constant 0.000000e+00 : f32
    %broadcast_in_dim3A_632 = vector.broadcast %broadcast_in_dim3A_631 : f32 to vector<16xf32>
    %swap3A_633 = arith.constant 9 : i32
    %swap3A_634 = arith.index_cast %swap3A_633 : i32 to index
    %swap3A_635 = arith.constant 112 : index
    %swap3A_636 = tpu.vector_load %arg16[%swap3A_634, %swap3A_635] {strides = array<i32>} : memref<32x128xf32, #tpu.memory_space<vmem>>, vector<1x16xf32>,
    %swap3A_637 = vector.shape_cast %swap3A_636 : vector<1x16xf32> to vector<16xf32>
    %swap3A_638 = vector.shape_cast %broadcast_in_dim3A_632 : vector<16xf32> to vector<1x16xf32>
    tpu.vector_store %arg16[%swap3A_634, %swap3A_635], %swap3A_638 {strides = array<i32>} : memref<32x128xf32, #tpu.memory_space<vmem>>, vector<1x16xf32>,
    %broadcast_in_dim3A_639 = arith.constant 0.000000e+00 : f32
    %broadcast_in_dim3A_640 = vector.broadcast %broadcast_in_dim3A_639 : f32 to vector<16xf32>
    %swap3A_641 = arith.constant 10 : i32
    %swap3A_642 = arith.index_cast %swap3A_641 : i32 to index
    %swap3A_643 = arith.constant 0 : index
    %swap3A_644 = tpu.vector_load %arg16[%swap3A_642, %swap3A_643] {strides = array<i32>} : memref<32x128xf32, #tpu.memory_space<vmem>>, vector<1x16xf32>,
    %swap3A_645 = vector.shape_cast %swap3A_644 : vector<1x16xf32> to vector<16xf32>
    %swap3A_646 = vector.shape_cast %broadcast_in_dim3A_640 : vector<16xf32> to vector<1x16xf32>
    tpu.vector_store %arg16[%swap3A_642, %swap3A_643], %swap3A_646 {strides = array<i32>} : memref<32x128xf32, #tpu.memory_space<vmem>>, vector<1x16xf32>,
    %broadcast_in_dim3A_647 = arith.constant 0.000000e+00 : f32
    %broadcast_in_dim3A_648 = vector.broadcast %broadcast_in_dim3A_647 : f32 to vector<16xf32>
    %swap3A_649 = arith.constant 10 : i32
    %swap3A_650 = arith.index_cast %swap3A_649 : i32 to index
    %swap3A_651 = arith.constant 16 : index
    %swap3A_652 = tpu.vector_load %arg16[%swap3A_650, %swap3A_651] {strides = array<i32>} : memref<32x128xf32, #tpu.memory_space<vmem>>, vector<1x16xf32>,
    %swap3A_653 = vector.shape_cast %swap3A_652 : vector<1x16xf32> to vector<16xf32>
    %swap3A_654 = vector.shape_cast %broadcast_in_dim3A_648 : vector<16xf32> to vector<1x16xf32>
    tpu.vector_store %arg16[%swap3A_650, %swap3A_651], %swap3A_654 {strides = array<i32>} : memref<32x128xf32, #tpu.memory_space<vmem>>, vector<1x16xf32>,
    %broadcast_in_dim3A_655 = arith.constant 0.000000e+00 : f32
    %broadcast_in_dim3A_656 = vector.broadcast %broadcast_in_dim3A_655 : f32 to vector<16xf32>
    %swap3A_657 = arith.constant 10 : i32
    %swap3A_658 = arith.index_cast %swap3A_657 : i32 to index
    %swap3A_659 = arith.constant 32 : index
    %swap3A_660 = tpu.vector_load %arg16[%swap3A_658, %swap3A_659] {strides = array<i32>} : memref<32x128xf32, #tpu.memory_space<vmem>>, vector<1x16xf32>,
    %swap3A_661 = vector.shape_cast %swap3A_660 : vector<1x16xf32> to vector<16xf32>
    %swap3A_662 = vector.shape_cast %broadcast_in_dim3A_656 : vector<16xf32> to vector<1x16xf32>
    tpu.vector_store %arg16[%swap3A_658, %swap3A_659], %swap3A_662 {strides = array<i32>} : memref<32x128xf32, #tpu.memory_space<vmem>>, vector<1x16xf32>,
    %broadcast_in_dim3A_663 = arith.constant 0.000000e+00 : f32
    %broadcast_in_dim3A_664 = vector.broadcast %broadcast_in_dim3A_663 : f32 to vector<16xf32>
    %swap3A_665 = arith.constant 10 : i32
    %swap3A_666 = arith.index_cast %swap3A_665 : i32 to index
    %swap3A_667 = arith.constant 48 : index
    %swap3A_668 = tpu.vector_load %arg16[%swap3A_666, %swap3A_667] {strides = array<i32>} : memref<32x128xf32, #tpu.memory_space<vmem>>, vector<1x16xf32>,
    %swap3A_669 = vector.shape_cast %swap3A_668 : vector<1x16xf32> to vector<16xf32>
    %swap3A_670 = vector.shape_cast %broadcast_in_dim3A_664 : vector<16xf32> to vector<1x16xf32>
    tpu.vector_store %arg16[%swap3A_666, %swap3A_667], %swap3A_670 {strides = array<i32>} : memref<32x128xf32, #tpu.memory_space<vmem>>, vector<1x16xf32>,
    %broadcast_in_dim3A_671 = arith.constant 0.000000e+00 : f32
    %broadcast_in_dim3A_672 = vector.broadcast %broadcast_in_dim3A_671 : f32 to vector<16xf32>
    %swap3A_673 = arith.constant 10 : i32
    %swap3A_674 = arith.index_cast %swap3A_673 : i32 to index
    %swap3A_675 = arith.constant 64 : index
    %swap3A_676 = tpu.vector_load %arg16[%swap3A_674, %swap3A_675] {strides = array<i32>} : memref<32x128xf32, #tpu.memory_space<vmem>>, vector<1x16xf32>,
    %swap3A_677 = vector.shape_cast %swap3A_676 : vector<1x16xf32> to vector<16xf32>
    %swap3A_678 = vector.shape_cast %broadcast_in_dim3A_672 : vector<16xf32> to vector<1x16xf32>
    tpu.vector_store %arg16[%swap3A_674, %swap3A_675], %swap3A_678 {strides = array<i32>} : memref<32x128xf32, #tpu.memory_space<vmem>>, vector<1x16xf32>,
    %broadcast_in_dim3A_679 = arith.constant 0.000000e+00 : f32
    %broadcast_in_dim3A_680 = vector.broadcast %broadcast_in_dim3A_679 : f32 to vector<16xf32>
    %swap3A_681 = arith.constant 10 : i32
    %swap3A_682 = arith.index_cast %swap3A_681 : i32 to index
    %swap3A_683 = arith.constant 80 : index
    %swap3A_684 = tpu.vector_load %arg16[%swap3A_682, %swap3A_683] {strides = array<i32>} : memref<32x128xf32, #tpu.memory_space<vmem>>, vector<1x16xf32>,
    %swap3A_685 = vector.shape_cast %swap3A_684 : vector<1x16xf32> to vector<16xf32>
    %swap3A_686 = vector.shape_cast %broadcast_in_dim3A_680 : vector<16xf32> to vector<1x16xf32>
    tpu.vector_store %arg16[%swap3A_682, %swap3A_683], %swap3A_686 {strides = array<i32>} : memref<32x128xf32, #tpu.memory_space<vmem>>, vector<1x16xf32>,
    %broadcast_in_dim3A_687 = arith.constant 0.000000e+00 : f32
    %broadcast_in_dim3A_688 = vector.broadcast %broadcast_in_dim3A_687 : f32 to vector<16xf32>
    %swap3A_689 = arith.constant 10 : i32
    %swap3A_690 = arith.index_cast %swap3A_689 : i32 to index
    %swap3A_691 = arith.constant 96 : index
    %swap3A_692 = tpu.vector_load %arg16[%swap3A_690, %swap3A_691] {strides = array<i32>} : memref<32x128xf32, #tpu.memory_space<vmem>>, vector<1x16xf32>,
    %swap3A_693 = vector.shape_cast %swap3A_692 : vector<1x16xf32> to vector<16xf32>
    %swap3A_694 = vector.shape_cast %broadcast_in_dim3A_688 : vector<16xf32> to vector<1x16xf32>
    tpu.vector_store %arg16[%swap3A_690, %swap3A_691], %swap3A_694 {strides = array<i32>} : memref<32x128xf32, #tpu.memory_space<vmem>>, vector<1x16xf32>,
    %broadcast_in_dim3A_695 = arith.constant 0.000000e+00 : f32
    %broadcast_in_dim3A_696 = vector.broadcast %broadcast_in_dim3A_695 : f32 to vector<16xf32>
    %swap3A_697 = arith.constant 10 : i32
    %swap3A_698 = arith.index_cast %swap3A_697 : i32 to index
    %swap3A_699 = arith.constant 112 : index
    %swap3A_700 = tpu.vector_load %arg16[%swap3A_698, %swap3A_699] {strides = array<i32>} : memref<32x128xf32, #tpu.memory_space<vmem>>, vector<1x16xf32>,
    %swap3A_701 = vector.shape_cast %swap3A_700 : vector<1x16xf32> to vector<16xf32>
    %swap3A_702 = vector.shape_cast %broadcast_in_dim3A_696 : vector<16xf32> to vector<1x16xf32>
    tpu.vector_store %arg16[%swap3A_698, %swap3A_699], %swap3A_702 {strides = array<i32>} : memref<32x128xf32, #tpu.memory_space<vmem>>, vector<1x16xf32>,
    %broadcast_in_dim3A_703 = arith.constant 0.000000e+00 : f32
    %broadcast_in_dim3A_704 = vector.broadcast %broadcast_in_dim3A_703 : f32 to vector<16xf32>
    %swap3A_705 = arith.constant 11 : i32
    %swap3A_706 = arith.index_cast %swap3A_705 : i32 to index
    %swap3A_707 = arith.constant 0 : index
    %swap3A_708 = tpu.vector_load %arg16[%swap3A_706, %swap3A_707] {strides = array<i32>} : memref<32x128xf32, #tpu.memory_space<vmem>>, vector<1x16xf32>,
    %swap3A_709 = vector.shape_cast %swap3A_708 : vector<1x16xf32> to vector<16xf32>
    %swap3A_710 = vector.shape_cast %broadcast_in_dim3A_704 : vector<16xf32> to vector<1x16xf32>
    tpu.vector_store %arg16[%swap3A_706, %swap3A_707], %swap3A_710 {strides = array<i32>} : memref<32x128xf32, #tpu.memory_space<vmem>>, vector<1x16xf32>,
    %broadcast_in_dim3A_711 = arith.constant 0.000000e+00 : f32
    %broadcast_in_dim3A_712 = vector.broadcast %broadcast_in_dim3A_711 : f32 to vector<16xf32>
    %swap3A_713 = arith.constant 11 : i32
    %swap3A_714 = arith.index_cast %swap3A_713 : i32 to index
    %swap3A_715 = arith.constant 16 : index
    %swap3A_716 = tpu.vector_load %arg16[%swap3A_714, %swap3A_715] {strides = array<i32>} : memref<32x128xf32, #tpu.memory_space<vmem>>, vector<1x16xf32>,
    %swap3A_717 = vector.shape_cast %swap3A_716 : vector<1x16xf32> to vector<16xf32>
    %swap3A_718 = vector.shape_cast %broadcast_in_dim3A_712 : vector<16xf32> to vector<1x16xf32>
    tpu.vector_store %arg16[%swap3A_714, %swap3A_715], %swap3A_718 {strides = array<i32>} : memref<32x128xf32, #tpu.memory_space<vmem>>, vector<1x16xf32>,
    %broadcast_in_dim3A_719 = arith.constant 0.000000e+00 : f32
    %broadcast_in_dim3A_720 = vector.broadcast %broadcast_in_dim3A_719 : f32 to vector<16xf32>
    %swap3A_721 = arith.constant 11 : i32
    %swap3A_722 = arith.index_cast %swap3A_721 : i32 to index
    %swap3A_723 = arith.constant 32 : index
    %swap3A_724 = tpu.vector_load %arg16[%swap3A_722, %swap3A_723] {strides = array<i32>} : memref<32x128xf32, #tpu.memory_space<vmem>>, vector<1x16xf32>,
    %swap3A_725 = vector.shape_cast %swap3A_724 : vector<1x16xf32> to vector<16xf32>
    %swap3A_726 = vector.shape_cast %broadcast_in_dim3A_720 : vector<16xf32> to vector<1x16xf32>
    tpu.vector_store %arg16[%swap3A_722, %swap3A_723], %swap3A_726 {strides = array<i32>} : memref<32x128xf32, #tpu.memory_space<vmem>>, vector<1x16xf32>,
    %broadcast_in_dim3A_727 = arith.constant 0.000000e+00 : f32
    %broadcast_in_dim3A_728 = vector.broadcast %broadcast_in_dim3A_727 : f32 to vector<16xf32>
    %swap3A_729 = arith.constant 11 : i32
    %swap3A_730 = arith.index_cast %swap3A_729 : i32 to index
    %swap3A_731 = arith.constant 48 : index
    %swap3A_732 = tpu.vector_load %arg16[%swap3A_730, %swap3A_731] {strides = array<i32>} : memref<32x128xf32, #tpu.memory_space<vmem>>, vector<1x16xf32>,
    %swap3A_733 = vector.shape_cast %swap3A_732 : vector<1x16xf32> to vector<16xf32>
    %swap3A_734 = vector.shape_cast %broadcast_in_dim3A_728 : vector<16xf32> to vector<1x16xf32>
    tpu.vector_store %arg16[%swap3A_730, %swap3A_731], %swap3A_734 {strides = array<i32>} : memref<32x128xf32, #tpu.memory_space<vmem>>, vector<1x16xf32>,
    %broadcast_in_dim3A_735 = arith.constant 0.000000e+00 : f32
    %broadcast_in_dim3A_736 = vector.broadcast %broadcast_in_dim3A_735 : f32 to vector<16xf32>
    %swap3A_737 = arith.constant 11 : i32
    %swap3A_738 = arith.index_cast %swap3A_737 : i32 to index
    %swap3A_739 = arith.constant 64 : index
    %swap3A_740 = tpu.vector_load %arg16[%swap3A_738, %swap3A_739] {strides = array<i32>} : memref<32x128xf32, #tpu.memory_space<vmem>>, vector<1x16xf32>,
    %swap3A_741 = vector.shape_cast %swap3A_740 : vector<1x16xf32> to vector<16xf32>
    %swap3A_742 = vector.shape_cast %broadcast_in_dim3A_736 : vector<16xf32> to vector<1x16xf32>
    tpu.vector_store %arg16[%swap3A_738, %swap3A_739], %swap3A_742 {strides = array<i32>} : memref<32x128xf32, #tpu.memory_space<vmem>>, vector<1x16xf32>,
    %broadcast_in_dim3A_743 = arith.constant 0.000000e+00 : f32
    %broadcast_in_dim3A_744 = vector.broadcast %broadcast_in_dim3A_743 : f32 to vector<16xf32>
    %swap3A_745 = arith.constant 11 : i32
    %swap3A_746 = arith.index_cast %swap3A_745 : i32 to index
    %swap3A_747 = arith.constant 80 : index
    %swap3A_748 = tpu.vector_load %arg16[%swap3A_746, %swap3A_747] {strides = array<i32>} : memref<32x128xf32, #tpu.memory_space<vmem>>, vector<1x16xf32>,
    %swap3A_749 = vector.shape_cast %swap3A_748 : vector<1x16xf32> to vector<16xf32>
    %swap3A_750 = vector.shape_cast %broadcast_in_dim3A_744 : vector<16xf32> to vector<1x16xf32>
    tpu.vector_store %arg16[%swap3A_746, %swap3A_747], %swap3A_750 {strides = array<i32>} : memref<32x128xf32, #tpu.memory_space<vmem>>, vector<1x16xf32>,
    %broadcast_in_dim3A_751 = arith.constant 0.000000e+00 : f32
    %broadcast_in_dim3A_752 = vector.broadcast %broadcast_in_dim3A_751 : f32 to vector<16xf32>
    %swap3A_753 = arith.constant 11 : i32
    %swap3A_754 = arith.index_cast %swap3A_753 : i32 to index
    %swap3A_755 = arith.constant 96 : index
    %swap3A_756 = tpu.vector_load %arg16[%swap3A_754, %swap3A_755] {strides = array<i32>} : memref<32x128xf32, #tpu.memory_space<vmem>>, vector<1x16xf32>,
    %swap3A_757 = vector.shape_cast %swap3A_756 : vector<1x16xf32> to vector<16xf32>
    %swap3A_758 = vector.shape_cast %broadcast_in_dim3A_752 : vector<16xf32> to vector<1x16xf32>
    tpu.vector_store %arg16[%swap3A_754, %swap3A_755], %swap3A_758 {strides = array<i32>} : memref<32x128xf32, #tpu.memory_space<vmem>>, vector<1x16xf32>,
    %broadcast_in_dim3A_759 = arith.constant 0.000000e+00 : f32
    %broadcast_in_dim3A_760 = vector.broadcast %broadcast_in_dim3A_759 : f32 to vector<16xf32>
    %swap3A_761 = arith.constant 11 : i32
    %swap3A_762 = arith.index_cast %swap3A_761 : i32 to index
    %swap3A_763 = arith.constant 112 : index
    %swap3A_764 = tpu.vector_load %arg16[%swap3A_762, %swap3A_763] {strides = array<i32>} : memref<32x128xf32, #tpu.memory_space<vmem>>, vector<1x16xf32>,
    %swap3A_765 = vector.shape_cast %swap3A_764 : vector<1x16xf32> to vector<16xf32>
    %swap3A_766 = vector.shape_cast %broadcast_in_dim3A_760 : vector<16xf32> to vector<1x16xf32>
    tpu.vector_store %arg16[%swap3A_762, %swap3A_763], %swap3A_766 {strides = array<i32>} : memref<32x128xf32, #tpu.memory_space<vmem>>, vector<1x16xf32>,
    %broadcast_in_dim3A_767 = arith.constant 0.000000e+00 : f32
    %broadcast_in_dim3A_768 = vector.broadcast %broadcast_in_dim3A_767 : f32 to vector<16xf32>
    %swap3A_769 = arith.constant 12 : i32
    %swap3A_770 = arith.index_cast %swap3A_769 : i32 to index
    %swap3A_771 = arith.constant 0 : index
    %swap3A_772 = tpu.vector_load %arg16[%swap3A_770, %swap3A_771] {strides = array<i32>} : memref<32x128xf32, #tpu.memory_space<vmem>>, vector<1x16xf32>,
    %swap3A_773 = vector.shape_cast %swap3A_772 : vector<1x16xf32> to vector<16xf32>
    %swap3A_774 = vector.shape_cast %broadcast_in_dim3A_768 : vector<16xf32> to vector<1x16xf32>
    tpu.vector_store %arg16[%swap3A_770, %swap3A_771], %swap3A_774 {strides = array<i32>} : memref<32x128xf32, #tpu.memory_space<vmem>>, vector<1x16xf32>,
    %broadcast_in_dim3A_775 = arith.constant 0.000000e+00 : f32
    %broadcast_in_dim3A_776 = vector.broadcast %broadcast_in_dim3A_775 : f32 to vector<16xf32>
    %swap3A_777 = arith.constant 12 : i32
    %swap3A_778 = arith.index_cast %swap3A_777 : i32 to index
    %swap3A_779 = arith.constant 16 : index
    %swap3A_780 = tpu.vector_load %arg16[%swap3A_778, %swap3A_779] {strides = array<i32>} : memref<32x128xf32, #tpu.memory_space<vmem>>, vector<1x16xf32>,
    %swap3A_781 = vector.shape_cast %swap3A_780 : vector<1x16xf32> to vector<16xf32>
    %swap3A_782 = vector.shape_cast %broadcast_in_dim3A_776 : vector<16xf32> to vector<1x16xf32>
    tpu.vector_store %arg16[%swap3A_778, %swap3A_779], %swap3A_782 {strides = array<i32>} : memref<32x128xf32, #tpu.memory_space<vmem>>, vector<1x16xf32>,
    %broadcast_in_dim3A_783 = arith.constant 0.000000e+00 : f32
    %broadcast_in_dim3A_784 = vector.broadcast %broadcast_in_dim3A_783 : f32 to vector<16xf32>
    %swap3A_785 = arith.constant 12 : i32
    %swap3A_786 = arith.index_cast %swap3A_785 : i32 to index
    %swap3A_787 = arith.constant 32 : index
    %swap3A_788 = tpu.vector_load %arg16[%swap3A_786, %swap3A_787] {strides = array<i32>} : memref<32x128xf32, #tpu.memory_space<vmem>>, vector<1x16xf32>,
    %swap3A_789 = vector.shape_cast %swap3A_788 : vector<1x16xf32> to vector<16xf32>
    %swap3A_790 = vector.shape_cast %broadcast_in_dim3A_784 : vector<16xf32> to vector<1x16xf32>
    tpu.vector_store %arg16[%swap3A_786, %swap3A_787], %swap3A_790 {strides = array<i32>} : memref<32x128xf32, #tpu.memory_space<vmem>>, vector<1x16xf32>,
    %broadcast_in_dim3A_791 = arith.constant 0.000000e+00 : f32
    %broadcast_in_dim3A_792 = vector.broadcast %broadcast_in_dim3A_791 : f32 to vector<16xf32>
    %swap3A_793 = arith.constant 12 : i32
    %swap3A_794 = arith.index_cast %swap3A_793 : i32 to index
    %swap3A_795 = arith.constant 48 : index
    %swap3A_796 = tpu.vector_load %arg16[%swap3A_794, %swap3A_795] {strides = array<i32>} : memref<32x128xf32, #tpu.memory_space<vmem>>, vector<1x16xf32>,
    %swap3A_797 = vector.shape_cast %swap3A_796 : vector<1x16xf32> to vector<16xf32>
    %swap3A_798 = vector.shape_cast %broadcast_in_dim3A_792 : vector<16xf32> to vector<1x16xf32>
    tpu.vector_store %arg16[%swap3A_794, %swap3A_795], %swap3A_798 {strides = array<i32>} : memref<32x128xf32, #tpu.memory_space<vmem>>, vector<1x16xf32>,
    %broadcast_in_dim3A_799 = arith.constant 0.000000e+00 : f32
    %broadcast_in_dim3A_800 = vector.broadcast %broadcast_in_dim3A_799 : f32 to vector<16xf32>
    %swap3A_801 = arith.constant 12 : i32
    %swap3A_802 = arith.index_cast %swap3A_801 : i32 to index
    %swap3A_803 = arith.constant 64 : index
    %swap3A_804 = tpu.vector_load %arg16[%swap3A_802, %swap3A_803] {strides = array<i32>} : memref<32x128xf32, #tpu.memory_space<vmem>>, vector<1x16xf32>,
    %swap3A_805 = vector.shape_cast %swap3A_804 : vector<1x16xf32> to vector<16xf32>
    %swap3A_806 = vector.shape_cast %broadcast_in_dim3A_800 : vector<16xf32> to vector<1x16xf32>
    tpu.vector_store %arg16[%swap3A_802, %swap3A_803], %swap3A_806 {strides = array<i32>} : memref<32x128xf32, #tpu.memory_space<vmem>>, vector<1x16xf32>,
    %broadcast_in_dim3A_807 = arith.constant 0.000000e+00 : f32
    %broadcast_in_dim3A_808 = vector.broadcast %broadcast_in_dim3A_807 : f32 to vector<16xf32>
    %swap3A_809 = arith.constant 12 : i32
    %swap3A_810 = arith.index_cast %swap3A_809 : i32 to index
    %swap3A_811 = arith.constant 80 : index
    %swap3A_812 = tpu.vector_load %arg16[%swap3A_810, %swap3A_811] {strides = array<i32>} : memref<32x128xf32, #tpu.memory_space<vmem>>, vector<1x16xf32>,
    %swap3A_813 = vector.shape_cast %swap3A_812 : vector<1x16xf32> to vector<16xf32>
    %swap3A_814 = vector.shape_cast %broadcast_in_dim3A_808 : vector<16xf32> to vector<1x16xf32>
    tpu.vector_store %arg16[%swap3A_810, %swap3A_811], %swap3A_814 {strides = array<i32>} : memref<32x128xf32, #tpu.memory_space<vmem>>, vector<1x16xf32>,
    %broadcast_in_dim3A_815 = arith.constant 0.000000e+00 : f32
    %broadcast_in_dim3A_816 = vector.broadcast %broadcast_in_dim3A_815 : f32 to vector<16xf32>
    %swap3A_817 = arith.constant 12 : i32
    %swap3A_818 = arith.index_cast %swap3A_817 : i32 to index
    %swap3A_819 = arith.constant 96 : index
    %swap3A_820 = tpu.vector_load %arg16[%swap3A_818, %swap3A_819] {strides = array<i32>} : memref<32x128xf32, #tpu.memory_space<vmem>>, vector<1x16xf32>,
    %swap3A_821 = vector.shape_cast %swap3A_820 : vector<1x16xf32> to vector<16xf32>
    %swap3A_822 = vector.shape_cast %broadcast_in_dim3A_816 : vector<16xf32> to vector<1x16xf32>
    tpu.vector_store %arg16[%swap3A_818, %swap3A_819], %swap3A_822 {strides = array<i32>} : memref<32x128xf32, #tpu.memory_space<vmem>>, vector<1x16xf32>,
    %broadcast_in_dim3A_823 = arith.constant 0.000000e+00 : f32
    %broadcast_in_dim3A_824 = vector.broadcast %broadcast_in_dim3A_823 : f32 to vector<16xf32>
    %swap3A_825 = arith.constant 12 : i32
    %swap3A_826 = arith.index_cast %swap3A_825 : i32 to index
    %swap3A_827 = arith.constant 112 : index
    %swap3A_828 = tpu.vector_load %arg16[%swap3A_826, %swap3A_827] {strides = array<i32>} : memref<32x128xf32, #tpu.memory_space<vmem>>, vector<1x16xf32>,
    %swap3A_829 = vector.shape_cast %swap3A_828 : vector<1x16xf32> to vector<16xf32>
    %swap3A_830 = vector.shape_cast %broadcast_in_dim3A_824 : vector<16xf32> to vector<1x16xf32>
    tpu.vector_store %arg16[%swap3A_826, %swap3A_827], %swap3A_830 {strides = array<i32>} : memref<32x128xf32, #tpu.memory_space<vmem>>, vector<1x16xf32>,
    %broadcast_in_dim3A_831 = arith.constant 0.000000e+00 : f32
    %broadcast_in_dim3A_832 = vector.broadcast %broadcast_in_dim3A_831 : f32 to vector<16xf32>
    %swap3A_833 = arith.constant 13 : i32
    %swap3A_834 = arith.index_cast %swap3A_833 : i32 to index
    %swap3A_835 = arith.constant 0 : index
    %swap3A_836 = tpu.vector_load %arg16[%swap3A_834, %swap3A_835] {strides = array<i32>} : memref<32x128xf32, #tpu.memory_space<vmem>>, vector<1x16xf32>,
    %swap3A_837 = vector.shape_cast %swap3A_836 : vector<1x16xf32> to vector<16xf32>
    %swap3A_838 = vector.shape_cast %broadcast_in_dim3A_832 : vector<16xf32> to vector<1x16xf32>
    tpu.vector_store %arg16[%swap3A_834, %swap3A_835], %swap3A_838 {strides = array<i32>} : memref<32x128xf32, #tpu.memory_space<vmem>>, vector<1x16xf32>,
    %broadcast_in_dim3A_839 = arith.constant 0.000000e+00 : f32
    %broadcast_in_dim3A_840 = vector.broadcast %broadcast_in_dim3A_839 : f32 to vector<16xf32>
    %swap3A_841 = arith.constant 13 : i32
    %swap3A_842 = arith.index_cast %swap3A_841 : i32 to index
    %swap3A_843 = arith.constant 16 : index
    %swap3A_844 = tpu.vector_load %arg16[%swap3A_842, %swap3A_843] {strides = array<i32>} : memref<32x128xf32, #tpu.memory_space<vmem>>, vector<1x16xf32>,
    %swap3A_845 = vector.shape_cast %swap3A_844 : vector<1x16xf32> to vector<16xf32>
    %swap3A_846 = vector.shape_cast %broadcast_in_dim3A_840 : vector<16xf32> to vector<1x16xf32>
    tpu.vector_store %arg16[%swap3A_842, %swap3A_843], %swap3A_846 {strides = array<i32>} : memref<32x128xf32, #tpu.memory_space<vmem>>, vector<1x16xf32>,
    %broadcast_in_dim3A_847 = arith.constant 0.000000e+00 : f32
    %broadcast_in_dim3A_848 = vector.broadcast %broadcast_in_dim3A_847 : f32 to vector<16xf32>
    %swap3A_849 = arith.constant 13 : i32
    %swap3A_850 = arith.index_cast %swap3A_849 : i32 to index
    %swap3A_851 = arith.constant 32 : index
    %swap3A_852 = tpu.vector_load %arg16[%swap3A_850, %swap3A_851] {strides = array<i32>} : memref<32x128xf32, #tpu.memory_space<vmem>>, vector<1x16xf32>,
    %swap3A_853 = vector.shape_cast %swap3A_852 : vector<1x16xf32> to vector<16xf32>
    %swap3A_854 = vector.shape_cast %broadcast_in_dim3A_848 : vector<16xf32> to vector<1x16xf32>
    tpu.vector_store %arg16[%swap3A_850, %swap3A_851], %swap3A_854 {strides = array<i32>} : memref<32x128xf32, #tpu.memory_space<vmem>>, vector<1x16xf32>,
    %broadcast_in_dim3A_855 = arith.constant 0.000000e+00 : f32
    %broadcast_in_dim3A_856 = vector.broadcast %broadcast_in_dim3A_855 : f32 to vector<16xf32>
    %swap3A_857 = arith.constant 13 : i32
    %swap3A_858 = arith.index_cast %swap3A_857 : i32 to index
    %swap3A_859 = arith.constant 48 : index
    %swap3A_860 = tpu.vector_load %arg16[%swap3A_858, %swap3A_859] {strides = array<i32>} : memref<32x128xf32, #tpu.memory_space<vmem>>, vector<1x16xf32>,
    %swap3A_861 = vector.shape_cast %swap3A_860 : vector<1x16xf32> to vector<16xf32>
    %swap3A_862 = vector.shape_cast %broadcast_in_dim3A_856 : vector<16xf32> to vector<1x16xf32>
    tpu.vector_store %arg16[%swap3A_858, %swap3A_859], %swap3A_862 {strides = array<i32>} : memref<32x128xf32, #tpu.memory_space<vmem>>, vector<1x16xf32>,
    %broadcast_in_dim3A_863 = arith.constant 0.000000e+00 : f32
    %broadcast_in_dim3A_864 = vector.broadcast %broadcast_in_dim3A_863 : f32 to vector<16xf32>
    %swap3A_865 = arith.constant 13 : i32
    %swap3A_866 = arith.index_cast %swap3A_865 : i32 to index
    %swap3A_867 = arith.constant 64 : index
    %swap3A_868 = tpu.vector_load %arg16[%swap3A_866, %swap3A_867] {strides = array<i32>} : memref<32x128xf32, #tpu.memory_space<vmem>>, vector<1x16xf32>,
    %swap3A_869 = vector.shape_cast %swap3A_868 : vector<1x16xf32> to vector<16xf32>
    %swap3A_870 = vector.shape_cast %broadcast_in_dim3A_864 : vector<16xf32> to vector<1x16xf32>
    tpu.vector_store %arg16[%swap3A_866, %swap3A_867], %swap3A_870 {strides = array<i32>} : memref<32x128xf32, #tpu.memory_space<vmem>>, vector<1x16xf32>,
    %broadcast_in_dim3A_871 = arith.constant 0.000000e+00 : f32
    %broadcast_in_dim3A_872 = vector.broadcast %broadcast_in_dim3A_871 : f32 to vector<16xf32>
    %swap3A_873 = arith.constant 13 : i32
    %swap3A_874 = arith.index_cast %swap3A_873 : i32 to index
    %swap3A_875 = arith.constant 80 : index
    %swap3A_876 = tpu.vector_load %arg16[%swap3A_874, %swap3A_875] {strides = array<i32>} : memref<32x128xf32, #tpu.memory_space<vmem>>, vector<1x16xf32>,
    %swap3A_877 = vector.shape_cast %swap3A_876 : vector<1x16xf32> to vector<16xf32>
    %swap3A_878 = vector.shape_cast %broadcast_in_dim3A_872 : vector<16xf32> to vector<1x16xf32>
    tpu.vector_store %arg16[%swap3A_874, %swap3A_875], %swap3A_878 {strides = array<i32>} : memref<32x128xf32, #tpu.memory_space<vmem>>, vector<1x16xf32>,
    %broadcast_in_dim3A_879 = arith.constant 0.000000e+00 : f32
    %broadcast_in_dim3A_880 = vector.broadcast %broadcast_in_dim3A_879 : f32 to vector<16xf32>
    %swap3A_881 = arith.constant 13 : i32
    %swap3A_882 = arith.index_cast %swap3A_881 : i32 to index
    %swap3A_883 = arith.constant 96 : index
    %swap3A_884 = tpu.vector_load %arg16[%swap3A_882, %swap3A_883] {strides = array<i32>} : memref<32x128xf32, #tpu.memory_space<vmem>>, vector<1x16xf32>,
    %swap3A_885 = vector.shape_cast %swap3A_884 : vector<1x16xf32> to vector<16xf32>
    %swap3A_886 = vector.shape_cast %broadcast_in_dim3A_880 : vector<16xf32> to vector<1x16xf32>
    tpu.vector_store %arg16[%swap3A_882, %swap3A_883], %swap3A_886 {strides = array<i32>} : memref<32x128xf32, #tpu.memory_space<vmem>>, vector<1x16xf32>,
    %broadcast_in_dim3A_887 = arith.constant 0.000000e+00 : f32
    %broadcast_in_dim3A_888 = vector.broadcast %broadcast_in_dim3A_887 : f32 to vector<16xf32>
    %swap3A_889 = arith.constant 13 : i32
    %swap3A_890 = arith.index_cast %swap3A_889 : i32 to index
    %swap3A_891 = arith.constant 112 : index
    %swap3A_892 = tpu.vector_load %arg16[%swap3A_890, %swap3A_891] {strides = array<i32>} : memref<32x128xf32, #tpu.memory_space<vmem>>, vector<1x16xf32>,
    %swap3A_893 = vector.shape_cast %swap3A_892 : vector<1x16xf32> to vector<16xf32>
    %swap3A_894 = vector.shape_cast %broadcast_in_dim3A_888 : vector<16xf32> to vector<1x16xf32>
    tpu.vector_store %arg16[%swap3A_890, %swap3A_891], %swap3A_894 {strides = array<i32>} : memref<32x128xf32, #tpu.memory_space<vmem>>, vector<1x16xf32>,
    %broadcast_in_dim3A_895 = arith.constant 0.000000e+00 : f32
    %broadcast_in_dim3A_896 = vector.broadcast %broadcast_in_dim3A_895 : f32 to vector<16xf32>
    %swap3A_897 = arith.constant 14 : i32
    %swap3A_898 = arith.index_cast %swap3A_897 : i32 to index
    %swap3A_899 = arith.constant 0 : index
    %swap3A_900 = tpu.vector_load %arg16[%swap3A_898, %swap3A_899] {strides = array<i32>} : memref<32x128xf32, #tpu.memory_space<vmem>>, vector<1x16xf32>,
    %swap3A_901 = vector.shape_cast %swap3A_900 : vector<1x16xf32> to vector<16xf32>
    %swap3A_902 = vector.shape_cast %broadcast_in_dim3A_896 : vector<16xf32> to vector<1x16xf32>
    tpu.vector_store %arg16[%swap3A_898, %swap3A_899], %swap3A_902 {strides = array<i32>} : memref<32x128xf32, #tpu.memory_space<vmem>>, vector<1x16xf32>,
    %broadcast_in_dim3A_903 = arith.constant 0.000000e+00 : f32
    %broadcast_in_dim3A_904 = vector.broadcast %broadcast_in_dim3A_903 : f32 to vector<16xf32>
    %swap3A_905 = arith.constant 14 : i32
    %swap3A_906 = arith.index_cast %swap3A_905 : i32 to index
    %swap3A_907 = arith.constant 16 : index
    %swap3A_908 = tpu.vector_load %arg16[%swap3A_906, %swap3A_907] {strides = array<i32>} : memref<32x128xf32, #tpu.memory_space<vmem>>, vector<1x16xf32>,
    %swap3A_909 = vector.shape_cast %swap3A_908 : vector<1x16xf32> to vector<16xf32>
    %swap3A_910 = vector.shape_cast %broadcast_in_dim3A_904 : vector<16xf32> to vector<1x16xf32>
    tpu.vector_store %arg16[%swap3A_906, %swap3A_907], %swap3A_910 {strides = array<i32>} : memref<32x128xf32, #tpu.memory_space<vmem>>, vector<1x16xf32>,
    %broadcast_in_dim3A_911 = arith.constant 0.000000e+00 : f32
    %broadcast_in_dim3A_912 = vector.broadcast %broadcast_in_dim3A_911 : f32 to vector<16xf32>
    %swap3A_913 = arith.constant 14 : i32
    %swap3A_914 = arith.index_cast %swap3A_913 : i32 to index
    %swap3A_915 = arith.constant 32 : index
    %swap3A_916 = tpu.vector_load %arg16[%swap3A_914, %swap3A_915] {strides = array<i32>} : memref<32x128xf32, #tpu.memory_space<vmem>>, vector<1x16xf32>,
    %swap3A_917 = vector.shape_cast %swap3A_916 : vector<1x16xf32> to vector<16xf32>
    %swap3A_918 = vector.shape_cast %broadcast_in_dim3A_912 : vector<16xf32> to vector<1x16xf32>
    tpu.vector_store %arg16[%swap3A_914, %swap3A_915], %swap3A_918 {strides = array<i32>} : memref<32x128xf32, #tpu.memory_space<vmem>>, vector<1x16xf32>,
    %broadcast_in_dim3A_919 = arith.constant 0.000000e+00 : f32
    %broadcast_in_dim3A_920 = vector.broadcast %broadcast_in_dim3A_919 : f32 to vector<16xf32>
    %swap3A_921 = arith.constant 14 : i32
    %swap3A_922 = arith.index_cast %swap3A_921 : i32 to index
    %swap3A_923 = arith.constant 48 : index
    %swap3A_924 = tpu.vector_load %arg16[%swap3A_922, %swap3A_923] {strides = array<i32>} : memref<32x128xf32, #tpu.memory_space<vmem>>, vector<1x16xf32>,
    %swap3A_925 = vector.shape_cast %swap3A_924 : vector<1x16xf32> to vector<16xf32>
    %swap3A_926 = vector.shape_cast %broadcast_in_dim3A_920 : vector<16xf32> to vector<1x16xf32>
    tpu.vector_store %arg16[%swap3A_922, %swap3A_923], %swap3A_926 {strides = array<i32>} : memref<32x128xf32, #tpu.memory_space<vmem>>, vector<1x16xf32>,
    %broadcast_in_dim3A_927 = arith.constant 0.000000e+00 : f32
    %broadcast_in_dim3A_928 = vector.broadcast %broadcast_in_dim3A_927 : f32 to vector<16xf32>
    %swap3A_929 = arith.constant 14 : i32
    %swap3A_930 = arith.index_cast %swap3A_929 : i32 to index
    %swap3A_931 = arith.constant 64 : index
    %swap3A_932 = tpu.vector_load %arg16[%swap3A_930, %swap3A_931] {strides = array<i32>} : memref<32x128xf32, #tpu.memory_space<vmem>>, vector<1x16xf32>,
    %swap3A_933 = vector.shape_cast %swap3A_932 : vector<1x16xf32> to vector<16xf32>
    %swap3A_934 = vector.shape_cast %broadcast_in_dim3A_928 : vector<16xf32> to vector<1x16xf32>
    tpu.vector_store %arg16[%swap3A_930, %swap3A_931], %swap3A_934 {strides = array<i32>} : memref<32x128xf32, #tpu.memory_space<vmem>>, vector<1x16xf32>,
    %broadcast_in_dim3A_935 = arith.constant 0.000000e+00 : f32
    %broadcast_in_dim3A_936 = vector.broadcast %broadcast_in_dim3A_935 : f32 to vector<16xf32>
    %swap3A_937 = arith.constant 14 : i32
    %swap3A_938 = arith.index_cast %swap3A_937 : i32 to index
    %swap3A_939 = arith.constant 80 : index
    %swap3A_940 = tpu.vector_load %arg16[%swap3A_938, %swap3A_939] {strides = array<i32>} : memref<32x128xf32, #tpu.memory_space<vmem>>, vector<1x16xf32>,
    %swap3A_941 = vector.shape_cast %swap3A_940 : vector<1x16xf32> to vector<16xf32>
    %swap3A_942 = vector.shape_cast %broadcast_in_dim3A_936 : vector<16xf32> to vector<1x16xf32>
    tpu.vector_store %arg16[%swap3A_938, %swap3A_939], %swap3A_942 {strides = array<i32>} : memref<32x128xf32, #tpu.memory_space<vmem>>, vector<1x16xf32>,
    %broadcast_in_dim3A_943 = arith.constant 0.000000e+00 : f32
    %broadcast_in_dim3A_944 = vector.broadcast %broadcast_in_dim3A_943 : f32 to vector<16xf32>
    %swap3A_945 = arith.constant 14 : i32
    %swap3A_946 = arith.index_cast %swap3A_945 : i32 to index
    %swap3A_947 = arith.constant 96 : index
    %swap3A_948 = tpu.vector_load %arg16[%swap3A_946, %swap3A_947] {strides = array<i32>} : memref<32x128xf32, #tpu.memory_space<vmem>>, vector<1x16xf32>,
    %swap3A_949 = vector.shape_cast %swap3A_948 : vector<1x16xf32> to vector<16xf32>
    %swap3A_950 = vector.shape_cast %broadcast_in_dim3A_944 : vector<16xf32> to vector<1x16xf32>
    tpu.vector_store %arg16[%swap3A_946, %swap3A_947], %swap3A_950 {strides = array<i32>} : memref<32x128xf32, #tpu.memory_space<vmem>>, vector<1x16xf32>,
    %broadcast_in_dim3A_951 = arith.constant 0.000000e+00 : f32
    %broadcast_in_dim3A_952 = vector.broadcast %broadcast_in_dim3A_951 : f32 to vector<16xf32>
    %swap3A_953 = arith.constant 14 : i32
    %swap3A_954 = arith.index_cast %swap3A_953 : i32 to index
    %swap3A_955 = arith.constant 112 : index
    %swap3A_956 = tpu.vector_load %arg16[%swap3A_954, %swap3A_955] {strides = array<i32>} : memref<32x128xf32, #tpu.memory_space<vmem>>, vector<1x16xf32>,
    %swap3A_957 = vector.shape_cast %swap3A_956 : vector<1x16xf32> to vector<16xf32>
    %swap3A_958 = vector.shape_cast %broadcast_in_dim3A_952 : vector<16xf32> to vector<1x16xf32>
    tpu.vector_store %arg16[%swap3A_954, %swap3A_955], %swap3A_958 {strides = array<i32>} : memref<32x128xf32, #tpu.memory_space<vmem>>, vector<1x16xf32>,
    %broadcast_in_dim3A_959 = arith.constant 0.000000e+00 : f32
    %broadcast_in_dim3A_960 = vector.broadcast %broadcast_in_dim3A_959 : f32 to vector<16xf32>
    %swap3A_961 = arith.constant 15 : i32
    %swap3A_962 = arith.index_cast %swap3A_961 : i32 to index
    %swap3A_963 = arith.constant 0 : index
    %swap3A_964 = tpu.vector_load %arg16[%swap3A_962, %swap3A_963] {strides = array<i32>} : memref<32x128xf32, #tpu.memory_space<vmem>>, vector<1x16xf32>,
    %swap3A_965 = vector.shape_cast %swap3A_964 : vector<1x16xf32> to vector<16xf32>
    %swap3A_966 = vector.shape_cast %broadcast_in_dim3A_960 : vector<16xf32> to vector<1x16xf32>
    tpu.vector_store %arg16[%swap3A_962, %swap3A_963], %swap3A_966 {strides = array<i32>} : memref<32x128xf32, #tpu.memory_space<vmem>>, vector<1x16xf32>,
    %broadcast_in_dim3A_967 = arith.constant 0.000000e+00 : f32
    %broadcast_in_dim3A_968 = vector.broadcast %broadcast_in_dim3A_967 : f32 to vector<16xf32>
    %swap3A_969 = arith.constant 15 : i32
    %swap3A_970 = arith.index_cast %swap3A_969 : i32 to index
    %swap3A_971 = arith.constant 16 : index
    %swap3A_972 = tpu.vector_load %arg16[%swap3A_970, %swap3A_971] {strides = array<i32>} : memref<32x128xf32, #tpu.memory_space<vmem>>, vector<1x16xf32>,
    %swap3A_973 = vector.shape_cast %swap3A_972 : vector<1x16xf32> to vector<16xf32>
    %swap3A_974 = vector.shape_cast %broadcast_in_dim3A_968 : vector<16xf32> to vector<1x16xf32>
    tpu.vector_store %arg16[%swap3A_970, %swap3A_971], %swap3A_974 {strides = array<i32>} : memref<32x128xf32, #tpu.memory_space<vmem>>, vector<1x16xf32>,
    %broadcast_in_dim3A_975 = arith.constant 0.000000e+00 : f32
    %broadcast_in_dim3A_976 = vector.broadcast %broadcast_in_dim3A_975 : f32 to vector<16xf32>
    %swap3A_977 = arith.constant 15 : i32
    %swap3A_978 = arith.index_cast %swap3A_977 : i32 to index
    %swap3A_979 = arith.constant 32 : index
    %swap3A_980 = tpu.vector_load %arg16[%swap3A_978, %swap3A_979] {strides = array<i32>} : memref<32x128xf32, #tpu.memory_space<vmem>>, vector<1x16xf32>,
    %swap3A_981 = vector.shape_cast %swap3A_980 : vector<1x16xf32> to vector<16xf32>
    %swap3A_982 = vector.shape_cast %broadcast_in_dim3A_976 : vector<16xf32> to vector<1x16xf32>
    tpu.vector_store %arg16[%swap3A_978, %swap3A_979], %swap3A_982 {strides = array<i32>} : memref<32x128xf32, #tpu.memory_space<vmem>>, vector<1x16xf32>,
    %broadcast_in_dim3A_983 = arith.constant 0.000000e+00 : f32
    %broadcast_in_dim3A_984 = vector.broadcast %broadcast_in_dim3A_983 : f32 to vector<16xf32>
    %swap3A_985 = arith.constant 15 : i32
    %swap3A_986 = arith.index_cast %swap3A_985 : i32 to index
    %swap3A_987 = arith.constant 48 : index
    %swap3A_988 = tpu.vector_load %arg16[%swap3A_986, %swap3A_987] {strides = array<i32>} : memref<32x128xf32, #tpu.memory_space<vmem>>, vector<1x16xf32>,
    %swap3A_989 = vector.shape_cast %swap3A_988 : vector<1x16xf32> to vector<16xf32>
    %swap3A_990 = vector.shape_cast %broadcast_in_dim3A_984 : vector<16xf32> to vector<1x16xf32>
    tpu.vector_store %arg16[%swap3A_986, %swap3A_987], %swap3A_990 {strides = array<i32>} : memref<32x128xf32, #tpu.memory_space<vmem>>, vector<1x16xf32>,
    %broadcast_in_dim3A_991 = arith.constant 0.000000e+00 : f32
    %broadcast_in_dim3A_992 = vector.broadcast %broadcast_in_dim3A_991 : f32 to vector<16xf32>
    %swap3A_993 = arith.constant 15 : i32
    %swap3A_994 = arith.index_cast %swap3A_993 : i32 to index
    %swap3A_995 = arith.constant 64 : index
    %swap3A_996 = tpu.vector_load %arg16[%swap3A_994, %swap3A_995] {strides = array<i32>} : memref<32x128xf32, #tpu.memory_space<vmem>>, vector<1x16xf32>,
    %swap3A_997 = vector.shape_cast %swap3A_996 : vector<1x16xf32> to vector<16xf32>
    %swap3A_998 = vector.shape_cast %broadcast_in_dim3A_992 : vector<16xf32> to vector<1x16xf32>
    tpu.vector_store %arg16[%swap3A_994, %swap3A_995], %swap3A_998 {strides = array<i32>} : memref<32x128xf32, #tpu.memory_space<vmem>>, vector<1x16xf32>,
    %broadcast_in_dim3A_999 = arith.constant 0.000000e+00 : f32
    %broadcast_in_dim3A_1000 = vector.broadcast %broadcast_in_dim3A_999 : f32 to vector<16xf32>
    %swap3A_1001 = arith.constant 15 : i32
    %swap3A_1002 = arith.index_cast %swap3A_1001 : i32 to index
    %swap3A_1003 = arith.constant 80 : index
    %swap3A_1004 = tpu.vector_load %arg16[%swap3A_1002, %swap3A_1003] {strides = array<i32>} : memref<32x128xf32, #tpu.memory_space<vmem>>, vector<1x16xf32>,
    %swap3A_1005 = vector.shape_cast %swap3A_1004 : vector<1x16xf32> to vector<16xf32>
    %swap3A_1006 = vector.shape_cast %broadcast_in_dim3A_1000 : vector<16xf32> to vector<1x16xf32>
    tpu.vector_store %arg16[%swap3A_1002, %swap3A_1003], %swap3A_1006 {strides = array<i32>} : memref<32x128xf32, #tpu.memory_space<vmem>>, vector<1x16xf32>,
    %broadcast_in_dim3A_1007 = arith.constant 0.000000e+00 : f32
    %broadcast_in_dim3A_1008 = vector.broadcast %broadcast_in_dim3A_1007 : f32 to vector<16xf32>
    %swap3A_1009 = arith.constant 15 : i32
    %swap3A_1010 = arith.index_cast %swap3A_1009 : i32 to index
    %swap3A_1011 = arith.constant 96 : index
    %swap3A_1012 = tpu.vector_load %arg16[%swap3A_1010, %swap3A_1011] {strides = array<i32>} : memref<32x128xf32, #tpu.memory_space<vmem>>, vector<1x16xf32>,
    %swap3A_1013 = vector.shape_cast %swap3A_1012 : vector<1x16xf32> to vector<16xf32>
    %swap3A_1014 = vector.shape_cast %broadcast_in_dim3A_1008 : vector<16xf32> to vector<1x16xf32>
    tpu.vector_store %arg16[%swap3A_1010, %swap3A_1011], %swap3A_1014 {strides = array<i32>} : memref<32x128xf32, #tpu.memory_space<vmem>>, vector<1x16xf32>,
    %broadcast_in_dim3A_1015 = arith.constant 0.000000e+00 : f32
    %broadcast_in_dim3A_1016 = vector.broadcast %broadcast_in_dim3A_1015 : f32 to vector<16xf32>
    %swap3A_1017 = arith.constant 15 : i32
    %swap3A_1018 = arith.index_cast %swap3A_1017 : i32 to index
    %swap3A_1019 = arith.constant 112 : index
    %swap3A_1020 = tpu.vector_load %arg16[%swap3A_1018, %swap3A_1019] {strides = array<i32>} : memref<32x128xf32, #tpu.memory_space<vmem>>, vector<1x16xf32>,
    %swap3A_1021 = vector.shape_cast %swap3A_1020 : vector<1x16xf32> to vector<16xf32>
    %swap3A_1022 = vector.shape_cast %broadcast_in_dim3A_1016 : vector<16xf32> to vector<1x16xf32>
    tpu.vector_store %arg16[%swap3A_1018, %swap3A_1019], %swap3A_1022 {strides = array<i32>} : memref<32x128xf32, #tpu.memory_space<vmem>>, vector<1x16xf32>,
    %broadcast_in_dim3A_1023 = arith.constant 0.000000e+00 : f32
    %broadcast_in_dim3A_1024 = vector.broadcast %broadcast_in_dim3A_1023 : f32 to vector<16xf32>
    %swap3A_1025 = arith.constant 16 : i32
    %swap3A_1026 = arith.index_cast %swap3A_1025 : i32 to index
    %swap3A_1027 = arith.constant 0 : index
    %swap3A_1028 = tpu.vector_load %arg16[%swap3A_1026, %swap3A_1027] {strides = array<i32>} : memref<32x128xf32, #tpu.memory_space<vmem>>, vector<1x16xf32>,
    %swap3A_1029 = vector.shape_cast %swap3A_1028 : vector<1x16xf32> to vector<16xf32>
    %swap3A_1030 = vector.shape_cast %broadcast_in_dim3A_1024 : vector<16xf32> to vector<1x16xf32>
    tpu.vector_store %arg16[%swap3A_1026, %swap3A_1027], %swap3A_1030 {strides = array<i32>} : memref<32x128xf32, #tpu.memory_space<vmem>>, vector<1x16xf32>,
    %broadcast_in_dim3A_1031 = arith.constant 0.000000e+00 : f32
    %broadcast_in_dim3A_1032 = vector.broadcast %broadcast_in_dim3A_1031 : f32 to vector<16xf32>
    %swap3A_1033 = arith.constant 16 : i32
    %swap3A_1034 = arith.index_cast %swap3A_1033 : i32 to index
    %swap3A_1035 = arith.constant 16 : index
    %swap3A_1036 = tpu.vector_load %arg16[%swap3A_1034, %swap3A_1035] {strides = array<i32>} : memref<32x128xf32, #tpu.memory_space<vmem>>, vector<1x16xf32>,
    %swap3A_1037 = vector.shape_cast %swap3A_1036 : vector<1x16xf32> to vector<16xf32>
    %swap3A_1038 = vector.shape_cast %broadcast_in_dim3A_1032 : vector<16xf32> to vector<1x16xf32>
    tpu.vector_store %arg16[%swap3A_1034, %swap3A_1035], %swap3A_1038 {strides = array<i32>} : memref<32x128xf32, #tpu.memory_space<vmem>>, vector<1x16xf32>,
    %broadcast_in_dim3A_1039 = arith.constant 0.000000e+00 : f32
    %broadcast_in_dim3A_1040 = vector.broadcast %broadcast_in_dim3A_1039 : f32 to vector<16xf32>
    %swap3A_1041 = arith.constant 16 : i32
    %swap3A_1042 = arith.index_cast %swap3A_1041 : i32 to index
    %swap3A_1043 = arith.constant 32 : index
    %swap3A_1044 = tpu.vector_load %arg16[%swap3A_1042, %swap3A_1043] {strides = array<i32>} : memref<32x128xf32, #tpu.memory_space<vmem>>, vector<1x16xf32>,
    %swap3A_1045 = vector.shape_cast %swap3A_1044 : vector<1x16xf32> to vector<16xf32>
    %swap3A_1046 = vector.shape_cast %broadcast_in_dim3A_1040 : vector<16xf32> to vector<1x16xf32>
    tpu.vector_store %arg16[%swap3A_1042, %swap3A_1043], %swap3A_1046 {strides = array<i32>} : memref<32x128xf32, #tpu.memory_space<vmem>>, vector<1x16xf32>,
    %broadcast_in_dim3A_1047 = arith.constant 0.000000e+00 : f32
    %broadcast_in_dim3A_1048 = vector.broadcast %broadcast_in_dim3A_1047 : f32 to vector<16xf32>
    %swap3A_1049 = arith.constant 16 : i32
    %swap3A_1050 = arith.index_cast %swap3A_1049 : i32 to index
    %swap3A_1051 = arith.constant 48 : index
    %swap3A_1052 = tpu.vector_load %arg16[%swap3A_1050, %swap3A_1051] {strides = array<i32>} : memref<32x128xf32, #tpu.memory_space<vmem>>, vector<1x16xf32>,
    %swap3A_1053 = vector.shape_cast %swap3A_1052 : vector<1x16xf32> to vector<16xf32>
    %swap3A_1054 = vector.shape_cast %broadcast_in_dim3A_1048 : vector<16xf32> to vector<1x16xf32>
    tpu.vector_store %arg16[%swap3A_1050, %swap3A_1051], %swap3A_1054 {strides = array<i32>} : memref<32x128xf32, #tpu.memory_space<vmem>>, vector<1x16xf32>,
    %broadcast_in_dim3A_1055 = arith.constant 0.000000e+00 : f32
    %broadcast_in_dim3A_1056 = vector.broadcast %broadcast_in_dim3A_1055 : f32 to vector<16xf32>
    %swap3A_1057 = arith.constant 16 : i32
    %swap3A_1058 = arith.index_cast %swap3A_1057 : i32 to index
    %swap3A_1059 = arith.constant 64 : index
    %swap3A_1060 = tpu.vector_load %arg16[%swap3A_1058, %swap3A_1059] {strides = array<i32>} : memref<32x128xf32, #tpu.memory_space<vmem>>, vector<1x16xf32>,
    %swap3A_1061 = vector.shape_cast %swap3A_1060 : vector<1x16xf32> to vector<16xf32>
    %swap3A_1062 = vector.shape_cast %broadcast_in_dim3A_1056 : vector<16xf32> to vector<1x16xf32>
    tpu.vector_store %arg16[%swap3A_1058, %swap3A_1059], %swap3A_1062 {strides = array<i32>} : memref<32x128xf32, #tpu.memory_space<vmem>>, vector<1x16xf32>,
    %broadcast_in_dim3A_1063 = arith.constant 0.000000e+00 : f32
    %broadcast_in_dim3A_1064 = vector.broadcast %broadcast_in_dim3A_1063 : f32 to vector<16xf32>
    %swap3A_1065 = arith.constant 16 : i32
    %swap3A_1066 = arith.index_cast %swap3A_1065 : i32 to index
    %swap3A_1067 = arith.constant 80 : index
    %swap3A_1068 = tpu.vector_load %arg16[%swap3A_1066, %swap3A_1067] {strides = array<i32>} : memref<32x128xf32, #tpu.memory_space<vmem>>, vector<1x16xf32>,
    %swap3A_1069 = vector.shape_cast %swap3A_1068 : vector<1x16xf32> to vector<16xf32>
    %swap3A_1070 = vector.shape_cast %broadcast_in_dim3A_1064 : vector<16xf32> to vector<1x16xf32>
    tpu.vector_store %arg16[%swap3A_1066, %swap3A_1067], %swap3A_1070 {strides = array<i32>} : memref<32x128xf32, #tpu.memory_space<vmem>>, vector<1x16xf32>,
    %broadcast_in_dim3A_1071 = arith.constant 0.000000e+00 : f32
    %broadcast_in_dim3A_1072 = vector.broadcast %broadcast_in_dim3A_1071 : f32 to vector<16xf32>
    %swap3A_1073 = arith.constant 16 : i32
    %swap3A_1074 = arith.index_cast %swap3A_1073 : i32 to index
    %swap3A_1075 = arith.constant 96 : index
    %swap3A_1076 = tpu.vector_load %arg16[%swap3A_1074, %swap3A_1075] {strides = array<i32>} : memref<32x128xf32, #tpu.memory_space<vmem>>, vector<1x16xf32>,
    %swap3A_1077 = vector.shape_cast %swap3A_1076 : vector<1x16xf32> to vector<16xf32>
    %swap3A_1078 = vector.shape_cast %broadcast_in_dim3A_1072 : vector<16xf32> to vector<1x16xf32>
    tpu.vector_store %arg16[%swap3A_1074, %swap3A_1075], %swap3A_1078 {strides = array<i32>} : memref<32x128xf32, #tpu.memory_space<vmem>>, vector<1x16xf32>,
    %broadcast_in_dim3A_1079 = arith.constant 0.000000e+00 : f32
    %broadcast_in_dim3A_1080 = vector.broadcast %broadcast_in_dim3A_1079 : f32 to vector<16xf32>
    %swap3A_1081 = arith.constant 16 : i32
    %swap3A_1082 = arith.index_cast %swap3A_1081 : i32 to index
    %swap3A_1083 = arith.constant 112 : index
    %swap3A_1084 = tpu.vector_load %arg16[%swap3A_1082, %swap3A_1083] {strides = array<i32>} : memref<32x128xf32, #tpu.memory_space<vmem>>, vector<1x16xf32>,
    %swap3A_1085 = vector.shape_cast %swap3A_1084 : vector<1x16xf32> to vector<16xf32>
    %swap3A_1086 = vector.shape_cast %broadcast_in_dim3A_1080 : vector<16xf32> to vector<1x16xf32>
    tpu.vector_store %arg16[%swap3A_1082, %swap3A_1083], %swap3A_1086 {strides = array<i32>} : memref<32x128xf32, #tpu.memory_space<vmem>>, vector<1x16xf32>,
    %broadcast_in_dim3A_1087 = arith.constant 0.000000e+00 : f32
    %broadcast_in_dim3A_1088 = vector.broadcast %broadcast_in_dim3A_1087 : f32 to vector<16xf32>
    %swap3A_1089 = arith.constant 17 : i32
    %swap3A_1090 = arith.index_cast %swap3A_1089 : i32 to index
    %swap3A_1091 = arith.constant 0 : index
    %swap3A_1092 = tpu.vector_load %arg16[%swap3A_1090, %swap3A_1091] {strides = array<i32>} : memref<32x128xf32, #tpu.memory_space<vmem>>, vector<1x16xf32>,
    %swap3A_1093 = vector.shape_cast %swap3A_1092 : vector<1x16xf32> to vector<16xf32>
    %swap3A_1094 = vector.shape_cast %broadcast_in_dim3A_1088 : vector<16xf32> to vector<1x16xf32>
    tpu.vector_store %arg16[%swap3A_1090, %swap3A_1091], %swap3A_1094 {strides = array<i32>} : memref<32x128xf32, #tpu.memory_space<vmem>>, vector<1x16xf32>,
    %broadcast_in_dim3A_1095 = arith.constant 0.000000e+00 : f32
    %broadcast_in_dim3A_1096 = vector.broadcast %broadcast_in_dim3A_1095 : f32 to vector<16xf32>
    %swap3A_1097 = arith.constant 17 : i32
    %swap3A_1098 = arith.index_cast %swap3A_1097 : i32 to index
    %swap3A_1099 = arith.constant 16 : index
    %swap3A_1100 = tpu.vector_load %arg16[%swap3A_1098, %swap3A_1099] {strides = array<i32>} : memref<32x128xf32, #tpu.memory_space<vmem>>, vector<1x16xf32>,
    %swap3A_1101 = vector.shape_cast %swap3A_1100 : vector<1x16xf32> to vector<16xf32>
    %swap3A_1102 = vector.shape_cast %broadcast_in_dim3A_1096 : vector<16xf32> to vector<1x16xf32>
    tpu.vector_store %arg16[%swap3A_1098, %swap3A_1099], %swap3A_1102 {strides = array<i32>} : memref<32x128xf32, #tpu.memory_space<vmem>>, vector<1x16xf32>,
    %broadcast_in_dim3A_1103 = arith.constant 0.000000e+00 : f32
    %broadcast_in_dim3A_1104 = vector.broadcast %broadcast_in_dim3A_1103 : f32 to vector<16xf32>
    %swap3A_1105 = arith.constant 17 : i32
    %swap3A_1106 = arith.index_cast %swap3A_1105 : i32 to index
    %swap3A_1107 = arith.constant 32 : index
    %swap3A_1108 = tpu.vector_load %arg16[%swap3A_1106, %swap3A_1107] {strides = array<i32>} : memref<32x128xf32, #tpu.memory_space<vmem>>, vector<1x16xf32>,
    %swap3A_1109 = vector.shape_cast %swap3A_1108 : vector<1x16xf32> to vector<16xf32>
    %swap3A_1110 = vector.shape_cast %broadcast_in_dim3A_1104 : vector<16xf32> to vector<1x16xf32>
    tpu.vector_store %arg16[%swap3A_1106, %swap3A_1107], %swap3A_1110 {strides = array<i32>} : memref<32x128xf32, #tpu.memory_space<vmem>>, vector<1x16xf32>,
    %broadcast_in_dim3A_1111 = arith.constant 0.000000e+00 : f32
    %broadcast_in_dim3A_1112 = vector.broadcast %broadcast_in_dim3A_1111 : f32 to vector<16xf32>
    %swap3A_1113 = arith.constant 17 : i32
    %swap3A_1114 = arith.index_cast %swap3A_1113 : i32 to index
    %swap3A_1115 = arith.constant 48 : index
    %swap3A_1116 = tpu.vector_load %arg16[%swap3A_1114, %swap3A_1115] {strides = array<i32>} : memref<32x128xf32, #tpu.memory_space<vmem>>, vector<1x16xf32>,
    %swap3A_1117 = vector.shape_cast %swap3A_1116 : vector<1x16xf32> to vector<16xf32>
    %swap3A_1118 = vector.shape_cast %broadcast_in_dim3A_1112 : vector<16xf32> to vector<1x16xf32>
    tpu.vector_store %arg16[%swap3A_1114, %swap3A_1115], %swap3A_1118 {strides = array<i32>} : memref<32x128xf32, #tpu.memory_space<vmem>>, vector<1x16xf32>,
    %broadcast_in_dim3A_1119 = arith.constant 0.000000e+00 : f32
    %broadcast_in_dim3A_1120 = vector.broadcast %broadcast_in_dim3A_1119 : f32 to vector<16xf32>
    %swap3A_1121 = arith.constant 17 : i32
    %swap3A_1122 = arith.index_cast %swap3A_1121 : i32 to index
    %swap3A_1123 = arith.constant 64 : index
    %swap3A_1124 = tpu.vector_load %arg16[%swap3A_1122, %swap3A_1123] {strides = array<i32>} : memref<32x128xf32, #tpu.memory_space<vmem>>, vector<1x16xf32>,
    %swap3A_1125 = vector.shape_cast %swap3A_1124 : vector<1x16xf32> to vector<16xf32>
    %swap3A_1126 = vector.shape_cast %broadcast_in_dim3A_1120 : vector<16xf32> to vector<1x16xf32>
    tpu.vector_store %arg16[%swap3A_1122, %swap3A_1123], %swap3A_1126 {strides = array<i32>} : memref<32x128xf32, #tpu.memory_space<vmem>>, vector<1x16xf32>,
    %broadcast_in_dim3A_1127 = arith.constant 0.000000e+00 : f32
    %broadcast_in_dim3A_1128 = vector.broadcast %broadcast_in_dim3A_1127 : f32 to vector<16xf32>
    %swap3A_1129 = arith.constant 17 : i32
    %swap3A_1130 = arith.index_cast %swap3A_1129 : i32 to index
    %swap3A_1131 = arith.constant 80 : index
    %swap3A_1132 = tpu.vector_load %arg16[%swap3A_1130, %swap3A_1131] {strides = array<i32>} : memref<32x128xf32, #tpu.memory_space<vmem>>, vector<1x16xf32>,
    %swap3A_1133 = vector.shape_cast %swap3A_1132 : vector<1x16xf32> to vector<16xf32>
    %swap3A_1134 = vector.shape_cast %broadcast_in_dim3A_1128 : vector<16xf32> to vector<1x16xf32>
    tpu.vector_store %arg16[%swap3A_1130, %swap3A_1131], %swap3A_1134 {strides = array<i32>} : memref<32x128xf32, #tpu.memory_space<vmem>>, vector<1x16xf32>,
    %broadcast_in_dim3A_1135 = arith.constant 0.000000e+00 : f32
    %broadcast_in_dim3A_1136 = vector.broadcast %broadcast_in_dim3A_1135 : f32 to vector<16xf32>
    %swap3A_1137 = arith.constant 17 : i32
    %swap3A_1138 = arith.index_cast %swap3A_1137 : i32 to index
    %swap3A_1139 = arith.constant 96 : index
    %swap3A_1140 = tpu.vector_load %arg16[%swap3A_1138, %swap3A_1139] {strides = array<i32>} : memref<32x128xf32, #tpu.memory_space<vmem>>, vector<1x16xf32>,
    %swap3A_1141 = vector.shape_cast %swap3A_1140 : vector<1x16xf32> to vector<16xf32>
    %swap3A_1142 = vector.shape_cast %broadcast_in_dim3A_1136 : vector<16xf32> to vector<1x16xf32>
    tpu.vector_store %arg16[%swap3A_1138, %swap3A_1139], %swap3A_1142 {strides = array<i32>} : memref<32x128xf32, #tpu.memory_space<vmem>>, vector<1x16xf32>,
    %broadcast_in_dim3A_1143 = arith.constant 0.000000e+00 : f32
    %broadcast_in_dim3A_1144 = vector.broadcast %broadcast_in_dim3A_1143 : f32 to vector<16xf32>
    %swap3A_1145 = arith.constant 17 : i32
    %swap3A_1146 = arith.index_cast %swap3A_1145 : i32 to index
    %swap3A_1147 = arith.constant 112 : index
    %swap3A_1148 = tpu.vector_load %arg16[%swap3A_1146, %swap3A_1147] {strides = array<i32>} : memref<32x128xf32, #tpu.memory_space<vmem>>, vector<1x16xf32>,
    %swap3A_1149 = vector.shape_cast %swap3A_1148 : vector<1x16xf32> to vector<16xf32>
    %swap3A_1150 = vector.shape_cast %broadcast_in_dim3A_1144 : vector<16xf32> to vector<1x16xf32>
    tpu.vector_store %arg16[%swap3A_1146, %swap3A_1147], %swap3A_1150 {strides = array<i32>} : memref<32x128xf32, #tpu.memory_space<vmem>>, vector<1x16xf32>,
    %broadcast_in_dim3A_1151 = arith.constant 0.000000e+00 : f32
    %broadcast_in_dim3A_1152 = vector.broadcast %broadcast_in_dim3A_1151 : f32 to vector<16xf32>
    %swap3A_1153 = arith.constant 18 : i32
    %swap3A_1154 = arith.index_cast %swap3A_1153 : i32 to index
    %swap3A_1155 = arith.constant 0 : index
    %swap3A_1156 = tpu.vector_load %arg16[%swap3A_1154, %swap3A_1155] {strides = array<i32>} : memref<32x128xf32, #tpu.memory_space<vmem>>, vector<1x16xf32>,
    %swap3A_1157 = vector.shape_cast %swap3A_1156 : vector<1x16xf32> to vector<16xf32>
    %swap3A_1158 = vector.shape_cast %broadcast_in_dim3A_1152 : vector<16xf32> to vector<1x16xf32>
    tpu.vector_store %arg16[%swap3A_1154, %swap3A_1155], %swap3A_1158 {strides = array<i32>} : memref<32x128xf32, #tpu.memory_space<vmem>>, vector<1x16xf32>,
    %broadcast_in_dim3A_1159 = arith.constant 0.000000e+00 : f32
    %broadcast_in_dim3A_1160 = vector.broadcast %broadcast_in_dim3A_1159 : f32 to vector<16xf32>
    %swap3A_1161 = arith.constant 18 : i32
    %swap3A_1162 = arith.index_cast %swap3A_1161 : i32 to index
    %swap3A_1163 = arith.constant 16 : index
    %swap3A_1164 = tpu.vector_load %arg16[%swap3A_1162, %swap3A_1163] {strides = array<i32>} : memref<32x128xf32, #tpu.memory_space<vmem>>, vector<1x16xf32>,
    %swap3A_1165 = vector.shape_cast %swap3A_1164 : vector<1x16xf32> to vector<16xf32>
    %swap3A_1166 = vector.shape_cast %broadcast_in_dim3A_1160 : vector<16xf32> to vector<1x16xf32>
    tpu.vector_store %arg16[%swap3A_1162, %swap3A_1163], %swap3A_1166 {strides = array<i32>} : memref<32x128xf32, #tpu.memory_space<vmem>>, vector<1x16xf32>,
    %broadcast_in_dim3A_1167 = arith.constant 0.000000e+00 : f32
    %broadcast_in_dim3A_1168 = vector.broadcast %broadcast_in_dim3A_1167 : f32 to vector<16xf32>
    %swap3A_1169 = arith.constant 18 : i32
    %swap3A_1170 = arith.index_cast %swap3A_1169 : i32 to index
    %swap3A_1171 = arith.constant 32 : index
    %swap3A_1172 = tpu.vector_load %arg16[%swap3A_1170, %swap3A_1171] {strides = array<i32>} : memref<32x128xf32, #tpu.memory_space<vmem>>, vector<1x16xf32>,
    %swap3A_1173 = vector.shape_cast %swap3A_1172 : vector<1x16xf32> to vector<16xf32>
    %swap3A_1174 = vector.shape_cast %broadcast_in_dim3A_1168 : vector<16xf32> to vector<1x16xf32>
    tpu.vector_store %arg16[%swap3A_1170, %swap3A_1171], %swap3A_1174 {strides = array<i32>} : memref<32x128xf32, #tpu.memory_space<vmem>>, vector<1x16xf32>,
    %broadcast_in_dim3A_1175 = arith.constant 0.000000e+00 : f32
    %broadcast_in_dim3A_1176 = vector.broadcast %broadcast_in_dim3A_1175 : f32 to vector<16xf32>
    %swap3A_1177 = arith.constant 18 : i32
    %swap3A_1178 = arith.index_cast %swap3A_1177 : i32 to index
    %swap3A_1179 = arith.constant 48 : index
    %swap3A_1180 = tpu.vector_load %arg16[%swap3A_1178, %swap3A_1179] {strides = array<i32>} : memref<32x128xf32, #tpu.memory_space<vmem>>, vector<1x16xf32>,
    %swap3A_1181 = vector.shape_cast %swap3A_1180 : vector<1x16xf32> to vector<16xf32>
    %swap3A_1182 = vector.shape_cast %broadcast_in_dim3A_1176 : vector<16xf32> to vector<1x16xf32>
    tpu.vector_store %arg16[%swap3A_1178, %swap3A_1179], %swap3A_1182 {strides = array<i32>} : memref<32x128xf32, #tpu.memory_space<vmem>>, vector<1x16xf32>,
    %broadcast_in_dim3A_1183 = arith.constant 0.000000e+00 : f32
    %broadcast_in_dim3A_1184 = vector.broadcast %broadcast_in_dim3A_1183 : f32 to vector<16xf32>
    %swap3A_1185 = arith.constant 18 : i32
    %swap3A_1186 = arith.index_cast %swap3A_1185 : i32 to index
    %swap3A_1187 = arith.constant 64 : index
    %swap3A_1188 = tpu.vector_load %arg16[%swap3A_1186, %swap3A_1187] {strides = array<i32>} : memref<32x128xf32, #tpu.memory_space<vmem>>, vector<1x16xf32>,
    %swap3A_1189 = vector.shape_cast %swap3A_1188 : vector<1x16xf32> to vector<16xf32>
    %swap3A_1190 = vector.shape_cast %broadcast_in_dim3A_1184 : vector<16xf32> to vector<1x16xf32>
    tpu.vector_store %arg16[%swap3A_1186, %swap3A_1187], %swap3A_1190 {strides = array<i32>} : memref<32x128xf32, #tpu.memory_space<vmem>>, vector<1x16xf32>,
    %broadcast_in_dim3A_1191 = arith.constant 0.000000e+00 : f32
    %broadcast_in_dim3A_1192 = vector.broadcast %broadcast_in_dim3A_1191 : f32 to vector<16xf32>
    %swap3A_1193 = arith.constant 18 : i32
    %swap3A_1194 = arith.index_cast %swap3A_1193 : i32 to index
    %swap3A_1195 = arith.constant 80 : index
    %swap3A_1196 = tpu.vector_load %arg16[%swap3A_1194, %swap3A_1195] {strides = array<i32>} : memref<32x128xf32, #tpu.memory_space<vmem>>, vector<1x16xf32>,
    %swap3A_1197 = vector.shape_cast %swap3A_1196 : vector<1x16xf32> to vector<16xf32>
    %swap3A_1198 = vector.shape_cast %broadcast_in_dim3A_1192 : vector<16xf32> to vector<1x16xf32>
    tpu.vector_store %arg16[%swap3A_1194, %swap3A_1195], %swap3A_1198 {strides = array<i32>} : memref<32x128xf32, #tpu.memory_space<vmem>>, vector<1x16xf32>,
    %broadcast_in_dim3A_1199 = arith.constant 0.000000e+00 : f32
    %broadcast_in_dim3A_1200 = vector.broadcast %broadcast_in_dim3A_1199 : f32 to vector<16xf32>
    %swap3A_1201 = arith.constant 18 : i32
    %swap3A_1202 = arith.index_cast %swap3A_1201 : i32 to index
    %swap3A_1203 = arith.constant 96 : index
    %swap3A_1204 = tpu.vector_load %arg16[%swap3A_1202, %swap3A_1203] {strides = array<i32>} : memref<32x128xf32, #tpu.memory_space<vmem>>, vector<1x16xf32>,
    %swap3A_1205 = vector.shape_cast %swap3A_1204 : vector<1x16xf32> to vector<16xf32>
    %swap3A_1206 = vector.shape_cast %broadcast_in_dim3A_1200 : vector<16xf32> to vector<1x16xf32>
    tpu.vector_store %arg16[%swap3A_1202, %swap3A_1203], %swap3A_1206 {strides = array<i32>} : memref<32x128xf32, #tpu.memory_space<vmem>>, vector<1x16xf32>,
    %broadcast_in_dim3A_1207 = arith.constant 0.000000e+00 : f32
    %broadcast_in_dim3A_1208 = vector.broadcast %broadcast_in_dim3A_1207 : f32 to vector<16xf32>
    %swap3A_1209 = arith.constant 18 : i32
    %swap3A_1210 = arith.index_cast %swap3A_1209 : i32 to index
    %swap3A_1211 = arith.constant 112 : index
    %swap3A_1212 = tpu.vector_load %arg16[%swap3A_1210, %swap3A_1211] {strides = array<i32>} : memref<32x128xf32, #tpu.memory_space<vmem>>, vector<1x16xf32>,
    %swap3A_1213 = vector.shape_cast %swap3A_1212 : vector<1x16xf32> to vector<16xf32>
    %swap3A_1214 = vector.shape_cast %broadcast_in_dim3A_1208 : vector<16xf32> to vector<1x16xf32>
    tpu.vector_store %arg16[%swap3A_1210, %swap3A_1211], %swap3A_1214 {strides = array<i32>} : memref<32x128xf32, #tpu.memory_space<vmem>>, vector<1x16xf32>,
    %broadcast_in_dim3A_1215 = arith.constant 0.000000e+00 : f32
    %broadcast_in_dim3A_1216 = vector.broadcast %broadcast_in_dim3A_1215 : f32 to vector<16xf32>
    %swap3A_1217 = arith.constant 19 : i32
    %swap3A_1218 = arith.index_cast %swap3A_1217 : i32 to index
    %swap3A_1219 = arith.constant 0 : index
    %swap3A_1220 = tpu.vector_load %arg16[%swap3A_1218, %swap3A_1219] {strides = array<i32>} : memref<32x128xf32, #tpu.memory_space<vmem>>, vector<1x16xf32>,
    %swap3A_1221 = vector.shape_cast %swap3A_1220 : vector<1x16xf32> to vector<16xf32>
    %swap3A_1222 = vector.shape_cast %broadcast_in_dim3A_1216 : vector<16xf32> to vector<1x16xf32>
    tpu.vector_store %arg16[%swap3A_1218, %swap3A_1219], %swap3A_1222 {strides = array<i32>} : memref<32x128xf32, #tpu.memory_space<vmem>>, vector<1x16xf32>,
    %broadcast_in_dim3A_1223 = arith.constant 0.000000e+00 : f32
    %broadcast_in_dim3A_1224 = vector.broadcast %broadcast_in_dim3A_1223 : f32 to vector<16xf32>
    %swap3A_1225 = arith.constant 19 : i32
    %swap3A_1226 = arith.index_cast %swap3A_1225 : i32 to index
    %swap3A_1227 = arith.constant 16 : index
    %swap3A_1228 = tpu.vector_load %arg16[%swap3A_1226, %swap3A_1227] {strides = array<i32>} : memref<32x128xf32, #tpu.memory_space<vmem>>, vector<1x16xf32>,
    %swap3A_1229 = vector.shape_cast %swap3A_1228 : vector<1x16xf32> to vector<16xf32>
    %swap3A_1230 = vector.shape_cast %broadcast_in_dim3A_1224 : vector<16xf32> to vector<1x16xf32>
    tpu.vector_store %arg16[%swap3A_1226, %swap3A_1227], %swap3A_1230 {strides = array<i32>} : memref<32x128xf32, #tpu.memory_space<vmem>>, vector<1x16xf32>,
    %broadcast_in_dim3A_1231 = arith.constant 0.000000e+00 : f32
    %broadcast_in_dim3A_1232 = vector.broadcast %broadcast_in_dim3A_1231 : f32 to vector<16xf32>
    %swap3A_1233 = arith.constant 19 : i32
    %swap3A_1234 = arith.index_cast %swap3A_1233 : i32 to index
    %swap3A_1235 = arith.constant 32 : index
    %swap3A_1236 = tpu.vector_load %arg16[%swap3A_1234, %swap3A_1235] {strides = array<i32>} : memref<32x128xf32, #tpu.memory_space<vmem>>, vector<1x16xf32>,
    %swap3A_1237 = vector.shape_cast %swap3A_1236 : vector<1x16xf32> to vector<16xf32>
    %swap3A_1238 = vector.shape_cast %broadcast_in_dim3A_1232 : vector<16xf32> to vector<1x16xf32>
    tpu.vector_store %arg16[%swap3A_1234, %swap3A_1235], %swap3A_1238 {strides = array<i32>} : memref<32x128xf32, #tpu.memory_space<vmem>>, vector<1x16xf32>,
    %broadcast_in_dim3A_1239 = arith.constant 0.000000e+00 : f32
    %broadcast_in_dim3A_1240 = vector.broadcast %broadcast_in_dim3A_1239 : f32 to vector<16xf32>
    %swap3A_1241 = arith.constant 19 : i32
    %swap3A_1242 = arith.index_cast %swap3A_1241 : i32 to index
    %swap3A_1243 = arith.constant 48 : index
    %swap3A_1244 = tpu.vector_load %arg16[%swap3A_1242, %swap3A_1243] {strides = array<i32>} : memref<32x128xf32, #tpu.memory_space<vmem>>, vector<1x16xf32>,
    %swap3A_1245 = vector.shape_cast %swap3A_1244 : vector<1x16xf32> to vector<16xf32>
    %swap3A_1246 = vector.shape_cast %broadcast_in_dim3A_1240 : vector<16xf32> to vector<1x16xf32>
    tpu.vector_store %arg16[%swap3A_1242, %swap3A_1243], %swap3A_1246 {strides = array<i32>} : memref<32x128xf32, #tpu.memory_space<vmem>>, vector<1x16xf32>,
    %broadcast_in_dim3A_1247 = arith.constant 0.000000e+00 : f32
    %broadcast_in_dim3A_1248 = vector.broadcast %broadcast_in_dim3A_1247 : f32 to vector<16xf32>
    %swap3A_1249 = arith.constant 19 : i32
    %swap3A_1250 = arith.index_cast %swap3A_1249 : i32 to index
    %swap3A_1251 = arith.constant 64 : index
    %swap3A_1252 = tpu.vector_load %arg16[%swap3A_1250, %swap3A_1251] {strides = array<i32>} : memref<32x128xf32, #tpu.memory_space<vmem>>, vector<1x16xf32>,
    %swap3A_1253 = vector.shape_cast %swap3A_1252 : vector<1x16xf32> to vector<16xf32>
    %swap3A_1254 = vector.shape_cast %broadcast_in_dim3A_1248 : vector<16xf32> to vector<1x16xf32>
    tpu.vector_store %arg16[%swap3A_1250, %swap3A_1251], %swap3A_1254 {strides = array<i32>} : memref<32x128xf32, #tpu.memory_space<vmem>>, vector<1x16xf32>,
    %broadcast_in_dim3A_1255 = arith.constant 0.000000e+00 : f32
    %broadcast_in_dim3A_1256 = vector.broadcast %broadcast_in_dim3A_1255 : f32 to vector<16xf32>
    %swap3A_1257 = arith.constant 19 : i32
    %swap3A_1258 = arith.index_cast %swap3A_1257 : i32 to index
    %swap3A_1259 = arith.constant 80 : index
    %swap3A_1260 = tpu.vector_load %arg16[%swap3A_1258, %swap3A_1259] {strides = array<i32>} : memref<32x128xf32, #tpu.memory_space<vmem>>, vector<1x16xf32>,
    %swap3A_1261 = vector.shape_cast %swap3A_1260 : vector<1x16xf32> to vector<16xf32>
    %swap3A_1262 = vector.shape_cast %broadcast_in_dim3A_1256 : vector<16xf32> to vector<1x16xf32>
    tpu.vector_store %arg16[%swap3A_1258, %swap3A_1259], %swap3A_1262 {strides = array<i32>} : memref<32x128xf32, #tpu.memory_space<vmem>>, vector<1x16xf32>,
    %broadcast_in_dim3A_1263 = arith.constant 0.000000e+00 : f32
    %broadcast_in_dim3A_1264 = vector.broadcast %broadcast_in_dim3A_1263 : f32 to vector<16xf32>
    %swap3A_1265 = arith.constant 19 : i32
    %swap3A_1266 = arith.index_cast %swap3A_1265 : i32 to index
    %swap3A_1267 = arith.constant 96 : index
    %swap3A_1268 = tpu.vector_load %arg16[%swap3A_1266, %swap3A_1267] {strides = array<i32>} : memref<32x128xf32, #tpu.memory_space<vmem>>, vector<1x16xf32>,
    %swap3A_1269 = vector.shape_cast %swap3A_1268 : vector<1x16xf32> to vector<16xf32>
    %swap3A_1270 = vector.shape_cast %broadcast_in_dim3A_1264 : vector<16xf32> to vector<1x16xf32>
    tpu.vector_store %arg16[%swap3A_1266, %swap3A_1267], %swap3A_1270 {strides = array<i32>} : memref<32x128xf32, #tpu.memory_space<vmem>>, vector<1x16xf32>,
    %broadcast_in_dim3A_1271 = arith.constant 0.000000e+00 : f32
    %broadcast_in_dim3A_1272 = vector.broadcast %broadcast_in_dim3A_1271 : f32 to vector<16xf32>
    %swap3A_1273 = arith.constant 19 : i32
    %swap3A_1274 = arith.index_cast %swap3A_1273 : i32 to index
    %swap3A_1275 = arith.constant 112 : index
    %swap3A_1276 = tpu.vector_load %arg16[%swap3A_1274, %swap3A_1275] {strides = array<i32>} : memref<32x128xf32, #tpu.memory_space<vmem>>, vector<1x16xf32>,
    %swap3A_1277 = vector.shape_cast %swap3A_1276 : vector<1x16xf32> to vector<16xf32>
    %swap3A_1278 = vector.shape_cast %broadcast_in_dim3A_1272 : vector<16xf32> to vector<1x16xf32>
    tpu.vector_store %arg16[%swap3A_1274, %swap3A_1275], %swap3A_1278 {strides = array<i32>} : memref<32x128xf32, #tpu.memory_space<vmem>>, vector<1x16xf32>,
    %broadcast_in_dim3A_1279 = arith.constant 0.000000e+00 : f32
    %broadcast_in_dim3A_1280 = vector.broadcast %broadcast_in_dim3A_1279 : f32 to vector<16xf32>
    %swap3A_1281 = arith.constant 20 : i32
    %swap3A_1282 = arith.index_cast %swap3A_1281 : i32 to index
    %swap3A_1283 = arith.constant 0 : index
    %swap3A_1284 = tpu.vector_load %arg16[%swap3A_1282, %swap3A_1283] {strides = array<i32>} : memref<32x128xf32, #tpu.memory_space<vmem>>, vector<1x16xf32>,
    %swap3A_1285 = vector.shape_cast %swap3A_1284 : vector<1x16xf32> to vector<16xf32>
    %swap3A_1286 = vector.shape_cast %broadcast_in_dim3A_1280 : vector<16xf32> to vector<1x16xf32>
    tpu.vector_store %arg16[%swap3A_1282, %swap3A_1283], %swap3A_1286 {strides = array<i32>} : memref<32x128xf32, #tpu.memory_space<vmem>>, vector<1x16xf32>,
    %broadcast_in_dim3A_1287 = arith.constant 0.000000e+00 : f32
    %broadcast_in_dim3A_1288 = vector.broadcast %broadcast_in_dim3A_1287 : f32 to vector<16xf32>
    %swap3A_1289 = arith.constant 20 : i32
    %swap3A_1290 = arith.index_cast %swap3A_1289 : i32 to index
    %swap3A_1291 = arith.constant 16 : index
    %swap3A_1292 = tpu.vector_load %arg16[%swap3A_1290, %swap3A_1291] {strides = array<i32>} : memref<32x128xf32, #tpu.memory_space<vmem>>, vector<1x16xf32>,
    %swap3A_1293 = vector.shape_cast %swap3A_1292 : vector<1x16xf32> to vector<16xf32>
    %swap3A_1294 = vector.shape_cast %broadcast_in_dim3A_1288 : vector<16xf32> to vector<1x16xf32>
    tpu.vector_store %arg16[%swap3A_1290, %swap3A_1291], %swap3A_1294 {strides = array<i32>} : memref<32x128xf32, #tpu.memory_space<vmem>>, vector<1x16xf32>,
    %broadcast_in_dim3A_1295 = arith.constant 0.000000e+00 : f32
    %broadcast_in_dim3A_1296 = vector.broadcast %broadcast_in_dim3A_1295 : f32 to vector<16xf32>
    %swap3A_1297 = arith.constant 20 : i32
    %swap3A_1298 = arith.index_cast %swap3A_1297 : i32 to index
    %swap3A_1299 = arith.constant 32 : index
    %swap3A_1300 = tpu.vector_load %arg16[%swap3A_1298, %swap3A_1299] {strides = array<i32>} : memref<32x128xf32, #tpu.memory_space<vmem>>, vector<1x16xf32>,
    %swap3A_1301 = vector.shape_cast %swap3A_1300 : vector<1x16xf32> to vector<16xf32>
    %swap3A_1302 = vector.shape_cast %broadcast_in_dim3A_1296 : vector<16xf32> to vector<1x16xf32>
    tpu.vector_store %arg16[%swap3A_1298, %swap3A_1299], %swap3A_1302 {strides = array<i32>} : memref<32x128xf32, #tpu.memory_space<vmem>>, vector<1x16xf32>,
    %broadcast_in_dim3A_1303 = arith.constant 0.000000e+00 : f32
    %broadcast_in_dim3A_1304 = vector.broadcast %broadcast_in_dim3A_1303 : f32 to vector<16xf32>
    %swap3A_1305 = arith.constant 20 : i32
    %swap3A_1306 = arith.index_cast %swap3A_1305 : i32 to index
    %swap3A_1307 = arith.constant 48 : index
    %swap3A_1308 = tpu.vector_load %arg16[%swap3A_1306, %swap3A_1307] {strides = array<i32>} : memref<32x128xf32, #tpu.memory_space<vmem>>, vector<1x16xf32>,
    %swap3A_1309 = vector.shape_cast %swap3A_1308 : vector<1x16xf32> to vector<16xf32>
    %swap3A_1310 = vector.shape_cast %broadcast_in_dim3A_1304 : vector<16xf32> to vector<1x16xf32>
    tpu.vector_store %arg16[%swap3A_1306, %swap3A_1307], %swap3A_1310 {strides = array<i32>} : memref<32x128xf32, #tpu.memory_space<vmem>>, vector<1x16xf32>,
    %broadcast_in_dim3A_1311 = arith.constant 0.000000e+00 : f32
    %broadcast_in_dim3A_1312 = vector.broadcast %broadcast_in_dim3A_1311 : f32 to vector<16xf32>
    %swap3A_1313 = arith.constant 20 : i32
    %swap3A_1314 = arith.index_cast %swap3A_1313 : i32 to index
    %swap3A_1315 = arith.constant 64 : index
    %swap3A_1316 = tpu.vector_load %arg16[%swap3A_1314, %swap3A_1315] {strides = array<i32>} : memref<32x128xf32, #tpu.memory_space<vmem>>, vector<1x16xf32>,
    %swap3A_1317 = vector.shape_cast %swap3A_1316 : vector<1x16xf32> to vector<16xf32>
    %swap3A_1318 = vector.shape_cast %broadcast_in_dim3A_1312 : vector<16xf32> to vector<1x16xf32>
    tpu.vector_store %arg16[%swap3A_1314, %swap3A_1315], %swap3A_1318 {strides = array<i32>} : memref<32x128xf32, #tpu.memory_space<vmem>>, vector<1x16xf32>,
    %broadcast_in_dim3A_1319 = arith.constant 0.000000e+00 : f32
    %broadcast_in_dim3A_1320 = vector.broadcast %broadcast_in_dim3A_1319 : f32 to vector<16xf32>
    %swap3A_1321 = arith.constant 20 : i32
    %swap3A_1322 = arith.index_cast %swap3A_1321 : i32 to index
    %swap3A_1323 = arith.constant 80 : index
    %swap3A_1324 = tpu.vector_load %arg16[%swap3A_1322, %swap3A_1323] {strides = array<i32>} : memref<32x128xf32, #tpu.memory_space<vmem>>, vector<1x16xf32>,
    %swap3A_1325 = vector.shape_cast %swap3A_1324 : vector<1x16xf32> to vector<16xf32>
    %swap3A_1326 = vector.shape_cast %broadcast_in_dim3A_1320 : vector<16xf32> to vector<1x16xf32>
    tpu.vector_store %arg16[%swap3A_1322, %swap3A_1323], %swap3A_1326 {strides = array<i32>} : memref<32x128xf32, #tpu.memory_space<vmem>>, vector<1x16xf32>,
    %broadcast_in_dim3A_1327 = arith.constant 0.000000e+00 : f32
    %broadcast_in_dim3A_1328 = vector.broadcast %broadcast_in_dim3A_1327 : f32 to vector<16xf32>
    %swap3A_1329 = arith.constant 20 : i32
    %swap3A_1330 = arith.index_cast %swap3A_1329 : i32 to index
    %swap3A_1331 = arith.constant 96 : index
    %swap3A_1332 = tpu.vector_load %arg16[%swap3A_1330, %swap3A_1331] {strides = array<i32>} : memref<32x128xf32, #tpu.memory_space<vmem>>, vector<1x16xf32>,
    %swap3A_1333 = vector.shape_cast %swap3A_1332 : vector<1x16xf32> to vector<16xf32>
    %swap3A_1334 = vector.shape_cast %broadcast_in_dim3A_1328 : vector<16xf32> to vector<1x16xf32>
    tpu.vector_store %arg16[%swap3A_1330, %swap3A_1331], %swap3A_1334 {strides = array<i32>} : memref<32x128xf32, #tpu.memory_space<vmem>>, vector<1x16xf32>,
    %broadcast_in_dim3A_1335 = arith.constant 0.000000e+00 : f32
    %broadcast_in_dim3A_1336 = vector.broadcast %broadcast_in_dim3A_1335 : f32 to vector<16xf32>
    %swap3A_1337 = arith.constant 20 : i32
    %swap3A_1338 = arith.index_cast %swap3A_1337 : i32 to index
    %swap3A_1339 = arith.constant 112 : index
    %swap3A_1340 = tpu.vector_load %arg16[%swap3A_1338, %swap3A_1339] {strides = array<i32>} : memref<32x128xf32, #tpu.memory_space<vmem>>, vector<1x16xf32>,
    %swap3A_1341 = vector.shape_cast %swap3A_1340 : vector<1x16xf32> to vector<16xf32>
    %swap3A_1342 = vector.shape_cast %broadcast_in_dim3A_1336 : vector<16xf32> to vector<1x16xf32>
    tpu.vector_store %arg16[%swap3A_1338, %swap3A_1339], %swap3A_1342 {strides = array<i32>} : memref<32x128xf32, #tpu.memory_space<vmem>>, vector<1x16xf32>,
    %broadcast_in_dim3A_1343 = arith.constant 0.000000e+00 : f32
    %broadcast_in_dim3A_1344 = vector.broadcast %broadcast_in_dim3A_1343 : f32 to vector<16xf32>
    %swap3A_1345 = arith.constant 21 : i32
    %swap3A_1346 = arith.index_cast %swap3A_1345 : i32 to index
    %swap3A_1347 = arith.constant 0 : index
    %swap3A_1348 = tpu.vector_load %arg16[%swap3A_1346, %swap3A_1347] {strides = array<i32>} : memref<32x128xf32, #tpu.memory_space<vmem>>, vector<1x16xf32>,
    %swap3A_1349 = vector.shape_cast %swap3A_1348 : vector<1x16xf32> to vector<16xf32>
    %swap3A_1350 = vector.shape_cast %broadcast_in_dim3A_1344 : vector<16xf32> to vector<1x16xf32>
    tpu.vector_store %arg16[%swap3A_1346, %swap3A_1347], %swap3A_1350 {strides = array<i32>} : memref<32x128xf32, #tpu.memory_space<vmem>>, vector<1x16xf32>,
    %broadcast_in_dim3A_1351 = arith.constant 0.000000e+00 : f32
    %broadcast_in_dim3A_1352 = vector.broadcast %broadcast_in_dim3A_1351 : f32 to vector<16xf32>
    %swap3A_1353 = arith.constant 21 : i32
    %swap3A_1354 = arith.index_cast %swap3A_1353 : i32 to index
    %swap3A_1355 = arith.constant 16 : index
    %swap3A_1356 = tpu.vector_load %arg16[%swap3A_1354, %swap3A_1355] {strides = array<i32>} : memref<32x128xf32, #tpu.memory_space<vmem>>, vector<1x16xf32>,
    %swap3A_1357 = vector.shape_cast %swap3A_1356 : vector<1x16xf32> to vector<16xf32>
    %swap3A_1358 = vector.shape_cast %broadcast_in_dim3A_1352 : vector<16xf32> to vector<1x16xf32>
    tpu.vector_store %arg16[%swap3A_1354, %swap3A_1355], %swap3A_1358 {strides = array<i32>} : memref<32x128xf32, #tpu.memory_space<vmem>>, vector<1x16xf32>,
    %broadcast_in_dim3A_1359 = arith.constant 0.000000e+00 : f32
    %broadcast_in_dim3A_1360 = vector.broadcast %broadcast_in_dim3A_1359 : f32 to vector<16xf32>
    %swap3A_1361 = arith.constant 21 : i32
    %swap3A_1362 = arith.index_cast %swap3A_1361 : i32 to index
    %swap3A_1363 = arith.constant 32 : index
    %swap3A_1364 = tpu.vector_load %arg16[%swap3A_1362, %swap3A_1363] {strides = array<i32>} : memref<32x128xf32, #tpu.memory_space<vmem>>, vector<1x16xf32>,
    %swap3A_1365 = vector.shape_cast %swap3A_1364 : vector<1x16xf32> to vector<16xf32>
    %swap3A_1366 = vector.shape_cast %broadcast_in_dim3A_1360 : vector<16xf32> to vector<1x16xf32>
    tpu.vector_store %arg16[%swap3A_1362, %swap3A_1363], %swap3A_1366 {strides = array<i32>} : memref<32x128xf32, #tpu.memory_space<vmem>>, vector<1x16xf32>,
    %broadcast_in_dim3A_1367 = arith.constant 0.000000e+00 : f32
    %broadcast_in_dim3A_1368 = vector.broadcast %broadcast_in_dim3A_1367 : f32 to vector<16xf32>
    %swap3A_1369 = arith.constant 21 : i32
    %swap3A_1370 = arith.index_cast %swap3A_1369 : i32 to index
    %swap3A_1371 = arith.constant 48 : index
    %swap3A_1372 = tpu.vector_load %arg16[%swap3A_1370, %swap3A_1371] {strides = array<i32>} : memref<32x128xf32, #tpu.memory_space<vmem>>, vector<1x16xf32>,
    %swap3A_1373 = vector.shape_cast %swap3A_1372 : vector<1x16xf32> to vector<16xf32>
    %swap3A_1374 = vector.shape_cast %broadcast_in_dim3A_1368 : vector<16xf32> to vector<1x16xf32>
    tpu.vector_store %arg16[%swap3A_1370, %swap3A_1371], %swap3A_1374 {strides = array<i32>} : memref<32x128xf32, #tpu.memory_space<vmem>>, vector<1x16xf32>,
    %broadcast_in_dim3A_1375 = arith.constant 0.000000e+00 : f32
    %broadcast_in_dim3A_1376 = vector.broadcast %broadcast_in_dim3A_1375 : f32 to vector<16xf32>
    %swap3A_1377 = arith.constant 21 : i32
    %swap3A_1378 = arith.index_cast %swap3A_1377 : i32 to index
    %swap3A_1379 = arith.constant 64 : index
    %swap3A_1380 = tpu.vector_load %arg16[%swap3A_1378, %swap3A_1379] {strides = array<i32>} : memref<32x128xf32, #tpu.memory_space<vmem>>, vector<1x16xf32>,
    %swap3A_1381 = vector.shape_cast %swap3A_1380 : vector<1x16xf32> to vector<16xf32>
    %swap3A_1382 = vector.shape_cast %broadcast_in_dim3A_1376 : vector<16xf32> to vector<1x16xf32>
    tpu.vector_store %arg16[%swap3A_1378, %swap3A_1379], %swap3A_1382 {strides = array<i32>} : memref<32x128xf32, #tpu.memory_space<vmem>>, vector<1x16xf32>,
    %broadcast_in_dim3A_1383 = arith.constant 0.000000e+00 : f32
    %broadcast_in_dim3A_1384 = vector.broadcast %broadcast_in_dim3A_1383 : f32 to vector<16xf32>
    %swap3A_1385 = arith.constant 21 : i32
    %swap3A_1386 = arith.index_cast %swap3A_1385 : i32 to index
    %swap3A_1387 = arith.constant 80 : index
    %swap3A_1388 = tpu.vector_load %arg16[%swap3A_1386, %swap3A_1387] {strides = array<i32>} : memref<32x128xf32, #tpu.memory_space<vmem>>, vector<1x16xf32>,
    %swap3A_1389 = vector.shape_cast %swap3A_1388 : vector<1x16xf32> to vector<16xf32>
    %swap3A_1390 = vector.shape_cast %broadcast_in_dim3A_1384 : vector<16xf32> to vector<1x16xf32>
    tpu.vector_store %arg16[%swap3A_1386, %swap3A_1387], %swap3A_1390 {strides = array<i32>} : memref<32x128xf32, #tpu.memory_space<vmem>>, vector<1x16xf32>,
    %broadcast_in_dim3A_1391 = arith.constant 0.000000e+00 : f32
    %broadcast_in_dim3A_1392 = vector.broadcast %broadcast_in_dim3A_1391 : f32 to vector<16xf32>
    %swap3A_1393 = arith.constant 21 : i32
    %swap3A_1394 = arith.index_cast %swap3A_1393 : i32 to index
    %swap3A_1395 = arith.constant 96 : index
    %swap3A_1396 = tpu.vector_load %arg16[%swap3A_1394, %swap3A_1395] {strides = array<i32>} : memref<32x128xf32, #tpu.memory_space<vmem>>, vector<1x16xf32>,
    %swap3A_1397 = vector.shape_cast %swap3A_1396 : vector<1x16xf32> to vector<16xf32>
    %swap3A_1398 = vector.shape_cast %broadcast_in_dim3A_1392 : vector<16xf32> to vector<1x16xf32>
    tpu.vector_store %arg16[%swap3A_1394, %swap3A_1395], %swap3A_1398 {strides = array<i32>} : memref<32x128xf32, #tpu.memory_space<vmem>>, vector<1x16xf32>,
    %broadcast_in_dim3A_1399 = arith.constant 0.000000e+00 : f32
    %broadcast_in_dim3A_1400 = vector.broadcast %broadcast_in_dim3A_1399 : f32 to vector<16xf32>
    %swap3A_1401 = arith.constant 21 : i32
    %swap3A_1402 = arith.index_cast %swap3A_1401 : i32 to index
    %swap3A_1403 = arith.constant 112 : index
    %swap3A_1404 = tpu.vector_load %arg16[%swap3A_1402, %swap3A_1403] {strides = array<i32>} : memref<32x128xf32, #tpu.memory_space<vmem>>, vector<1x16xf32>,
    %swap3A_1405 = vector.shape_cast %swap3A_1404 : vector<1x16xf32> to vector<16xf32>
    %swap3A_1406 = vector.shape_cast %broadcast_in_dim3A_1400 : vector<16xf32> to vector<1x16xf32>
    tpu.vector_store %arg16[%swap3A_1402, %swap3A_1403], %swap3A_1406 {strides = array<i32>} : memref<32x128xf32, #tpu.memory_space<vmem>>, vector<1x16xf32>,
    %broadcast_in_dim3A_1407 = arith.constant 0.000000e+00 : f32
    %broadcast_in_dim3A_1408 = vector.broadcast %broadcast_in_dim3A_1407 : f32 to vector<16xf32>
    %swap3A_1409 = arith.constant 22 : i32
    %swap3A_1410 = arith.index_cast %swap3A_1409 : i32 to index
    %swap3A_1411 = arith.constant 0 : index
    %swap3A_1412 = tpu.vector_load %arg16[%swap3A_1410, %swap3A_1411] {strides = array<i32>} : memref<32x128xf32, #tpu.memory_space<vmem>>, vector<1x16xf32>,
    %swap3A_1413 = vector.shape_cast %swap3A_1412 : vector<1x16xf32> to vector<16xf32>
    %swap3A_1414 = vector.shape_cast %broadcast_in_dim3A_1408 : vector<16xf32> to vector<1x16xf32>
    tpu.vector_store %arg16[%swap3A_1410, %swap3A_1411], %swap3A_1414 {strides = array<i32>} : memref<32x128xf32, #tpu.memory_space<vmem>>, vector<1x16xf32>,
    %broadcast_in_dim3A_1415 = arith.constant 0.000000e+00 : f32
    %broadcast_in_dim3A_1416 = vector.broadcast %broadcast_in_dim3A_1415 : f32 to vector<16xf32>
    %swap3A_1417 = arith.constant 22 : i32
    %swap3A_1418 = arith.index_cast %swap3A_1417 : i32 to index
    %swap3A_1419 = arith.constant 16 : index
    %swap3A_1420 = tpu.vector_load %arg16[%swap3A_1418, %swap3A_1419] {strides = array<i32>} : memref<32x128xf32, #tpu.memory_space<vmem>>, vector<1x16xf32>,
    %swap3A_1421 = vector.shape_cast %swap3A_1420 : vector<1x16xf32> to vector<16xf32>
    %swap3A_1422 = vector.shape_cast %broadcast_in_dim3A_1416 : vector<16xf32> to vector<1x16xf32>
    tpu.vector_store %arg16[%swap3A_1418, %swap3A_1419], %swap3A_1422 {strides = array<i32>} : memref<32x128xf32, #tpu.memory_space<vmem>>, vector<1x16xf32>,
    %broadcast_in_dim3A_1423 = arith.constant 0.000000e+00 : f32
    %broadcast_in_dim3A_1424 = vector.broadcast %broadcast_in_dim3A_1423 : f32 to vector<16xf32>
    %swap3A_1425 = arith.constant 22 : i32
    %swap3A_1426 = arith.index_cast %swap3A_1425 : i32 to index
    %swap3A_1427 = arith.constant 32 : index
    %swap3A_1428 = tpu.vector_load %arg16[%swap3A_1426, %swap3A_1427] {strides = array<i32>} : memref<32x128xf32, #tpu.memory_space<vmem>>, vector<1x16xf32>,
    %swap3A_1429 = vector.shape_cast %swap3A_1428 : vector<1x16xf32> to vector<16xf32>
    %swap3A_1430 = vector.shape_cast %broadcast_in_dim3A_1424 : vector<16xf32> to vector<1x16xf32>
    tpu.vector_store %arg16[%swap3A_1426, %swap3A_1427], %swap3A_1430 {strides = array<i32>} : memref<32x128xf32, #tpu.memory_space<vmem>>, vector<1x16xf32>,
    %broadcast_in_dim3A_1431 = arith.constant 0.000000e+00 : f32
    %broadcast_in_dim3A_1432 = vector.broadcast %broadcast_in_dim3A_1431 : f32 to vector<16xf32>
    %swap3A_1433 = arith.constant 22 : i32
    %swap3A_1434 = arith.index_cast %swap3A_1433 : i32 to index
    %swap3A_1435 = arith.constant 48 : index
    %swap3A_1436 = tpu.vector_load %arg16[%swap3A_1434, %swap3A_1435] {strides = array<i32>} : memref<32x128xf32, #tpu.memory_space<vmem>>, vector<1x16xf32>,
    %swap3A_1437 = vector.shape_cast %swap3A_1436 : vector<1x16xf32> to vector<16xf32>
    %swap3A_1438 = vector.shape_cast %broadcast_in_dim3A_1432 : vector<16xf32> to vector<1x16xf32>
    tpu.vector_store %arg16[%swap3A_1434, %swap3A_1435], %swap3A_1438 {strides = array<i32>} : memref<32x128xf32, #tpu.memory_space<vmem>>, vector<1x16xf32>,
    %broadcast_in_dim3A_1439 = arith.constant 0.000000e+00 : f32
    %broadcast_in_dim3A_1440 = vector.broadcast %broadcast_in_dim3A_1439 : f32 to vector<16xf32>
    %swap3A_1441 = arith.constant 22 : i32
    %swap3A_1442 = arith.index_cast %swap3A_1441 : i32 to index
    %swap3A_1443 = arith.constant 64 : index
    %swap3A_1444 = tpu.vector_load %arg16[%swap3A_1442, %swap3A_1443] {strides = array<i32>} : memref<32x128xf32, #tpu.memory_space<vmem>>, vector<1x16xf32>,
    %swap3A_1445 = vector.shape_cast %swap3A_1444 : vector<1x16xf32> to vector<16xf32>
    %swap3A_1446 = vector.shape_cast %broadcast_in_dim3A_1440 : vector<16xf32> to vector<1x16xf32>
    tpu.vector_store %arg16[%swap3A_1442, %swap3A_1443], %swap3A_1446 {strides = array<i32>} : memref<32x128xf32, #tpu.memory_space<vmem>>, vector<1x16xf32>,
    %broadcast_in_dim3A_1447 = arith.constant 0.000000e+00 : f32
    %broadcast_in_dim3A_1448 = vector.broadcast %broadcast_in_dim3A_1447 : f32 to vector<16xf32>
    %swap3A_1449 = arith.constant 22 : i32
    %swap3A_1450 = arith.index_cast %swap3A_1449 : i32 to index
    %swap3A_1451 = arith.constant 80 : index
    %swap3A_1452 = tpu.vector_load %arg16[%swap3A_1450, %swap3A_1451] {strides = array<i32>} : memref<32x128xf32, #tpu.memory_space<vmem>>, vector<1x16xf32>,
    %swap3A_1453 = vector.shape_cast %swap3A_1452 : vector<1x16xf32> to vector<16xf32>
    %swap3A_1454 = vector.shape_cast %broadcast_in_dim3A_1448 : vector<16xf32> to vector<1x16xf32>
    tpu.vector_store %arg16[%swap3A_1450, %swap3A_1451], %swap3A_1454 {strides = array<i32>} : memref<32x128xf32, #tpu.memory_space<vmem>>, vector<1x16xf32>,
    %broadcast_in_dim3A_1455 = arith.constant 0.000000e+00 : f32
    %broadcast_in_dim3A_1456 = vector.broadcast %broadcast_in_dim3A_1455 : f32 to vector<16xf32>
    %swap3A_1457 = arith.constant 22 : i32
    %swap3A_1458 = arith.index_cast %swap3A_1457 : i32 to index
    %swap3A_1459 = arith.constant 96 : index
    %swap3A_1460 = tpu.vector_load %arg16[%swap3A_1458, %swap3A_1459] {strides = array<i32>} : memref<32x128xf32, #tpu.memory_space<vmem>>, vector<1x16xf32>,
    %swap3A_1461 = vector.shape_cast %swap3A_1460 : vector<1x16xf32> to vector<16xf32>
    %swap3A_1462 = vector.shape_cast %broadcast_in_dim3A_1456 : vector<16xf32> to vector<1x16xf32>
    tpu.vector_store %arg16[%swap3A_1458, %swap3A_1459], %swap3A_1462 {strides = array<i32>} : memref<32x128xf32, #tpu.memory_space<vmem>>, vector<1x16xf32>,
    %broadcast_in_dim3A_1463 = arith.constant 0.000000e+00 : f32
    %broadcast_in_dim3A_1464 = vector.broadcast %broadcast_in_dim3A_1463 : f32 to vector<16xf32>
    %swap3A_1465 = arith.constant 22 : i32
    %swap3A_1466 = arith.index_cast %swap3A_1465 : i32 to index
    %swap3A_1467 = arith.constant 112 : index
    %swap3A_1468 = tpu.vector_load %arg16[%swap3A_1466, %swap3A_1467] {strides = array<i32>} : memref<32x128xf32, #tpu.memory_space<vmem>>, vector<1x16xf32>,
    %swap3A_1469 = vector.shape_cast %swap3A_1468 : vector<1x16xf32> to vector<16xf32>
    %swap3A_1470 = vector.shape_cast %broadcast_in_dim3A_1464 : vector<16xf32> to vector<1x16xf32>
    tpu.vector_store %arg16[%swap3A_1466, %swap3A_1467], %swap3A_1470 {strides = array<i32>} : memref<32x128xf32, #tpu.memory_space<vmem>>, vector<1x16xf32>,
    %broadcast_in_dim3A_1471 = arith.constant 0.000000e+00 : f32
    %broadcast_in_dim3A_1472 = vector.broadcast %broadcast_in_dim3A_1471 : f32 to vector<16xf32>
    %swap3A_1473 = arith.constant 23 : i32
    %swap3A_1474 = arith.index_cast %swap3A_1473 : i32 to index
    %swap3A_1475 = arith.constant 0 : index
    %swap3A_1476 = tpu.vector_load %arg16[%swap3A_1474, %swap3A_1475] {strides = array<i32>} : memref<32x128xf32, #tpu.memory_space<vmem>>, vector<1x16xf32>,
    %swap3A_1477 = vector.shape_cast %swap3A_1476 : vector<1x16xf32> to vector<16xf32>
    %swap3A_1478 = vector.shape_cast %broadcast_in_dim3A_1472 : vector<16xf32> to vector<1x16xf32>
    tpu.vector_store %arg16[%swap3A_1474, %swap3A_1475], %swap3A_1478 {strides = array<i32>} : memref<32x128xf32, #tpu.memory_space<vmem>>, vector<1x16xf32>,
    %broadcast_in_dim3A_1479 = arith.constant 0.000000e+00 : f32
    %broadcast_in_dim3A_1480 = vector.broadcast %broadcast_in_dim3A_1479 : f32 to vector<16xf32>
    %swap3A_1481 = arith.constant 23 : i32
    %swap3A_1482 = arith.index_cast %swap3A_1481 : i32 to index
    %swap3A_1483 = arith.constant 16 : index
    %swap3A_1484 = tpu.vector_load %arg16[%swap3A_1482, %swap3A_1483] {strides = array<i32>} : memref<32x128xf32, #tpu.memory_space<vmem>>, vector<1x16xf32>,
    %swap3A_1485 = vector.shape_cast %swap3A_1484 : vector<1x16xf32> to vector<16xf32>
    %swap3A_1486 = vector.shape_cast %broadcast_in_dim3A_1480 : vector<16xf32> to vector<1x16xf32>
    tpu.vector_store %arg16[%swap3A_1482, %swap3A_1483], %swap3A_1486 {strides = array<i32>} : memref<32x128xf32, #tpu.memory_space<vmem>>, vector<1x16xf32>,
    %broadcast_in_dim3A_1487 = arith.constant 0.000000e+00 : f32
    %broadcast_in_dim3A_1488 = vector.broadcast %broadcast_in_dim3A_1487 : f32 to vector<16xf32>
    %swap3A_1489 = arith.constant 23 : i32
    %swap3A_1490 = arith.index_cast %swap3A_1489 : i32 to index
    %swap3A_1491 = arith.constant 32 : index
    %swap3A_1492 = tpu.vector_load %arg16[%swap3A_1490, %swap3A_1491] {strides = array<i32>} : memref<32x128xf32, #tpu.memory_space<vmem>>, vector<1x16xf32>,
    %swap3A_1493 = vector.shape_cast %swap3A_1492 : vector<1x16xf32> to vector<16xf32>
    %swap3A_1494 = vector.shape_cast %broadcast_in_dim3A_1488 : vector<16xf32> to vector<1x16xf32>
    tpu.vector_store %arg16[%swap3A_1490, %swap3A_1491], %swap3A_1494 {strides = array<i32>} : memref<32x128xf32, #tpu.memory_space<vmem>>, vector<1x16xf32>,
    %broadcast_in_dim3A_1495 = arith.constant 0.000000e+00 : f32
    %broadcast_in_dim3A_1496 = vector.broadcast %broadcast_in_dim3A_1495 : f32 to vector<16xf32>
    %swap3A_1497 = arith.constant 23 : i32
    %swap3A_1498 = arith.index_cast %swap3A_1497 : i32 to index
    %swap3A_1499 = arith.constant 48 : index
    %swap3A_1500 = tpu.vector_load %arg16[%swap3A_1498, %swap3A_1499] {strides = array<i32>} : memref<32x128xf32, #tpu.memory_space<vmem>>, vector<1x16xf32>,
    %swap3A_1501 = vector.shape_cast %swap3A_1500 : vector<1x16xf32> to vector<16xf32>
    %swap3A_1502 = vector.shape_cast %broadcast_in_dim3A_1496 : vector<16xf32> to vector<1x16xf32>
    tpu.vector_store %arg16[%swap3A_1498, %swap3A_1499], %swap3A_1502 {strides = array<i32>} : memref<32x128xf32, #tpu.memory_space<vmem>>, vector<1x16xf32>,
    %broadcast_in_dim3A_1503 = arith.constant 0.000000e+00 : f32
    %broadcast_in_dim3A_1504 = vector.broadcast %broadcast_in_dim3A_1503 : f32 to vector<16xf32>
    %swap3A_1505 = arith.constant 23 : i32
    %swap3A_1506 = arith.index_cast %swap3A_1505 : i32 to index
    %swap3A_1507 = arith.constant 64 : index
    %swap3A_1508 = tpu.vector_load %arg16[%swap3A_1506, %swap3A_1507] {strides = array<i32>} : memref<32x128xf32, #tpu.memory_space<vmem>>, vector<1x16xf32>,
    %swap3A_1509 = vector.shape_cast %swap3A_1508 : vector<1x16xf32> to vector<16xf32>
    %swap3A_1510 = vector.shape_cast %broadcast_in_dim3A_1504 : vector<16xf32> to vector<1x16xf32>
    tpu.vector_store %arg16[%swap3A_1506, %swap3A_1507], %swap3A_1510 {strides = array<i32>} : memref<32x128xf32, #tpu.memory_space<vmem>>, vector<1x16xf32>,
    %broadcast_in_dim3A_1511 = arith.constant 0.000000e+00 : f32
    %broadcast_in_dim3A_1512 = vector.broadcast %broadcast_in_dim3A_1511 : f32 to vector<16xf32>
    %swap3A_1513 = arith.constant 23 : i32
    %swap3A_1514 = arith.index_cast %swap3A_1513 : i32 to index
    %swap3A_1515 = arith.constant 80 : index
    %swap3A_1516 = tpu.vector_load %arg16[%swap3A_1514, %swap3A_1515] {strides = array<i32>} : memref<32x128xf32, #tpu.memory_space<vmem>>, vector<1x16xf32>,
    %swap3A_1517 = vector.shape_cast %swap3A_1516 : vector<1x16xf32> to vector<16xf32>
    %swap3A_1518 = vector.shape_cast %broadcast_in_dim3A_1512 : vector<16xf32> to vector<1x16xf32>
    tpu.vector_store %arg16[%swap3A_1514, %swap3A_1515], %swap3A_1518 {strides = array<i32>} : memref<32x128xf32, #tpu.memory_space<vmem>>, vector<1x16xf32>,
    %broadcast_in_dim3A_1519 = arith.constant 0.000000e+00 : f32
    %broadcast_in_dim3A_1520 = vector.broadcast %broadcast_in_dim3A_1519 : f32 to vector<16xf32>
    %swap3A_1521 = arith.constant 23 : i32
    %swap3A_1522 = arith.index_cast %swap3A_1521 : i32 to index
    %swap3A_1523 = arith.constant 96 : index
    %swap3A_1524 = tpu.vector_load %arg16[%swap3A_1522, %swap3A_1523] {strides = array<i32>} : memref<32x128xf32, #tpu.memory_space<vmem>>, vector<1x16xf32>,
    %swap3A_1525 = vector.shape_cast %swap3A_1524 : vector<1x16xf32> to vector<16xf32>
    %swap3A_1526 = vector.shape_cast %broadcast_in_dim3A_1520 : vector<16xf32> to vector<1x16xf32>
    tpu.vector_store %arg16[%swap3A_1522, %swap3A_1523], %swap3A_1526 {strides = array<i32>} : memref<32x128xf32, #tpu.memory_space<vmem>>, vector<1x16xf32>,
    %broadcast_in_dim3A_1527 = arith.constant 0.000000e+00 : f32
    %broadcast_in_dim3A_1528 = vector.broadcast %broadcast_in_dim3A_1527 : f32 to vector<16xf32>
    %swap3A_1529 = arith.constant 23 : i32
    %swap3A_1530 = arith.index_cast %swap3A_1529 : i32 to index
    %swap3A_1531 = arith.constant 112 : index
    %swap3A_1532 = tpu.vector_load %arg16[%swap3A_1530, %swap3A_1531] {strides = array<i32>} : memref<32x128xf32, #tpu.memory_space<vmem>>, vector<1x16xf32>,
    %swap3A_1533 = vector.shape_cast %swap3A_1532 : vector<1x16xf32> to vector<16xf32>
    %swap3A_1534 = vector.shape_cast %broadcast_in_dim3A_1528 : vector<16xf32> to vector<1x16xf32>
    tpu.vector_store %arg16[%swap3A_1530, %swap3A_1531], %swap3A_1534 {strides = array<i32>} : memref<32x128xf32, #tpu.memory_space<vmem>>, vector<1x16xf32>,
    %broadcast_in_dim3A_1535 = arith.constant 0.000000e+00 : f32
    %broadcast_in_dim3A_1536 = vector.broadcast %broadcast_in_dim3A_1535 : f32 to vector<16xf32>
    %swap3A_1537 = arith.constant 24 : i32
    %swap3A_1538 = arith.index_cast %swap3A_1537 : i32 to index
    %swap3A_1539 = arith.constant 0 : index
    %swap3A_1540 = tpu.vector_load %arg16[%swap3A_1538, %swap3A_1539] {strides = array<i32>} : memref<32x128xf32, #tpu.memory_space<vmem>>, vector<1x16xf32>,
    %swap3A_1541 = vector.shape_cast %swap3A_1540 : vector<1x16xf32> to vector<16xf32>
    %swap3A_1542 = vector.shape_cast %broadcast_in_dim3A_1536 : vector<16xf32> to vector<1x16xf32>
    tpu.vector_store %arg16[%swap3A_1538, %swap3A_1539], %swap3A_1542 {strides = array<i32>} : memref<32x128xf32, #tpu.memory_space<vmem>>, vector<1x16xf32>,
    %broadcast_in_dim3A_1543 = arith.constant 0.000000e+00 : f32
    %broadcast_in_dim3A_1544 = vector.broadcast %broadcast_in_dim3A_1543 : f32 to vector<16xf32>
    %swap3A_1545 = arith.constant 24 : i32
    %swap3A_1546 = arith.index_cast %swap3A_1545 : i32 to index
    %swap3A_1547 = arith.constant 16 : index
    %swap3A_1548 = tpu.vector_load %arg16[%swap3A_1546, %swap3A_1547] {strides = array<i32>} : memref<32x128xf32, #tpu.memory_space<vmem>>, vector<1x16xf32>,
    %swap3A_1549 = vector.shape_cast %swap3A_1548 : vector<1x16xf32> to vector<16xf32>
    %swap3A_1550 = vector.shape_cast %broadcast_in_dim3A_1544 : vector<16xf32> to vector<1x16xf32>
    tpu.vector_store %arg16[%swap3A_1546, %swap3A_1547], %swap3A_1550 {strides = array<i32>} : memref<32x128xf32, #tpu.memory_space<vmem>>, vector<1x16xf32>,
    %broadcast_in_dim3A_1551 = arith.constant 0.000000e+00 : f32
    %broadcast_in_dim3A_1552 = vector.broadcast %broadcast_in_dim3A_1551 : f32 to vector<16xf32>
    %swap3A_1553 = arith.constant 24 : i32
    %swap3A_1554 = arith.index_cast %swap3A_1553 : i32 to index
    %swap3A_1555 = arith.constant 32 : index
    %swap3A_1556 = tpu.vector_load %arg16[%swap3A_1554, %swap3A_1555] {strides = array<i32>} : memref<32x128xf32, #tpu.memory_space<vmem>>, vector<1x16xf32>,
    %swap3A_1557 = vector.shape_cast %swap3A_1556 : vector<1x16xf32> to vector<16xf32>
    %swap3A_1558 = vector.shape_cast %broadcast_in_dim3A_1552 : vector<16xf32> to vector<1x16xf32>
    tpu.vector_store %arg16[%swap3A_1554, %swap3A_1555], %swap3A_1558 {strides = array<i32>} : memref<32x128xf32, #tpu.memory_space<vmem>>, vector<1x16xf32>,
    %broadcast_in_dim3A_1559 = arith.constant 0.000000e+00 : f32
    %broadcast_in_dim3A_1560 = vector.broadcast %broadcast_in_dim3A_1559 : f32 to vector<16xf32>
    %swap3A_1561 = arith.constant 24 : i32
    %swap3A_1562 = arith.index_cast %swap3A_1561 : i32 to index
    %swap3A_1563 = arith.constant 48 : index
    %swap3A_1564 = tpu.vector_load %arg16[%swap3A_1562, %swap3A_1563] {strides = array<i32>} : memref<32x128xf32, #tpu.memory_space<vmem>>, vector<1x16xf32>,
    %swap3A_1565 = vector.shape_cast %swap3A_1564 : vector<1x16xf32> to vector<16xf32>
    %swap3A_1566 = vector.shape_cast %broadcast_in_dim3A_1560 : vector<16xf32> to vector<1x16xf32>
    tpu.vector_store %arg16[%swap3A_1562, %swap3A_1563], %swap3A_1566 {strides = array<i32>} : memref<32x128xf32, #tpu.memory_space<vmem>>, vector<1x16xf32>,
    %broadcast_in_dim3A_1567 = arith.constant 0.000000e+00 : f32
    %broadcast_in_dim3A_1568 = vector.broadcast %broadcast_in_dim3A_1567 : f32 to vector<16xf32>
    %swap3A_1569 = arith.constant 24 : i32
    %swap3A_1570 = arith.index_cast %swap3A_1569 : i32 to index
    %swap3A_1571 = arith.constant 64 : index
    %swap3A_1572 = tpu.vector_load %arg16[%swap3A_1570, %swap3A_1571] {strides = array<i32>} : memref<32x128xf32, #tpu.memory_space<vmem>>, vector<1x16xf32>,
    %swap3A_1573 = vector.shape_cast %swap3A_1572 : vector<1x16xf32> to vector<16xf32>
    %swap3A_1574 = vector.shape_cast %broadcast_in_dim3A_1568 : vector<16xf32> to vector<1x16xf32>
    tpu.vector_store %arg16[%swap3A_1570, %swap3A_1571], %swap3A_1574 {strides = array<i32>} : memref<32x128xf32, #tpu.memory_space<vmem>>, vector<1x16xf32>,
    %broadcast_in_dim3A_1575 = arith.constant 0.000000e+00 : f32
    %broadcast_in_dim3A_1576 = vector.broadcast %broadcast_in_dim3A_1575 : f32 to vector<16xf32>
    %swap3A_1577 = arith.constant 24 : i32
    %swap3A_1578 = arith.index_cast %swap3A_1577 : i32 to index
    %swap3A_1579 = arith.constant 80 : index
    %swap3A_1580 = tpu.vector_load %arg16[%swap3A_1578, %swap3A_1579] {strides = array<i32>} : memref<32x128xf32, #tpu.memory_space<vmem>>, vector<1x16xf32>,
    %swap3A_1581 = vector.shape_cast %swap3A_1580 : vector<1x16xf32> to vector<16xf32>
    %swap3A_1582 = vector.shape_cast %broadcast_in_dim3A_1576 : vector<16xf32> to vector<1x16xf32>
    tpu.vector_store %arg16[%swap3A_1578, %swap3A_1579], %swap3A_1582 {strides = array<i32>} : memref<32x128xf32, #tpu.memory_space<vmem>>, vector<1x16xf32>,
    %broadcast_in_dim3A_1583 = arith.constant 0.000000e+00 : f32
    %broadcast_in_dim3A_1584 = vector.broadcast %broadcast_in_dim3A_1583 : f32 to vector<16xf32>
    %swap3A_1585 = arith.constant 24 : i32
    %swap3A_1586 = arith.index_cast %swap3A_1585 : i32 to index
    %swap3A_1587 = arith.constant 96 : index
    %swap3A_1588 = tpu.vector_load %arg16[%swap3A_1586, %swap3A_1587] {strides = array<i32>} : memref<32x128xf32, #tpu.memory_space<vmem>>, vector<1x16xf32>,
    %swap3A_1589 = vector.shape_cast %swap3A_1588 : vector<1x16xf32> to vector<16xf32>
    %swap3A_1590 = vector.shape_cast %broadcast_in_dim3A_1584 : vector<16xf32> to vector<1x16xf32>
    tpu.vector_store %arg16[%swap3A_1586, %swap3A_1587], %swap3A_1590 {strides = array<i32>} : memref<32x128xf32, #tpu.memory_space<vmem>>, vector<1x16xf32>,
    %broadcast_in_dim3A_1591 = arith.constant 0.000000e+00 : f32
    %broadcast_in_dim3A_1592 = vector.broadcast %broadcast_in_dim3A_1591 : f32 to vector<16xf32>
    %swap3A_1593 = arith.constant 24 : i32
    %swap3A_1594 = arith.index_cast %swap3A_1593 : i32 to index
    %swap3A_1595 = arith.constant 112 : index
    %swap3A_1596 = tpu.vector_load %arg16[%swap3A_1594, %swap3A_1595] {strides = array<i32>} : memref<32x128xf32, #tpu.memory_space<vmem>>, vector<1x16xf32>,
    %swap3A_1597 = vector.shape_cast %swap3A_1596 : vector<1x16xf32> to vector<16xf32>
    %swap3A_1598 = vector.shape_cast %broadcast_in_dim3A_1592 : vector<16xf32> to vector<1x16xf32>
    tpu.vector_store %arg16[%swap3A_1594, %swap3A_1595], %swap3A_1598 {strides = array<i32>} : memref<32x128xf32, #tpu.memory_space<vmem>>, vector<1x16xf32>,
    %broadcast_in_dim3A_1599 = arith.constant 0.000000e+00 : f32
    %broadcast_in_dim3A_1600 = vector.broadcast %broadcast_in_dim3A_1599 : f32 to vector<16xf32>
    %swap3A_1601 = arith.constant 25 : i32
    %swap3A_1602 = arith.index_cast %swap3A_1601 : i32 to index
    %swap3A_1603 = arith.constant 0 : index
    %swap3A_1604 = tpu.vector_load %arg16[%swap3A_1602, %swap3A_1603] {strides = array<i32>} : memref<32x128xf32, #tpu.memory_space<vmem>>, vector<1x16xf32>,
    %swap3A_1605 = vector.shape_cast %swap3A_1604 : vector<1x16xf32> to vector<16xf32>
    %swap3A_1606 = vector.shape_cast %broadcast_in_dim3A_1600 : vector<16xf32> to vector<1x16xf32>
    tpu.vector_store %arg16[%swap3A_1602, %swap3A_1603], %swap3A_1606 {strides = array<i32>} : memref<32x128xf32, #tpu.memory_space<vmem>>, vector<1x16xf32>,
    %broadcast_in_dim3A_1607 = arith.constant 0.000000e+00 : f32
    %broadcast_in_dim3A_1608 = vector.broadcast %broadcast_in_dim3A_1607 : f32 to vector<16xf32>
    %swap3A_1609 = arith.constant 25 : i32
    %swap3A_1610 = arith.index_cast %swap3A_1609 : i32 to index
    %swap3A_1611 = arith.constant 16 : index
    %swap3A_1612 = tpu.vector_load %arg16[%swap3A_1610, %swap3A_1611] {strides = array<i32>} : memref<32x128xf32, #tpu.memory_space<vmem>>, vector<1x16xf32>,
    %swap3A_1613 = vector.shape_cast %swap3A_1612 : vector<1x16xf32> to vector<16xf32>
    %swap3A_1614 = vector.shape_cast %broadcast_in_dim3A_1608 : vector<16xf32> to vector<1x16xf32>
    tpu.vector_store %arg16[%swap3A_1610, %swap3A_1611], %swap3A_1614 {strides = array<i32>} : memref<32x128xf32, #tpu.memory_space<vmem>>, vector<1x16xf32>,
    %broadcast_in_dim3A_1615 = arith.constant 0.000000e+00 : f32
    %broadcast_in_dim3A_1616 = vector.broadcast %broadcast_in_dim3A_1615 : f32 to vector<16xf32>
    %swap3A_1617 = arith.constant 25 : i32
    %swap3A_1618 = arith.index_cast %swap3A_1617 : i32 to index
    %swap3A_1619 = arith.constant 32 : index
    %swap3A_1620 = tpu.vector_load %arg16[%swap3A_1618, %swap3A_1619] {strides = array<i32>} : memref<32x128xf32, #tpu.memory_space<vmem>>, vector<1x16xf32>,
    %swap3A_1621 = vector.shape_cast %swap3A_1620 : vector<1x16xf32> to vector<16xf32>
    %swap3A_1622 = vector.shape_cast %broadcast_in_dim3A_1616 : vector<16xf32> to vector<1x16xf32>
    tpu.vector_store %arg16[%swap3A_1618, %swap3A_1619], %swap3A_1622 {strides = array<i32>} : memref<32x128xf32, #tpu.memory_space<vmem>>, vector<1x16xf32>,
    %broadcast_in_dim3A_1623 = arith.constant 0.000000e+00 : f32
    %broadcast_in_dim3A_1624 = vector.broadcast %broadcast_in_dim3A_1623 : f32 to vector<16xf32>
    %swap3A_1625 = arith.constant 25 : i32
    %swap3A_1626 = arith.index_cast %swap3A_1625 : i32 to index
    %swap3A_1627 = arith.constant 48 : index
    %swap3A_1628 = tpu.vector_load %arg16[%swap3A_1626, %swap3A_1627] {strides = array<i32>} : memref<32x128xf32, #tpu.memory_space<vmem>>, vector<1x16xf32>,
    %swap3A_1629 = vector.shape_cast %swap3A_1628 : vector<1x16xf32> to vector<16xf32>
    %swap3A_1630 = vector.shape_cast %broadcast_in_dim3A_1624 : vector<16xf32> to vector<1x16xf32>
    tpu.vector_store %arg16[%swap3A_1626, %swap3A_1627], %swap3A_1630 {strides = array<i32>} : memref<32x128xf32, #tpu.memory_space<vmem>>, vector<1x16xf32>,
    %broadcast_in_dim3A_1631 = arith.constant 0.000000e+00 : f32
    %broadcast_in_dim3A_1632 = vector.broadcast %broadcast_in_dim3A_1631 : f32 to vector<16xf32>
    %swap3A_1633 = arith.constant 25 : i32
    %swap3A_1634 = arith.index_cast %swap3A_1633 : i32 to index
    %swap3A_1635 = arith.constant 64 : index
    %swap3A_1636 = tpu.vector_load %arg16[%swap3A_1634, %swap3A_1635] {strides = array<i32>} : memref<32x128xf32, #tpu.memory_space<vmem>>, vector<1x16xf32>,
    %swap3A_1637 = vector.shape_cast %swap3A_1636 : vector<1x16xf32> to vector<16xf32>
    %swap3A_1638 = vector.shape_cast %broadcast_in_dim3A_1632 : vector<16xf32> to vector<1x16xf32>
    tpu.vector_store %arg16[%swap3A_1634, %swap3A_1635], %swap3A_1638 {strides = array<i32>} : memref<32x128xf32, #tpu.memory_space<vmem>>, vector<1x16xf32>,
    %broadcast_in_dim3A_1639 = arith.constant 0.000000e+00 : f32
    %broadcast_in_dim3A_1640 = vector.broadcast %broadcast_in_dim3A_1639 : f32 to vector<16xf32>
    %swap3A_1641 = arith.constant 25 : i32
    %swap3A_1642 = arith.index_cast %swap3A_1641 : i32 to index
    %swap3A_1643 = arith.constant 80 : index
    %swap3A_1644 = tpu.vector_load %arg16[%swap3A_1642, %swap3A_1643] {strides = array<i32>} : memref<32x128xf32, #tpu.memory_space<vmem>>, vector<1x16xf32>,
    %swap3A_1645 = vector.shape_cast %swap3A_1644 : vector<1x16xf32> to vector<16xf32>
    %swap3A_1646 = vector.shape_cast %broadcast_in_dim3A_1640 : vector<16xf32> to vector<1x16xf32>
    tpu.vector_store %arg16[%swap3A_1642, %swap3A_1643], %swap3A_1646 {strides = array<i32>} : memref<32x128xf32, #tpu.memory_space<vmem>>, vector<1x16xf32>,
    %broadcast_in_dim3A_1647 = arith.constant 0.000000e+00 : f32
    %broadcast_in_dim3A_1648 = vector.broadcast %broadcast_in_dim3A_1647 : f32 to vector<16xf32>
    %swap3A_1649 = arith.constant 25 : i32
    %swap3A_1650 = arith.index_cast %swap3A_1649 : i32 to index
    %swap3A_1651 = arith.constant 96 : index
    %swap3A_1652 = tpu.vector_load %arg16[%swap3A_1650, %swap3A_1651] {strides = array<i32>} : memref<32x128xf32, #tpu.memory_space<vmem>>, vector<1x16xf32>,
    %swap3A_1653 = vector.shape_cast %swap3A_1652 : vector<1x16xf32> to vector<16xf32>
    %swap3A_1654 = vector.shape_cast %broadcast_in_dim3A_1648 : vector<16xf32> to vector<1x16xf32>
    tpu.vector_store %arg16[%swap3A_1650, %swap3A_1651], %swap3A_1654 {strides = array<i32>} : memref<32x128xf32, #tpu.memory_space<vmem>>, vector<1x16xf32>,
    %broadcast_in_dim3A_1655 = arith.constant 0.000000e+00 : f32
    %broadcast_in_dim3A_1656 = vector.broadcast %broadcast_in_dim3A_1655 : f32 to vector<16xf32>
    %swap3A_1657 = arith.constant 25 : i32
    %swap3A_1658 = arith.index_cast %swap3A_1657 : i32 to index
    %swap3A_1659 = arith.constant 112 : index
    %swap3A_1660 = tpu.vector_load %arg16[%swap3A_1658, %swap3A_1659] {strides = array<i32>} : memref<32x128xf32, #tpu.memory_space<vmem>>, vector<1x16xf32>,
    %swap3A_1661 = vector.shape_cast %swap3A_1660 : vector<1x16xf32> to vector<16xf32>
    %swap3A_1662 = vector.shape_cast %broadcast_in_dim3A_1656 : vector<16xf32> to vector<1x16xf32>
    tpu.vector_store %arg16[%swap3A_1658, %swap3A_1659], %swap3A_1662 {strides = array<i32>} : memref<32x128xf32, #tpu.memory_space<vmem>>, vector<1x16xf32>,
    %broadcast_in_dim3A_1663 = arith.constant 0.000000e+00 : f32
    %broadcast_in_dim3A_1664 = vector.broadcast %broadcast_in_dim3A_1663 : f32 to vector<16xf32>
    %swap3A_1665 = arith.constant 26 : i32
    %swap3A_1666 = arith.index_cast %swap3A_1665 : i32 to index
    %swap3A_1667 = arith.constant 0 : index
    %swap3A_1668 = tpu.vector_load %arg16[%swap3A_1666, %swap3A_1667] {strides = array<i32>} : memref<32x128xf32, #tpu.memory_space<vmem>>, vector<1x16xf32>,
    %swap3A_1669 = vector.shape_cast %swap3A_1668 : vector<1x16xf32> to vector<16xf32>
    %swap3A_1670 = vector.shape_cast %broadcast_in_dim3A_1664 : vector<16xf32> to vector<1x16xf32>
    tpu.vector_store %arg16[%swap3A_1666, %swap3A_1667], %swap3A_1670 {strides = array<i32>} : memref<32x128xf32, #tpu.memory_space<vmem>>, vector<1x16xf32>,
    %broadcast_in_dim3A_1671 = arith.constant 0.000000e+00 : f32
    %broadcast_in_dim3A_1672 = vector.broadcast %broadcast_in_dim3A_1671 : f32 to vector<16xf32>
    %swap3A_1673 = arith.constant 26 : i32
    %swap3A_1674 = arith.index_cast %swap3A_1673 : i32 to index
    %swap3A_1675 = arith.constant 16 : index
    %swap3A_1676 = tpu.vector_load %arg16[%swap3A_1674, %swap3A_1675] {strides = array<i32>} : memref<32x128xf32, #tpu.memory_space<vmem>>, vector<1x16xf32>,
    %swap3A_1677 = vector.shape_cast %swap3A_1676 : vector<1x16xf32> to vector<16xf32>
    %swap3A_1678 = vector.shape_cast %broadcast_in_dim3A_1672 : vector<16xf32> to vector<1x16xf32>
    tpu.vector_store %arg16[%swap3A_1674, %swap3A_1675], %swap3A_1678 {strides = array<i32>} : memref<32x128xf32, #tpu.memory_space<vmem>>, vector<1x16xf32>,
    %broadcast_in_dim3A_1679 = arith.constant 0.000000e+00 : f32
    %broadcast_in_dim3A_1680 = vector.broadcast %broadcast_in_dim3A_1679 : f32 to vector<16xf32>
    %swap3A_1681 = arith.constant 26 : i32
    %swap3A_1682 = arith.index_cast %swap3A_1681 : i32 to index
    %swap3A_1683 = arith.constant 32 : index
    %swap3A_1684 = tpu.vector_load %arg16[%swap3A_1682, %swap3A_1683] {strides = array<i32>} : memref<32x128xf32, #tpu.memory_space<vmem>>, vector<1x16xf32>,
    %swap3A_1685 = vector.shape_cast %swap3A_1684 : vector<1x16xf32> to vector<16xf32>
    %swap3A_1686 = vector.shape_cast %broadcast_in_dim3A_1680 : vector<16xf32> to vector<1x16xf32>
    tpu.vector_store %arg16[%swap3A_1682, %swap3A_1683], %swap3A_1686 {strides = array<i32>} : memref<32x128xf32, #tpu.memory_space<vmem>>, vector<1x16xf32>,
    %broadcast_in_dim3A_1687 = arith.constant 0.000000e+00 : f32
    %broadcast_in_dim3A_1688 = vector.broadcast %broadcast_in_dim3A_1687 : f32 to vector<16xf32>
    %swap3A_1689 = arith.constant 26 : i32
    %swap3A_1690 = arith.index_cast %swap3A_1689 : i32 to index
    %swap3A_1691 = arith.constant 48 : index
    %swap3A_1692 = tpu.vector_load %arg16[%swap3A_1690, %swap3A_1691] {strides = array<i32>} : memref<32x128xf32, #tpu.memory_space<vmem>>, vector<1x16xf32>,
    %swap3A_1693 = vector.shape_cast %swap3A_1692 : vector<1x16xf32> to vector<16xf32>
    %swap3A_1694 = vector.shape_cast %broadcast_in_dim3A_1688 : vector<16xf32> to vector<1x16xf32>
    tpu.vector_store %arg16[%swap3A_1690, %swap3A_1691], %swap3A_1694 {strides = array<i32>} : memref<32x128xf32, #tpu.memory_space<vmem>>, vector<1x16xf32>,
    %broadcast_in_dim3A_1695 = arith.constant 0.000000e+00 : f32
    %broadcast_in_dim3A_1696 = vector.broadcast %broadcast_in_dim3A_1695 : f32 to vector<16xf32>
    %swap3A_1697 = arith.constant 26 : i32
    %swap3A_1698 = arith.index_cast %swap3A_1697 : i32 to index
    %swap3A_1699 = arith.constant 64 : index
    %swap3A_1700 = tpu.vector_load %arg16[%swap3A_1698, %swap3A_1699] {strides = array<i32>} : memref<32x128xf32, #tpu.memory_space<vmem>>, vector<1x16xf32>,
    %swap3A_1701 = vector.shape_cast %swap3A_1700 : vector<1x16xf32> to vector<16xf32>
    %swap3A_1702 = vector.shape_cast %broadcast_in_dim3A_1696 : vector<16xf32> to vector<1x16xf32>
    tpu.vector_store %arg16[%swap3A_1698, %swap3A_1699], %swap3A_1702 {strides = array<i32>} : memref<32x128xf32, #tpu.memory_space<vmem>>, vector<1x16xf32>,
    %broadcast_in_dim3A_1703 = arith.constant 0.000000e+00 : f32
    %broadcast_in_dim3A_1704 = vector.broadcast %broadcast_in_dim3A_1703 : f32 to vector<16xf32>
    %swap3A_1705 = arith.constant 26 : i32
    %swap3A_1706 = arith.index_cast %swap3A_1705 : i32 to index
    %swap3A_1707 = arith.constant 80 : index
    %swap3A_1708 = tpu.vector_load %arg16[%swap3A_1706, %swap3A_1707] {strides = array<i32>} : memref<32x128xf32, #tpu.memory_space<vmem>>, vector<1x16xf32>,
    %swap3A_1709 = vector.shape_cast %swap3A_1708 : vector<1x16xf32> to vector<16xf32>
    %swap3A_1710 = vector.shape_cast %broadcast_in_dim3A_1704 : vector<16xf32> to vector<1x16xf32>
    tpu.vector_store %arg16[%swap3A_1706, %swap3A_1707], %swap3A_1710 {strides = array<i32>} : memref<32x128xf32, #tpu.memory_space<vmem>>, vector<1x16xf32>,
    %broadcast_in_dim3A_1711 = arith.constant 0.000000e+00 : f32
    %broadcast_in_dim3A_1712 = vector.broadcast %broadcast_in_dim3A_1711 : f32 to vector<16xf32>
    %swap3A_1713 = arith.constant 26 : i32
    %swap3A_1714 = arith.index_cast %swap3A_1713 : i32 to index
    %swap3A_1715 = arith.constant 96 : index
    %swap3A_1716 = tpu.vector_load %arg16[%swap3A_1714, %swap3A_1715] {strides = array<i32>} : memref<32x128xf32, #tpu.memory_space<vmem>>, vector<1x16xf32>,
    %swap3A_1717 = vector.shape_cast %swap3A_1716 : vector<1x16xf32> to vector<16xf32>
    %swap3A_1718 = vector.shape_cast %broadcast_in_dim3A_1712 : vector<16xf32> to vector<1x16xf32>
    tpu.vector_store %arg16[%swap3A_1714, %swap3A_1715], %swap3A_1718 {strides = array<i32>} : memref<32x128xf32, #tpu.memory_space<vmem>>, vector<1x16xf32>,
    %broadcast_in_dim3A_1719 = arith.constant 0.000000e+00 : f32
    %broadcast_in_dim3A_1720 = vector.broadcast %broadcast_in_dim3A_1719 : f32 to vector<16xf32>
    %swap3A_1721 = arith.constant 26 : i32
    %swap3A_1722 = arith.index_cast %swap3A_1721 : i32 to index
    %swap3A_1723 = arith.constant 112 : index
    %swap3A_1724 = tpu.vector_load %arg16[%swap3A_1722, %swap3A_1723] {strides = array<i32>} : memref<32x128xf32, #tpu.memory_space<vmem>>, vector<1x16xf32>,
    %swap3A_1725 = vector.shape_cast %swap3A_1724 : vector<1x16xf32> to vector<16xf32>
    %swap3A_1726 = vector.shape_cast %broadcast_in_dim3A_1720 : vector<16xf32> to vector<1x16xf32>
    tpu.vector_store %arg16[%swap3A_1722, %swap3A_1723], %swap3A_1726 {strides = array<i32>} : memref<32x128xf32, #tpu.memory_space<vmem>>, vector<1x16xf32>,
    %broadcast_in_dim3A_1727 = arith.constant 0.000000e+00 : f32
    %broadcast_in_dim3A_1728 = vector.broadcast %broadcast_in_dim3A_1727 : f32 to vector<16xf32>
    %swap3A_1729 = arith.constant 27 : i32
    %swap3A_1730 = arith.index_cast %swap3A_1729 : i32 to index
    %swap3A_1731 = arith.constant 0 : index
    %swap3A_1732 = tpu.vector_load %arg16[%swap3A_1730, %swap3A_1731] {strides = array<i32>} : memref<32x128xf32, #tpu.memory_space<vmem>>, vector<1x16xf32>,
    %swap3A_1733 = vector.shape_cast %swap3A_1732 : vector<1x16xf32> to vector<16xf32>
    %swap3A_1734 = vector.shape_cast %broadcast_in_dim3A_1728 : vector<16xf32> to vector<1x16xf32>
    tpu.vector_store %arg16[%swap3A_1730, %swap3A_1731], %swap3A_1734 {strides = array<i32>} : memref<32x128xf32, #tpu.memory_space<vmem>>, vector<1x16xf32>,
    %broadcast_in_dim3A_1735 = arith.constant 0.000000e+00 : f32
    %broadcast_in_dim3A_1736 = vector.broadcast %broadcast_in_dim3A_1735 : f32 to vector<16xf32>
    %swap3A_1737 = arith.constant 27 : i32
    %swap3A_1738 = arith.index_cast %swap3A_1737 : i32 to index
    %swap3A_1739 = arith.constant 16 : index
    %swap3A_1740 = tpu.vector_load %arg16[%swap3A_1738, %swap3A_1739] {strides = array<i32>} : memref<32x128xf32, #tpu.memory_space<vmem>>, vector<1x16xf32>,
    %swap3A_1741 = vector.shape_cast %swap3A_1740 : vector<1x16xf32> to vector<16xf32>
    %swap3A_1742 = vector.shape_cast %broadcast_in_dim3A_1736 : vector<16xf32> to vector<1x16xf32>
    tpu.vector_store %arg16[%swap3A_1738, %swap3A_1739], %swap3A_1742 {strides = array<i32>} : memref<32x128xf32, #tpu.memory_space<vmem>>, vector<1x16xf32>,
    %broadcast_in_dim3A_1743 = arith.constant 0.000000e+00 : f32
    %broadcast_in_dim3A_1744 = vector.broadcast %broadcast_in_dim3A_1743 : f32 to vector<16xf32>
    %swap3A_1745 = arith.constant 27 : i32
    %swap3A_1746 = arith.index_cast %swap3A_1745 : i32 to index
    %swap3A_1747 = arith.constant 32 : index
    %swap3A_1748 = tpu.vector_load %arg16[%swap3A_1746, %swap3A_1747] {strides = array<i32>} : memref<32x128xf32, #tpu.memory_space<vmem>>, vector<1x16xf32>,
    %swap3A_1749 = vector.shape_cast %swap3A_1748 : vector<1x16xf32> to vector<16xf32>
    %swap3A_1750 = vector.shape_cast %broadcast_in_dim3A_1744 : vector<16xf32> to vector<1x16xf32>
    tpu.vector_store %arg16[%swap3A_1746, %swap3A_1747], %swap3A_1750 {strides = array<i32>} : memref<32x128xf32, #tpu.memory_space<vmem>>, vector<1x16xf32>,
    %broadcast_in_dim3A_1751 = arith.constant 0.000000e+00 : f32
    %broadcast_in_dim3A_1752 = vector.broadcast %broadcast_in_dim3A_1751 : f32 to vector<16xf32>
    %swap3A_1753 = arith.constant 27 : i32
    %swap3A_1754 = arith.index_cast %swap3A_1753 : i32 to index
    %swap3A_1755 = arith.constant 48 : index
    %swap3A_1756 = tpu.vector_load %arg16[%swap3A_1754, %swap3A_1755] {strides = array<i32>} : memref<32x128xf32, #tpu.memory_space<vmem>>, vector<1x16xf32>,
    %swap3A_1757 = vector.shape_cast %swap3A_1756 : vector<1x16xf32> to vector<16xf32>
    %swap3A_1758 = vector.shape_cast %broadcast_in_dim3A_1752 : vector<16xf32> to vector<1x16xf32>
    tpu.vector_store %arg16[%swap3A_1754, %swap3A_1755], %swap3A_1758 {strides = array<i32>} : memref<32x128xf32, #tpu.memory_space<vmem>>, vector<1x16xf32>,
    %broadcast_in_dim3A_1759 = arith.constant 0.000000e+00 : f32
    %broadcast_in_dim3A_1760 = vector.broadcast %broadcast_in_dim3A_1759 : f32 to vector<16xf32>
    %swap3A_1761 = arith.constant 27 : i32
    %swap3A_1762 = arith.index_cast %swap3A_1761 : i32 to index
    %swap3A_1763 = arith.constant 64 : index
    %swap3A_1764 = tpu.vector_load %arg16[%swap3A_1762, %swap3A_1763] {strides = array<i32>} : memref<32x128xf32, #tpu.memory_space<vmem>>, vector<1x16xf32>,
    %swap3A_1765 = vector.shape_cast %swap3A_1764 : vector<1x16xf32> to vector<16xf32>
    %swap3A_1766 = vector.shape_cast %broadcast_in_dim3A_1760 : vector<16xf32> to vector<1x16xf32>
    tpu.vector_store %arg16[%swap3A_1762, %swap3A_1763], %swap3A_1766 {strides = array<i32>} : memref<32x128xf32, #tpu.memory_space<vmem>>, vector<1x16xf32>,
    %broadcast_in_dim3A_1767 = arith.constant 0.000000e+00 : f32
    %broadcast_in_dim3A_1768 = vector.broadcast %broadcast_in_dim3A_1767 : f32 to vector<16xf32>
    %swap3A_1769 = arith.constant 27 : i32
    %swap3A_1770 = arith.index_cast %swap3A_1769 : i32 to index
    %swap3A_1771 = arith.constant 80 : index
    %swap3A_1772 = tpu.vector_load %arg16[%swap3A_1770, %swap3A_1771] {strides = array<i32>} : memref<32x128xf32, #tpu.memory_space<vmem>>, vector<1x16xf32>,
    %swap3A_1773 = vector.shape_cast %swap3A_1772 : vector<1x16xf32> to vector<16xf32>
    %swap3A_1774 = vector.shape_cast %broadcast_in_dim3A_1768 : vector<16xf32> to vector<1x16xf32>
    tpu.vector_store %arg16[%swap3A_1770, %swap3A_1771], %swap3A_1774 {strides = array<i32>} : memref<32x128xf32, #tpu.memory_space<vmem>>, vector<1x16xf32>,
    %broadcast_in_dim3A_1775 = arith.constant 0.000000e+00 : f32
    %broadcast_in_dim3A_1776 = vector.broadcast %broadcast_in_dim3A_1775 : f32 to vector<16xf32>
    %swap3A_1777 = arith.constant 27 : i32
    %swap3A_1778 = arith.index_cast %swap3A_1777 : i32 to index
    %swap3A_1779 = arith.constant 96 : index
    %swap3A_1780 = tpu.vector_load %arg16[%swap3A_1778, %swap3A_1779] {strides = array<i32>} : memref<32x128xf32, #tpu.memory_space<vmem>>, vector<1x16xf32>,
    %swap3A_1781 = vector.shape_cast %swap3A_1780 : vector<1x16xf32> to vector<16xf32>
    %swap3A_1782 = vector.shape_cast %broadcast_in_dim3A_1776 : vector<16xf32> to vector<1x16xf32>
    tpu.vector_store %arg16[%swap3A_1778, %swap3A_1779], %swap3A_1782 {strides = array<i32>} : memref<32x128xf32, #tpu.memory_space<vmem>>, vector<1x16xf32>,
    %broadcast_in_dim3A_1783 = arith.constant 0.000000e+00 : f32
    %broadcast_in_dim3A_1784 = vector.broadcast %broadcast_in_dim3A_1783 : f32 to vector<16xf32>
    %swap3A_1785 = arith.constant 27 : i32
    %swap3A_1786 = arith.index_cast %swap3A_1785 : i32 to index
    %swap3A_1787 = arith.constant 112 : index
    %swap3A_1788 = tpu.vector_load %arg16[%swap3A_1786, %swap3A_1787] {strides = array<i32>} : memref<32x128xf32, #tpu.memory_space<vmem>>, vector<1x16xf32>,
    %swap3A_1789 = vector.shape_cast %swap3A_1788 : vector<1x16xf32> to vector<16xf32>
    %swap3A_1790 = vector.shape_cast %broadcast_in_dim3A_1784 : vector<16xf32> to vector<1x16xf32>
    tpu.vector_store %arg16[%swap3A_1786, %swap3A_1787], %swap3A_1790 {strides = array<i32>} : memref<32x128xf32, #tpu.memory_space<vmem>>, vector<1x16xf32>,
    %broadcast_in_dim3A_1791 = arith.constant 0.000000e+00 : f32
    %broadcast_in_dim3A_1792 = vector.broadcast %broadcast_in_dim3A_1791 : f32 to vector<16xf32>
    %swap3A_1793 = arith.constant 28 : i32
    %swap3A_1794 = arith.index_cast %swap3A_1793 : i32 to index
    %swap3A_1795 = arith.constant 0 : index
    %swap3A_1796 = tpu.vector_load %arg16[%swap3A_1794, %swap3A_1795] {strides = array<i32>} : memref<32x128xf32, #tpu.memory_space<vmem>>, vector<1x16xf32>,
    %swap3A_1797 = vector.shape_cast %swap3A_1796 : vector<1x16xf32> to vector<16xf32>
    %swap3A_1798 = vector.shape_cast %broadcast_in_dim3A_1792 : vector<16xf32> to vector<1x16xf32>
    tpu.vector_store %arg16[%swap3A_1794, %swap3A_1795], %swap3A_1798 {strides = array<i32>} : memref<32x128xf32, #tpu.memory_space<vmem>>, vector<1x16xf32>,
    %broadcast_in_dim3A_1799 = arith.constant 0.000000e+00 : f32
    %broadcast_in_dim3A_1800 = vector.broadcast %broadcast_in_dim3A_1799 : f32 to vector<16xf32>
    %swap3A_1801 = arith.constant 28 : i32
    %swap3A_1802 = arith.index_cast %swap3A_1801 : i32 to index
    %swap3A_1803 = arith.constant 16 : index
    %swap3A_1804 = tpu.vector_load %arg16[%swap3A_1802, %swap3A_1803] {strides = array<i32>} : memref<32x128xf32, #tpu.memory_space<vmem>>, vector<1x16xf32>,
    %swap3A_1805 = vector.shape_cast %swap3A_1804 : vector<1x16xf32> to vector<16xf32>
    %swap3A_1806 = vector.shape_cast %broadcast_in_dim3A_1800 : vector<16xf32> to vector<1x16xf32>
    tpu.vector_store %arg16[%swap3A_1802, %swap3A_1803], %swap3A_1806 {strides = array<i32>} : memref<32x128xf32, #tpu.memory_space<vmem>>, vector<1x16xf32>,
    %broadcast_in_dim3A_1807 = arith.constant 0.000000e+00 : f32
    %broadcast_in_dim3A_1808 = vector.broadcast %broadcast_in_dim3A_1807 : f32 to vector<16xf32>
    %swap3A_1809 = arith.constant 28 : i32
    %swap3A_1810 = arith.index_cast %swap3A_1809 : i32 to index
    %swap3A_1811 = arith.constant 32 : index
    %swap3A_1812 = tpu.vector_load %arg16[%swap3A_1810, %swap3A_1811] {strides = array<i32>} : memref<32x128xf32, #tpu.memory_space<vmem>>, vector<1x16xf32>,
    %swap3A_1813 = vector.shape_cast %swap3A_1812 : vector<1x16xf32> to vector<16xf32>
    %swap3A_1814 = vector.shape_cast %broadcast_in_dim3A_1808 : vector<16xf32> to vector<1x16xf32>
    tpu.vector_store %arg16[%swap3A_1810, %swap3A_1811], %swap3A_1814 {strides = array<i32>} : memref<32x128xf32, #tpu.memory_space<vmem>>, vector<1x16xf32>,
    %broadcast_in_dim3A_1815 = arith.constant 0.000000e+00 : f32
    %broadcast_in_dim3A_1816 = vector.broadcast %broadcast_in_dim3A_1815 : f32 to vector<16xf32>
    %swap3A_1817 = arith.constant 28 : i32
    %swap3A_1818 = arith.index_cast %swap3A_1817 : i32 to index
    %swap3A_1819 = arith.constant 48 : index
    %swap3A_1820 = tpu.vector_load %arg16[%swap3A_1818, %swap3A_1819] {strides = array<i32>} : memref<32x128xf32, #tpu.memory_space<vmem>>, vector<1x16xf32>,
    %swap3A_1821 = vector.shape_cast %swap3A_1820 : vector<1x16xf32> to vector<16xf32>
    %swap3A_1822 = vector.shape_cast %broadcast_in_dim3A_1816 : vector<16xf32> to vector<1x16xf32>
    tpu.vector_store %arg16[%swap3A_1818, %swap3A_1819], %swap3A_1822 {strides = array<i32>} : memref<32x128xf32, #tpu.memory_space<vmem>>, vector<1x16xf32>,
    %broadcast_in_dim3A_1823 = arith.constant 0.000000e+00 : f32
    %broadcast_in_dim3A_1824 = vector.broadcast %broadcast_in_dim3A_1823 : f32 to vector<16xf32>
    %swap3A_1825 = arith.constant 28 : i32
    %swap3A_1826 = arith.index_cast %swap3A_1825 : i32 to index
    %swap3A_1827 = arith.constant 64 : index
    %swap3A_1828 = tpu.vector_load %arg16[%swap3A_1826, %swap3A_1827] {strides = array<i32>} : memref<32x128xf32, #tpu.memory_space<vmem>>, vector<1x16xf32>,
    %swap3A_1829 = vector.shape_cast %swap3A_1828 : vector<1x16xf32> to vector<16xf32>
    %swap3A_1830 = vector.shape_cast %broadcast_in_dim3A_1824 : vector<16xf32> to vector<1x16xf32>
    tpu.vector_store %arg16[%swap3A_1826, %swap3A_1827], %swap3A_1830 {strides = array<i32>} : memref<32x128xf32, #tpu.memory_space<vmem>>, vector<1x16xf32>,
    %broadcast_in_dim3A_1831 = arith.constant 0.000000e+00 : f32
    %broadcast_in_dim3A_1832 = vector.broadcast %broadcast_in_dim3A_1831 : f32 to vector<16xf32>
    %swap3A_1833 = arith.constant 28 : i32
    %swap3A_1834 = arith.index_cast %swap3A_1833 : i32 to index
    %swap3A_1835 = arith.constant 80 : index
    %swap3A_1836 = tpu.vector_load %arg16[%swap3A_1834, %swap3A_1835] {strides = array<i32>} : memref<32x128xf32, #tpu.memory_space<vmem>>, vector<1x16xf32>,
    %swap3A_1837 = vector.shape_cast %swap3A_1836 : vector<1x16xf32> to vector<16xf32>
    %swap3A_1838 = vector.shape_cast %broadcast_in_dim3A_1832 : vector<16xf32> to vector<1x16xf32>
    tpu.vector_store %arg16[%swap3A_1834, %swap3A_1835], %swap3A_1838 {strides = array<i32>} : memref<32x128xf32, #tpu.memory_space<vmem>>, vector<1x16xf32>,
    %broadcast_in_dim3A_1839 = arith.constant 0.000000e+00 : f32
    %broadcast_in_dim3A_1840 = vector.broadcast %broadcast_in_dim3A_1839 : f32 to vector<16xf32>
    %swap3A_1841 = arith.constant 28 : i32
    %swap3A_1842 = arith.index_cast %swap3A_1841 : i32 to index
    %swap3A_1843 = arith.constant 96 : index
    %swap3A_1844 = tpu.vector_load %arg16[%swap3A_1842, %swap3A_1843] {strides = array<i32>} : memref<32x128xf32, #tpu.memory_space<vmem>>, vector<1x16xf32>,
    %swap3A_1845 = vector.shape_cast %swap3A_1844 : vector<1x16xf32> to vector<16xf32>
    %swap3A_1846 = vector.shape_cast %broadcast_in_dim3A_1840 : vector<16xf32> to vector<1x16xf32>
    tpu.vector_store %arg16[%swap3A_1842, %swap3A_1843], %swap3A_1846 {strides = array<i32>} : memref<32x128xf32, #tpu.memory_space<vmem>>, vector<1x16xf32>,
    %broadcast_in_dim3A_1847 = arith.constant 0.000000e+00 : f32
    %broadcast_in_dim3A_1848 = vector.broadcast %broadcast_in_dim3A_1847 : f32 to vector<16xf32>
    %swap3A_1849 = arith.constant 28 : i32
    %swap3A_1850 = arith.index_cast %swap3A_1849 : i32 to index
    %swap3A_1851 = arith.constant 112 : index
    %swap3A_1852 = tpu.vector_load %arg16[%swap3A_1850, %swap3A_1851] {strides = array<i32>} : memref<32x128xf32, #tpu.memory_space<vmem>>, vector<1x16xf32>,
    %swap3A_1853 = vector.shape_cast %swap3A_1852 : vector<1x16xf32> to vector<16xf32>
    %swap3A_1854 = vector.shape_cast %broadcast_in_dim3A_1848 : vector<16xf32> to vector<1x16xf32>
    tpu.vector_store %arg16[%swap3A_1850, %swap3A_1851], %swap3A_1854 {strides = array<i32>} : memref<32x128xf32, #tpu.memory_space<vmem>>, vector<1x16xf32>,
    %broadcast_in_dim3A_1855 = arith.constant 0.000000e+00 : f32
    %broadcast_in_dim3A_1856 = vector.broadcast %broadcast_in_dim3A_1855 : f32 to vector<16xf32>
    %swap3A_1857 = arith.constant 29 : i32
    %swap3A_1858 = arith.index_cast %swap3A_1857 : i32 to index
    %swap3A_1859 = arith.constant 0 : index
    %swap3A_1860 = tpu.vector_load %arg16[%swap3A_1858, %swap3A_1859] {strides = array<i32>} : memref<32x128xf32, #tpu.memory_space<vmem>>, vector<1x16xf32>,
    %swap3A_1861 = vector.shape_cast %swap3A_1860 : vector<1x16xf32> to vector<16xf32>
    %swap3A_1862 = vector.shape_cast %broadcast_in_dim3A_1856 : vector<16xf32> to vector<1x16xf32>
    tpu.vector_store %arg16[%swap3A_1858, %swap3A_1859], %swap3A_1862 {strides = array<i32>} : memref<32x128xf32, #tpu.memory_space<vmem>>, vector<1x16xf32>,
    %broadcast_in_dim3A_1863 = arith.constant 0.000000e+00 : f32
    %broadcast_in_dim3A_1864 = vector.broadcast %broadcast_in_dim3A_1863 : f32 to vector<16xf32>
    %swap3A_1865 = arith.constant 29 : i32
    %swap3A_1866 = arith.index_cast %swap3A_1865 : i32 to index
    %swap3A_1867 = arith.constant 16 : index
    %swap3A_1868 = tpu.vector_load %arg16[%swap3A_1866, %swap3A_1867] {strides = array<i32>} : memref<32x128xf32, #tpu.memory_space<vmem>>, vector<1x16xf32>,
    %swap3A_1869 = vector.shape_cast %swap3A_1868 : vector<1x16xf32> to vector<16xf32>
    %swap3A_1870 = vector.shape_cast %broadcast_in_dim3A_1864 : vector<16xf32> to vector<1x16xf32>
    tpu.vector_store %arg16[%swap3A_1866, %swap3A_1867], %swap3A_1870 {strides = array<i32>} : memref<32x128xf32, #tpu.memory_space<vmem>>, vector<1x16xf32>,
    %broadcast_in_dim3A_1871 = arith.constant 0.000000e+00 : f32
    %broadcast_in_dim3A_1872 = vector.broadcast %broadcast_in_dim3A_1871 : f32 to vector<16xf32>
    %swap3A_1873 = arith.constant 29 : i32
    %swap3A_1874 = arith.index_cast %swap3A_1873 : i32 to index
    %swap3A_1875 = arith.constant 32 : index
    %swap3A_1876 = tpu.vector_load %arg16[%swap3A_1874, %swap3A_1875] {strides = array<i32>} : memref<32x128xf32, #tpu.memory_space<vmem>>, vector<1x16xf32>,
    %swap3A_1877 = vector.shape_cast %swap3A_1876 : vector<1x16xf32> to vector<16xf32>
    %swap3A_1878 = vector.shape_cast %broadcast_in_dim3A_1872 : vector<16xf32> to vector<1x16xf32>
    tpu.vector_store %arg16[%swap3A_1874, %swap3A_1875], %swap3A_1878 {strides = array<i32>} : memref<32x128xf32, #tpu.memory_space<vmem>>, vector<1x16xf32>,
    %broadcast_in_dim3A_1879 = arith.constant 0.000000e+00 : f32
    %broadcast_in_dim3A_1880 = vector.broadcast %broadcast_in_dim3A_1879 : f32 to vector<16xf32>
    %swap3A_1881 = arith.constant 29 : i32
    %swap3A_1882 = arith.index_cast %swap3A_1881 : i32 to index
    %swap3A_1883 = arith.constant 48 : index
    %swap3A_1884 = tpu.vector_load %arg16[%swap3A_1882, %swap3A_1883] {strides = array<i32>} : memref<32x128xf32, #tpu.memory_space<vmem>>, vector<1x16xf32>,
    %swap3A_1885 = vector.shape_cast %swap3A_1884 : vector<1x16xf32> to vector<16xf32>
    %swap3A_1886 = vector.shape_cast %broadcast_in_dim3A_1880 : vector<16xf32> to vector<1x16xf32>
    tpu.vector_store %arg16[%swap3A_1882, %swap3A_1883], %swap3A_1886 {strides = array<i32>} : memref<32x128xf32, #tpu.memory_space<vmem>>, vector<1x16xf32>,
    %broadcast_in_dim3A_1887 = arith.constant 0.000000e+00 : f32
    %broadcast_in_dim3A_1888 = vector.broadcast %broadcast_in_dim3A_1887 : f32 to vector<16xf32>
    %swap3A_1889 = arith.constant 29 : i32
    %swap3A_1890 = arith.index_cast %swap3A_1889 : i32 to index
    %swap3A_1891 = arith.constant 64 : index
    %swap3A_1892 = tpu.vector_load %arg16[%swap3A_1890, %swap3A_1891] {strides = array<i32>} : memref<32x128xf32, #tpu.memory_space<vmem>>, vector<1x16xf32>,
    %swap3A_1893 = vector.shape_cast %swap3A_1892 : vector<1x16xf32> to vector<16xf32>
    %swap3A_1894 = vector.shape_cast %broadcast_in_dim3A_1888 : vector<16xf32> to vector<1x16xf32>
    tpu.vector_store %arg16[%swap3A_1890, %swap3A_1891], %swap3A_1894 {strides = array<i32>} : memref<32x128xf32, #tpu.memory_space<vmem>>, vector<1x16xf32>,
    %broadcast_in_dim3A_1895 = arith.constant 0.000000e+00 : f32
    %broadcast_in_dim3A_1896 = vector.broadcast %broadcast_in_dim3A_1895 : f32 to vector<16xf32>
    %swap3A_1897 = arith.constant 29 : i32
    %swap3A_1898 = arith.index_cast %swap3A_1897 : i32 to index
    %swap3A_1899 = arith.constant 80 : index
    %swap3A_1900 = tpu.vector_load %arg16[%swap3A_1898, %swap3A_1899] {strides = array<i32>} : memref<32x128xf32, #tpu.memory_space<vmem>>, vector<1x16xf32>,
    %swap3A_1901 = vector.shape_cast %swap3A_1900 : vector<1x16xf32> to vector<16xf32>
    %swap3A_1902 = vector.shape_cast %broadcast_in_dim3A_1896 : vector<16xf32> to vector<1x16xf32>
    tpu.vector_store %arg16[%swap3A_1898, %swap3A_1899], %swap3A_1902 {strides = array<i32>} : memref<32x128xf32, #tpu.memory_space<vmem>>, vector<1x16xf32>,
    %broadcast_in_dim3A_1903 = arith.constant 0.000000e+00 : f32
    %broadcast_in_dim3A_1904 = vector.broadcast %broadcast_in_dim3A_1903 : f32 to vector<16xf32>
    %swap3A_1905 = arith.constant 29 : i32
    %swap3A_1906 = arith.index_cast %swap3A_1905 : i32 to index
    %swap3A_1907 = arith.constant 96 : index
    %swap3A_1908 = tpu.vector_load %arg16[%swap3A_1906, %swap3A_1907] {strides = array<i32>} : memref<32x128xf32, #tpu.memory_space<vmem>>, vector<1x16xf32>,
    %swap3A_1909 = vector.shape_cast %swap3A_1908 : vector<1x16xf32> to vector<16xf32>
    %swap3A_1910 = vector.shape_cast %broadcast_in_dim3A_1904 : vector<16xf32> to vector<1x16xf32>
    tpu.vector_store %arg16[%swap3A_1906, %swap3A_1907], %swap3A_1910 {strides = array<i32>} : memref<32x128xf32, #tpu.memory_space<vmem>>, vector<1x16xf32>,
    %broadcast_in_dim3A_1911 = arith.constant 0.000000e+00 : f32
    %broadcast_in_dim3A_1912 = vector.broadcast %broadcast_in_dim3A_1911 : f32 to vector<16xf32>
    %swap3A_1913 = arith.constant 29 : i32
    %swap3A_1914 = arith.index_cast %swap3A_1913 : i32 to index
    %swap3A_1915 = arith.constant 112 : index
    %swap3A_1916 = tpu.vector_load %arg16[%swap3A_1914, %swap3A_1915] {strides = array<i32>} : memref<32x128xf32, #tpu.memory_space<vmem>>, vector<1x16xf32>,
    %swap3A_1917 = vector.shape_cast %swap3A_1916 : vector<1x16xf32> to vector<16xf32>
    %swap3A_1918 = vector.shape_cast %broadcast_in_dim3A_1912 : vector<16xf32> to vector<1x16xf32>
    tpu.vector_store %arg16[%swap3A_1914, %swap3A_1915], %swap3A_1918 {strides = array<i32>} : memref<32x128xf32, #tpu.memory_space<vmem>>, vector<1x16xf32>,
    %broadcast_in_dim3A_1919 = arith.constant 0.000000e+00 : f32
    %broadcast_in_dim3A_1920 = vector.broadcast %broadcast_in_dim3A_1919 : f32 to vector<16xf32>
    %swap3A_1921 = arith.constant 30 : i32
    %swap3A_1922 = arith.index_cast %swap3A_1921 : i32 to index
    %swap3A_1923 = arith.constant 0 : index
    %swap3A_1924 = tpu.vector_load %arg16[%swap3A_1922, %swap3A_1923] {strides = array<i32>} : memref<32x128xf32, #tpu.memory_space<vmem>>, vector<1x16xf32>,
    %swap3A_1925 = vector.shape_cast %swap3A_1924 : vector<1x16xf32> to vector<16xf32>
    %swap3A_1926 = vector.shape_cast %broadcast_in_dim3A_1920 : vector<16xf32> to vector<1x16xf32>
    tpu.vector_store %arg16[%swap3A_1922, %swap3A_1923], %swap3A_1926 {strides = array<i32>} : memref<32x128xf32, #tpu.memory_space<vmem>>, vector<1x16xf32>,
    %broadcast_in_dim3A_1927 = arith.constant 0.000000e+00 : f32
    %broadcast_in_dim3A_1928 = vector.broadcast %broadcast_in_dim3A_1927 : f32 to vector<16xf32>
    %swap3A_1929 = arith.constant 30 : i32
    %swap3A_1930 = arith.index_cast %swap3A_1929 : i32 to index
    %swap3A_1931 = arith.constant 16 : index
    %swap3A_1932 = tpu.vector_load %arg16[%swap3A_1930, %swap3A_1931] {strides = array<i32>} : memref<32x128xf32, #tpu.memory_space<vmem>>, vector<1x16xf32>,
    %swap3A_1933 = vector.shape_cast %swap3A_1932 : vector<1x16xf32> to vector<16xf32>
    %swap3A_1934 = vector.shape_cast %broadcast_in_dim3A_1928 : vector<16xf32> to vector<1x16xf32>
    tpu.vector_store %arg16[%swap3A_1930, %swap3A_1931], %swap3A_1934 {strides = array<i32>} : memref<32x128xf32, #tpu.memory_space<vmem>>, vector<1x16xf32>,
    %broadcast_in_dim3A_1935 = arith.constant 0.000000e+00 : f32
    %broadcast_in_dim3A_1936 = vector.broadcast %broadcast_in_dim3A_1935 : f32 to vector<16xf32>
    %swap3A_1937 = arith.constant 30 : i32
    %swap3A_1938 = arith.index_cast %swap3A_1937 : i32 to index
    %swap3A_1939 = arith.constant 32 : index
    %swap3A_1940 = tpu.vector_load %arg16[%swap3A_1938, %swap3A_1939] {strides = array<i32>} : memref<32x128xf32, #tpu.memory_space<vmem>>, vector<1x16xf32>,
    %swap3A_1941 = vector.shape_cast %swap3A_1940 : vector<1x16xf32> to vector<16xf32>
    %swap3A_1942 = vector.shape_cast %broadcast_in_dim3A_1936 : vector<16xf32> to vector<1x16xf32>
    tpu.vector_store %arg16[%swap3A_1938, %swap3A_1939], %swap3A_1942 {strides = array<i32>} : memref<32x128xf32, #tpu.memory_space<vmem>>, vector<1x16xf32>,
    %broadcast_in_dim3A_1943 = arith.constant 0.000000e+00 : f32
    %broadcast_in_dim3A_1944 = vector.broadcast %broadcast_in_dim3A_1943 : f32 to vector<16xf32>
    %swap3A_1945 = arith.constant 30 : i32
    %swap3A_1946 = arith.index_cast %swap3A_1945 : i32 to index
    %swap3A_1947 = arith.constant 48 : index
    %swap3A_1948 = tpu.vector_load %arg16[%swap3A_1946, %swap3A_1947] {strides = array<i32>} : memref<32x128xf32, #tpu.memory_space<vmem>>, vector<1x16xf32>,
    %swap3A_1949 = vector.shape_cast %swap3A_1948 : vector<1x16xf32> to vector<16xf32>
    %swap3A_1950 = vector.shape_cast %broadcast_in_dim3A_1944 : vector<16xf32> to vector<1x16xf32>
    tpu.vector_store %arg16[%swap3A_1946, %swap3A_1947], %swap3A_1950 {strides = array<i32>} : memref<32x128xf32, #tpu.memory_space<vmem>>, vector<1x16xf32>,
    %broadcast_in_dim3A_1951 = arith.constant 0.000000e+00 : f32
    %broadcast_in_dim3A_1952 = vector.broadcast %broadcast_in_dim3A_1951 : f32 to vector<16xf32>
    %swap3A_1953 = arith.constant 30 : i32
    %swap3A_1954 = arith.index_cast %swap3A_1953 : i32 to index
    %swap3A_1955 = arith.constant 64 : index
    %swap3A_1956 = tpu.vector_load %arg16[%swap3A_1954, %swap3A_1955] {strides = array<i32>} : memref<32x128xf32, #tpu.memory_space<vmem>>, vector<1x16xf32>,
    %swap3A_1957 = vector.shape_cast %swap3A_1956 : vector<1x16xf32> to vector<16xf32>
    %swap3A_1958 = vector.shape_cast %broadcast_in_dim3A_1952 : vector<16xf32> to vector<1x16xf32>
    tpu.vector_store %arg16[%swap3A_1954, %swap3A_1955], %swap3A_1958 {strides = array<i32>} : memref<32x128xf32, #tpu.memory_space<vmem>>, vector<1x16xf32>,
    %broadcast_in_dim3A_1959 = arith.constant 0.000000e+00 : f32
    %broadcast_in_dim3A_1960 = vector.broadcast %broadcast_in_dim3A_1959 : f32 to vector<16xf32>
    %swap3A_1961 = arith.constant 30 : i32
    %swap3A_1962 = arith.index_cast %swap3A_1961 : i32 to index
    %swap3A_1963 = arith.constant 80 : index
    %swap3A_1964 = tpu.vector_load %arg16[%swap3A_1962, %swap3A_1963] {strides = array<i32>} : memref<32x128xf32, #tpu.memory_space<vmem>>, vector<1x16xf32>,
    %swap3A_1965 = vector.shape_cast %swap3A_1964 : vector<1x16xf32> to vector<16xf32>
    %swap3A_1966 = vector.shape_cast %broadcast_in_dim3A_1960 : vector<16xf32> to vector<1x16xf32>
    tpu.vector_store %arg16[%swap3A_1962, %swap3A_1963], %swap3A_1966 {strides = array<i32>} : memref<32x128xf32, #tpu.memory_space<vmem>>, vector<1x16xf32>,
    %broadcast_in_dim3A_1967 = arith.constant 0.000000e+00 : f32
    %broadcast_in_dim3A_1968 = vector.broadcast %broadcast_in_dim3A_1967 : f32 to vector<16xf32>
    %swap3A_1969 = arith.constant 30 : i32
    %swap3A_1970 = arith.index_cast %swap3A_1969 : i32 to index
    %swap3A_1971 = arith.constant 96 : index
    %swap3A_1972 = tpu.vector_load %arg16[%swap3A_1970, %swap3A_1971] {strides = array<i32>} : memref<32x128xf32, #tpu.memory_space<vmem>>, vector<1x16xf32>,
    %swap3A_1973 = vector.shape_cast %swap3A_1972 : vector<1x16xf32> to vector<16xf32>
    %swap3A_1974 = vector.shape_cast %broadcast_in_dim3A_1968 : vector<16xf32> to vector<1x16xf32>
    tpu.vector_store %arg16[%swap3A_1970, %swap3A_1971], %swap3A_1974 {strides = array<i32>} : memref<32x128xf32, #tpu.memory_space<vmem>>, vector<1x16xf32>,
    %broadcast_in_dim3A_1975 = arith.constant 0.000000e+00 : f32
    %broadcast_in_dim3A_1976 = vector.broadcast %broadcast_in_dim3A_1975 : f32 to vector<16xf32>
    %swap3A_1977 = arith.constant 30 : i32
    %swap3A_1978 = arith.index_cast %swap3A_1977 : i32 to index
    %swap3A_1979 = arith.constant 112 : index
    %swap3A_1980 = tpu.vector_load %arg16[%swap3A_1978, %swap3A_1979] {strides = array<i32>} : memref<32x128xf32, #tpu.memory_space<vmem>>, vector<1x16xf32>,
    %swap3A_1981 = vector.shape_cast %swap3A_1980 : vector<1x16xf32> to vector<16xf32>
    %swap3A_1982 = vector.shape_cast %broadcast_in_dim3A_1976 : vector<16xf32> to vector<1x16xf32>
    tpu.vector_store %arg16[%swap3A_1978, %swap3A_1979], %swap3A_1982 {strides = array<i32>} : memref<32x128xf32, #tpu.memory_space<vmem>>, vector<1x16xf32>,
    %broadcast_in_dim3A_1983 = arith.constant 0.000000e+00 : f32
    %broadcast_in_dim3A_1984 = vector.broadcast %broadcast_in_dim3A_1983 : f32 to vector<16xf32>
    %swap3A_1985 = arith.constant 31 : i32
    %swap3A_1986 = arith.index_cast %swap3A_1985 : i32 to index
    %swap3A_1987 = arith.constant 0 : index
    %swap3A_1988 = tpu.vector_load %arg16[%swap3A_1986, %swap3A_1987] {strides = array<i32>} : memref<32x128xf32, #tpu.memory_space<vmem>>, vector<1x16xf32>,
    %swap3A_1989 = vector.shape_cast %swap3A_1988 : vector<1x16xf32> to vector<16xf32>
    %swap3A_1990 = vector.shape_cast %broadcast_in_dim3A_1984 : vector<16xf32> to vector<1x16xf32>
    tpu.vector_store %arg16[%swap3A_1986, %swap3A_1987], %swap3A_1990 {strides = array<i32>} : memref<32x128xf32, #tpu.memory_space<vmem>>, vector<1x16xf32>,
    %broadcast_in_dim3A_1991 = arith.constant 0.000000e+00 : f32
    %broadcast_in_dim3A_1992 = vector.broadcast %broadcast_in_dim3A_1991 : f32 to vector<16xf32>
    %swap3A_1993 = arith.constant 31 : i32
    %swap3A_1994 = arith.index_cast %swap3A_1993 : i32 to index
    %swap3A_1995 = arith.constant 16 : index
    %swap3A_1996 = tpu.vector_load %arg16[%swap3A_1994, %swap3A_1995] {strides = array<i32>} : memref<32x128xf32, #tpu.memory_space<vmem>>, vector<1x16xf32>,
    %swap3A_1997 = vector.shape_cast %swap3A_1996 : vector<1x16xf32> to vector<16xf32>
    %swap3A_1998 = vector.shape_cast %broadcast_in_dim3A_1992 : vector<16xf32> to vector<1x16xf32>
    tpu.vector_store %arg16[%swap3A_1994, %swap3A_1995], %swap3A_1998 {strides = array<i32>} : memref<32x128xf32, #tpu.memory_space<vmem>>, vector<1x16xf32>,
    %broadcast_in_dim3A_1999 = arith.constant 0.000000e+00 : f32
    %broadcast_in_dim3A_2000 = vector.broadcast %broadcast_in_dim3A_1999 : f32 to vector<16xf32>
    %swap3A_2001 = arith.constant 31 : i32
    %swap3A_2002 = arith.index_cast %swap3A_2001 : i32 to index
    %swap3A_2003 = arith.constant 32 : index
    %swap3A_2004 = tpu.vector_load %arg16[%swap3A_2002, %swap3A_2003] {strides = array<i32>} : memref<32x128xf32, #tpu.memory_space<vmem>>, vector<1x16xf32>,
    %swap3A_2005 = vector.shape_cast %swap3A_2004 : vector<1x16xf32> to vector<16xf32>
    %swap3A_2006 = vector.shape_cast %broadcast_in_dim3A_2000 : vector<16xf32> to vector<1x16xf32>
    tpu.vector_store %arg16[%swap3A_2002, %swap3A_2003], %swap3A_2006 {strides = array<i32>} : memref<32x128xf32, #tpu.memory_space<vmem>>, vector<1x16xf32>,
    %broadcast_in_dim3A_2007 = arith.constant 0.000000e+00 : f32
    %broadcast_in_dim3A_2008 = vector.broadcast %broadcast_in_dim3A_2007 : f32 to vector<16xf32>
    %swap3A_2009 = arith.constant 31 : i32
    %swap3A_2010 = arith.index_cast %swap3A_2009 : i32 to index
    %swap3A_2011 = arith.constant 48 : index
    %swap3A_2012 = tpu.vector_load %arg16[%swap3A_2010, %swap3A_2011] {strides = array<i32>} : memref<32x128xf32, #tpu.memory_space<vmem>>, vector<1x16xf32>,
    %swap3A_2013 = vector.shape_cast %swap3A_2012 : vector<1x16xf32> to vector<16xf32>
    %swap3A_2014 = vector.shape_cast %broadcast_in_dim3A_2008 : vector<16xf32> to vector<1x16xf32>
    tpu.vector_store %arg16[%swap3A_2010, %swap3A_2011], %swap3A_2014 {strides = array<i32>} : memref<32x128xf32, #tpu.memory_space<vmem>>, vector<1x16xf32>,
    %broadcast_in_dim3A_2015 = arith.constant 0.000000e+00 : f32
    %broadcast_in_dim3A_2016 = vector.broadcast %broadcast_in_dim3A_2015 : f32 to vector<16xf32>
    %swap3A_2017 = arith.constant 31 : i32
    %swap3A_2018 = arith.index_cast %swap3A_2017 : i32 to index
    %swap3A_2019 = arith.constant 64 : index
    %swap3A_2020 = tpu.vector_load %arg16[%swap3A_2018, %swap3A_2019] {strides = array<i32>} : memref<32x128xf32, #tpu.memory_space<vmem>>, vector<1x16xf32>,
    %swap3A_2021 = vector.shape_cast %swap3A_2020 : vector<1x16xf32> to vector<16xf32>
    %swap3A_2022 = vector.shape_cast %broadcast_in_dim3A_2016 : vector<16xf32> to vector<1x16xf32>
    tpu.vector_store %arg16[%swap3A_2018, %swap3A_2019], %swap3A_2022 {strides = array<i32>} : memref<32x128xf32, #tpu.memory_space<vmem>>, vector<1x16xf32>,
    %broadcast_in_dim3A_2023 = arith.constant 0.000000e+00 : f32
    %broadcast_in_dim3A_2024 = vector.broadcast %broadcast_in_dim3A_2023 : f32 to vector<16xf32>
    %swap3A_2025 = arith.constant 31 : i32
    %swap3A_2026 = arith.index_cast %swap3A_2025 : i32 to index
    %swap3A_2027 = arith.constant 80 : index
    %swap3A_2028 = tpu.vector_load %arg16[%swap3A_2026, %swap3A_2027] {strides = array<i32>} : memref<32x128xf32, #tpu.memory_space<vmem>>, vector<1x16xf32>,
    %swap3A_2029 = vector.shape_cast %swap3A_2028 : vector<1x16xf32> to vector<16xf32>
    %swap3A_2030 = vector.shape_cast %broadcast_in_dim3A_2024 : vector<16xf32> to vector<1x16xf32>
    tpu.vector_store %arg16[%swap3A_2026, %swap3A_2027], %swap3A_2030 {strides = array<i32>} : memref<32x128xf32, #tpu.memory_space<vmem>>, vector<1x16xf32>,
    %broadcast_in_dim3A_2031 = arith.constant 0.000000e+00 : f32
    %broadcast_in_dim3A_2032 = vector.broadcast %broadcast_in_dim3A_2031 : f32 to vector<16xf32>
    %swap3A_2033 = arith.constant 31 : i32
    %swap3A_2034 = arith.index_cast %swap3A_2033 : i32 to index
    %swap3A_2035 = arith.constant 96 : index
    %swap3A_2036 = tpu.vector_load %arg16[%swap3A_2034, %swap3A_2035] {strides = array<i32>} : memref<32x128xf32, #tpu.memory_space<vmem>>, vector<1x16xf32>,
    %swap3A_2037 = vector.shape_cast %swap3A_2036 : vector<1x16xf32> to vector<16xf32>
    %swap3A_2038 = vector.shape_cast %broadcast_in_dim3A_2032 : vector<16xf32> to vector<1x16xf32>
    tpu.vector_store %arg16[%swap3A_2034, %swap3A_2035], %swap3A_2038 {strides = array<i32>} : memref<32x128xf32, #tpu.memory_space<vmem>>, vector<1x16xf32>,
    %broadcast_in_dim3A_2039 = arith.constant 0.000000e+00 : f32
    %broadcast_in_dim3A_2040 = vector.broadcast %broadcast_in_dim3A_2039 : f32 to vector<16xf32>
    %swap3A_2041 = arith.constant 31 : i32
    %swap3A_2042 = arith.index_cast %swap3A_2041 : i32 to index
    %swap3A_2043 = arith.constant 112 : index
    %swap3A_2044 = tpu.vector_load %arg16[%swap3A_2042, %swap3A_2043] {strides = array<i32>} : memref<32x128xf32, #tpu.memory_space<vmem>>, vector<1x16xf32>,
    %swap3A_2045 = vector.shape_cast %swap3A_2044 : vector<1x16xf32> to vector<16xf32>
    %swap3A_2046 = vector.shape_cast %broadcast_in_dim3A_2040 : vector<16xf32> to vector<1x16xf32>
    tpu.vector_store %arg16[%swap3A_2042, %swap3A_2043], %swap3A_2046 {strides = array<i32>} : memref<32x128xf32, #tpu.memory_space<vmem>>, vector<1x16xf32>,
    %broadcast_in_dim3A_2047 = arith.constant 0.000000e+00 : f32
    %broadcast_in_dim3A_2048 = vector.broadcast %broadcast_in_dim3A_2047 : f32 to vector<16xf32>
    %swap3A_2049 = arith.constant 0 : index
    %swap3A_2050 = tpu.vector_load %arg17[%swap3A_2049] {strides = array<i32>} : memref<512xf32, #tpu.memory_space<vmem>>, vector<16xf32>,
    %swap3A_2051 = vector.shape_cast %swap3A_2050 : vector<16xf32> to vector<16xf32>
    %swap3A_2052 = vector.shape_cast %broadcast_in_dim3A_2048 : vector<16xf32> to vector<16xf32>
    tpu.vector_store %arg17[%swap3A_2049], %swap3A_2052 {strides = array<i32>} : memref<512xf32, #tpu.memory_space<vmem>>, vector<16xf32>,
    %broadcast_in_dim3A_2053 = arith.constant 0.000000e+00 : f32
    %broadcast_in_dim3A_2054 = vector.broadcast %broadcast_in_dim3A_2053 : f32 to vector<16xf32>
    %swap3A_2055 = arith.constant 16 : index
    %swap3A_2056 = tpu.vector_load %arg17[%swap3A_2055] {strides = array<i32>} : memref<512xf32, #tpu.memory_space<vmem>>, vector<16xf32>,
    %swap3A_2057 = vector.shape_cast %swap3A_2056 : vector<16xf32> to vector<16xf32>
    %swap3A_2058 = vector.shape_cast %broadcast_in_dim3A_2054 : vector<16xf32> to vector<16xf32>
    tpu.vector_store %arg17[%swap3A_2055], %swap3A_2058 {strides = array<i32>} : memref<512xf32, #tpu.memory_space<vmem>>, vector<16xf32>,
    %broadcast_in_dim3A_2059 = arith.constant 0.000000e+00 : f32
    %broadcast_in_dim3A_2060 = vector.broadcast %broadcast_in_dim3A_2059 : f32 to vector<16xf32>
    %swap3A_2061 = arith.constant 32 : index
    %swap3A_2062 = tpu.vector_load %arg17[%swap3A_2061] {strides = array<i32>} : memref<512xf32, #tpu.memory_space<vmem>>, vector<16xf32>,
    %swap3A_2063 = vector.shape_cast %swap3A_2062 : vector<16xf32> to vector<16xf32>
    %swap3A_2064 = vector.shape_cast %broadcast_in_dim3A_2060 : vector<16xf32> to vector<16xf32>
    tpu.vector_store %arg17[%swap3A_2061], %swap3A_2064 {strides = array<i32>} : memref<512xf32, #tpu.memory_space<vmem>>, vector<16xf32>,
    %broadcast_in_dim3A_2065 = arith.constant 0.000000e+00 : f32
    %broadcast_in_dim3A_2066 = vector.broadcast %broadcast_in_dim3A_2065 : f32 to vector<16xf32>
    %swap3A_2067 = arith.constant 48 : index
    %swap3A_2068 = tpu.vector_load %arg17[%swap3A_2067] {strides = array<i32>} : memref<512xf32, #tpu.memory_space<vmem>>, vector<16xf32>,
    %swap3A_2069 = vector.shape_cast %swap3A_2068 : vector<16xf32> to vector<16xf32>
    %swap3A_2070 = vector.shape_cast %broadcast_in_dim3A_2066 : vector<16xf32> to vector<16xf32>
    tpu.vector_store %arg17[%swap3A_2067], %swap3A_2070 {strides = array<i32>} : memref<512xf32, #tpu.memory_space<vmem>>, vector<16xf32>,
    %broadcast_in_dim3A_2071 = arith.constant 0.000000e+00 : f32
    %broadcast_in_dim3A_2072 = vector.broadcast %broadcast_in_dim3A_2071 : f32 to vector<16xf32>
    %swap3A_2073 = arith.constant 64 : index
    %swap3A_2074 = tpu.vector_load %arg17[%swap3A_2073] {strides = array<i32>} : memref<512xf32, #tpu.memory_space<vmem>>, vector<16xf32>,
    %swap3A_2075 = vector.shape_cast %swap3A_2074 : vector<16xf32> to vector<16xf32>
    %swap3A_2076 = vector.shape_cast %broadcast_in_dim3A_2072 : vector<16xf32> to vector<16xf32>
    tpu.vector_store %arg17[%swap3A_2073], %swap3A_2076 {strides = array<i32>} : memref<512xf32, #tpu.memory_space<vmem>>, vector<16xf32>,
    %broadcast_in_dim3A_2077 = arith.constant 0.000000e+00 : f32
    %broadcast_in_dim3A_2078 = vector.broadcast %broadcast_in_dim3A_2077 : f32 to vector<16xf32>
    %swap3A_2079 = arith.constant 80 : index
    %swap3A_2080 = tpu.vector_load %arg17[%swap3A_2079] {strides = array<i32>} : memref<512xf32, #tpu.memory_space<vmem>>, vector<16xf32>,
    %swap3A_2081 = vector.shape_cast %swap3A_2080 : vector<16xf32> to vector<16xf32>
    %swap3A_2082 = vector.shape_cast %broadcast_in_dim3A_2078 : vector<16xf32> to vector<16xf32>
    tpu.vector_store %arg17[%swap3A_2079], %swap3A_2082 {strides = array<i32>} : memref<512xf32, #tpu.memory_space<vmem>>, vector<16xf32>,
    %broadcast_in_dim3A_2083 = arith.constant 0.000000e+00 : f32
    %broadcast_in_dim3A_2084 = vector.broadcast %broadcast_in_dim3A_2083 : f32 to vector<16xf32>
    %swap3A_2085 = arith.constant 96 : index
    %swap3A_2086 = tpu.vector_load %arg17[%swap3A_2085] {strides = array<i32>} : memref<512xf32, #tpu.memory_space<vmem>>, vector<16xf32>,
    %swap3A_2087 = vector.shape_cast %swap3A_2086 : vector<16xf32> to vector<16xf32>
    %swap3A_2088 = vector.shape_cast %broadcast_in_dim3A_2084 : vector<16xf32> to vector<16xf32>
    tpu.vector_store %arg17[%swap3A_2085], %swap3A_2088 {strides = array<i32>} : memref<512xf32, #tpu.memory_space<vmem>>, vector<16xf32>,
    %broadcast_in_dim3A_2089 = arith.constant 0.000000e+00 : f32
    %broadcast_in_dim3A_2090 = vector.broadcast %broadcast_in_dim3A_2089 : f32 to vector<16xf32>
    %swap3A_2091 = arith.constant 112 : index
    %swap3A_2092 = tpu.vector_load %arg17[%swap3A_2091] {strides = array<i32>} : memref<512xf32, #tpu.memory_space<vmem>>, vector<16xf32>,
    %swap3A_2093 = vector.shape_cast %swap3A_2092 : vector<16xf32> to vector<16xf32>
    %swap3A_2094 = vector.shape_cast %broadcast_in_dim3A_2090 : vector<16xf32> to vector<16xf32>
    tpu.vector_store %arg17[%swap3A_2091], %swap3A_2094 {strides = array<i32>} : memref<512xf32, #tpu.memory_space<vmem>>, vector<16xf32>,
    %broadcast_in_dim3A_2095 = arith.constant 0.000000e+00 : f32
    %broadcast_in_dim3A_2096 = vector.broadcast %broadcast_in_dim3A_2095 : f32 to vector<16xf32>
    %swap3A_2097 = arith.constant 128 : index
    %swap3A_2098 = tpu.vector_load %arg17[%swap3A_2097] {strides = array<i32>} : memref<512xf32, #tpu.memory_space<vmem>>, vector<16xf32>,
    %swap3A_2099 = vector.shape_cast %swap3A_2098 : vector<16xf32> to vector<16xf32>
    %swap3A_2100 = vector.shape_cast %broadcast_in_dim3A_2096 : vector<16xf32> to vector<16xf32>
    tpu.vector_store %arg17[%swap3A_2097], %swap3A_2100 {strides = array<i32>} : memref<512xf32, #tpu.memory_space<vmem>>, vector<16xf32>,
    %broadcast_in_dim3A_2101 = arith.constant 0.000000e+00 : f32
    %broadcast_in_dim3A_2102 = vector.broadcast %broadcast_in_dim3A_2101 : f32 to vector<16xf32>
    %swap3A_2103 = arith.constant 144 : index
    %swap3A_2104 = tpu.vector_load %arg17[%swap3A_2103] {strides = array<i32>} : memref<512xf32, #tpu.memory_space<vmem>>, vector<16xf32>,
    %swap3A_2105 = vector.shape_cast %swap3A_2104 : vector<16xf32> to vector<16xf32>
    %swap3A_2106 = vector.shape_cast %broadcast_in_dim3A_2102 : vector<16xf32> to vector<16xf32>
    tpu.vector_store %arg17[%swap3A_2103], %swap3A_2106 {strides = array<i32>} : memref<512xf32, #tpu.memory_space<vmem>>, vector<16xf32>,
    %broadcast_in_dim3A_2107 = arith.constant 0.000000e+00 : f32
    %broadcast_in_dim3A_2108 = vector.broadcast %broadcast_in_dim3A_2107 : f32 to vector<16xf32>
    %swap3A_2109 = arith.constant 160 : index
    %swap3A_2110 = tpu.vector_load %arg17[%swap3A_2109] {strides = array<i32>} : memref<512xf32, #tpu.memory_space<vmem>>, vector<16xf32>,
    %swap3A_2111 = vector.shape_cast %swap3A_2110 : vector<16xf32> to vector<16xf32>
    %swap3A_2112 = vector.shape_cast %broadcast_in_dim3A_2108 : vector<16xf32> to vector<16xf32>
    tpu.vector_store %arg17[%swap3A_2109], %swap3A_2112 {strides = array<i32>} : memref<512xf32, #tpu.memory_space<vmem>>, vector<16xf32>,
    %broadcast_in_dim3A_2113 = arith.constant 0.000000e+00 : f32
    %broadcast_in_dim3A_2114 = vector.broadcast %broadcast_in_dim3A_2113 : f32 to vector<16xf32>
    %swap3A_2115 = arith.constant 176 : index
    %swap3A_2116 = tpu.vector_load %arg17[%swap3A_2115] {strides = array<i32>} : memref<512xf32, #tpu.memory_space<vmem>>, vector<16xf32>,
    %swap3A_2117 = vector.shape_cast %swap3A_2116 : vector<16xf32> to vector<16xf32>
    %swap3A_2118 = vector.shape_cast %broadcast_in_dim3A_2114 : vector<16xf32> to vector<16xf32>
    tpu.vector_store %arg17[%swap3A_2115], %swap3A_2118 {strides = array<i32>} : memref<512xf32, #tpu.memory_space<vmem>>, vector<16xf32>,
    %broadcast_in_dim3A_2119 = arith.constant 0.000000e+00 : f32
    %broadcast_in_dim3A_2120 = vector.broadcast %broadcast_in_dim3A_2119 : f32 to vector<16xf32>
    %swap3A_2121 = arith.constant 192 : index
    %swap3A_2122 = tpu.vector_load %arg17[%swap3A_2121] {strides = array<i32>} : memref<512xf32, #tpu.memory_space<vmem>>, vector<16xf32>,
    %swap3A_2123 = vector.shape_cast %swap3A_2122 : vector<16xf32> to vector<16xf32>
    %swap3A_2124 = vector.shape_cast %broadcast_in_dim3A_2120 : vector<16xf32> to vector<16xf32>
    tpu.vector_store %arg17[%swap3A_2121], %swap3A_2124 {strides = array<i32>} : memref<512xf32, #tpu.memory_space<vmem>>, vector<16xf32>,
    %broadcast_in_dim3A_2125 = arith.constant 0.000000e+00 : f32
    %broadcast_in_dim3A_2126 = vector.broadcast %broadcast_in_dim3A_2125 : f32 to vector<16xf32>
    %swap3A_2127 = arith.constant 208 : index
    %swap3A_2128 = tpu.vector_load %arg17[%swap3A_2127] {strides = array<i32>} : memref<512xf32, #tpu.memory_space<vmem>>, vector<16xf32>,
    %swap3A_2129 = vector.shape_cast %swap3A_2128 : vector<16xf32> to vector<16xf32>
    %swap3A_2130 = vector.shape_cast %broadcast_in_dim3A_2126 : vector<16xf32> to vector<16xf32>
    tpu.vector_store %arg17[%swap3A_2127], %swap3A_2130 {strides = array<i32>} : memref<512xf32, #tpu.memory_space<vmem>>, vector<16xf32>,
    %broadcast_in_dim3A_2131 = arith.constant 0.000000e+00 : f32
    %broadcast_in_dim3A_2132 = vector.broadcast %broadcast_in_dim3A_2131 : f32 to vector<16xf32>
    %swap3A_2133 = arith.constant 224 : index
    %swap3A_2134 = tpu.vector_load %arg17[%swap3A_2133] {strides = array<i32>} : memref<512xf32, #tpu.memory_space<vmem>>, vector<16xf32>,
    %swap3A_2135 = vector.shape_cast %swap3A_2134 : vector<16xf32> to vector<16xf32>
    %swap3A_2136 = vector.shape_cast %broadcast_in_dim3A_2132 : vector<16xf32> to vector<16xf32>
    tpu.vector_store %arg17[%swap3A_2133], %swap3A_2136 {strides = array<i32>} : memref<512xf32, #tpu.memory_space<vmem>>, vector<16xf32>,
    %broadcast_in_dim3A_2137 = arith.constant 0.000000e+00 : f32
    %broadcast_in_dim3A_2138 = vector.broadcast %broadcast_in_dim3A_2137 : f32 to vector<16xf32>
    %swap3A_2139 = arith.constant 240 : index
    %swap3A_2140 = tpu.vector_load %arg17[%swap3A_2139] {strides = array<i32>} : memref<512xf32, #tpu.memory_space<vmem>>, vector<16xf32>,
    %swap3A_2141 = vector.shape_cast %swap3A_2140 : vector<16xf32> to vector<16xf32>
    %swap3A_2142 = vector.shape_cast %broadcast_in_dim3A_2138 : vector<16xf32> to vector<16xf32>
    tpu.vector_store %arg17[%swap3A_2139], %swap3A_2142 {strides = array<i32>} : memref<512xf32, #tpu.memory_space<vmem>>, vector<16xf32>,
    %broadcast_in_dim3A_2143 = arith.constant 0.000000e+00 : f32
    %broadcast_in_dim3A_2144 = vector.broadcast %broadcast_in_dim3A_2143 : f32 to vector<16xf32>
    %swap3A_2145 = arith.constant 256 : index
    %swap3A_2146 = tpu.vector_load %arg17[%swap3A_2145] {strides = array<i32>} : memref<512xf32, #tpu.memory_space<vmem>>, vector<16xf32>,
    %swap3A_2147 = vector.shape_cast %swap3A_2146 : vector<16xf32> to vector<16xf32>
    %swap3A_2148 = vector.shape_cast %broadcast_in_dim3A_2144 : vector<16xf32> to vector<16xf32>
    tpu.vector_store %arg17[%swap3A_2145], %swap3A_2148 {strides = array<i32>} : memref<512xf32, #tpu.memory_space<vmem>>, vector<16xf32>,
    %broadcast_in_dim3A_2149 = arith.constant 0.000000e+00 : f32
    %broadcast_in_dim3A_2150 = vector.broadcast %broadcast_in_dim3A_2149 : f32 to vector<16xf32>
    %swap3A_2151 = arith.constant 272 : index
    %swap3A_2152 = tpu.vector_load %arg17[%swap3A_2151] {strides = array<i32>} : memref<512xf32, #tpu.memory_space<vmem>>, vector<16xf32>,
    %swap3A_2153 = vector.shape_cast %swap3A_2152 : vector<16xf32> to vector<16xf32>
    %swap3A_2154 = vector.shape_cast %broadcast_in_dim3A_2150 : vector<16xf32> to vector<16xf32>
    tpu.vector_store %arg17[%swap3A_2151], %swap3A_2154 {strides = array<i32>} : memref<512xf32, #tpu.memory_space<vmem>>, vector<16xf32>,
    %broadcast_in_dim3A_2155 = arith.constant 0.000000e+00 : f32
    %broadcast_in_dim3A_2156 = vector.broadcast %broadcast_in_dim3A_2155 : f32 to vector<16xf32>
    %swap3A_2157 = arith.constant 288 : index
    %swap3A_2158 = tpu.vector_load %arg17[%swap3A_2157] {strides = array<i32>} : memref<512xf32, #tpu.memory_space<vmem>>, vector<16xf32>,
    %swap3A_2159 = vector.shape_cast %swap3A_2158 : vector<16xf32> to vector<16xf32>
    %swap3A_2160 = vector.shape_cast %broadcast_in_dim3A_2156 : vector<16xf32> to vector<16xf32>
    tpu.vector_store %arg17[%swap3A_2157], %swap3A_2160 {strides = array<i32>} : memref<512xf32, #tpu.memory_space<vmem>>, vector<16xf32>,
    %broadcast_in_dim3A_2161 = arith.constant 0.000000e+00 : f32
    %broadcast_in_dim3A_2162 = vector.broadcast %broadcast_in_dim3A_2161 : f32 to vector<16xf32>
    %swap3A_2163 = arith.constant 304 : index
    %swap3A_2164 = tpu.vector_load %arg17[%swap3A_2163] {strides = array<i32>} : memref<512xf32, #tpu.memory_space<vmem>>, vector<16xf32>,
    %swap3A_2165 = vector.shape_cast %swap3A_2164 : vector<16xf32> to vector<16xf32>
    %swap3A_2166 = vector.shape_cast %broadcast_in_dim3A_2162 : vector<16xf32> to vector<16xf32>
    tpu.vector_store %arg17[%swap3A_2163], %swap3A_2166 {strides = array<i32>} : memref<512xf32, #tpu.memory_space<vmem>>, vector<16xf32>,
    %broadcast_in_dim3A_2167 = arith.constant 0.000000e+00 : f32
    %broadcast_in_dim3A_2168 = vector.broadcast %broadcast_in_dim3A_2167 : f32 to vector<16xf32>
    %swap3A_2169 = arith.constant 320 : index
    %swap3A_2170 = tpu.vector_load %arg17[%swap3A_2169] {strides = array<i32>} : memref<512xf32, #tpu.memory_space<vmem>>, vector<16xf32>,
    %swap3A_2171 = vector.shape_cast %swap3A_2170 : vector<16xf32> to vector<16xf32>
    %swap3A_2172 = vector.shape_cast %broadcast_in_dim3A_2168 : vector<16xf32> to vector<16xf32>
    tpu.vector_store %arg17[%swap3A_2169], %swap3A_2172 {strides = array<i32>} : memref<512xf32, #tpu.memory_space<vmem>>, vector<16xf32>,
    %broadcast_in_dim3A_2173 = arith.constant 0.000000e+00 : f32
    %broadcast_in_dim3A_2174 = vector.broadcast %broadcast_in_dim3A_2173 : f32 to vector<16xf32>
    %swap3A_2175 = arith.constant 336 : index
    %swap3A_2176 = tpu.vector_load %arg17[%swap3A_2175] {strides = array<i32>} : memref<512xf32, #tpu.memory_space<vmem>>, vector<16xf32>,
    %swap3A_2177 = vector.shape_cast %swap3A_2176 : vector<16xf32> to vector<16xf32>
    %swap3A_2178 = vector.shape_cast %broadcast_in_dim3A_2174 : vector<16xf32> to vector<16xf32>
    tpu.vector_store %arg17[%swap3A_2175], %swap3A_2178 {strides = array<i32>} : memref<512xf32, #tpu.memory_space<vmem>>, vector<16xf32>,
    %broadcast_in_dim3A_2179 = arith.constant 0.000000e+00 : f32
    %broadcast_in_dim3A_2180 = vector.broadcast %broadcast_in_dim3A_2179 : f32 to vector<16xf32>
    %swap3A_2181 = arith.constant 352 : index
    %swap3A_2182 = tpu.vector_load %arg17[%swap3A_2181] {strides = array<i32>} : memref<512xf32, #tpu.memory_space<vmem>>, vector<16xf32>,
    %swap3A_2183 = vector.shape_cast %swap3A_2182 : vector<16xf32> to vector<16xf32>
    %swap3A_2184 = vector.shape_cast %broadcast_in_dim3A_2180 : vector<16xf32> to vector<16xf32>
    tpu.vector_store %arg17[%swap3A_2181], %swap3A_2184 {strides = array<i32>} : memref<512xf32, #tpu.memory_space<vmem>>, vector<16xf32>,
    %broadcast_in_dim3A_2185 = arith.constant 0.000000e+00 : f32
    %broadcast_in_dim3A_2186 = vector.broadcast %broadcast_in_dim3A_2185 : f32 to vector<16xf32>
    %swap3A_2187 = arith.constant 368 : index
    %swap3A_2188 = tpu.vector_load %arg17[%swap3A_2187] {strides = array<i32>} : memref<512xf32, #tpu.memory_space<vmem>>, vector<16xf32>,
    %swap3A_2189 = vector.shape_cast %swap3A_2188 : vector<16xf32> to vector<16xf32>
    %swap3A_2190 = vector.shape_cast %broadcast_in_dim3A_2186 : vector<16xf32> to vector<16xf32>
    tpu.vector_store %arg17[%swap3A_2187], %swap3A_2190 {strides = array<i32>} : memref<512xf32, #tpu.memory_space<vmem>>, vector<16xf32>,
    %broadcast_in_dim3A_2191 = arith.constant 0.000000e+00 : f32
    %broadcast_in_dim3A_2192 = vector.broadcast %broadcast_in_dim3A_2191 : f32 to vector<16xf32>
    %swap3A_2193 = arith.constant 384 : index
    %swap3A_2194 = tpu.vector_load %arg17[%swap3A_2193] {strides = array<i32>} : memref<512xf32, #tpu.memory_space<vmem>>, vector<16xf32>,
    %swap3A_2195 = vector.shape_cast %swap3A_2194 : vector<16xf32> to vector<16xf32>
    %swap3A_2196 = vector.shape_cast %broadcast_in_dim3A_2192 : vector<16xf32> to vector<16xf32>
    tpu.vector_store %arg17[%swap3A_2193], %swap3A_2196 {strides = array<i32>} : memref<512xf32, #tpu.memory_space<vmem>>, vector<16xf32>,
    %broadcast_in_dim3A_2197 = arith.constant 0.000000e+00 : f32
    %broadcast_in_dim3A_2198 = vector.broadcast %broadcast_in_dim3A_2197 : f32 to vector<16xf32>
    %swap3A_2199 = arith.constant 400 : index
    %swap3A_2200 = tpu.vector_load %arg17[%swap3A_2199] {strides = array<i32>} : memref<512xf32, #tpu.memory_space<vmem>>, vector<16xf32>,
    %swap3A_2201 = vector.shape_cast %swap3A_2200 : vector<16xf32> to vector<16xf32>
    %swap3A_2202 = vector.shape_cast %broadcast_in_dim3A_2198 : vector<16xf32> to vector<16xf32>
    tpu.vector_store %arg17[%swap3A_2199], %swap3A_2202 {strides = array<i32>} : memref<512xf32, #tpu.memory_space<vmem>>, vector<16xf32>,
    %broadcast_in_dim3A_2203 = arith.constant 0.000000e+00 : f32
    %broadcast_in_dim3A_2204 = vector.broadcast %broadcast_in_dim3A_2203 : f32 to vector<16xf32>
    %swap3A_2205 = arith.constant 416 : index
    %swap3A_2206 = tpu.vector_load %arg17[%swap3A_2205] {strides = array<i32>} : memref<512xf32, #tpu.memory_space<vmem>>, vector<16xf32>,
    %swap3A_2207 = vector.shape_cast %swap3A_2206 : vector<16xf32> to vector<16xf32>
    %swap3A_2208 = vector.shape_cast %broadcast_in_dim3A_2204 : vector<16xf32> to vector<16xf32>
    tpu.vector_store %arg17[%swap3A_2205], %swap3A_2208 {strides = array<i32>} : memref<512xf32, #tpu.memory_space<vmem>>, vector<16xf32>,
    %broadcast_in_dim3A_2209 = arith.constant 0.000000e+00 : f32
    %broadcast_in_dim3A_2210 = vector.broadcast %broadcast_in_dim3A_2209 : f32 to vector<16xf32>
    %swap3A_2211 = arith.constant 432 : index
    %swap3A_2212 = tpu.vector_load %arg17[%swap3A_2211] {strides = array<i32>} : memref<512xf32, #tpu.memory_space<vmem>>, vector<16xf32>,
    %swap3A_2213 = vector.shape_cast %swap3A_2212 : vector<16xf32> to vector<16xf32>
    %swap3A_2214 = vector.shape_cast %broadcast_in_dim3A_2210 : vector<16xf32> to vector<16xf32>
    tpu.vector_store %arg17[%swap3A_2211], %swap3A_2214 {strides = array<i32>} : memref<512xf32, #tpu.memory_space<vmem>>, vector<16xf32>,
    %broadcast_in_dim3A_2215 = arith.constant 0.000000e+00 : f32
    %broadcast_in_dim3A_2216 = vector.broadcast %broadcast_in_dim3A_2215 : f32 to vector<16xf32>
    %swap3A_2217 = arith.constant 448 : index
    %swap3A_2218 = tpu.vector_load %arg17[%swap3A_2217] {strides = array<i32>} : memref<512xf32, #tpu.memory_space<vmem>>, vector<16xf32>,
    %swap3A_2219 = vector.shape_cast %swap3A_2218 : vector<16xf32> to vector<16xf32>
    %swap3A_2220 = vector.shape_cast %broadcast_in_dim3A_2216 : vector<16xf32> to vector<16xf32>
    tpu.vector_store %arg17[%swap3A_2217], %swap3A_2220 {strides = array<i32>} : memref<512xf32, #tpu.memory_space<vmem>>, vector<16xf32>,
    %broadcast_in_dim3A_2221 = arith.constant 0.000000e+00 : f32
    %broadcast_in_dim3A_2222 = vector.broadcast %broadcast_in_dim3A_2221 : f32 to vector<16xf32>
    %swap3A_2223 = arith.constant 464 : index
    %swap3A_2224 = tpu.vector_load %arg17[%swap3A_2223] {strides = array<i32>} : memref<512xf32, #tpu.memory_space<vmem>>, vector<16xf32>,
    %swap3A_2225 = vector.shape_cast %swap3A_2224 : vector<16xf32> to vector<16xf32>
    %swap3A_2226 = vector.shape_cast %broadcast_in_dim3A_2222 : vector<16xf32> to vector<16xf32>
    tpu.vector_store %arg17[%swap3A_2223], %swap3A_2226 {strides = array<i32>} : memref<512xf32, #tpu.memory_space<vmem>>, vector<16xf32>,
    %broadcast_in_dim3A_2227 = arith.constant 0.000000e+00 : f32
    %broadcast_in_dim3A_2228 = vector.broadcast %broadcast_in_dim3A_2227 : f32 to vector<16xf32>
    %swap3A_2229 = arith.constant 480 : index
    %swap3A_2230 = tpu.vector_load %arg17[%swap3A_2229] {strides = array<i32>} : memref<512xf32, #tpu.memory_space<vmem>>, vector<16xf32>,
    %swap3A_2231 = vector.shape_cast %swap3A_2230 : vector<16xf32> to vector<16xf32>
    %swap3A_2232 = vector.shape_cast %broadcast_in_dim3A_2228 : vector<16xf32> to vector<16xf32>
    tpu.vector_store %arg17[%swap3A_2229], %swap3A_2232 {strides = array<i32>} : memref<512xf32, #tpu.memory_space<vmem>>, vector<16xf32>,
    %broadcast_in_dim3A_2233 = arith.constant 0.000000e+00 : f32
    %broadcast_in_dim3A_2234 = vector.broadcast %broadcast_in_dim3A_2233 : f32 to vector<16xf32>
    %swap3A_2235 = arith.constant 496 : index
    %swap3A_2236 = tpu.vector_load %arg17[%swap3A_2235] {strides = array<i32>} : memref<512xf32, #tpu.memory_space<vmem>>, vector<16xf32>,
    %swap3A_2237 = vector.shape_cast %swap3A_2236 : vector<16xf32> to vector<16xf32>
    %swap3A_2238 = vector.shape_cast %broadcast_in_dim3A_2234 : vector<16xf32> to vector<16xf32>
    tpu.vector_store %arg17[%swap3A_2235], %swap3A_2238 {strides = array<i32>} : memref<512xf32, #tpu.memory_space<vmem>>, vector<16xf32>,
    %broadcast_in_dim3A_2239 = arith.constant 1.000000e+00 : f32
    %broadcast_in_dim3A_2240 = vector.broadcast %broadcast_in_dim3A_2239 : f32 to vector<16xf32>
    %swap3A_2241 = arith.constant 0 : index
    %swap3A_2242 = tpu.vector_load %arg18[%swap3A_2241] {strides = array<i32>} : memref<64xf32, #tpu.memory_space<vmem>>, vector<16xf32>,
    %swap3A_2243 = vector.shape_cast %swap3A_2242 : vector<16xf32> to vector<16xf32>
    %swap3A_2244 = vector.shape_cast %broadcast_in_dim3A_2240 : vector<16xf32> to vector<16xf32>
    tpu.vector_store %arg18[%swap3A_2241], %swap3A_2244 {strides = array<i32>} : memref<64xf32, #tpu.memory_space<vmem>>, vector<16xf32>,
    %broadcast_in_dim3A_2245 = arith.constant 1.000000e+00 : f32
    %broadcast_in_dim3A_2246 = vector.broadcast %broadcast_in_dim3A_2245 : f32 to vector<16xf32>
    %swap3A_2247 = arith.constant 16 : index
    %swap3A_2248 = tpu.vector_load %arg18[%swap3A_2247] {strides = array<i32>} : memref<64xf32, #tpu.memory_space<vmem>>, vector<16xf32>,
    %swap3A_2249 = vector.shape_cast %swap3A_2248 : vector<16xf32> to vector<16xf32>
    %swap3A_2250 = vector.shape_cast %broadcast_in_dim3A_2246 : vector<16xf32> to vector<16xf32>
    tpu.vector_store %arg18[%swap3A_2247], %swap3A_2250 {strides = array<i32>} : memref<64xf32, #tpu.memory_space<vmem>>, vector<16xf32>,
    %broadcast_in_dim3A_2251 = arith.constant 1.000000e+00 : f32
    %broadcast_in_dim3A_2252 = vector.broadcast %broadcast_in_dim3A_2251 : f32 to vector<16xf32>
    %swap3A_2253 = arith.constant 32 : index
    %swap3A_2254 = tpu.vector_load %arg18[%swap3A_2253] {strides = array<i32>} : memref<64xf32, #tpu.memory_space<vmem>>, vector<16xf32>,
    %swap3A_2255 = vector.shape_cast %swap3A_2254 : vector<16xf32> to vector<16xf32>
    %swap3A_2256 = vector.shape_cast %broadcast_in_dim3A_2252 : vector<16xf32> to vector<16xf32>
    tpu.vector_store %arg18[%swap3A_2253], %swap3A_2256 {strides = array<i32>} : memref<64xf32, #tpu.memory_space<vmem>>, vector<16xf32>,
    %broadcast_in_dim3A_2257 = arith.constant 1.000000e+00 : f32
    %broadcast_in_dim3A_2258 = vector.broadcast %broadcast_in_dim3A_2257 : f32 to vector<16xf32>
    %swap3A_2259 = arith.constant 48 : index
    %swap3A_2260 = tpu.vector_load %arg18[%swap3A_2259] {strides = array<i32>} : memref<64xf32, #tpu.memory_space<vmem>>, vector<16xf32>,
    %swap3A_2261 = vector.shape_cast %swap3A_2260 : vector<16xf32> to vector<16xf32>
    %swap3A_2262 = vector.shape_cast %broadcast_in_dim3A_2258 : vector<16xf32> to vector<16xf32>
    tpu.vector_store %arg18[%swap3A_2259], %swap3A_2262 {strides = array<i32>} : memref<64xf32, #tpu.memory_space<vmem>>, vector<16xf32>,
    %mul3A_2263 = arith.constant 512 : i32
    %mul3A_2264 = arith.muli %arg1, %mul3A_2263 : i32
    %add3A_2265 = arith.constant 0 : i32
    %add3A_2266 = arith.addi %mul3A_2264, %add3A_2265 : i32
    %dma_start3A = arith.constant 0 : i32
    %dma_start3A_2267 = tpu.memref_slice %arg19[%add3A_2266, %dma_start3A] : memref<8192x128xf32, #tpu.memory_space<vmem_shared>> -> memref<32x128xf32, #tpu.memory_space<vmem_shared>>
    %dma_start3A_2268 = arith.constant 0 : i32
    %dma_start3A_2269 = tpu.memref_slice %arg19[%add3A_2266, %dma_start3A_2268] : memref<8192x128xf32, #tpu.memory_space<vmem_shared>> -> memref<32x128xf32, #tpu.memory_space<vmem_shared>>
    tpu.enqueue_dma source(%arg16 : memref<32x128xf32, #tpu.memory_space<vmem>>) target(%dma_start3A_2269 : memref<32x128xf32, #tpu.memory_space<vmem_shared>>) target_semaphore(%arg21 : memref<!tpu.dma_semaphore, #tpu.memory_space<semaphore_mem>>)
    %mul3A_2270 = arith.constant 512 : i32
    %mul3A_2271 = arith.muli %arg1, %mul3A_2270 : i32
    %add3A_2272 = arith.constant 32 : i32
    %add3A_2273 = arith.addi %mul3A_2271, %add3A_2272 : i32
    %dma_start3A_2274 = arith.constant 0 : i32
    %dma_start3A_2275 = tpu.memref_slice %arg19[%add3A_2273, %dma_start3A_2274] : memref<8192x128xf32, #tpu.memory_space<vmem_shared>> -> memref<32x128xf32, #tpu.memory_space<vmem_shared>>
    %dma_start3A_2276 = arith.constant 0 : i32
    %dma_start3A_2277 = tpu.memref_slice %arg19[%add3A_2273, %dma_start3A_2276] : memref<8192x128xf32, #tpu.memory_space<vmem_shared>> -> memref<32x128xf32, #tpu.memory_space<vmem_shared>>
    tpu.enqueue_dma source(%arg16 : memref<32x128xf32, #tpu.memory_space<vmem>>) target(%dma_start3A_2277 : memref<32x128xf32, #tpu.memory_space<vmem_shared>>) target_semaphore(%arg21 : memref<!tpu.dma_semaphore, #tpu.memory_space<semaphore_mem>>)
    %mul3A_2278 = arith.constant 512 : i32
    %mul3A_2279 = arith.muli %arg1, %mul3A_2278 : i32
    %add3A_2280 = arith.constant 64 : i32
    %add3A_2281 = arith.addi %mul3A_2279, %add3A_2280 : i32
    %dma_start3A_2282 = arith.constant 0 : i32
    %dma_start3A_2283 = tpu.memref_slice %arg19[%add3A_2281, %dma_start3A_2282] : memref<8192x128xf32, #tpu.memory_space<vmem_shared>> -> memref<32x128xf32, #tpu.memory_space<vmem_shared>>
    %dma_start3A_2284 = arith.constant 0 : i32
    %dma_start3A_2285 = tpu.memref_slice %arg19[%add3A_2281, %dma_start3A_2284] : memref<8192x128xf32, #tpu.memory_space<vmem_shared>> -> memref<32x128xf32, #tpu.memory_space<vmem_shared>>
    tpu.enqueue_dma source(%arg16 : memref<32x128xf32, #tpu.memory_space<vmem>>) target(%dma_start3A_2285 : memref<32x128xf32, #tpu.memory_space<vmem_shared>>) target_semaphore(%arg21 : memref<!tpu.dma_semaphore, #tpu.memory_space<semaphore_mem>>)
    %mul3A_2286 = arith.constant 512 : i32
    %mul3A_2287 = arith.muli %arg1, %mul3A_2286 : i32
    %add3A_2288 = arith.constant 96 : i32
    %add3A_2289 = arith.addi %mul3A_2287, %add3A_2288 : i32
    %dma_start3A_2290 = arith.constant 0 : i32
    %dma_start3A_2291 = tpu.memref_slice %arg19[%add3A_2289, %dma_start3A_2290] : memref<8192x128xf32, #tpu.memory_space<vmem_shared>> -> memref<32x128xf32, #tpu.memory_space<vmem_shared>>
    %dma_start3A_2292 = arith.constant 0 : i32
    %dma_start3A_2293 = tpu.memref_slice %arg19[%add3A_2289, %dma_start3A_2292] : memref<8192x128xf32, #tpu.memory_space<vmem_shared>> -> memref<32x128xf32, #tpu.memory_space<vmem_shared>>
    tpu.enqueue_dma source(%arg16 : memref<32x128xf32, #tpu.memory_space<vmem>>) target(%dma_start3A_2293 : memref<32x128xf32, #tpu.memory_space<vmem_shared>>) target_semaphore(%arg21 : memref<!tpu.dma_semaphore, #tpu.memory_space<semaphore_mem>>)
    %mul3A_2294 = arith.constant 512 : i32
    %mul3A_2295 = arith.muli %arg1, %mul3A_2294 : i32
    %add3A_2296 = arith.constant 128 : i32
    %add3A_2297 = arith.addi %mul3A_2295, %add3A_2296 : i32
    %dma_start3A_2298 = arith.constant 0 : i32
    %dma_start3A_2299 = tpu.memref_slice %arg19[%add3A_2297, %dma_start3A_2298] : memref<8192x128xf32, #tpu.memory_space<vmem_shared>> -> memref<32x128xf32, #tpu.memory_space<vmem_shared>>
    %dma_start3A_2300 = arith.constant 0 : i32
    %dma_start3A_2301 = tpu.memref_slice %arg19[%add3A_2297, %dma_start3A_2300] : memref<8192x128xf32, #tpu.memory_space<vmem_shared>> -> memref<32x128xf32, #tpu.memory_space<vmem_shared>>
    tpu.enqueue_dma source(%arg16 : memref<32x128xf32, #tpu.memory_space<vmem>>) target(%dma_start3A_2301 : memref<32x128xf32, #tpu.memory_space<vmem_shared>>) target_semaphore(%arg21 : memref<!tpu.dma_semaphore, #tpu.memory_space<semaphore_mem>>)
    %mul3A_2302 = arith.constant 512 : i32
    %mul3A_2303 = arith.muli %arg1, %mul3A_2302 : i32
    %add3A_2304 = arith.constant 160 : i32
    %add3A_2305 = arith.addi %mul3A_2303, %add3A_2304 : i32
    %dma_start3A_2306 = arith.constant 0 : i32
    %dma_start3A_2307 = tpu.memref_slice %arg19[%add3A_2305, %dma_start3A_2306] : memref<8192x128xf32, #tpu.memory_space<vmem_shared>> -> memref<32x128xf32, #tpu.memory_space<vmem_shared>>
    %dma_start3A_2308 = arith.constant 0 : i32
    %dma_start3A_2309 = tpu.memref_slice %arg19[%add3A_2305, %dma_start3A_2308] : memref<8192x128xf32, #tpu.memory_space<vmem_shared>> -> memref<32x128xf32, #tpu.memory_space<vmem_shared>>
    tpu.enqueue_dma source(%arg16 : memref<32x128xf32, #tpu.memory_space<vmem>>) target(%dma_start3A_2309 : memref<32x128xf32, #tpu.memory_space<vmem_shared>>) target_semaphore(%arg21 : memref<!tpu.dma_semaphore, #tpu.memory_space<semaphore_mem>>)
    %mul3A_2310 = arith.constant 512 : i32
    %mul3A_2311 = arith.muli %arg1, %mul3A_2310 : i32
    %add3A_2312 = arith.constant 192 : i32
    %add3A_2313 = arith.addi %mul3A_2311, %add3A_2312 : i32
    %dma_start3A_2314 = arith.constant 0 : i32
    %dma_start3A_2315 = tpu.memref_slice %arg19[%add3A_2313, %dma_start3A_2314] : memref<8192x128xf32, #tpu.memory_space<vmem_shared>> -> memref<32x128xf32, #tpu.memory_space<vmem_shared>>
    %dma_start3A_2316 = arith.constant 0 : i32
    %dma_start3A_2317 = tpu.memref_slice %arg19[%add3A_2313, %dma_start3A_2316] : memref<8192x128xf32, #tpu.memory_space<vmem_shared>> -> memref<32x128xf32, #tpu.memory_space<vmem_shared>>
    tpu.enqueue_dma source(%arg16 : memref<32x128xf32, #tpu.memory_space<vmem>>) target(%dma_start3A_2317 : memref<32x128xf32, #tpu.memory_space<vmem_shared>>) target_semaphore(%arg21 : memref<!tpu.dma_semaphore, #tpu.memory_space<semaphore_mem>>)
    %mul3A_2318 = arith.constant 512 : i32
    %mul3A_2319 = arith.muli %arg1, %mul3A_2318 : i32
    %add3A_2320 = arith.constant 224 : i32
    %add3A_2321 = arith.addi %mul3A_2319, %add3A_2320 : i32
    %dma_start3A_2322 = arith.constant 0 : i32
    %dma_start3A_2323 = tpu.memref_slice %arg19[%add3A_2321, %dma_start3A_2322] : memref<8192x128xf32, #tpu.memory_space<vmem_shared>> -> memref<32x128xf32, #tpu.memory_space<vmem_shared>>
    %dma_start3A_2324 = arith.constant 0 : i32
    %dma_start3A_2325 = tpu.memref_slice %arg19[%add3A_2321, %dma_start3A_2324] : memref<8192x128xf32, #tpu.memory_space<vmem_shared>> -> memref<32x128xf32, #tpu.memory_space<vmem_shared>>
    tpu.enqueue_dma source(%arg16 : memref<32x128xf32, #tpu.memory_space<vmem>>) target(%dma_start3A_2325 : memref<32x128xf32, #tpu.memory_space<vmem_shared>>) target_semaphore(%arg21 : memref<!tpu.dma_semaphore, #tpu.memory_space<semaphore_mem>>)
    %mul3A_2326 = arith.constant 512 : i32
    %mul3A_2327 = arith.muli %arg1, %mul3A_2326 : i32
    %add3A_2328 = arith.constant 256 : i32
    %add3A_2329 = arith.addi %mul3A_2327, %add3A_2328 : i32
    %dma_start3A_2330 = arith.constant 0 : i32
    %dma_start3A_2331 = tpu.memref_slice %arg19[%add3A_2329, %dma_start3A_2330] : memref<8192x128xf32, #tpu.memory_space<vmem_shared>> -> memref<32x128xf32, #tpu.memory_space<vmem_shared>>
    %dma_start3A_2332 = arith.constant 0 : i32
    %dma_start3A_2333 = tpu.memref_slice %arg19[%add3A_2329, %dma_start3A_2332] : memref<8192x128xf32, #tpu.memory_space<vmem_shared>> -> memref<32x128xf32, #tpu.memory_space<vmem_shared>>
    tpu.enqueue_dma source(%arg16 : memref<32x128xf32, #tpu.memory_space<vmem>>) target(%dma_start3A_2333 : memref<32x128xf32, #tpu.memory_space<vmem_shared>>) target_semaphore(%arg21 : memref<!tpu.dma_semaphore, #tpu.memory_space<semaphore_mem>>)
    %mul3A_2334 = arith.constant 512 : i32
    %mul3A_2335 = arith.muli %arg1, %mul3A_2334 : i32
    %add3A_2336 = arith.constant 288 : i32
    %add3A_2337 = arith.addi %mul3A_2335, %add3A_2336 : i32
    %dma_start3A_2338 = arith.constant 0 : i32
    %dma_start3A_2339 = tpu.memref_slice %arg19[%add3A_2337, %dma_start3A_2338] : memref<8192x128xf32, #tpu.memory_space<vmem_shared>> -> memref<32x128xf32, #tpu.memory_space<vmem_shared>>
    %dma_start3A_2340 = arith.constant 0 : i32
    %dma_start3A_2341 = tpu.memref_slice %arg19[%add3A_2337, %dma_start3A_2340] : memref<8192x128xf32, #tpu.memory_space<vmem_shared>> -> memref<32x128xf32, #tpu.memory_space<vmem_shared>>
    tpu.enqueue_dma source(%arg16 : memref<32x128xf32, #tpu.memory_space<vmem>>) target(%dma_start3A_2341 : memref<32x128xf32, #tpu.memory_space<vmem_shared>>) target_semaphore(%arg21 : memref<!tpu.dma_semaphore, #tpu.memory_space<semaphore_mem>>)
    %mul3A_2342 = arith.constant 512 : i32
    %mul3A_2343 = arith.muli %arg1, %mul3A_2342 : i32
    %add3A_2344 = arith.constant 320 : i32
    %add3A_2345 = arith.addi %mul3A_2343, %add3A_2344 : i32
    %dma_start3A_2346 = arith.constant 0 : i32
    %dma_start3A_2347 = tpu.memref_slice %arg19[%add3A_2345, %dma_start3A_2346] : memref<8192x128xf32, #tpu.memory_space<vmem_shared>> -> memref<32x128xf32, #tpu.memory_space<vmem_shared>>
    %dma_start3A_2348 = arith.constant 0 : i32
    %dma_start3A_2349 = tpu.memref_slice %arg19[%add3A_2345, %dma_start3A_2348] : memref<8192x128xf32, #tpu.memory_space<vmem_shared>> -> memref<32x128xf32, #tpu.memory_space<vmem_shared>>
    tpu.enqueue_dma source(%arg16 : memref<32x128xf32, #tpu.memory_space<vmem>>) target(%dma_start3A_2349 : memref<32x128xf32, #tpu.memory_space<vmem_shared>>) target_semaphore(%arg21 : memref<!tpu.dma_semaphore, #tpu.memory_space<semaphore_mem>>)
    %mul3A_2350 = arith.constant 512 : i32
    %mul3A_2351 = arith.muli %arg1, %mul3A_2350 : i32
    %add3A_2352 = arith.constant 352 : i32
    %add3A_2353 = arith.addi %mul3A_2351, %add3A_2352 : i32
    %dma_start3A_2354 = arith.constant 0 : i32
    %dma_start3A_2355 = tpu.memref_slice %arg19[%add3A_2353, %dma_start3A_2354] : memref<8192x128xf32, #tpu.memory_space<vmem_shared>> -> memref<32x128xf32, #tpu.memory_space<vmem_shared>>
    %dma_start3A_2356 = arith.constant 0 : i32
    %dma_start3A_2357 = tpu.memref_slice %arg19[%add3A_2353, %dma_start3A_2356] : memref<8192x128xf32, #tpu.memory_space<vmem_shared>> -> memref<32x128xf32, #tpu.memory_space<vmem_shared>>
    tpu.enqueue_dma source(%arg16 : memref<32x128xf32, #tpu.memory_space<vmem>>) target(%dma_start3A_2357 : memref<32x128xf32, #tpu.memory_space<vmem_shared>>) target_semaphore(%arg21 : memref<!tpu.dma_semaphore, #tpu.memory_space<semaphore_mem>>)
    %mul3A_2358 = arith.constant 512 : i32
    %mul3A_2359 = arith.muli %arg1, %mul3A_2358 : i32
    %add3A_2360 = arith.constant 384 : i32
    %add3A_2361 = arith.addi %mul3A_2359, %add3A_2360 : i32
    %dma_start3A_2362 = arith.constant 0 : i32
    %dma_start3A_2363 = tpu.memref_slice %arg19[%add3A_2361, %dma_start3A_2362] : memref<8192x128xf32, #tpu.memory_space<vmem_shared>> -> memref<32x128xf32, #tpu.memory_space<vmem_shared>>
    %dma_start3A_2364 = arith.constant 0 : i32
    %dma_start3A_2365 = tpu.memref_slice %arg19[%add3A_2361, %dma_start3A_2364] : memref<8192x128xf32, #tpu.memory_space<vmem_shared>> -> memref<32x128xf32, #tpu.memory_space<vmem_shared>>
    tpu.enqueue_dma source(%arg16 : memref<32x128xf32, #tpu.memory_space<vmem>>) target(%dma_start3A_2365 : memref<32x128xf32, #tpu.memory_space<vmem_shared>>) target_semaphore(%arg21 : memref<!tpu.dma_semaphore, #tpu.memory_space<semaphore_mem>>)
    %mul3A_2366 = arith.constant 512 : i32
    %mul3A_2367 = arith.muli %arg1, %mul3A_2366 : i32
    %add3A_2368 = arith.constant 416 : i32
    %add3A_2369 = arith.addi %mul3A_2367, %add3A_2368 : i32
    %dma_start3A_2370 = arith.constant 0 : i32
    %dma_start3A_2371 = tpu.memref_slice %arg19[%add3A_2369, %dma_start3A_2370] : memref<8192x128xf32, #tpu.memory_space<vmem_shared>> -> memref<32x128xf32, #tpu.memory_space<vmem_shared>>
    %dma_start3A_2372 = arith.constant 0 : i32
    %dma_start3A_2373 = tpu.memref_slice %arg19[%add3A_2369, %dma_start3A_2372] : memref<8192x128xf32, #tpu.memory_space<vmem_shared>> -> memref<32x128xf32, #tpu.memory_space<vmem_shared>>
    tpu.enqueue_dma source(%arg16 : memref<32x128xf32, #tpu.memory_space<vmem>>) target(%dma_start3A_2373 : memref<32x128xf32, #tpu.memory_space<vmem_shared>>) target_semaphore(%arg21 : memref<!tpu.dma_semaphore, #tpu.memory_space<semaphore_mem>>)
    %mul3A_2374 = arith.constant 512 : i32
    %mul3A_2375 = arith.muli %arg1, %mul3A_2374 : i32
    %add3A_2376 = arith.constant 448 : i32
    %add3A_2377 = arith.addi %mul3A_2375, %add3A_2376 : i32
    %dma_start3A_2378 = arith.constant 0 : i32
    %dma_start3A_2379 = tpu.memref_slice %arg19[%add3A_2377, %dma_start3A_2378] : memref<8192x128xf32, #tpu.memory_space<vmem_shared>> -> memref<32x128xf32, #tpu.memory_space<vmem_shared>>
    %dma_start3A_2380 = arith.constant 0 : i32
    %dma_start3A_2381 = tpu.memref_slice %arg19[%add3A_2377, %dma_start3A_2380] : memref<8192x128xf32, #tpu.memory_space<vmem_shared>> -> memref<32x128xf32, #tpu.memory_space<vmem_shared>>
    tpu.enqueue_dma source(%arg16 : memref<32x128xf32, #tpu.memory_space<vmem>>) target(%dma_start3A_2381 : memref<32x128xf32, #tpu.memory_space<vmem_shared>>) target_semaphore(%arg21 : memref<!tpu.dma_semaphore, #tpu.memory_space<semaphore_mem>>)
    %mul3A_2382 = arith.constant 512 : i32
    %mul3A_2383 = arith.muli %arg1, %mul3A_2382 : i32
    %add3A_2384 = arith.constant 480 : i32
    %add3A_2385 = arith.addi %mul3A_2383, %add3A_2384 : i32
    %dma_start3A_2386 = arith.constant 0 : i32
    %dma_start3A_2387 = tpu.memref_slice %arg19[%add3A_2385, %dma_start3A_2386] : memref<8192x128xf32, #tpu.memory_space<vmem_shared>> -> memref<32x128xf32, #tpu.memory_space<vmem_shared>>
    %dma_start3A_2388 = arith.constant 0 : i32
    %dma_start3A_2389 = tpu.memref_slice %arg19[%add3A_2385, %dma_start3A_2388] : memref<8192x128xf32, #tpu.memory_space<vmem_shared>> -> memref<32x128xf32, #tpu.memory_space<vmem_shared>>
    tpu.enqueue_dma source(%arg16 : memref<32x128xf32, #tpu.memory_space<vmem>>) target(%dma_start3A_2389 : memref<32x128xf32, #tpu.memory_space<vmem_shared>>) target_semaphore(%arg21 : memref<!tpu.dma_semaphore, #tpu.memory_space<semaphore_mem>>)
    %mul3A_2390 = arith.constant 512 : i32
    %mul3A_2391 = arith.muli %arg1, %mul3A_2390 : i32
    %dma_start3A_2392 = tpu.memref_slice %arg20[%mul3A_2391] : memref<8192xf32, #tpu.memory_space<vmem_shared>> -> memref<512xf32, #tpu.memory_space<vmem_shared>>
    %dma_start3A_2393 = tpu.memref_slice %arg20[%mul3A_2391] : memref<8192xf32, #tpu.memory_space<vmem_shared>> -> memref<512xf32, #tpu.memory_space<vmem_shared>>
    tpu.enqueue_dma source(%arg17 : memref<512xf32, #tpu.memory_space<vmem>>) target(%dma_start3A_2393 : memref<512xf32, #tpu.memory_space<vmem_shared>>) target_semaphore(%arg21 : memref<!tpu.dma_semaphore, #tpu.memory_space<semaphore_mem>>)
    %mul3A_2394 = arith.constant 512 : i32
    %mul3A_2395 = arith.muli %arg1, %mul3A_2394 : i32
    %add3A_2396 = arith.constant 0 : i32
    %add3A_2397 = arith.addi %mul3A_2395, %add3A_2396 : i32
    %dma_start3A_2398 = tpu.memref_slice %arg2[%add3A_2397] : memref<8192xi32, #tpu.memory_space<hbm>> -> memref<64xi32, #tpu.memory_space<hbm>>
    %dma_start3A_2399 = tpu.memref_slice %arg2[%add3A_2397] : memref<8192xi32, #tpu.memory_space<hbm>> -> memref<64xi32, #tpu.memory_space<hbm>>
    tpu.enqueue_dma source(%dma_start3A_2399 : memref<64xi32, #tpu.memory_space<hbm>>) target(%arg8 : memref<64xi32, #tpu.memory_space<vmem>>) target_semaphore(%arg22 : memref<!tpu.dma_semaphore, #tpu.memory_space<semaphore_mem>>)
    %mul3A_2400 = arith.constant 128 : i32
    %mul3A_2401 = arith.muli %arg0, %mul3A_2400 : i32
    %dma_start3A_2402 = tpu.memref_slice %arg3[%add3A_2397, %mul3A_2401] : memref<8192x256xf32, #tpu.memory_space<hbm>> -> memref<64x128xf32, #tpu.memory_space<hbm>>
    %dma_start3A_2403 = tpu.memref_slice %arg3[%add3A_2397, %mul3A_2401] : memref<8192x256xf32, #tpu.memory_space<hbm>> -> memref<64x128xf32, #tpu.memory_space<hbm>>
    tpu.enqueue_dma source(%dma_start3A_2403 : memref<64x128xf32, #tpu.memory_space<hbm>>) target(%arg10 : memref<64x128xf32, #tpu.memory_space<vmem>>) target_semaphore(%arg24 : memref<!tpu.dma_semaphore, #tpu.memory_space<semaphore_mem>>)
    %dma_wait3A = arith.constant 0 : i32
    %dma_wait3A_2404 = tpu.memref_slice %arg19[%add3A_2266, %dma_wait3A] : memref<8192x128xf32, #tpu.memory_space<vmem_shared>> -> memref<32x128xf32, #tpu.memory_space<vmem_shared>>
    %dma_wait3A_2405 = arith.constant 0 : i32
    %dma_wait3A_2406 = tpu.memref_slice %arg19[%add3A_2266, %dma_wait3A_2405] : memref<8192x128xf32, #tpu.memory_space<vmem_shared>> -> memref<32x128xf32, #tpu.memory_space<vmem_shared>>
    tpu.wait_dma2 semaphore(%arg21 : memref<!tpu.dma_semaphore, #tpu.memory_space<semaphore_mem>>) src(%arg16 : memref<32x128xf32, #tpu.memory_space<vmem>>) dst(%dma_wait3A_2406 : memref<32x128xf32, #tpu.memory_space<vmem_shared>>)
    %dma_wait3A_2407 = arith.constant 0 : i32
    %dma_wait3A_2408 = tpu.memref_slice %arg19[%add3A_2273, %dma_wait3A_2407] : memref<8192x128xf32, #tpu.memory_space<vmem_shared>> -> memref<32x128xf32, #tpu.memory_space<vmem_shared>>
    %dma_wait3A_2409 = arith.constant 0 : i32
    %dma_wait3A_2410 = tpu.memref_slice %arg19[%add3A_2273, %dma_wait3A_2409] : memref<8192x128xf32, #tpu.memory_space<vmem_shared>> -> memref<32x128xf32, #tpu.memory_space<vmem_shared>>
    tpu.wait_dma2 semaphore(%arg21 : memref<!tpu.dma_semaphore, #tpu.memory_space<semaphore_mem>>) src(%arg16 : memref<32x128xf32, #tpu.memory_space<vmem>>) dst(%dma_wait3A_2410 : memref<32x128xf32, #tpu.memory_space<vmem_shared>>)
    %dma_wait3A_2411 = arith.constant 0 : i32
    %dma_wait3A_2412 = tpu.memref_slice %arg19[%add3A_2281, %dma_wait3A_2411] : memref<8192x128xf32, #tpu.memory_space<vmem_shared>> -> memref<32x128xf32, #tpu.memory_space<vmem_shared>>
    %dma_wait3A_2413 = arith.constant 0 : i32
    %dma_wait3A_2414 = tpu.memref_slice %arg19[%add3A_2281, %dma_wait3A_2413] : memref<8192x128xf32, #tpu.memory_space<vmem_shared>> -> memref<32x128xf32, #tpu.memory_space<vmem_shared>>
    tpu.wait_dma2 semaphore(%arg21 : memref<!tpu.dma_semaphore, #tpu.memory_space<semaphore_mem>>) src(%arg16 : memref<32x128xf32, #tpu.memory_space<vmem>>) dst(%dma_wait3A_2414 : memref<32x128xf32, #tpu.memory_space<vmem_shared>>)
    %dma_wait3A_2415 = arith.constant 0 : i32
    %dma_wait3A_2416 = tpu.memref_slice %arg19[%add3A_2289, %dma_wait3A_2415] : memref<8192x128xf32, #tpu.memory_space<vmem_shared>> -> memref<32x128xf32, #tpu.memory_space<vmem_shared>>
    %dma_wait3A_2417 = arith.constant 0 : i32
    %dma_wait3A_2418 = tpu.memref_slice %arg19[%add3A_2289, %dma_wait3A_2417] : memref<8192x128xf32, #tpu.memory_space<vmem_shared>> -> memref<32x128xf32, #tpu.memory_space<vmem_shared>>
    tpu.wait_dma2 semaphore(%arg21 : memref<!tpu.dma_semaphore, #tpu.memory_space<semaphore_mem>>) src(%arg16 : memref<32x128xf32, #tpu.memory_space<vmem>>) dst(%dma_wait3A_2418 : memref<32x128xf32, #tpu.memory_space<vmem_shared>>)
    %dma_wait3A_2419 = arith.constant 0 : i32
    %dma_wait3A_2420 = tpu.memref_slice %arg19[%add3A_2297, %dma_wait3A_2419] : memref<8192x128xf32, #tpu.memory_space<vmem_shared>> -> memref<32x128xf32, #tpu.memory_space<vmem_shared>>
    %dma_wait3A_2421 = arith.constant 0 : i32
    %dma_wait3A_2422 = tpu.memref_slice %arg19[%add3A_2297, %dma_wait3A_2421] : memref<8192x128xf32, #tpu.memory_space<vmem_shared>> -> memref<32x128xf32, #tpu.memory_space<vmem_shared>>
    tpu.wait_dma2 semaphore(%arg21 : memref<!tpu.dma_semaphore, #tpu.memory_space<semaphore_mem>>) src(%arg16 : memref<32x128xf32, #tpu.memory_space<vmem>>) dst(%dma_wait3A_2422 : memref<32x128xf32, #tpu.memory_space<vmem_shared>>)
    %dma_wait3A_2423 = arith.constant 0 : i32
    %dma_wait3A_2424 = tpu.memref_slice %arg19[%add3A_2305, %dma_wait3A_2423] : memref<8192x128xf32, #tpu.memory_space<vmem_shared>> -> memref<32x128xf32, #tpu.memory_space<vmem_shared>>
    %dma_wait3A_2425 = arith.constant 0 : i32
    %dma_wait3A_2426 = tpu.memref_slice %arg19[%add3A_2305, %dma_wait3A_2425] : memref<8192x128xf32, #tpu.memory_space<vmem_shared>> -> memref<32x128xf32, #tpu.memory_space<vmem_shared>>
    tpu.wait_dma2 semaphore(%arg21 : memref<!tpu.dma_semaphore, #tpu.memory_space<semaphore_mem>>) src(%arg16 : memref<32x128xf32, #tpu.memory_space<vmem>>) dst(%dma_wait3A_2426 : memref<32x128xf32, #tpu.memory_space<vmem_shared>>)
    %dma_wait3A_2427 = arith.constant 0 : i32
    %dma_wait3A_2428 = tpu.memref_slice %arg19[%add3A_2313, %dma_wait3A_2427] : memref<8192x128xf32, #tpu.memory_space<vmem_shared>> -> memref<32x128xf32, #tpu.memory_space<vmem_shared>>
    %dma_wait3A_2429 = arith.constant 0 : i32
    %dma_wait3A_2430 = tpu.memref_slice %arg19[%add3A_2313, %dma_wait3A_2429] : memref<8192x128xf32, #tpu.memory_space<vmem_shared>> -> memref<32x128xf32, #tpu.memory_space<vmem_shared>>
    tpu.wait_dma2 semaphore(%arg21 : memref<!tpu.dma_semaphore, #tpu.memory_space<semaphore_mem>>) src(%arg16 : memref<32x128xf32, #tpu.memory_space<vmem>>) dst(%dma_wait3A_2430 : memref<32x128xf32, #tpu.memory_space<vmem_shared>>)
    %dma_wait3A_2431 = arith.constant 0 : i32
    %dma_wait3A_2432 = tpu.memref_slice %arg19[%add3A_2321, %dma_wait3A_2431] : memref<8192x128xf32, #tpu.memory_space<vmem_shared>> -> memref<32x128xf32, #tpu.memory_space<vmem_shared>>
    %dma_wait3A_2433 = arith.constant 0 : i32
    %dma_wait3A_2434 = tpu.memref_slice %arg19[%add3A_2321, %dma_wait3A_2433] : memref<8192x128xf32, #tpu.memory_space<vmem_shared>> -> memref<32x128xf32, #tpu.memory_space<vmem_shared>>
    tpu.wait_dma2 semaphore(%arg21 : memref<!tpu.dma_semaphore, #tpu.memory_space<semaphore_mem>>) src(%arg16 : memref<32x128xf32, #tpu.memory_space<vmem>>) dst(%dma_wait3A_2434 : memref<32x128xf32, #tpu.memory_space<vmem_shared>>)
    %dma_wait3A_2435 = arith.constant 0 : i32
    %dma_wait3A_2436 = tpu.memref_slice %arg19[%add3A_2329, %dma_wait3A_2435] : memref<8192x128xf32, #tpu.memory_space<vmem_shared>> -> memref<32x128xf32, #tpu.memory_space<vmem_shared>>
    %dma_wait3A_2437 = arith.constant 0 : i32
    %dma_wait3A_2438 = tpu.memref_slice %arg19[%add3A_2329, %dma_wait3A_2437] : memref<8192x128xf32, #tpu.memory_space<vmem_shared>> -> memref<32x128xf32, #tpu.memory_space<vmem_shared>>
    tpu.wait_dma2 semaphore(%arg21 : memref<!tpu.dma_semaphore, #tpu.memory_space<semaphore_mem>>) src(%arg16 : memref<32x128xf32, #tpu.memory_space<vmem>>) dst(%dma_wait3A_2438 : memref<32x128xf32, #tpu.memory_space<vmem_shared>>)
    %dma_wait3A_2439 = arith.constant 0 : i32
    %dma_wait3A_2440 = tpu.memref_slice %arg19[%add3A_2337, %dma_wait3A_2439] : memref<8192x128xf32, #tpu.memory_space<vmem_shared>> -> memref<32x128xf32, #tpu.memory_space<vmem_shared>>
    %dma_wait3A_2441 = arith.constant 0 : i32
    %dma_wait3A_2442 = tpu.memref_slice %arg19[%add3A_2337, %dma_wait3A_2441] : memref<8192x128xf32, #tpu.memory_space<vmem_shared>> -> memref<32x128xf32, #tpu.memory_space<vmem_shared>>
    tpu.wait_dma2 semaphore(%arg21 : memref<!tpu.dma_semaphore, #tpu.memory_space<semaphore_mem>>) src(%arg16 : memref<32x128xf32, #tpu.memory_space<vmem>>) dst(%dma_wait3A_2442 : memref<32x128xf32, #tpu.memory_space<vmem_shared>>)
    %dma_wait3A_2443 = arith.constant 0 : i32
    %dma_wait3A_2444 = tpu.memref_slice %arg19[%add3A_2345, %dma_wait3A_2443] : memref<8192x128xf32, #tpu.memory_space<vmem_shared>> -> memref<32x128xf32, #tpu.memory_space<vmem_shared>>
    %dma_wait3A_2445 = arith.constant 0 : i32
    %dma_wait3A_2446 = tpu.memref_slice %arg19[%add3A_2345, %dma_wait3A_2445] : memref<8192x128xf32, #tpu.memory_space<vmem_shared>> -> memref<32x128xf32, #tpu.memory_space<vmem_shared>>
    tpu.wait_dma2 semaphore(%arg21 : memref<!tpu.dma_semaphore, #tpu.memory_space<semaphore_mem>>) src(%arg16 : memref<32x128xf32, #tpu.memory_space<vmem>>) dst(%dma_wait3A_2446 : memref<32x128xf32, #tpu.memory_space<vmem_shared>>)
    %dma_wait3A_2447 = arith.constant 0 : i32
    %dma_wait3A_2448 = tpu.memref_slice %arg19[%add3A_2353, %dma_wait3A_2447] : memref<8192x128xf32, #tpu.memory_space<vmem_shared>> -> memref<32x128xf32, #tpu.memory_space<vmem_shared>>
    %dma_wait3A_2449 = arith.constant 0 : i32
    %dma_wait3A_2450 = tpu.memref_slice %arg19[%add3A_2353, %dma_wait3A_2449] : memref<8192x128xf32, #tpu.memory_space<vmem_shared>> -> memref<32x128xf32, #tpu.memory_space<vmem_shared>>
    tpu.wait_dma2 semaphore(%arg21 : memref<!tpu.dma_semaphore, #tpu.memory_space<semaphore_mem>>) src(%arg16 : memref<32x128xf32, #tpu.memory_space<vmem>>) dst(%dma_wait3A_2450 : memref<32x128xf32, #tpu.memory_space<vmem_shared>>)
    %dma_wait3A_2451 = arith.constant 0 : i32
    %dma_wait3A_2452 = tpu.memref_slice %arg19[%add3A_2361, %dma_wait3A_2451] : memref<8192x128xf32, #tpu.memory_space<vmem_shared>> -> memref<32x128xf32, #tpu.memory_space<vmem_shared>>
    %dma_wait3A_2453 = arith.constant 0 : i32
    %dma_wait3A_2454 = tpu.memref_slice %arg19[%add3A_2361, %dma_wait3A_2453] : memref<8192x128xf32, #tpu.memory_space<vmem_shared>> -> memref<32x128xf32, #tpu.memory_space<vmem_shared>>
    tpu.wait_dma2 semaphore(%arg21 : memref<!tpu.dma_semaphore, #tpu.memory_space<semaphore_mem>>) src(%arg16 : memref<32x128xf32, #tpu.memory_space<vmem>>) dst(%dma_wait3A_2454 : memref<32x128xf32, #tpu.memory_space<vmem_shared>>)
    %dma_wait3A_2455 = arith.constant 0 : i32
    %dma_wait3A_2456 = tpu.memref_slice %arg19[%add3A_2369, %dma_wait3A_2455] : memref<8192x128xf32, #tpu.memory_space<vmem_shared>> -> memref<32x128xf32, #tpu.memory_space<vmem_shared>>
    %dma_wait3A_2457 = arith.constant 0 : i32
    %dma_wait3A_2458 = tpu.memref_slice %arg19[%add3A_2369, %dma_wait3A_2457] : memref<8192x128xf32, #tpu.memory_space<vmem_shared>> -> memref<32x128xf32, #tpu.memory_space<vmem_shared>>
    tpu.wait_dma2 semaphore(%arg21 : memref<!tpu.dma_semaphore, #tpu.memory_space<semaphore_mem>>) src(%arg16 : memref<32x128xf32, #tpu.memory_space<vmem>>) dst(%dma_wait3A_2458 : memref<32x128xf32, #tpu.memory_space<vmem_shared>>)
    %dma_wait3A_2459 = arith.constant 0 : i32
    %dma_wait3A_2460 = tpu.memref_slice %arg19[%add3A_2377, %dma_wait3A_2459] : memref<8192x128xf32, #tpu.memory_space<vmem_shared>> -> memref<32x128xf32, #tpu.memory_space<vmem_shared>>
    %dma_wait3A_2461 = arith.constant 0 : i32
    %dma_wait3A_2462 = tpu.memref_slice %arg19[%add3A_2377, %dma_wait3A_2461] : memref<8192x128xf32, #tpu.memory_space<vmem_shared>> -> memref<32x128xf32, #tpu.memory_space<vmem_shared>>
    tpu.wait_dma2 semaphore(%arg21 : memref<!tpu.dma_semaphore, #tpu.memory_space<semaphore_mem>>) src(%arg16 : memref<32x128xf32, #tpu.memory_space<vmem>>) dst(%dma_wait3A_2462 : memref<32x128xf32, #tpu.memory_space<vmem_shared>>)
    %dma_wait3A_2463 = arith.constant 0 : i32
    %dma_wait3A_2464 = tpu.memref_slice %arg19[%add3A_2385, %dma_wait3A_2463] : memref<8192x128xf32, #tpu.memory_space<vmem_shared>> -> memref<32x128xf32, #tpu.memory_space<vmem_shared>>
    %dma_wait3A_2465 = arith.constant 0 : i32
    %dma_wait3A_2466 = tpu.memref_slice %arg19[%add3A_2385, %dma_wait3A_2465] : memref<8192x128xf32, #tpu.memory_space<vmem_shared>> -> memref<32x128xf32, #tpu.memory_space<vmem_shared>>
    tpu.wait_dma2 semaphore(%arg21 : memref<!tpu.dma_semaphore, #tpu.memory_space<semaphore_mem>>) src(%arg16 : memref<32x128xf32, #tpu.memory_space<vmem>>) dst(%dma_wait3A_2466 : memref<32x128xf32, #tpu.memory_space<vmem_shared>>)
    %dma_wait3A_2467 = tpu.memref_slice %arg20[%mul3A_2391] : memref<8192xf32, #tpu.memory_space<vmem_shared>> -> memref<512xf32, #tpu.memory_space<vmem_shared>>
    %dma_wait3A_2468 = tpu.memref_slice %arg20[%mul3A_2391] : memref<8192xf32, #tpu.memory_space<vmem_shared>> -> memref<512xf32, #tpu.memory_space<vmem_shared>>
    tpu.wait_dma2 semaphore(%arg21 : memref<!tpu.dma_semaphore, #tpu.memory_space<semaphore_mem>>) src(%arg17 : memref<512xf32, #tpu.memory_space<vmem>>) dst(%dma_wait3A_2468 : memref<512xf32, #tpu.memory_space<vmem_shared>>)
    %barrier3A = arith.constant 0 : index
    tpu.barrier barrier_id(%barrier3A)
    %add3A_2469 = arith.constant 64 : i32
    %add3A_2470 = arith.addi %mul3A_2395, %add3A_2469 : i32
    %dma_start3A_2471 = tpu.memref_slice %arg2[%add3A_2470] : memref<8192xi32, #tpu.memory_space<hbm>> -> memref<64xi32, #tpu.memory_space<hbm>>
    %dma_start3A_2472 = tpu.memref_slice %arg2[%add3A_2470] : memref<8192xi32, #tpu.memory_space<hbm>> -> memref<64xi32, #tpu.memory_space<hbm>>
    tpu.enqueue_dma source(%dma_start3A_2472 : memref<64xi32, #tpu.memory_space<hbm>>) target(%arg9 : memref<64xi32, #tpu.memory_space<vmem>>) target_semaphore(%arg23 : memref<!tpu.dma_semaphore, #tpu.memory_space<semaphore_mem>>)
    %mul3A_2473 = arith.constant 128 : i32
    %mul3A_2474 = arith.muli %arg0, %mul3A_2473 : i32
    %dma_start3A_2475 = tpu.memref_slice %arg3[%add3A_2470, %mul3A_2474] : memref<8192x256xf32, #tpu.memory_space<hbm>> -> memref<64x128xf32, #tpu.memory_space<hbm>>
    %dma_start3A_2476 = tpu.memref_slice %arg3[%add3A_2470, %mul3A_2474] : memref<8192x256xf32, #tpu.memory_space<hbm>> -> memref<64x128xf32, #tpu.memory_space<hbm>>
    tpu.enqueue_dma source(%dma_start3A_2476 : memref<64x128xf32, #tpu.memory_space<hbm>>) target(%arg11 : memref<64x128xf32, #tpu.memory_space<vmem>>) target_semaphore(%arg25 : memref<!tpu.dma_semaphore, #tpu.memory_space<semaphore_mem>>)
    %dma_wait3A_2477 = tpu.memref_slice %arg2[%add3A_2397] : memref<8192xi32, #tpu.memory_space<hbm>> -> memref<64xi32, #tpu.memory_space<hbm>>
    %dma_wait3A_2478 = tpu.memref_slice %arg2[%add3A_2397] : memref<8192xi32, #tpu.memory_space<hbm>> -> memref<64xi32, #tpu.memory_space<hbm>>
    tpu.wait_dma2 semaphore(%arg22 : memref<!tpu.dma_semaphore, #tpu.memory_space<semaphore_mem>>) src(%dma_wait3A_2478 : memref<64xi32, #tpu.memory_space<hbm>>) dst(%arg8 : memref<64xi32, #tpu.memory_space<vmem>>)
    %dma_wait3A_2479 = tpu.memref_slice %arg3[%add3A_2397, %mul3A_2401] : memref<8192x256xf32, #tpu.memory_space<hbm>> -> memref<64x128xf32, #tpu.memory_space<hbm>>
    %dma_wait3A_2480 = tpu.memref_slice %arg3[%add3A_2397, %mul3A_2401] : memref<8192x256xf32, #tpu.memory_space<hbm>> -> memref<64x128xf32, #tpu.memory_space<hbm>>
    tpu.wait_dma2 semaphore(%arg24 : memref<!tpu.dma_semaphore, #tpu.memory_space<semaphore_mem>>) src(%dma_wait3A_2480 : memref<64x128xf32, #tpu.memory_space<hbm>>) dst(%arg10 : memref<64x128xf32, #tpu.memory_space<vmem>>)
    "tpu.region"() ({
      %run_scoped3A = tpu.sem_alloc : memref<!tpu.dma_semaphore, #tpu.memory_space<semaphore_mem>>
      %dma_start3A_2676 = arith.constant 0 : i32
      %dma_start3A_2677 = arith.constant 0 : i32
      %dma_start3A_2678 = tpu.memref_slice %arg19[%dma_start3A_2676, %dma_start3A_2677] : memref<8192x128xf32, #tpu.memory_space<vmem_shared>> -> memref<8192x128xf32, #tpu.memory_space<vmem_shared>>
      tpu.enqueue_indirect_dma source(%arg10 : memref<64x128xf32, #tpu.memory_space<vmem>>) target(%dma_start3A_2678 : memref<8192x128xf32, #tpu.memory_space<vmem_shared>>) offsets(%arg8 : memref<64xi32, #tpu.memory_space<vmem>>) semaphore(%run_scoped3A : memref<!tpu.dma_semaphore, #tpu.memory_space<semaphore_mem>>) {add = true}
      %dma_wait3A_2679 = arith.constant 0 : i32
      %dma_wait3A_2680 = arith.constant 0 : i32
      %dma_wait3A_2681 = tpu.memref_slice %arg19[%dma_wait3A_2679, %dma_wait3A_2680] : memref<8192x128xf32, #tpu.memory_space<vmem_shared>> -> memref<8192x128xf32, #tpu.memory_space<vmem_shared>>
      tpu.wait_indirect_dma semaphore(%run_scoped3A : memref<!tpu.dma_semaphore, #tpu.memory_space<semaphore_mem>>) src(%arg10 : memref<64x128xf32, #tpu.memory_space<vmem>>) dst(%dma_wait3A_2681 : memref<8192x128xf32, #tpu.memory_space<vmem_shared>>)
      tpu.yield
    }) : () -> ()
    "tpu.region"() ({
      %run_scoped3A = tpu.sem_alloc : memref<!tpu.dma_semaphore, #tpu.memory_space<semaphore_mem>>
      %dma_start3A_2676 = arith.constant 0 : i32
      %dma_start3A_2677 = tpu.memref_slice %arg20[%dma_start3A_2676] : memref<8192xf32, #tpu.memory_space<vmem_shared>> -> memref<8192xf32, #tpu.memory_space<vmem_shared>>
      tpu.enqueue_indirect_dma source(%arg18 : memref<64xf32, #tpu.memory_space<vmem>>) target(%dma_start3A_2677 : memref<8192xf32, #tpu.memory_space<vmem_shared>>) offsets(%arg8 : memref<64xi32, #tpu.memory_space<vmem>>) semaphore(%run_scoped3A : memref<!tpu.dma_semaphore, #tpu.memory_space<semaphore_mem>>) {add = true}
      %dma_wait3A_2678 = arith.constant 0 : i32
      %dma_wait3A_2679 = tpu.memref_slice %arg20[%dma_wait3A_2678] : memref<8192xf32, #tpu.memory_space<vmem_shared>> -> memref<8192xf32, #tpu.memory_space<vmem_shared>>
      tpu.wait_indirect_dma semaphore(%run_scoped3A : memref<!tpu.dma_semaphore, #tpu.memory_space<semaphore_mem>>) src(%arg18 : memref<64xf32, #tpu.memory_space<vmem>>) dst(%dma_wait3A_2679 : memref<8192xf32, #tpu.memory_space<vmem_shared>>)
      tpu.yield
    }) : () -> ()
    %add3A_2481 = arith.constant 128 : i32
    %add3A_2482 = arith.addi %mul3A_2395, %add3A_2481 : i32
    %dma_start3A_2483 = tpu.memref_slice %arg2[%add3A_2482] : memref<8192xi32, #tpu.memory_space<hbm>> -> memref<64xi32, #tpu.memory_space<hbm>>
    %dma_start3A_2484 = tpu.memref_slice %arg2[%add3A_2482] : memref<8192xi32, #tpu.memory_space<hbm>> -> memref<64xi32, #tpu.memory_space<hbm>>
    tpu.enqueue_dma source(%dma_start3A_2484 : memref<64xi32, #tpu.memory_space<hbm>>) target(%arg8 : memref<64xi32, #tpu.memory_space<vmem>>) target_semaphore(%arg22 : memref<!tpu.dma_semaphore, #tpu.memory_space<semaphore_mem>>)
    %mul3A_2485 = arith.constant 128 : i32
    %mul3A_2486 = arith.muli %arg0, %mul3A_2485 : i32
    %dma_start3A_2487 = tpu.memref_slice %arg3[%add3A_2482, %mul3A_2486] : memref<8192x256xf32, #tpu.memory_space<hbm>> -> memref<64x128xf32, #tpu.memory_space<hbm>>
    %dma_start3A_2488 = tpu.memref_slice %arg3[%add3A_2482, %mul3A_2486] : memref<8192x256xf32, #tpu.memory_space<hbm>> -> memref<64x128xf32, #tpu.memory_space<hbm>>
    tpu.enqueue_dma source(%dma_start3A_2488 : memref<64x128xf32, #tpu.memory_space<hbm>>) target(%arg10 : memref<64x128xf32, #tpu.memory_space<vmem>>) target_semaphore(%arg24 : memref<!tpu.dma_semaphore, #tpu.memory_space<semaphore_mem>>)
    %dma_wait3A_2489 = tpu.memref_slice %arg2[%add3A_2470] : memref<8192xi32, #tpu.memory_space<hbm>> -> memref<64xi32, #tpu.memory_space<hbm>>
    %dma_wait3A_2490 = tpu.memref_slice %arg2[%add3A_2470] : memref<8192xi32, #tpu.memory_space<hbm>> -> memref<64xi32, #tpu.memory_space<hbm>>
    tpu.wait_dma2 semaphore(%arg23 : memref<!tpu.dma_semaphore, #tpu.memory_space<semaphore_mem>>) src(%dma_wait3A_2490 : memref<64xi32, #tpu.memory_space<hbm>>) dst(%arg9 : memref<64xi32, #tpu.memory_space<vmem>>)
    %dma_wait3A_2491 = tpu.memref_slice %arg3[%add3A_2470, %mul3A_2474] : memref<8192x256xf32, #tpu.memory_space<hbm>> -> memref<64x128xf32, #tpu.memory_space<hbm>>
    %dma_wait3A_2492 = tpu.memref_slice %arg3[%add3A_2470, %mul3A_2474] : memref<8192x256xf32, #tpu.memory_space<hbm>> -> memref<64x128xf32, #tpu.memory_space<hbm>>
    tpu.wait_dma2 semaphore(%arg25 : memref<!tpu.dma_semaphore, #tpu.memory_space<semaphore_mem>>) src(%dma_wait3A_2492 : memref<64x128xf32, #tpu.memory_space<hbm>>) dst(%arg11 : memref<64x128xf32, #tpu.memory_space<vmem>>)
    "tpu.region"() ({
      %run_scoped3A = tpu.sem_alloc : memref<!tpu.dma_semaphore, #tpu.memory_space<semaphore_mem>>
      %dma_start3A_2676 = arith.constant 0 : i32
      %dma_start3A_2677 = arith.constant 0 : i32
      %dma_start3A_2678 = tpu.memref_slice %arg19[%dma_start3A_2676, %dma_start3A_2677] : memref<8192x128xf32, #tpu.memory_space<vmem_shared>> -> memref<8192x128xf32, #tpu.memory_space<vmem_shared>>
      tpu.enqueue_indirect_dma source(%arg11 : memref<64x128xf32, #tpu.memory_space<vmem>>) target(%dma_start3A_2678 : memref<8192x128xf32, #tpu.memory_space<vmem_shared>>) offsets(%arg9 : memref<64xi32, #tpu.memory_space<vmem>>) semaphore(%run_scoped3A : memref<!tpu.dma_semaphore, #tpu.memory_space<semaphore_mem>>) {add = true}
      %dma_wait3A_2679 = arith.constant 0 : i32
      %dma_wait3A_2680 = arith.constant 0 : i32
      %dma_wait3A_2681 = tpu.memref_slice %arg19[%dma_wait3A_2679, %dma_wait3A_2680] : memref<8192x128xf32, #tpu.memory_space<vmem_shared>> -> memref<8192x128xf32, #tpu.memory_space<vmem_shared>>
      tpu.wait_indirect_dma semaphore(%run_scoped3A : memref<!tpu.dma_semaphore, #tpu.memory_space<semaphore_mem>>) src(%arg11 : memref<64x128xf32, #tpu.memory_space<vmem>>) dst(%dma_wait3A_2681 : memref<8192x128xf32, #tpu.memory_space<vmem_shared>>)
      tpu.yield
    }) : () -> ()
    "tpu.region"() ({
      %run_scoped3A = tpu.sem_alloc : memref<!tpu.dma_semaphore, #tpu.memory_space<semaphore_mem>>
      %dma_start3A_2676 = arith.constant 0 : i32
      %dma_start3A_2677 = tpu.memref_slice %arg20[%dma_start3A_2676] : memref<8192xf32, #tpu.memory_space<vmem_shared>> -> memref<8192xf32, #tpu.memory_space<vmem_shared>>
      tpu.enqueue_indirect_dma source(%arg18 : memref<64xf32, #tpu.memory_space<vmem>>) target(%dma_start3A_2677 : memref<8192xf32, #tpu.memory_space<vmem_shared>>) offsets(%arg9 : memref<64xi32, #tpu.memory_space<vmem>>) semaphore(%run_scoped3A : memref<!tpu.dma_semaphore, #tpu.memory_space<semaphore_mem>>) {add = true}
      %dma_wait3A_2678 = arith.constant 0 : i32
      %dma_wait3A_2679 = tpu.memref_slice %arg20[%dma_wait3A_2678] : memref<8192xf32, #tpu.memory_space<vmem_shared>> -> memref<8192xf32, #tpu.memory_space<vmem_shared>>
      tpu.wait_indirect_dma semaphore(%run_scoped3A : memref<!tpu.dma_semaphore, #tpu.memory_space<semaphore_mem>>) src(%arg18 : memref<64xf32, #tpu.memory_space<vmem>>) dst(%dma_wait3A_2679 : memref<8192xf32, #tpu.memory_space<vmem_shared>>)
      tpu.yield
    }) : () -> ()
    %add3A_2493 = arith.constant 192 : i32
    %add3A_2494 = arith.addi %mul3A_2395, %add3A_2493 : i32
    %dma_start3A_2495 = tpu.memref_slice %arg2[%add3A_2494] : memref<8192xi32, #tpu.memory_space<hbm>> -> memref<64xi32, #tpu.memory_space<hbm>>
    %dma_start3A_2496 = tpu.memref_slice %arg2[%add3A_2494] : memref<8192xi32, #tpu.memory_space<hbm>> -> memref<64xi32, #tpu.memory_space<hbm>>
    tpu.enqueue_dma source(%dma_start3A_2496 : memref<64xi32, #tpu.memory_space<hbm>>) target(%arg9 : memref<64xi32, #tpu.memory_space<vmem>>) target_semaphore(%arg23 : memref<!tpu.dma_semaphore, #tpu.memory_space<semaphore_mem>>)
    %mul3A_2497 = arith.constant 128 : i32
    %mul3A_2498 = arith.muli %arg0, %mul3A_2497 : i32
    %dma_start3A_2499 = tpu.memref_slice %arg3[%add3A_2494, %mul3A_2498] : memref<8192x256xf32, #tpu.memory_space<hbm>> -> memref<64x128xf32, #tpu.memory_space<hbm>>
    %dma_start3A_2500 = tpu.memref_slice %arg3[%add3A_2494, %mul3A_2498] : memref<8192x256xf32, #tpu.memory_space<hbm>> -> memref<64x128xf32, #tpu.memory_space<hbm>>
    tpu.enqueue_dma source(%dma_start3A_2500 : memref<64x128xf32, #tpu.memory_space<hbm>>) target(%arg11 : memref<64x128xf32, #tpu.memory_space<vmem>>) target_semaphore(%arg25 : memref<!tpu.dma_semaphore, #tpu.memory_space<semaphore_mem>>)
    %dma_wait3A_2501 = tpu.memref_slice %arg2[%add3A_2482] : memref<8192xi32, #tpu.memory_space<hbm>> -> memref<64xi32, #tpu.memory_space<hbm>>
    %dma_wait3A_2502 = tpu.memref_slice %arg2[%add3A_2482] : memref<8192xi32, #tpu.memory_space<hbm>> -> memref<64xi32, #tpu.memory_space<hbm>>
    tpu.wait_dma2 semaphore(%arg22 : memref<!tpu.dma_semaphore, #tpu.memory_space<semaphore_mem>>) src(%dma_wait3A_2502 : memref<64xi32, #tpu.memory_space<hbm>>) dst(%arg8 : memref<64xi32, #tpu.memory_space<vmem>>)
    %dma_wait3A_2503 = tpu.memref_slice %arg3[%add3A_2482, %mul3A_2486] : memref<8192x256xf32, #tpu.memory_space<hbm>> -> memref<64x128xf32, #tpu.memory_space<hbm>>
    %dma_wait3A_2504 = tpu.memref_slice %arg3[%add3A_2482, %mul3A_2486] : memref<8192x256xf32, #tpu.memory_space<hbm>> -> memref<64x128xf32, #tpu.memory_space<hbm>>
    tpu.wait_dma2 semaphore(%arg24 : memref<!tpu.dma_semaphore, #tpu.memory_space<semaphore_mem>>) src(%dma_wait3A_2504 : memref<64x128xf32, #tpu.memory_space<hbm>>) dst(%arg10 : memref<64x128xf32, #tpu.memory_space<vmem>>)
    "tpu.region"() ({
      %run_scoped3A = tpu.sem_alloc : memref<!tpu.dma_semaphore, #tpu.memory_space<semaphore_mem>>
      %dma_start3A_2676 = arith.constant 0 : i32
      %dma_start3A_2677 = arith.constant 0 : i32
      %dma_start3A_2678 = tpu.memref_slice %arg19[%dma_start3A_2676, %dma_start3A_2677] : memref<8192x128xf32, #tpu.memory_space<vmem_shared>> -> memref<8192x128xf32, #tpu.memory_space<vmem_shared>>
      tpu.enqueue_indirect_dma source(%arg10 : memref<64x128xf32, #tpu.memory_space<vmem>>) target(%dma_start3A_2678 : memref<8192x128xf32, #tpu.memory_space<vmem_shared>>) offsets(%arg8 : memref<64xi32, #tpu.memory_space<vmem>>) semaphore(%run_scoped3A : memref<!tpu.dma_semaphore, #tpu.memory_space<semaphore_mem>>) {add = true}
      %dma_wait3A_2679 = arith.constant 0 : i32
      %dma_wait3A_2680 = arith.constant 0 : i32
      %dma_wait3A_2681 = tpu.memref_slice %arg19[%dma_wait3A_2679, %dma_wait3A_2680] : memref<8192x128xf32, #tpu.memory_space<vmem_shared>> -> memref<8192x128xf32, #tpu.memory_space<vmem_shared>>
      tpu.wait_indirect_dma semaphore(%run_scoped3A : memref<!tpu.dma_semaphore, #tpu.memory_space<semaphore_mem>>) src(%arg10 : memref<64x128xf32, #tpu.memory_space<vmem>>) dst(%dma_wait3A_2681 : memref<8192x128xf32, #tpu.memory_space<vmem_shared>>)
      tpu.yield
    }) : () -> ()
    "tpu.region"() ({
      %run_scoped3A = tpu.sem_alloc : memref<!tpu.dma_semaphore, #tpu.memory_space<semaphore_mem>>
      %dma_start3A_2676 = arith.constant 0 : i32
      %dma_start3A_2677 = tpu.memref_slice %arg20[%dma_start3A_2676] : memref<8192xf32, #tpu.memory_space<vmem_shared>> -> memref<8192xf32, #tpu.memory_space<vmem_shared>>
      tpu.enqueue_indirect_dma source(%arg18 : memref<64xf32, #tpu.memory_space<vmem>>) target(%dma_start3A_2677 : memref<8192xf32, #tpu.memory_space<vmem_shared>>) offsets(%arg8 : memref<64xi32, #tpu.memory_space<vmem>>) semaphore(%run_scoped3A : memref<!tpu.dma_semaphore, #tpu.memory_space<semaphore_mem>>) {add = true}
      %dma_wait3A_2678 = arith.constant 0 : i32
      %dma_wait3A_2679 = tpu.memref_slice %arg20[%dma_wait3A_2678] : memref<8192xf32, #tpu.memory_space<vmem_shared>> -> memref<8192xf32, #tpu.memory_space<vmem_shared>>
      tpu.wait_indirect_dma semaphore(%run_scoped3A : memref<!tpu.dma_semaphore, #tpu.memory_space<semaphore_mem>>) src(%arg18 : memref<64xf32, #tpu.memory_space<vmem>>) dst(%dma_wait3A_2679 : memref<8192xf32, #tpu.memory_space<vmem_shared>>)
      tpu.yield
    }) : () -> ()
    %add3A_2505 = arith.constant 256 : i32
    %add3A_2506 = arith.addi %mul3A_2395, %add3A_2505 : i32
    %dma_start3A_2507 = tpu.memref_slice %arg2[%add3A_2506] : memref<8192xi32, #tpu.memory_space<hbm>> -> memref<64xi32, #tpu.memory_space<hbm>>
    %dma_start3A_2508 = tpu.memref_slice %arg2[%add3A_2506] : memref<8192xi32, #tpu.memory_space<hbm>> -> memref<64xi32, #tpu.memory_space<hbm>>
    tpu.enqueue_dma source(%dma_start3A_2508 : memref<64xi32, #tpu.memory_space<hbm>>) target(%arg8 : memref<64xi32, #tpu.memory_space<vmem>>) target_semaphore(%arg22 : memref<!tpu.dma_semaphore, #tpu.memory_space<semaphore_mem>>)
    %mul3A_2509 = arith.constant 128 : i32
    %mul3A_2510 = arith.muli %arg0, %mul3A_2509 : i32
    %dma_start3A_2511 = tpu.memref_slice %arg3[%add3A_2506, %mul3A_2510] : memref<8192x256xf32, #tpu.memory_space<hbm>> -> memref<64x128xf32, #tpu.memory_space<hbm>>
    %dma_start3A_2512 = tpu.memref_slice %arg3[%add3A_2506, %mul3A_2510] : memref<8192x256xf32, #tpu.memory_space<hbm>> -> memref<64x128xf32, #tpu.memory_space<hbm>>
    tpu.enqueue_dma source(%dma_start3A_2512 : memref<64x128xf32, #tpu.memory_space<hbm>>) target(%arg10 : memref<64x128xf32, #tpu.memory_space<vmem>>) target_semaphore(%arg24 : memref<!tpu.dma_semaphore, #tpu.memory_space<semaphore_mem>>)
    %dma_wait3A_2513 = tpu.memref_slice %arg2[%add3A_2494] : memref<8192xi32, #tpu.memory_space<hbm>> -> memref<64xi32, #tpu.memory_space<hbm>>
    %dma_wait3A_2514 = tpu.memref_slice %arg2[%add3A_2494] : memref<8192xi32, #tpu.memory_space<hbm>> -> memref<64xi32, #tpu.memory_space<hbm>>
    tpu.wait_dma2 semaphore(%arg23 : memref<!tpu.dma_semaphore, #tpu.memory_space<semaphore_mem>>) src(%dma_wait3A_2514 : memref<64xi32, #tpu.memory_space<hbm>>) dst(%arg9 : memref<64xi32, #tpu.memory_space<vmem>>)
    %dma_wait3A_2515 = tpu.memref_slice %arg3[%add3A_2494, %mul3A_2498] : memref<8192x256xf32, #tpu.memory_space<hbm>> -> memref<64x128xf32, #tpu.memory_space<hbm>>
    %dma_wait3A_2516 = tpu.memref_slice %arg3[%add3A_2494, %mul3A_2498] : memref<8192x256xf32, #tpu.memory_space<hbm>> -> memref<64x128xf32, #tpu.memory_space<hbm>>
    tpu.wait_dma2 semaphore(%arg25 : memref<!tpu.dma_semaphore, #tpu.memory_space<semaphore_mem>>) src(%dma_wait3A_2516 : memref<64x128xf32, #tpu.memory_space<hbm>>) dst(%arg11 : memref<64x128xf32, #tpu.memory_space<vmem>>)
    "tpu.region"() ({
      %run_scoped3A = tpu.sem_alloc : memref<!tpu.dma_semaphore, #tpu.memory_space<semaphore_mem>>
      %dma_start3A_2676 = arith.constant 0 : i32
      %dma_start3A_2677 = arith.constant 0 : i32
      %dma_start3A_2678 = tpu.memref_slice %arg19[%dma_start3A_2676, %dma_start3A_2677] : memref<8192x128xf32, #tpu.memory_space<vmem_shared>> -> memref<8192x128xf32, #tpu.memory_space<vmem_shared>>
      tpu.enqueue_indirect_dma source(%arg11 : memref<64x128xf32, #tpu.memory_space<vmem>>) target(%dma_start3A_2678 : memref<8192x128xf32, #tpu.memory_space<vmem_shared>>) offsets(%arg9 : memref<64xi32, #tpu.memory_space<vmem>>) semaphore(%run_scoped3A : memref<!tpu.dma_semaphore, #tpu.memory_space<semaphore_mem>>) {add = true}
      %dma_wait3A_2679 = arith.constant 0 : i32
      %dma_wait3A_2680 = arith.constant 0 : i32
      %dma_wait3A_2681 = tpu.memref_slice %arg19[%dma_wait3A_2679, %dma_wait3A_2680] : memref<8192x128xf32, #tpu.memory_space<vmem_shared>> -> memref<8192x128xf32, #tpu.memory_space<vmem_shared>>
      tpu.wait_indirect_dma semaphore(%run_scoped3A : memref<!tpu.dma_semaphore, #tpu.memory_space<semaphore_mem>>) src(%arg11 : memref<64x128xf32, #tpu.memory_space<vmem>>) dst(%dma_wait3A_2681 : memref<8192x128xf32, #tpu.memory_space<vmem_shared>>)
      tpu.yield
    }) : () -> ()
    "tpu.region"() ({
      %run_scoped3A = tpu.sem_alloc : memref<!tpu.dma_semaphore, #tpu.memory_space<semaphore_mem>>
      %dma_start3A_2676 = arith.constant 0 : i32
      %dma_start3A_2677 = tpu.memref_slice %arg20[%dma_start3A_2676] : memref<8192xf32, #tpu.memory_space<vmem_shared>> -> memref<8192xf32, #tpu.memory_space<vmem_shared>>
      tpu.enqueue_indirect_dma source(%arg18 : memref<64xf32, #tpu.memory_space<vmem>>) target(%dma_start3A_2677 : memref<8192xf32, #tpu.memory_space<vmem_shared>>) offsets(%arg9 : memref<64xi32, #tpu.memory_space<vmem>>) semaphore(%run_scoped3A : memref<!tpu.dma_semaphore, #tpu.memory_space<semaphore_mem>>) {add = true}
      %dma_wait3A_2678 = arith.constant 0 : i32
      %dma_wait3A_2679 = tpu.memref_slice %arg20[%dma_wait3A_2678] : memref<8192xf32, #tpu.memory_space<vmem_shared>> -> memref<8192xf32, #tpu.memory_space<vmem_shared>>
      tpu.wait_indirect_dma semaphore(%run_scoped3A : memref<!tpu.dma_semaphore, #tpu.memory_space<semaphore_mem>>) src(%arg18 : memref<64xf32, #tpu.memory_space<vmem>>) dst(%dma_wait3A_2679 : memref<8192xf32, #tpu.memory_space<vmem_shared>>)
      tpu.yield
    }) : () -> ()
    %add3A_2517 = arith.constant 320 : i32
    %add3A_2518 = arith.addi %mul3A_2395, %add3A_2517 : i32
    %dma_start3A_2519 = tpu.memref_slice %arg2[%add3A_2518] : memref<8192xi32, #tpu.memory_space<hbm>> -> memref<64xi32, #tpu.memory_space<hbm>>
    %dma_start3A_2520 = tpu.memref_slice %arg2[%add3A_2518] : memref<8192xi32, #tpu.memory_space<hbm>> -> memref<64xi32, #tpu.memory_space<hbm>>
    tpu.enqueue_dma source(%dma_start3A_2520 : memref<64xi32, #tpu.memory_space<hbm>>) target(%arg9 : memref<64xi32, #tpu.memory_space<vmem>>) target_semaphore(%arg23 : memref<!tpu.dma_semaphore, #tpu.memory_space<semaphore_mem>>)
    %mul3A_2521 = arith.constant 128 : i32
    %mul3A_2522 = arith.muli %arg0, %mul3A_2521 : i32
    %dma_start3A_2523 = tpu.memref_slice %arg3[%add3A_2518, %mul3A_2522] : memref<8192x256xf32, #tpu.memory_space<hbm>> -> memref<64x128xf32, #tpu.memory_space<hbm>>
    %dma_start3A_2524 = tpu.memref_slice %arg3[%add3A_2518, %mul3A_2522] : memref<8192x256xf32, #tpu.memory_space<hbm>> -> memref<64x128xf32, #tpu.memory_space<hbm>>
    tpu.enqueue_dma source(%dma_start3A_2524 : memref<64x128xf32, #tpu.memory_space<hbm>>) target(%arg11 : memref<64x128xf32, #tpu.memory_space<vmem>>) target_semaphore(%arg25 : memref<!tpu.dma_semaphore, #tpu.memory_space<semaphore_mem>>)
    %dma_wait3A_2525 = tpu.memref_slice %arg2[%add3A_2506] : memref<8192xi32, #tpu.memory_space<hbm>> -> memref<64xi32, #tpu.memory_space<hbm>>
    %dma_wait3A_2526 = tpu.memref_slice %arg2[%add3A_2506] : memref<8192xi32, #tpu.memory_space<hbm>> -> memref<64xi32, #tpu.memory_space<hbm>>
    tpu.wait_dma2 semaphore(%arg22 : memref<!tpu.dma_semaphore, #tpu.memory_space<semaphore_mem>>) src(%dma_wait3A_2526 : memref<64xi32, #tpu.memory_space<hbm>>) dst(%arg8 : memref<64xi32, #tpu.memory_space<vmem>>)
    %dma_wait3A_2527 = tpu.memref_slice %arg3[%add3A_2506, %mul3A_2510] : memref<8192x256xf32, #tpu.memory_space<hbm>> -> memref<64x128xf32, #tpu.memory_space<hbm>>
    %dma_wait3A_2528 = tpu.memref_slice %arg3[%add3A_2506, %mul3A_2510] : memref<8192x256xf32, #tpu.memory_space<hbm>> -> memref<64x128xf32, #tpu.memory_space<hbm>>
    tpu.wait_dma2 semaphore(%arg24 : memref<!tpu.dma_semaphore, #tpu.memory_space<semaphore_mem>>) src(%dma_wait3A_2528 : memref<64x128xf32, #tpu.memory_space<hbm>>) dst(%arg10 : memref<64x128xf32, #tpu.memory_space<vmem>>)
    "tpu.region"() ({
      %run_scoped3A = tpu.sem_alloc : memref<!tpu.dma_semaphore, #tpu.memory_space<semaphore_mem>>
      %dma_start3A_2676 = arith.constant 0 : i32
      %dma_start3A_2677 = arith.constant 0 : i32
      %dma_start3A_2678 = tpu.memref_slice %arg19[%dma_start3A_2676, %dma_start3A_2677] : memref<8192x128xf32, #tpu.memory_space<vmem_shared>> -> memref<8192x128xf32, #tpu.memory_space<vmem_shared>>
      tpu.enqueue_indirect_dma source(%arg10 : memref<64x128xf32, #tpu.memory_space<vmem>>) target(%dma_start3A_2678 : memref<8192x128xf32, #tpu.memory_space<vmem_shared>>) offsets(%arg8 : memref<64xi32, #tpu.memory_space<vmem>>) semaphore(%run_scoped3A : memref<!tpu.dma_semaphore, #tpu.memory_space<semaphore_mem>>) {add = true}
      %dma_wait3A_2679 = arith.constant 0 : i32
      %dma_wait3A_2680 = arith.constant 0 : i32
      %dma_wait3A_2681 = tpu.memref_slice %arg19[%dma_wait3A_2679, %dma_wait3A_2680] : memref<8192x128xf32, #tpu.memory_space<vmem_shared>> -> memref<8192x128xf32, #tpu.memory_space<vmem_shared>>
      tpu.wait_indirect_dma semaphore(%run_scoped3A : memref<!tpu.dma_semaphore, #tpu.memory_space<semaphore_mem>>) src(%arg10 : memref<64x128xf32, #tpu.memory_space<vmem>>) dst(%dma_wait3A_2681 : memref<8192x128xf32, #tpu.memory_space<vmem_shared>>)
      tpu.yield
    }) : () -> ()
    "tpu.region"() ({
      %run_scoped3A = tpu.sem_alloc : memref<!tpu.dma_semaphore, #tpu.memory_space<semaphore_mem>>
      %dma_start3A_2676 = arith.constant 0 : i32
      %dma_start3A_2677 = tpu.memref_slice %arg20[%dma_start3A_2676] : memref<8192xf32, #tpu.memory_space<vmem_shared>> -> memref<8192xf32, #tpu.memory_space<vmem_shared>>
      tpu.enqueue_indirect_dma source(%arg18 : memref<64xf32, #tpu.memory_space<vmem>>) target(%dma_start3A_2677 : memref<8192xf32, #tpu.memory_space<vmem_shared>>) offsets(%arg8 : memref<64xi32, #tpu.memory_space<vmem>>) semaphore(%run_scoped3A : memref<!tpu.dma_semaphore, #tpu.memory_space<semaphore_mem>>) {add = true}
      %dma_wait3A_2678 = arith.constant 0 : i32
      %dma_wait3A_2679 = tpu.memref_slice %arg20[%dma_wait3A_2678] : memref<8192xf32, #tpu.memory_space<vmem_shared>> -> memref<8192xf32, #tpu.memory_space<vmem_shared>>
      tpu.wait_indirect_dma semaphore(%run_scoped3A : memref<!tpu.dma_semaphore, #tpu.memory_space<semaphore_mem>>) src(%arg18 : memref<64xf32, #tpu.memory_space<vmem>>) dst(%dma_wait3A_2679 : memref<8192xf32, #tpu.memory_space<vmem_shared>>)
      tpu.yield
    }) : () -> ()
    %add3A_2529 = arith.constant 384 : i32
    %add3A_2530 = arith.addi %mul3A_2395, %add3A_2529 : i32
    %dma_start3A_2531 = tpu.memref_slice %arg2[%add3A_2530] : memref<8192xi32, #tpu.memory_space<hbm>> -> memref<64xi32, #tpu.memory_space<hbm>>
    %dma_start3A_2532 = tpu.memref_slice %arg2[%add3A_2530] : memref<8192xi32, #tpu.memory_space<hbm>> -> memref<64xi32, #tpu.memory_space<hbm>>
    tpu.enqueue_dma source(%dma_start3A_2532 : memref<64xi32, #tpu.memory_space<hbm>>) target(%arg8 : memref<64xi32, #tpu.memory_space<vmem>>) target_semaphore(%arg22 : memref<!tpu.dma_semaphore, #tpu.memory_space<semaphore_mem>>)
    %mul3A_2533 = arith.constant 128 : i32
    %mul3A_2534 = arith.muli %arg0, %mul3A_2533 : i32
    %dma_start3A_2535 = tpu.memref_slice %arg3[%add3A_2530, %mul3A_2534] : memref<8192x256xf32, #tpu.memory_space<hbm>> -> memref<64x128xf32, #tpu.memory_space<hbm>>
    %dma_start3A_2536 = tpu.memref_slice %arg3[%add3A_2530, %mul3A_2534] : memref<8192x256xf32, #tpu.memory_space<hbm>> -> memref<64x128xf32, #tpu.memory_space<hbm>>
    tpu.enqueue_dma source(%dma_start3A_2536 : memref<64x128xf32, #tpu.memory_space<hbm>>) target(%arg10 : memref<64x128xf32, #tpu.memory_space<vmem>>) target_semaphore(%arg24 : memref<!tpu.dma_semaphore, #tpu.memory_space<semaphore_mem>>)
    %dma_wait3A_2537 = tpu.memref_slice %arg2[%add3A_2518] : memref<8192xi32, #tpu.memory_space<hbm>> -> memref<64xi32, #tpu.memory_space<hbm>>
    %dma_wait3A_2538 = tpu.memref_slice %arg2[%add3A_2518] : memref<8192xi32, #tpu.memory_space<hbm>> -> memref<64xi32, #tpu.memory_space<hbm>>
    tpu.wait_dma2 semaphore(%arg23 : memref<!tpu.dma_semaphore, #tpu.memory_space<semaphore_mem>>) src(%dma_wait3A_2538 : memref<64xi32, #tpu.memory_space<hbm>>) dst(%arg9 : memref<64xi32, #tpu.memory_space<vmem>>)
    %dma_wait3A_2539 = tpu.memref_slice %arg3[%add3A_2518, %mul3A_2522] : memref<8192x256xf32, #tpu.memory_space<hbm>> -> memref<64x128xf32, #tpu.memory_space<hbm>>
    %dma_wait3A_2540 = tpu.memref_slice %arg3[%add3A_2518, %mul3A_2522] : memref<8192x256xf32, #tpu.memory_space<hbm>> -> memref<64x128xf32, #tpu.memory_space<hbm>>
    tpu.wait_dma2 semaphore(%arg25 : memref<!tpu.dma_semaphore, #tpu.memory_space<semaphore_mem>>) src(%dma_wait3A_2540 : memref<64x128xf32, #tpu.memory_space<hbm>>) dst(%arg11 : memref<64x128xf32, #tpu.memory_space<vmem>>)
    "tpu.region"() ({
      %run_scoped3A = tpu.sem_alloc : memref<!tpu.dma_semaphore, #tpu.memory_space<semaphore_mem>>
      %dma_start3A_2676 = arith.constant 0 : i32
      %dma_start3A_2677 = arith.constant 0 : i32
      %dma_start3A_2678 = tpu.memref_slice %arg19[%dma_start3A_2676, %dma_start3A_2677] : memref<8192x128xf32, #tpu.memory_space<vmem_shared>> -> memref<8192x128xf32, #tpu.memory_space<vmem_shared>>
      tpu.enqueue_indirect_dma source(%arg11 : memref<64x128xf32, #tpu.memory_space<vmem>>) target(%dma_start3A_2678 : memref<8192x128xf32, #tpu.memory_space<vmem_shared>>) offsets(%arg9 : memref<64xi32, #tpu.memory_space<vmem>>) semaphore(%run_scoped3A : memref<!tpu.dma_semaphore, #tpu.memory_space<semaphore_mem>>) {add = true}
      %dma_wait3A_2679 = arith.constant 0 : i32
      %dma_wait3A_2680 = arith.constant 0 : i32
      %dma_wait3A_2681 = tpu.memref_slice %arg19[%dma_wait3A_2679, %dma_wait3A_2680] : memref<8192x128xf32, #tpu.memory_space<vmem_shared>> -> memref<8192x128xf32, #tpu.memory_space<vmem_shared>>
      tpu.wait_indirect_dma semaphore(%run_scoped3A : memref<!tpu.dma_semaphore, #tpu.memory_space<semaphore_mem>>) src(%arg11 : memref<64x128xf32, #tpu.memory_space<vmem>>) dst(%dma_wait3A_2681 : memref<8192x128xf32, #tpu.memory_space<vmem_shared>>)
      tpu.yield
    }) : () -> ()
    "tpu.region"() ({
      %run_scoped3A = tpu.sem_alloc : memref<!tpu.dma_semaphore, #tpu.memory_space<semaphore_mem>>
      %dma_start3A_2676 = arith.constant 0 : i32
      %dma_start3A_2677 = tpu.memref_slice %arg20[%dma_start3A_2676] : memref<8192xf32, #tpu.memory_space<vmem_shared>> -> memref<8192xf32, #tpu.memory_space<vmem_shared>>
      tpu.enqueue_indirect_dma source(%arg18 : memref<64xf32, #tpu.memory_space<vmem>>) target(%dma_start3A_2677 : memref<8192xf32, #tpu.memory_space<vmem_shared>>) offsets(%arg9 : memref<64xi32, #tpu.memory_space<vmem>>) semaphore(%run_scoped3A : memref<!tpu.dma_semaphore, #tpu.memory_space<semaphore_mem>>) {add = true}
      %dma_wait3A_2678 = arith.constant 0 : i32
      %dma_wait3A_2679 = tpu.memref_slice %arg20[%dma_wait3A_2678] : memref<8192xf32, #tpu.memory_space<vmem_shared>> -> memref<8192xf32, #tpu.memory_space<vmem_shared>>
      tpu.wait_indirect_dma semaphore(%run_scoped3A : memref<!tpu.dma_semaphore, #tpu.memory_space<semaphore_mem>>) src(%arg18 : memref<64xf32, #tpu.memory_space<vmem>>) dst(%dma_wait3A_2679 : memref<8192xf32, #tpu.memory_space<vmem_shared>>)
      tpu.yield
    }) : () -> ()
    %add3A_2541 = arith.constant 448 : i32
    %add3A_2542 = arith.addi %mul3A_2395, %add3A_2541 : i32
    %dma_start3A_2543 = tpu.memref_slice %arg2[%add3A_2542] : memref<8192xi32, #tpu.memory_space<hbm>> -> memref<64xi32, #tpu.memory_space<hbm>>
    %dma_start3A_2544 = tpu.memref_slice %arg2[%add3A_2542] : memref<8192xi32, #tpu.memory_space<hbm>> -> memref<64xi32, #tpu.memory_space<hbm>>
    tpu.enqueue_dma source(%dma_start3A_2544 : memref<64xi32, #tpu.memory_space<hbm>>) target(%arg9 : memref<64xi32, #tpu.memory_space<vmem>>) target_semaphore(%arg23 : memref<!tpu.dma_semaphore, #tpu.memory_space<semaphore_mem>>)
    %mul3A_2545 = arith.constant 128 : i32
    %mul3A_2546 = arith.muli %arg0, %mul3A_2545 : i32
    %dma_start3A_2547 = tpu.memref_slice %arg3[%add3A_2542, %mul3A_2546] : memref<8192x256xf32, #tpu.memory_space<hbm>> -> memref<64x128xf32, #tpu.memory_space<hbm>>
    %dma_start3A_2548 = tpu.memref_slice %arg3[%add3A_2542, %mul3A_2546] : memref<8192x256xf32, #tpu.memory_space<hbm>> -> memref<64x128xf32, #tpu.memory_space<hbm>>
    tpu.enqueue_dma source(%dma_start3A_2548 : memref<64x128xf32, #tpu.memory_space<hbm>>) target(%arg11 : memref<64x128xf32, #tpu.memory_space<vmem>>) target_semaphore(%arg25 : memref<!tpu.dma_semaphore, #tpu.memory_space<semaphore_mem>>)
    %dma_wait3A_2549 = tpu.memref_slice %arg2[%add3A_2530] : memref<8192xi32, #tpu.memory_space<hbm>> -> memref<64xi32, #tpu.memory_space<hbm>>
    %dma_wait3A_2550 = tpu.memref_slice %arg2[%add3A_2530] : memref<8192xi32, #tpu.memory_space<hbm>> -> memref<64xi32, #tpu.memory_space<hbm>>
    tpu.wait_dma2 semaphore(%arg22 : memref<!tpu.dma_semaphore, #tpu.memory_space<semaphore_mem>>) src(%dma_wait3A_2550 : memref<64xi32, #tpu.memory_space<hbm>>) dst(%arg8 : memref<64xi32, #tpu.memory_space<vmem>>)
    %dma_wait3A_2551 = tpu.memref_slice %arg3[%add3A_2530, %mul3A_2534] : memref<8192x256xf32, #tpu.memory_space<hbm>> -> memref<64x128xf32, #tpu.memory_space<hbm>>
    %dma_wait3A_2552 = tpu.memref_slice %arg3[%add3A_2530, %mul3A_2534] : memref<8192x256xf32, #tpu.memory_space<hbm>> -> memref<64x128xf32, #tpu.memory_space<hbm>>
    tpu.wait_dma2 semaphore(%arg24 : memref<!tpu.dma_semaphore, #tpu.memory_space<semaphore_mem>>) src(%dma_wait3A_2552 : memref<64x128xf32, #tpu.memory_space<hbm>>) dst(%arg10 : memref<64x128xf32, #tpu.memory_space<vmem>>)
    "tpu.region"() ({
      %run_scoped3A = tpu.sem_alloc : memref<!tpu.dma_semaphore, #tpu.memory_space<semaphore_mem>>
      %dma_start3A_2676 = arith.constant 0 : i32
      %dma_start3A_2677 = arith.constant 0 : i32
      %dma_start3A_2678 = tpu.memref_slice %arg19[%dma_start3A_2676, %dma_start3A_2677] : memref<8192x128xf32, #tpu.memory_space<vmem_shared>> -> memref<8192x128xf32, #tpu.memory_space<vmem_shared>>
      tpu.enqueue_indirect_dma source(%arg10 : memref<64x128xf32, #tpu.memory_space<vmem>>) target(%dma_start3A_2678 : memref<8192x128xf32, #tpu.memory_space<vmem_shared>>) offsets(%arg8 : memref<64xi32, #tpu.memory_space<vmem>>) semaphore(%run_scoped3A : memref<!tpu.dma_semaphore, #tpu.memory_space<semaphore_mem>>) {add = true}
      %dma_wait3A_2679 = arith.constant 0 : i32
      %dma_wait3A_2680 = arith.constant 0 : i32
      %dma_wait3A_2681 = tpu.memref_slice %arg19[%dma_wait3A_2679, %dma_wait3A_2680] : memref<8192x128xf32, #tpu.memory_space<vmem_shared>> -> memref<8192x128xf32, #tpu.memory_space<vmem_shared>>
      tpu.wait_indirect_dma semaphore(%run_scoped3A : memref<!tpu.dma_semaphore, #tpu.memory_space<semaphore_mem>>) src(%arg10 : memref<64x128xf32, #tpu.memory_space<vmem>>) dst(%dma_wait3A_2681 : memref<8192x128xf32, #tpu.memory_space<vmem_shared>>)
      tpu.yield
    }) : () -> ()
    "tpu.region"() ({
      %run_scoped3A = tpu.sem_alloc : memref<!tpu.dma_semaphore, #tpu.memory_space<semaphore_mem>>
      %dma_start3A_2676 = arith.constant 0 : i32
      %dma_start3A_2677 = tpu.memref_slice %arg20[%dma_start3A_2676] : memref<8192xf32, #tpu.memory_space<vmem_shared>> -> memref<8192xf32, #tpu.memory_space<vmem_shared>>
      tpu.enqueue_indirect_dma source(%arg18 : memref<64xf32, #tpu.memory_space<vmem>>) target(%dma_start3A_2677 : memref<8192xf32, #tpu.memory_space<vmem_shared>>) offsets(%arg8 : memref<64xi32, #tpu.memory_space<vmem>>) semaphore(%run_scoped3A : memref<!tpu.dma_semaphore, #tpu.memory_space<semaphore_mem>>) {add = true}
      %dma_wait3A_2678 = arith.constant 0 : i32
      %dma_wait3A_2679 = tpu.memref_slice %arg20[%dma_wait3A_2678] : memref<8192xf32, #tpu.memory_space<vmem_shared>> -> memref<8192xf32, #tpu.memory_space<vmem_shared>>
      tpu.wait_indirect_dma semaphore(%run_scoped3A : memref<!tpu.dma_semaphore, #tpu.memory_space<semaphore_mem>>) src(%arg18 : memref<64xf32, #tpu.memory_space<vmem>>) dst(%dma_wait3A_2679 : memref<8192xf32, #tpu.memory_space<vmem_shared>>)
      tpu.yield
    }) : () -> ()
    %dma_wait3A_2553 = tpu.memref_slice %arg2[%add3A_2542] : memref<8192xi32, #tpu.memory_space<hbm>> -> memref<64xi32, #tpu.memory_space<hbm>>
    %dma_wait3A_2554 = tpu.memref_slice %arg2[%add3A_2542] : memref<8192xi32, #tpu.memory_space<hbm>> -> memref<64xi32, #tpu.memory_space<hbm>>
    tpu.wait_dma2 semaphore(%arg23 : memref<!tpu.dma_semaphore, #tpu.memory_space<semaphore_mem>>) src(%dma_wait3A_2554 : memref<64xi32, #tpu.memory_space<hbm>>) dst(%arg9 : memref<64xi32, #tpu.memory_space<vmem>>)
    %dma_wait3A_2555 = tpu.memref_slice %arg3[%add3A_2542, %mul3A_2546] : memref<8192x256xf32, #tpu.memory_space<hbm>> -> memref<64x128xf32, #tpu.memory_space<hbm>>
    %dma_wait3A_2556 = tpu.memref_slice %arg3[%add3A_2542, %mul3A_2546] : memref<8192x256xf32, #tpu.memory_space<hbm>> -> memref<64x128xf32, #tpu.memory_space<hbm>>
    tpu.wait_dma2 semaphore(%arg25 : memref<!tpu.dma_semaphore, #tpu.memory_space<semaphore_mem>>) src(%dma_wait3A_2556 : memref<64x128xf32, #tpu.memory_space<hbm>>) dst(%arg11 : memref<64x128xf32, #tpu.memory_space<vmem>>)
    "tpu.region"() ({
      %run_scoped3A = tpu.sem_alloc : memref<!tpu.dma_semaphore, #tpu.memory_space<semaphore_mem>>
      %dma_start3A_2676 = arith.constant 0 : i32
      %dma_start3A_2677 = arith.constant 0 : i32
      %dma_start3A_2678 = tpu.memref_slice %arg19[%dma_start3A_2676, %dma_start3A_2677] : memref<8192x128xf32, #tpu.memory_space<vmem_shared>> -> memref<8192x128xf32, #tpu.memory_space<vmem_shared>>
      tpu.enqueue_indirect_dma source(%arg11 : memref<64x128xf32, #tpu.memory_space<vmem>>) target(%dma_start3A_2678 : memref<8192x128xf32, #tpu.memory_space<vmem_shared>>) offsets(%arg9 : memref<64xi32, #tpu.memory_space<vmem>>) semaphore(%run_scoped3A : memref<!tpu.dma_semaphore, #tpu.memory_space<semaphore_mem>>) {add = true}
      %dma_wait3A_2679 = arith.constant 0 : i32
      %dma_wait3A_2680 = arith.constant 0 : i32
      %dma_wait3A_2681 = tpu.memref_slice %arg19[%dma_wait3A_2679, %dma_wait3A_2680] : memref<8192x128xf32, #tpu.memory_space<vmem_shared>> -> memref<8192x128xf32, #tpu.memory_space<vmem_shared>>
      tpu.wait_indirect_dma semaphore(%run_scoped3A : memref<!tpu.dma_semaphore, #tpu.memory_space<semaphore_mem>>) src(%arg11 : memref<64x128xf32, #tpu.memory_space<vmem>>) dst(%dma_wait3A_2681 : memref<8192x128xf32, #tpu.memory_space<vmem_shared>>)
      tpu.yield
    }) : () -> ()
    "tpu.region"() ({
      %run_scoped3A = tpu.sem_alloc : memref<!tpu.dma_semaphore, #tpu.memory_space<semaphore_mem>>
      %dma_start3A_2676 = arith.constant 0 : i32
      %dma_start3A_2677 = tpu.memref_slice %arg20[%dma_start3A_2676] : memref<8192xf32, #tpu.memory_space<vmem_shared>> -> memref<8192xf32, #tpu.memory_space<vmem_shared>>
      tpu.enqueue_indirect_dma source(%arg18 : memref<64xf32, #tpu.memory_space<vmem>>) target(%dma_start3A_2677 : memref<8192xf32, #tpu.memory_space<vmem_shared>>) offsets(%arg9 : memref<64xi32, #tpu.memory_space<vmem>>) semaphore(%run_scoped3A : memref<!tpu.dma_semaphore, #tpu.memory_space<semaphore_mem>>) {add = true}
      %dma_wait3A_2678 = arith.constant 0 : i32
      %dma_wait3A_2679 = tpu.memref_slice %arg20[%dma_wait3A_2678] : memref<8192xf32, #tpu.memory_space<vmem_shared>> -> memref<8192xf32, #tpu.memory_space<vmem_shared>>
      tpu.wait_indirect_dma semaphore(%run_scoped3A : memref<!tpu.dma_semaphore, #tpu.memory_space<semaphore_mem>>) src(%arg18 : memref<64xf32, #tpu.memory_space<vmem>>) dst(%dma_wait3A_2679 : memref<8192xf32, #tpu.memory_space<vmem_shared>>)
      tpu.yield
    }) : () -> ()
    %barrier3A_2557 = arith.constant 0 : index
    tpu.barrier barrier_id(%barrier3A_2557)
    %mul3A_2558 = arith.constant 512 : i32
    %mul3A_2559 = arith.muli %arg1, %mul3A_2558 : i32
    %mul3A_2560 = arith.constant 512 : i32
    %mul3A_2561 = arith.muli %arg1, %mul3A_2560 : i32
    %mul3A_2562 = arith.constant 128 : i32
    %mul3A_2563 = arith.muli %arg0, %mul3A_2562 : i32
    %dma_start3A_2564 = tpu.memref_slice %arg6[%mul3A_2561, %mul3A_2563] : memref<8192x256xf32, #tpu.memory_space<hbm>> -> memref<512x128xf32, #tpu.memory_space<hbm>>
    %dma_start3A_2565 = arith.constant 0 : i32
    %dma_start3A_2566 = tpu.memref_slice %arg19[%mul3A_2559, %dma_start3A_2565] : memref<8192x128xf32, #tpu.memory_space<vmem_shared>> -> memref<512x128xf32, #tpu.memory_space<vmem_shared>>
    tpu.enqueue_dma source(%dma_start3A_2566 : memref<512x128xf32, #tpu.memory_space<vmem_shared>>) target(%dma_start3A_2564 : memref<512x128xf32, #tpu.memory_space<hbm>>) target_semaphore(%arg21 : memref<!tpu.dma_semaphore, #tpu.memory_space<semaphore_mem>>)
    %eq3A = arith.constant 0 : i32
    %eq3A_2567 = arith.cmpi eq, %arg0, %eq3A : i32
    %convert_element_type3A = arith.extui %eq3A_2567 : i1 to i32
    %cond3A = arith.constant 0 : i32
    %cond3A_2568 = arith.cmpi ne, %convert_element_type3A, %cond3A : i32
    scf.if %cond3A_2568 {
      %mul3A_2676 = arith.constant 512 : i32
      %mul3A_2677 = arith.muli %arg1, %mul3A_2676 : i32
      %mul3A_2678 = arith.constant 512 : i32
      %mul3A_2679 = arith.muli %arg1, %mul3A_2678 : i32
      "tpu.region"() ({
        %run_scoped3A = tpu.sem_alloc : memref<!tpu.dma_semaphore, #tpu.memory_space<semaphore_mem>>
        %dma_start3A_2680 = tpu.memref_slice %arg7[%mul3A_2679] : memref<8192xf32, #tpu.memory_space<hbm>> -> memref<512xf32, #tpu.memory_space<hbm>>
        %dma_start3A_2681 = tpu.memref_slice %arg20[%mul3A_2677] : memref<8192xf32, #tpu.memory_space<vmem_shared>> -> memref<512xf32, #tpu.memory_space<vmem_shared>>
        tpu.enqueue_dma source(%dma_start3A_2681 : memref<512xf32, #tpu.memory_space<vmem_shared>>) target(%dma_start3A_2680 : memref<512xf32, #tpu.memory_space<hbm>>) target_semaphore(%run_scoped3A : memref<!tpu.dma_semaphore, #tpu.memory_space<semaphore_mem>>)
        %dma_wait3A_2682 = tpu.memref_slice %arg7[%mul3A_2679] : memref<8192xf32, #tpu.memory_space<hbm>> -> memref<512xf32, #tpu.memory_space<hbm>>
        %dma_wait3A_2683 = tpu.memref_slice %arg20[%mul3A_2677] : memref<8192xf32, #tpu.memory_space<vmem_shared>> -> memref<512xf32, #tpu.memory_space<vmem_shared>>
        tpu.wait_dma2 semaphore(%run_scoped3A : memref<!tpu.dma_semaphore, #tpu.memory_space<semaphore_mem>>) src(%dma_wait3A_2683 : memref<512xf32, #tpu.memory_space<vmem_shared>>) dst(%dma_wait3A_2682 : memref<512xf32, #tpu.memory_space<hbm>>)
        tpu.yield
      }) : () -> ()
    } else {
    }
    %mul3A_2569 = arith.constant 256 : i32
    %mul3A_2570 = arith.muli %add3A, %mul3A_2569 : i32
    %add3A_2571 = arith.constant 0 : i32
    %add3A_2572 = arith.addi %mul3A_2570, %add3A_2571 : i32
    %dma_start3A_2573 = tpu.memref_slice %arg2[%add3A_2572] : memref<8192xi32, #tpu.memory_space<hbm>> -> memref<64xi32, #tpu.memory_space<hbm>>
    %dma_start3A_2574 = tpu.memref_slice %arg2[%add3A_2572] : memref<8192xi32, #tpu.memory_space<hbm>> -> memref<64xi32, #tpu.memory_space<hbm>>
    tpu.enqueue_dma source(%dma_start3A_2574 : memref<64xi32, #tpu.memory_space<hbm>>) target(%arg12 : memref<64xi32, #tpu.memory_space<vmem>>) target_semaphore(%arg26 : memref<!tpu.dma_semaphore, #tpu.memory_space<semaphore_mem>>)
    %dma_wait3A_2575 = tpu.memref_slice %arg2[%add3A_2572] : memref<8192xi32, #tpu.memory_space<hbm>> -> memref<64xi32, #tpu.memory_space<hbm>>
    %dma_wait3A_2576 = tpu.memref_slice %arg2[%add3A_2572] : memref<8192xi32, #tpu.memory_space<hbm>> -> memref<64xi32, #tpu.memory_space<hbm>>
    tpu.wait_dma2 semaphore(%arg26 : memref<!tpu.dma_semaphore, #tpu.memory_space<semaphore_mem>>) src(%dma_wait3A_2576 : memref<64xi32, #tpu.memory_space<hbm>>) dst(%arg12 : memref<64xi32, #tpu.memory_space<vmem>>)
    %mul3A_2577 = arith.constant 256 : i32
    %mul3A_2578 = arith.muli %add3A, %mul3A_2577 : i32
    %add3A_2579 = arith.constant 64 : i32
    %add3A_2580 = arith.addi %mul3A_2578, %add3A_2579 : i32
    %dma_start3A_2581 = tpu.memref_slice %arg2[%add3A_2580] : memref<8192xi32, #tpu.memory_space<hbm>> -> memref<64xi32, #tpu.memory_space<hbm>>
    %dma_start3A_2582 = tpu.memref_slice %arg2[%add3A_2580] : memref<8192xi32, #tpu.memory_space<hbm>> -> memref<64xi32, #tpu.memory_space<hbm>>
    tpu.enqueue_dma source(%dma_start3A_2582 : memref<64xi32, #tpu.memory_space<hbm>>) target(%arg13 : memref<64xi32, #tpu.memory_space<vmem>>) target_semaphore(%arg27 : memref<!tpu.dma_semaphore, #tpu.memory_space<semaphore_mem>>)
    %dma_start3A_2583 = arith.constant 0 : i32
    %dma_start3A_2584 = arith.constant 0 : i32
    %dma_start3A_2585 = tpu.memref_slice %arg4[%dma_start3A_2583, %dma_start3A_2584] : memref<8192x256xf32, #tpu.memory_space<hbm>> -> memref<8192x256xf32, #tpu.memory_space<hbm>>
    tpu.enqueue_indirect_dma source(%dma_start3A_2585 : memref<8192x256xf32, #tpu.memory_space<hbm>>) target(%arg14 : memref<64x256xf32, #tpu.memory_space<vmem>>) offsets(%arg12 : memref<64xi32, #tpu.memory_space<vmem>>) semaphore(%arg28 : memref<!tpu.dma_semaphore, #tpu.memory_space<semaphore_mem>>)
    %dma_wait3A_2586 = arith.constant 0 : i32
    %dma_wait3A_2587 = arith.constant 0 : i32
    %dma_wait3A_2588 = tpu.memref_slice %arg4[%dma_wait3A_2586, %dma_wait3A_2587] : memref<8192x256xf32, #tpu.memory_space<hbm>> -> memref<8192x256xf32, #tpu.memory_space<hbm>>
    tpu.wait_indirect_dma semaphore(%arg28 : memref<!tpu.dma_semaphore, #tpu.memory_space<semaphore_mem>>) src(%dma_wait3A_2588 : memref<8192x256xf32, #tpu.memory_space<hbm>>) dst(%arg14 : memref<64x256xf32, #tpu.memory_space<vmem>>)
    %mul3A_2589 = arith.constant 256 : i32
    %mul3A_2590 = arith.muli %add3A, %mul3A_2589 : i32
    %add3A_2591 = arith.constant 0 : i32
    %add3A_2592 = arith.addi %mul3A_2590, %add3A_2591 : i32
    %dma_start3A_2593 = arith.constant 0 : i32
    %dma_start3A_2594 = tpu.memref_slice %arg5[%add3A_2592, %dma_start3A_2593] : memref<8192x256xf32, #tpu.memory_space<hbm>> -> memref<64x256xf32, #tpu.memory_space<hbm>>
    %dma_start3A_2595 = arith.constant 0 : i32
    %dma_start3A_2596 = tpu.memref_slice %arg5[%add3A_2592, %dma_start3A_2595] : memref<8192x256xf32, #tpu.memory_space<hbm>> -> memref<64x256xf32, #tpu.memory_space<hbm>>
    tpu.enqueue_dma source(%arg14 : memref<64x256xf32, #tpu.memory_space<vmem>>) target(%dma_start3A_2596 : memref<64x256xf32, #tpu.memory_space<hbm>>) target_semaphore(%arg30 : memref<!tpu.dma_semaphore, #tpu.memory_space<semaphore_mem>>)
    %dma_wait3A_2597 = tpu.memref_slice %arg2[%add3A_2580] : memref<8192xi32, #tpu.memory_space<hbm>> -> memref<64xi32, #tpu.memory_space<hbm>>
    %dma_wait3A_2598 = tpu.memref_slice %arg2[%add3A_2580] : memref<8192xi32, #tpu.memory_space<hbm>> -> memref<64xi32, #tpu.memory_space<hbm>>
    tpu.wait_dma2 semaphore(%arg27 : memref<!tpu.dma_semaphore, #tpu.memory_space<semaphore_mem>>) src(%dma_wait3A_2598 : memref<64xi32, #tpu.memory_space<hbm>>) dst(%arg13 : memref<64xi32, #tpu.memory_space<vmem>>)
    %mul3A_2599 = arith.constant 256 : i32
    %mul3A_2600 = arith.muli %add3A, %mul3A_2599 : i32
    %add3A_2601 = arith.constant 128 : i32
    %add3A_2602 = arith.addi %mul3A_2600, %add3A_2601 : i32
    %dma_start3A_2603 = tpu.memref_slice %arg2[%add3A_2602] : memref<8192xi32, #tpu.memory_space<hbm>> -> memref<64xi32, #tpu.memory_space<hbm>>
    %dma_start3A_2604 = tpu.memref_slice %arg2[%add3A_2602] : memref<8192xi32, #tpu.memory_space<hbm>> -> memref<64xi32, #tpu.memory_space<hbm>>
    tpu.enqueue_dma source(%dma_start3A_2604 : memref<64xi32, #tpu.memory_space<hbm>>) target(%arg12 : memref<64xi32, #tpu.memory_space<vmem>>) target_semaphore(%arg26 : memref<!tpu.dma_semaphore, #tpu.memory_space<semaphore_mem>>)
    %dma_start3A_2605 = arith.constant 0 : i32
    %dma_start3A_2606 = arith.constant 0 : i32
    %dma_start3A_2607 = tpu.memref_slice %arg4[%dma_start3A_2605, %dma_start3A_2606] : memref<8192x256xf32, #tpu.memory_space<hbm>> -> memref<8192x256xf32, #tpu.memory_space<hbm>>
    tpu.enqueue_indirect_dma source(%dma_start3A_2607 : memref<8192x256xf32, #tpu.memory_space<hbm>>) target(%arg15 : memref<64x256xf32, #tpu.memory_space<vmem>>) offsets(%arg13 : memref<64xi32, #tpu.memory_space<vmem>>) semaphore(%arg29 : memref<!tpu.dma_semaphore, #tpu.memory_space<semaphore_mem>>)
    %dma_wait3A_2608 = arith.constant 0 : i32
    %dma_wait3A_2609 = arith.constant 0 : i32
    %dma_wait3A_2610 = tpu.memref_slice %arg4[%dma_wait3A_2608, %dma_wait3A_2609] : memref<8192x256xf32, #tpu.memory_space<hbm>> -> memref<8192x256xf32, #tpu.memory_space<hbm>>
    tpu.wait_indirect_dma semaphore(%arg29 : memref<!tpu.dma_semaphore, #tpu.memory_space<semaphore_mem>>) src(%dma_wait3A_2610 : memref<8192x256xf32, #tpu.memory_space<hbm>>) dst(%arg15 : memref<64x256xf32, #tpu.memory_space<vmem>>)
    %mul3A_2611 = arith.constant 256 : i32
    %mul3A_2612 = arith.muli %add3A, %mul3A_2611 : i32
    %add3A_2613 = arith.constant 64 : i32
    %add3A_2614 = arith.addi %mul3A_2612, %add3A_2613 : i32
    %dma_start3A_2615 = arith.constant 0 : i32
    %dma_start3A_2616 = tpu.memref_slice %arg5[%add3A_2614, %dma_start3A_2615] : memref<8192x256xf32, #tpu.memory_space<hbm>> -> memref<64x256xf32, #tpu.memory_space<hbm>>
    %dma_start3A_2617 = arith.constant 0 : i32
    %dma_start3A_2618 = tpu.memref_slice %arg5[%add3A_2614, %dma_start3A_2617] : memref<8192x256xf32, #tpu.memory_space<hbm>> -> memref<64x256xf32, #tpu.memory_space<hbm>>
    tpu.enqueue_dma source(%arg15 : memref<64x256xf32, #tpu.memory_space<vmem>>) target(%dma_start3A_2618 : memref<64x256xf32, #tpu.memory_space<hbm>>) target_semaphore(%arg31 : memref<!tpu.dma_semaphore, #tpu.memory_space<semaphore_mem>>)
    %dma_wait3A_2619 = arith.constant 0 : i32
    %dma_wait3A_2620 = tpu.memref_slice %arg5[%add3A_2592, %dma_wait3A_2619] : memref<8192x256xf32, #tpu.memory_space<hbm>> -> memref<64x256xf32, #tpu.memory_space<hbm>>
    %dma_wait3A_2621 = arith.constant 0 : i32
    %dma_wait3A_2622 = tpu.memref_slice %arg5[%add3A_2592, %dma_wait3A_2621] : memref<8192x256xf32, #tpu.memory_space<hbm>> -> memref<64x256xf32, #tpu.memory_space<hbm>>
    tpu.wait_dma2 semaphore(%arg30 : memref<!tpu.dma_semaphore, #tpu.memory_space<semaphore_mem>>) src(%arg14 : memref<64x256xf32, #tpu.memory_space<vmem>>) dst(%dma_wait3A_2622 : memref<64x256xf32, #tpu.memory_space<hbm>>)
    %dma_wait3A_2623 = tpu.memref_slice %arg2[%add3A_2602] : memref<8192xi32, #tpu.memory_space<hbm>> -> memref<64xi32, #tpu.memory_space<hbm>>
    %dma_wait3A_2624 = tpu.memref_slice %arg2[%add3A_2602] : memref<8192xi32, #tpu.memory_space<hbm>> -> memref<64xi32, #tpu.memory_space<hbm>>
    tpu.wait_dma2 semaphore(%arg26 : memref<!tpu.dma_semaphore, #tpu.memory_space<semaphore_mem>>) src(%dma_wait3A_2624 : memref<64xi32, #tpu.memory_space<hbm>>) dst(%arg12 : memref<64xi32, #tpu.memory_space<vmem>>)
    %mul3A_2625 = arith.constant 256 : i32
    %mul3A_2626 = arith.muli %add3A, %mul3A_2625 : i32
    %add3A_2627 = arith.constant 192 : i32
    %add3A_2628 = arith.addi %mul3A_2626, %add3A_2627 : i32
    %dma_start3A_2629 = tpu.memref_slice %arg2[%add3A_2628] : memref<8192xi32, #tpu.memory_space<hbm>> -> memref<64xi32, #tpu.memory_space<hbm>>
    %dma_start3A_2630 = tpu.memref_slice %arg2[%add3A_2628] : memref<8192xi32, #tpu.memory_space<hbm>> -> memref<64xi32, #tpu.memory_space<hbm>>
    tpu.enqueue_dma source(%dma_start3A_2630 : memref<64xi32, #tpu.memory_space<hbm>>) target(%arg13 : memref<64xi32, #tpu.memory_space<vmem>>) target_semaphore(%arg27 : memref<!tpu.dma_semaphore, #tpu.memory_space<semaphore_mem>>)
    %dma_start3A_2631 = arith.constant 0 : i32
    %dma_start3A_2632 = arith.constant 0 : i32
    %dma_start3A_2633 = tpu.memref_slice %arg4[%dma_start3A_2631, %dma_start3A_2632] : memref<8192x256xf32, #tpu.memory_space<hbm>> -> memref<8192x256xf32, #tpu.memory_space<hbm>>
    tpu.enqueue_indirect_dma source(%dma_start3A_2633 : memref<8192x256xf32, #tpu.memory_space<hbm>>) target(%arg14 : memref<64x256xf32, #tpu.memory_space<vmem>>) offsets(%arg12 : memref<64xi32, #tpu.memory_space<vmem>>) semaphore(%arg28 : memref<!tpu.dma_semaphore, #tpu.memory_space<semaphore_mem>>)
    %dma_wait3A_2634 = arith.constant 0 : i32
    %dma_wait3A_2635 = arith.constant 0 : i32
    %dma_wait3A_2636 = tpu.memref_slice %arg4[%dma_wait3A_2634, %dma_wait3A_2635] : memref<8192x256xf32, #tpu.memory_space<hbm>> -> memref<8192x256xf32, #tpu.memory_space<hbm>>
    tpu.wait_indirect_dma semaphore(%arg28 : memref<!tpu.dma_semaphore, #tpu.memory_space<semaphore_mem>>) src(%dma_wait3A_2636 : memref<8192x256xf32, #tpu.memory_space<hbm>>) dst(%arg14 : memref<64x256xf32, #tpu.memory_space<vmem>>)
    %mul3A_2637 = arith.constant 256 : i32
    %mul3A_2638 = arith.muli %add3A, %mul3A_2637 : i32
    %add3A_2639 = arith.constant 128 : i32
    %add3A_2640 = arith.addi %mul3A_2638, %add3A_2639 : i32
    %dma_start3A_2641 = arith.constant 0 : i32
    %dma_start3A_2642 = tpu.memref_slice %arg5[%add3A_2640, %dma_start3A_2641] : memref<8192x256xf32, #tpu.memory_space<hbm>> -> memref<64x256xf32, #tpu.memory_space<hbm>>
    %dma_start3A_2643 = arith.constant 0 : i32
    %dma_start3A_2644 = tpu.memref_slice %arg5[%add3A_2640, %dma_start3A_2643] : memref<8192x256xf32, #tpu.memory_space<hbm>> -> memref<64x256xf32, #tpu.memory_space<hbm>>
    tpu.enqueue_dma source(%arg14 : memref<64x256xf32, #tpu.memory_space<vmem>>) target(%dma_start3A_2644 : memref<64x256xf32, #tpu.memory_space<hbm>>) target_semaphore(%arg30 : memref<!tpu.dma_semaphore, #tpu.memory_space<semaphore_mem>>)
    %dma_wait3A_2645 = arith.constant 0 : i32
    %dma_wait3A_2646 = tpu.memref_slice %arg5[%add3A_2614, %dma_wait3A_2645] : memref<8192x256xf32, #tpu.memory_space<hbm>> -> memref<64x256xf32, #tpu.memory_space<hbm>>
    %dma_wait3A_2647 = arith.constant 0 : i32
    %dma_wait3A_2648 = tpu.memref_slice %arg5[%add3A_2614, %dma_wait3A_2647] : memref<8192x256xf32, #tpu.memory_space<hbm>> -> memref<64x256xf32, #tpu.memory_space<hbm>>
    tpu.wait_dma2 semaphore(%arg31 : memref<!tpu.dma_semaphore, #tpu.memory_space<semaphore_mem>>) src(%arg15 : memref<64x256xf32, #tpu.memory_space<vmem>>) dst(%dma_wait3A_2648 : memref<64x256xf32, #tpu.memory_space<hbm>>)
    %dma_wait3A_2649 = tpu.memref_slice %arg2[%add3A_2628] : memref<8192xi32, #tpu.memory_space<hbm>> -> memref<64xi32, #tpu.memory_space<hbm>>
    %dma_wait3A_2650 = tpu.memref_slice %arg2[%add3A_2628] : memref<8192xi32, #tpu.memory_space<hbm>> -> memref<64xi32, #tpu.memory_space<hbm>>
    tpu.wait_dma2 semaphore(%arg27 : memref<!tpu.dma_semaphore, #tpu.memory_space<semaphore_mem>>) src(%dma_wait3A_2650 : memref<64xi32, #tpu.memory_space<hbm>>) dst(%arg13 : memref<64xi32, #tpu.memory_space<vmem>>)
    %dma_start3A_2651 = arith.constant 0 : i32
    %dma_start3A_2652 = arith.constant 0 : i32
    %dma_start3A_2653 = tpu.memref_slice %arg4[%dma_start3A_2651, %dma_start3A_2652] : memref<8192x256xf32, #tpu.memory_space<hbm>> -> memref<8192x256xf32, #tpu.memory_space<hbm>>
    tpu.enqueue_indirect_dma source(%dma_start3A_2653 : memref<8192x256xf32, #tpu.memory_space<hbm>>) target(%arg15 : memref<64x256xf32, #tpu.memory_space<vmem>>) offsets(%arg13 : memref<64xi32, #tpu.memory_space<vmem>>) semaphore(%arg29 : memref<!tpu.dma_semaphore, #tpu.memory_space<semaphore_mem>>)
    %dma_wait3A_2654 = arith.constant 0 : i32
    %dma_wait3A_2655 = arith.constant 0 : i32
    %dma_wait3A_2656 = tpu.memref_slice %arg4[%dma_wait3A_2654, %dma_wait3A_2655] : memref<8192x256xf32, #tpu.memory_space<hbm>> -> memref<8192x256xf32, #tpu.memory_space<hbm>>
    tpu.wait_indirect_dma semaphore(%arg29 : memref<!tpu.dma_semaphore, #tpu.memory_space<semaphore_mem>>) src(%dma_wait3A_2656 : memref<8192x256xf32, #tpu.memory_space<hbm>>) dst(%arg15 : memref<64x256xf32, #tpu.memory_space<vmem>>)
    %mul3A_2657 = arith.constant 256 : i32
    %mul3A_2658 = arith.muli %add3A, %mul3A_2657 : i32
    %add3A_2659 = arith.constant 192 : i32
    %add3A_2660 = arith.addi %mul3A_2658, %add3A_2659 : i32
    %dma_start3A_2661 = arith.constant 0 : i32
    %dma_start3A_2662 = tpu.memref_slice %arg5[%add3A_2660, %dma_start3A_2661] : memref<8192x256xf32, #tpu.memory_space<hbm>> -> memref<64x256xf32, #tpu.memory_space<hbm>>
    %dma_start3A_2663 = arith.constant 0 : i32
    %dma_start3A_2664 = tpu.memref_slice %arg5[%add3A_2660, %dma_start3A_2663] : memref<8192x256xf32, #tpu.memory_space<hbm>> -> memref<64x256xf32, #tpu.memory_space<hbm>>
    tpu.enqueue_dma source(%arg15 : memref<64x256xf32, #tpu.memory_space<vmem>>) target(%dma_start3A_2664 : memref<64x256xf32, #tpu.memory_space<hbm>>) target_semaphore(%arg31 : memref<!tpu.dma_semaphore, #tpu.memory_space<semaphore_mem>>)
    %dma_wait3A_2665 = arith.constant 0 : i32
    %dma_wait3A_2666 = tpu.memref_slice %arg5[%add3A_2640, %dma_wait3A_2665] : memref<8192x256xf32, #tpu.memory_space<hbm>> -> memref<64x256xf32, #tpu.memory_space<hbm>>
    %dma_wait3A_2667 = arith.constant 0 : i32
    %dma_wait3A_2668 = tpu.memref_slice %arg5[%add3A_2640, %dma_wait3A_2667] : memref<8192x256xf32, #tpu.memory_space<hbm>> -> memref<64x256xf32, #tpu.memory_space<hbm>>
    tpu.wait_dma2 semaphore(%arg30 : memref<!tpu.dma_semaphore, #tpu.memory_space<semaphore_mem>>) src(%arg14 : memref<64x256xf32, #tpu.memory_space<vmem>>) dst(%dma_wait3A_2668 : memref<64x256xf32, #tpu.memory_space<hbm>>)
    %dma_wait3A_2669 = arith.constant 0 : i32
    %dma_wait3A_2670 = tpu.memref_slice %arg5[%add3A_2660, %dma_wait3A_2669] : memref<8192x256xf32, #tpu.memory_space<hbm>> -> memref<64x256xf32, #tpu.memory_space<hbm>>
    %dma_wait3A_2671 = arith.constant 0 : i32
    %dma_wait3A_2672 = tpu.memref_slice %arg5[%add3A_2660, %dma_wait3A_2671] : memref<8192x256xf32, #tpu.memory_space<hbm>> -> memref<64x256xf32, #tpu.memory_space<hbm>>
    tpu.wait_dma2 semaphore(%arg31 : memref<!tpu.dma_semaphore, #tpu.memory_space<semaphore_mem>>) src(%arg15 : memref<64x256xf32, #tpu.memory_space<vmem>>) dst(%dma_wait3A_2672 : memref<64x256xf32, #tpu.memory_space<hbm>>)
    %dma_wait3A_2673 = tpu.memref_slice %arg6[%mul3A_2561, %mul3A_2563] : memref<8192x256xf32, #tpu.memory_space<hbm>> -> memref<512x128xf32, #tpu.memory_space<hbm>>
    %dma_wait3A_2674 = arith.constant 0 : i32
    %dma_wait3A_2675 = tpu.memref_slice %arg19[%mul3A_2559, %dma_wait3A_2674] : memref<8192x128xf32, #tpu.memory_space<vmem_shared>> -> memref<512x128xf32, #tpu.memory_space<vmem_shared>>
    tpu.wait_dma2 semaphore(%arg21 : memref<!tpu.dma_semaphore, #tpu.memory_space<semaphore_mem>>) src(%dma_wait3A_2675 : memref<512x128xf32, #tpu.memory_space<vmem_shared>>) dst(%dma_wait3A_2673 : memref<512x128xf32, #tpu.memory_space<hbm>>)
    return
  }
}

module attributes {stable_mosaic.version = 14 : i64} {
  func.func @_argmin_body(%arg0: i32, %arg1: memref<1024x256xf32, #tpu.memory_space<vmem>>, %arg2: memref<8192x256xf32, #tpu.memory_space<vmem>>, %arg3: memref<1x1024x1xi32, #tpu.memory_space<vmem>>, %arg4: memref<1x8192xf32, #tpu.memory_space<vmem>>) attributes {dimension_semantics = [#tpu.dimension_semantics<arbitrary>], iteration_bounds = array<i64: 8>, scalar_prefetch = 0 : i64, scratch_operands = 1 : i64, tpu.core_type = #tpu.core_type<tc>, window_params = [{transform_indices = @transform_0, window_bounds = array<i64: 1024, 256>}, {pipeline_mode = #tpu.pipeline_mode<synchronous>, transform_indices = @transform_1, window_bounds = array<i64: 8192, 256>}, {transform_indices = @transform_2, window_bounds = array<i64: 1, 1024, 1>}]} {
    %eq3A = arith.constant 0 : i32
    %eq3A_0 = arith.cmpi eq, %arg0, %eq3A : i32
    %convert_element_type3A = arith.extui %eq3A_0 : i1 to i32
    %cond3A = arith.constant 0 : i32
    %cond3A_1 = arith.cmpi ne, %convert_element_type3A, %cond3A : i32
    scf.if %cond3A_1 {
      %get3A_34 = arith.constant 0 : index
      %get3A_35 = arith.constant 0 : index
      %get3A_36 = vector.load %arg2[%get3A_34, %get3A_35] : memref<8192x256xf32, #tpu.memory_space<vmem>>, vector<2048x256xf32>
      %mul3A_37 = arith.mulf %get3A_36, %get3A_36 : vector<2048x256xf32>
      %reduce_sum3A_38 = arith.constant dense<0.000000e+00> : vector<2048xf32>
      %reduce_sum3A_39 = vector.multi_reduction <add>, %mul3A_37, %reduce_sum3A_38 [1] : vector<2048x256xf32> to vector<2048xf32>
      %broadcast_in_dim3A_40 = vector.shape_cast %reduce_sum3A_39 : vector<2048xf32> to vector<1x2048xf32>
      %swap3A_41 = arith.constant 0 : index
      %swap3A_42 = arith.constant 0 : index
      %swap3A_43 = vector.load %arg4[%swap3A_41, %swap3A_42] : memref<1x8192xf32, #tpu.memory_space<vmem>>, vector<1x2048xf32>
      tpu.vector_store %arg4[%swap3A_41, %swap3A_42], %broadcast_in_dim3A_40 {strides = array<i32>} : memref<1x8192xf32, #tpu.memory_space<vmem>>, vector<1x2048xf32>,
      %get3A_44 = arith.constant 2048 : index
      %get3A_45 = arith.constant 0 : index
      %get3A_46 = vector.load %arg2[%get3A_44, %get3A_45] : memref<8192x256xf32, #tpu.memory_space<vmem>>, vector<2048x256xf32>
      %mul3A_47 = arith.mulf %get3A_46, %get3A_46 : vector<2048x256xf32>
      %reduce_sum3A_48 = arith.constant dense<0.000000e+00> : vector<2048xf32>
      %reduce_sum3A_49 = vector.multi_reduction <add>, %mul3A_47, %reduce_sum3A_48 [1] : vector<2048x256xf32> to vector<2048xf32>
      %broadcast_in_dim3A_50 = vector.shape_cast %reduce_sum3A_49 : vector<2048xf32> to vector<1x2048xf32>
      %swap3A_51 = arith.constant 0 : index
      %swap3A_52 = arith.constant 2048 : index
      %swap3A_53 = vector.load %arg4[%swap3A_51, %swap3A_52] : memref<1x8192xf32, #tpu.memory_space<vmem>>, vector<1x2048xf32>
      tpu.vector_store %arg4[%swap3A_51, %swap3A_52], %broadcast_in_dim3A_50 {strides = array<i32>} : memref<1x8192xf32, #tpu.memory_space<vmem>>, vector<1x2048xf32>,
      %get3A_54 = arith.constant 4096 : index
      %get3A_55 = arith.constant 0 : index
      %get3A_56 = vector.load %arg2[%get3A_54, %get3A_55] : memref<8192x256xf32, #tpu.memory_space<vmem>>, vector<2048x256xf32>
      %mul3A_57 = arith.mulf %get3A_56, %get3A_56 : vector<2048x256xf32>
      %reduce_sum3A_58 = arith.constant dense<0.000000e+00> : vector<2048xf32>
      %reduce_sum3A_59 = vector.multi_reduction <add>, %mul3A_57, %reduce_sum3A_58 [1] : vector<2048x256xf32> to vector<2048xf32>
      %broadcast_in_dim3A_60 = vector.shape_cast %reduce_sum3A_59 : vector<2048xf32> to vector<1x2048xf32>
      %swap3A_61 = arith.constant 0 : index
      %swap3A_62 = arith.constant 4096 : index
      %swap3A_63 = vector.load %arg4[%swap3A_61, %swap3A_62] : memref<1x8192xf32, #tpu.memory_space<vmem>>, vector<1x2048xf32>
      tpu.vector_store %arg4[%swap3A_61, %swap3A_62], %broadcast_in_dim3A_60 {strides = array<i32>} : memref<1x8192xf32, #tpu.memory_space<vmem>>, vector<1x2048xf32>,
      %get3A_64 = arith.constant 6144 : index
      %get3A_65 = arith.constant 0 : index
      %get3A_66 = vector.load %arg2[%get3A_64, %get3A_65] : memref<8192x256xf32, #tpu.memory_space<vmem>>, vector<2048x256xf32>
      %mul3A_67 = arith.mulf %get3A_66, %get3A_66 : vector<2048x256xf32>
      %reduce_sum3A_68 = arith.constant dense<0.000000e+00> : vector<2048xf32>
      %reduce_sum3A_69 = vector.multi_reduction <add>, %mul3A_67, %reduce_sum3A_68 [1] : vector<2048x256xf32> to vector<2048xf32>
      %broadcast_in_dim3A_70 = vector.shape_cast %reduce_sum3A_69 : vector<2048xf32> to vector<1x2048xf32>
      %swap3A_71 = arith.constant 0 : index
      %swap3A_72 = arith.constant 6144 : index
      %swap3A_73 = vector.load %arg4[%swap3A_71, %swap3A_72] : memref<1x8192xf32, #tpu.memory_space<vmem>>, vector<1x2048xf32>
      tpu.vector_store %arg4[%swap3A_71, %swap3A_72], %broadcast_in_dim3A_70 {strides = array<i32>} : memref<1x8192xf32, #tpu.memory_space<vmem>>, vector<1x2048xf32>,
    } else {
    }
    %get3A = arith.constant 0 : index
    %get3A_2 = arith.constant 0 : index
    %get3A_3 = vector.load %arg1[%get3A, %get3A_2] : memref<1024x256xf32, #tpu.memory_space<vmem>>, vector<1024x256xf32>
    %mul3A = arith.mulf %get3A_3, %get3A_3 : vector<1024x256xf32>
    %reduce_sum3A = arith.constant dense<0.000000e+00> : vector<1024xf32>
    %reduce_sum3A_4 = vector.multi_reduction <add>, %mul3A, %reduce_sum3A [1] : vector<1024x256xf32> to vector<1024xf32>
    %broadcast_in_dim3A = vector.shape_cast %reduce_sum3A_4 : vector<1024xf32> to vector<1024x1xf32>
    %mul3A_5 = arith.constant 2.000000e+00 : f32
    %mul3A_6 = vector.broadcast %mul3A_5 : f32 to vector<1024x256xf32>
    %mul3A_7 = arith.mulf %mul3A_6, %get3A_3 : vector<1024x256xf32>
    %iota3A = tpu.iota {dimensions = array<i32: 1>} : vector<1x128xi32>
    %broadcast_in_dim3A_8 = arith.constant 0x7F800000 : f32
    %broadcast_in_dim3A_9 = vector.broadcast %broadcast_in_dim3A_8 : f32 to vector<1024x128xf32>
    %broadcast_in_dim3A_10 = arith.constant 64 : i32
    %broadcast_in_dim3A_11 = vector.broadcast %broadcast_in_dim3A_10 : i32 to vector<1024x128xi32>
    %scan3A = arith.constant 0 : i32
    %scan3A_12 = arith.constant 4 : i32
    %scan3A_13 = arith.addi %scan3A, %scan3A_12 : i32
    %scan3A_14 = arith.constant 1 : i32
    %scan3A_15:2 = scf.for %scan3A_34 = %scan3A to %scan3A_13 step %scan3A_14 iter_args(%scan3A_35 = %broadcast_in_dim3A_9, %scan3A_36 = %broadcast_in_dim3A_11) -> (vector<1024x128xf32>, vector<1024x128xi32>)  : i32 {
      %mul3A_37 = arith.constant 2048 : i32
      %mul3A_38 = arith.muli %scan3A_34, %mul3A_37 : i32
      %get3A_39 = arith.index_cast %mul3A_38 : i32 to index
      %get3A_40 = arith.constant 0 : index
      %get3A_41 = vector.load %arg2[%get3A_39, %get3A_40] : memref<8192x256xf32, #tpu.memory_space<vmem>>, vector<2048x256xf32>
      %dot_general3A = arith.constant dense<0.000000e+00> : vector<1024x2048xf32>
      %dot_general3A_42 = tpu.matmul %mul3A_7, %get3A_41, %dot_general3A {dimension_numbers = #tpu.dot_dimension_numbers<[1], [1], [0], [0], [0, 0, 1, 0], [], []>, transpose_lhs_hint = false} : vector<1024x256xf32>, vector<2048x256xf32>, vector<1024x2048xf32> -> vector<1024x2048xf32>
      %mul3A_43 = arith.constant 2048 : i32
      %mul3A_44 = arith.muli %scan3A_34, %mul3A_43 : i32
      %get3A_45 = arith.constant 0 : index
      %get3A_46 = arith.index_cast %mul3A_44 : i32 to index
      %get3A_47 = vector.load %arg4[%get3A_45, %get3A_46] : memref<1x8192xf32, #tpu.memory_space<vmem>>, vector<1x2048xf32>
      %add3A_48 = vector.broadcast %broadcast_in_dim3A : vector<1024x1xf32> to vector<1024x2048xf32>
      %add3A_49 = vector.broadcast %get3A_47 : vector<1x2048xf32> to vector<1024x2048xf32>
      %add3A_50 = arith.addf %add3A_48, %add3A_49 : vector<1024x2048xf32>
      %sub3A = arith.subf %add3A_50, %dot_general3A_42 : vector<1024x2048xf32>
      %slice3A = vector.extract_strided_slice %sub3A {offsets = [0, 0], sizes = [1024, 128], strides = [1, 1]} : vector<1024x2048xf32> to vector<1024x128xf32>
      %lt3A = arith.cmpf olt, %slice3A, %scan3A_35 : vector<1024x128xf32>
      %select_n3A_51 = arith.select %lt3A, %slice3A, %scan3A_35 : vector<1024x128xi1>, vector<1024x128xf32>
      %mul3A_52 = arith.constant 16 : i32
      %mul3A_53 = arith.muli %scan3A_34, %mul3A_52 : i32
      %add3A_54 = arith.constant 0 : i32
      %add3A_55 = arith.addi %mul3A_53, %add3A_54 : i32
      %broadcast_in_dim3A_56 = vector.broadcast %add3A_55 : i32 to vector<1024x128xi32>
      %select_n3A_57 = arith.select %lt3A, %broadcast_in_dim3A_56, %scan3A_36 : vector<1024x128xi1>, vector<1024x128xi32>
      %slice3A_58 = vector.extract_strided_slice %sub3A {offsets = [0, 128], sizes = [1024, 128], strides = [1, 1]} : vector<1024x2048xf32> to vector<1024x128xf32>
      %lt3A_59 = arith.cmpf olt, %slice3A_58, %select_n3A_51 : vector<1024x128xf32>
      %select_n3A_60 = arith.select %lt3A_59, %slice3A_58, %select_n3A_51 : vector<1024x128xi1>, vector<1024x128xf32>
      %mul3A_61 = arith.constant 16 : i32
      %mul3A_62 = arith.muli %scan3A_34, %mul3A_61 : i32
      %add3A_63 = arith.constant 1 : i32
      %add3A_64 = arith.addi %mul3A_62, %add3A_63 : i32
      %broadcast_in_dim3A_65 = vector.broadcast %add3A_64 : i32 to vector<1024x128xi32>
      %select_n3A_66 = arith.select %lt3A_59, %broadcast_in_dim3A_65, %select_n3A_57 : vector<1024x128xi1>, vector<1024x128xi32>
      %slice3A_67 = vector.extract_strided_slice %sub3A {offsets = [0, 256], sizes = [1024, 128], strides = [1, 1]} : vector<1024x2048xf32> to vector<1024x128xf32>
      %lt3A_68 = arith.cmpf olt, %slice3A_67, %select_n3A_60 : vector<1024x128xf32>
      %select_n3A_69 = arith.select %lt3A_68, %slice3A_67, %select_n3A_60 : vector<1024x128xi1>, vector<1024x128xf32>
      %mul3A_70 = arith.constant 16 : i32
      %mul3A_71 = arith.muli %scan3A_34, %mul3A_70 : i32
      %add3A_72 = arith.constant 2 : i32
      %add3A_73 = arith.addi %mul3A_71, %add3A_72 : i32
      %broadcast_in_dim3A_74 = vector.broadcast %add3A_73 : i32 to vector<1024x128xi32>
      %select_n3A_75 = arith.select %lt3A_68, %broadcast_in_dim3A_74, %select_n3A_66 : vector<1024x128xi1>, vector<1024x128xi32>
      %slice3A_76 = vector.extract_strided_slice %sub3A {offsets = [0, 384], sizes = [1024, 128], strides = [1, 1]} : vector<1024x2048xf32> to vector<1024x128xf32>
      %lt3A_77 = arith.cmpf olt, %slice3A_76, %select_n3A_69 : vector<1024x128xf32>
      %select_n3A_78 = arith.select %lt3A_77, %slice3A_76, %select_n3A_69 : vector<1024x128xi1>, vector<1024x128xf32>
      %mul3A_79 = arith.constant 16 : i32
      %mul3A_80 = arith.muli %scan3A_34, %mul3A_79 : i32
      %add3A_81 = arith.constant 3 : i32
      %add3A_82 = arith.addi %mul3A_80, %add3A_81 : i32
      %broadcast_in_dim3A_83 = vector.broadcast %add3A_82 : i32 to vector<1024x128xi32>
      %select_n3A_84 = arith.select %lt3A_77, %broadcast_in_dim3A_83, %select_n3A_75 : vector<1024x128xi1>, vector<1024x128xi32>
      %slice3A_85 = vector.extract_strided_slice %sub3A {offsets = [0, 512], sizes = [1024, 128], strides = [1, 1]} : vector<1024x2048xf32> to vector<1024x128xf32>
      %lt3A_86 = arith.cmpf olt, %slice3A_85, %select_n3A_78 : vector<1024x128xf32>
      %select_n3A_87 = arith.select %lt3A_86, %slice3A_85, %select_n3A_78 : vector<1024x128xi1>, vector<1024x128xf32>
      %mul3A_88 = arith.constant 16 : i32
      %mul3A_89 = arith.muli %scan3A_34, %mul3A_88 : i32
      %add3A_90 = arith.constant 4 : i32
      %add3A_91 = arith.addi %mul3A_89, %add3A_90 : i32
      %broadcast_in_dim3A_92 = vector.broadcast %add3A_91 : i32 to vector<1024x128xi32>
      %select_n3A_93 = arith.select %lt3A_86, %broadcast_in_dim3A_92, %select_n3A_84 : vector<1024x128xi1>, vector<1024x128xi32>
      %slice3A_94 = vector.extract_strided_slice %sub3A {offsets = [0, 640], sizes = [1024, 128], strides = [1, 1]} : vector<1024x2048xf32> to vector<1024x128xf32>
      %lt3A_95 = arith.cmpf olt, %slice3A_94, %select_n3A_87 : vector<1024x128xf32>
      %select_n3A_96 = arith.select %lt3A_95, %slice3A_94, %select_n3A_87 : vector<1024x128xi1>, vector<1024x128xf32>
      %mul3A_97 = arith.constant 16 : i32
      %mul3A_98 = arith.muli %scan3A_34, %mul3A_97 : i32
      %add3A_99 = arith.constant 5 : i32
      %add3A_100 = arith.addi %mul3A_98, %add3A_99 : i32
      %broadcast_in_dim3A_101 = vector.broadcast %add3A_100 : i32 to vector<1024x128xi32>
      %select_n3A_102 = arith.select %lt3A_95, %broadcast_in_dim3A_101, %select_n3A_93 : vector<1024x128xi1>, vector<1024x128xi32>
      %slice3A_103 = vector.extract_strided_slice %sub3A {offsets = [0, 768], sizes = [1024, 128], strides = [1, 1]} : vector<1024x2048xf32> to vector<1024x128xf32>
      %lt3A_104 = arith.cmpf olt, %slice3A_103, %select_n3A_96 : vector<1024x128xf32>
      %select_n3A_105 = arith.select %lt3A_104, %slice3A_103, %select_n3A_96 : vector<1024x128xi1>, vector<1024x128xf32>
      %mul3A_106 = arith.constant 16 : i32
      %mul3A_107 = arith.muli %scan3A_34, %mul3A_106 : i32
      %add3A_108 = arith.constant 6 : i32
      %add3A_109 = arith.addi %mul3A_107, %add3A_108 : i32
      %broadcast_in_dim3A_110 = vector.broadcast %add3A_109 : i32 to vector<1024x128xi32>
      %select_n3A_111 = arith.select %lt3A_104, %broadcast_in_dim3A_110, %select_n3A_102 : vector<1024x128xi1>, vector<1024x128xi32>
      %slice3A_112 = vector.extract_strided_slice %sub3A {offsets = [0, 896], sizes = [1024, 128], strides = [1, 1]} : vector<1024x2048xf32> to vector<1024x128xf32>
      %lt3A_113 = arith.cmpf olt, %slice3A_112, %select_n3A_105 : vector<1024x128xf32>
      %select_n3A_114 = arith.select %lt3A_113, %slice3A_112, %select_n3A_105 : vector<1024x128xi1>, vector<1024x128xf32>
      %mul3A_115 = arith.constant 16 : i32
      %mul3A_116 = arith.muli %scan3A_34, %mul3A_115 : i32
      %add3A_117 = arith.constant 7 : i32
      %add3A_118 = arith.addi %mul3A_116, %add3A_117 : i32
      %broadcast_in_dim3A_119 = vector.broadcast %add3A_118 : i32 to vector<1024x128xi32>
      %select_n3A_120 = arith.select %lt3A_113, %broadcast_in_dim3A_119, %select_n3A_111 : vector<1024x128xi1>, vector<1024x128xi32>
      %slice3A_121 = vector.extract_strided_slice %sub3A {offsets = [0, 1024], sizes = [1024, 128], strides = [1, 1]} : vector<1024x2048xf32> to vector<1024x128xf32>
      %lt3A_122 = arith.cmpf olt, %slice3A_121, %select_n3A_114 : vector<1024x128xf32>
      %select_n3A_123 = arith.select %lt3A_122, %slice3A_121, %select_n3A_114 : vector<1024x128xi1>, vector<1024x128xf32>
      %mul3A_124 = arith.constant 16 : i32
      %mul3A_125 = arith.muli %scan3A_34, %mul3A_124 : i32
      %add3A_126 = arith.constant 8 : i32
      %add3A_127 = arith.addi %mul3A_125, %add3A_126 : i32
      %broadcast_in_dim3A_128 = vector.broadcast %add3A_127 : i32 to vector<1024x128xi32>
      %select_n3A_129 = arith.select %lt3A_122, %broadcast_in_dim3A_128, %select_n3A_120 : vector<1024x128xi1>, vector<1024x128xi32>
      %slice3A_130 = vector.extract_strided_slice %sub3A {offsets = [0, 1152], sizes = [1024, 128], strides = [1, 1]} : vector<1024x2048xf32> to vector<1024x128xf32>
      %lt3A_131 = arith.cmpf olt, %slice3A_130, %select_n3A_123 : vector<1024x128xf32>
      %select_n3A_132 = arith.select %lt3A_131, %slice3A_130, %select_n3A_123 : vector<1024x128xi1>, vector<1024x128xf32>
      %mul3A_133 = arith.constant 16 : i32
      %mul3A_134 = arith.muli %scan3A_34, %mul3A_133 : i32
      %add3A_135 = arith.constant 9 : i32
      %add3A_136 = arith.addi %mul3A_134, %add3A_135 : i32
      %broadcast_in_dim3A_137 = vector.broadcast %add3A_136 : i32 to vector<1024x128xi32>
      %select_n3A_138 = arith.select %lt3A_131, %broadcast_in_dim3A_137, %select_n3A_129 : vector<1024x128xi1>, vector<1024x128xi32>
      %slice3A_139 = vector.extract_strided_slice %sub3A {offsets = [0, 1280], sizes = [1024, 128], strides = [1, 1]} : vector<1024x2048xf32> to vector<1024x128xf32>
      %lt3A_140 = arith.cmpf olt, %slice3A_139, %select_n3A_132 : vector<1024x128xf32>
      %select_n3A_141 = arith.select %lt3A_140, %slice3A_139, %select_n3A_132 : vector<1024x128xi1>, vector<1024x128xf32>
      %mul3A_142 = arith.constant 16 : i32
      %mul3A_143 = arith.muli %scan3A_34, %mul3A_142 : i32
      %add3A_144 = arith.constant 10 : i32
      %add3A_145 = arith.addi %mul3A_143, %add3A_144 : i32
      %broadcast_in_dim3A_146 = vector.broadcast %add3A_145 : i32 to vector<1024x128xi32>
      %select_n3A_147 = arith.select %lt3A_140, %broadcast_in_dim3A_146, %select_n3A_138 : vector<1024x128xi1>, vector<1024x128xi32>
      %slice3A_148 = vector.extract_strided_slice %sub3A {offsets = [0, 1408], sizes = [1024, 128], strides = [1, 1]} : vector<1024x2048xf32> to vector<1024x128xf32>
      %lt3A_149 = arith.cmpf olt, %slice3A_148, %select_n3A_141 : vector<1024x128xf32>
      %select_n3A_150 = arith.select %lt3A_149, %slice3A_148, %select_n3A_141 : vector<1024x128xi1>, vector<1024x128xf32>
      %mul3A_151 = arith.constant 16 : i32
      %mul3A_152 = arith.muli %scan3A_34, %mul3A_151 : i32
      %add3A_153 = arith.constant 11 : i32
      %add3A_154 = arith.addi %mul3A_152, %add3A_153 : i32
      %broadcast_in_dim3A_155 = vector.broadcast %add3A_154 : i32 to vector<1024x128xi32>
      %select_n3A_156 = arith.select %lt3A_149, %broadcast_in_dim3A_155, %select_n3A_147 : vector<1024x128xi1>, vector<1024x128xi32>
      %slice3A_157 = vector.extract_strided_slice %sub3A {offsets = [0, 1536], sizes = [1024, 128], strides = [1, 1]} : vector<1024x2048xf32> to vector<1024x128xf32>
      %lt3A_158 = arith.cmpf olt, %slice3A_157, %select_n3A_150 : vector<1024x128xf32>
      %select_n3A_159 = arith.select %lt3A_158, %slice3A_157, %select_n3A_150 : vector<1024x128xi1>, vector<1024x128xf32>
      %mul3A_160 = arith.constant 16 : i32
      %mul3A_161 = arith.muli %scan3A_34, %mul3A_160 : i32
      %add3A_162 = arith.constant 12 : i32
      %add3A_163 = arith.addi %mul3A_161, %add3A_162 : i32
      %broadcast_in_dim3A_164 = vector.broadcast %add3A_163 : i32 to vector<1024x128xi32>
      %select_n3A_165 = arith.select %lt3A_158, %broadcast_in_dim3A_164, %select_n3A_156 : vector<1024x128xi1>, vector<1024x128xi32>
      %slice3A_166 = vector.extract_strided_slice %sub3A {offsets = [0, 1664], sizes = [1024, 128], strides = [1, 1]} : vector<1024x2048xf32> to vector<1024x128xf32>
      %lt3A_167 = arith.cmpf olt, %slice3A_166, %select_n3A_159 : vector<1024x128xf32>
      %select_n3A_168 = arith.select %lt3A_167, %slice3A_166, %select_n3A_159 : vector<1024x128xi1>, vector<1024x128xf32>
      %mul3A_169 = arith.constant 16 : i32
      %mul3A_170 = arith.muli %scan3A_34, %mul3A_169 : i32
      %add3A_171 = arith.constant 13 : i32
      %add3A_172 = arith.addi %mul3A_170, %add3A_171 : i32
      %broadcast_in_dim3A_173 = vector.broadcast %add3A_172 : i32 to vector<1024x128xi32>
      %select_n3A_174 = arith.select %lt3A_167, %broadcast_in_dim3A_173, %select_n3A_165 : vector<1024x128xi1>, vector<1024x128xi32>
      %slice3A_175 = vector.extract_strided_slice %sub3A {offsets = [0, 1792], sizes = [1024, 128], strides = [1, 1]} : vector<1024x2048xf32> to vector<1024x128xf32>
      %lt3A_176 = arith.cmpf olt, %slice3A_175, %select_n3A_168 : vector<1024x128xf32>
      %select_n3A_177 = arith.select %lt3A_176, %slice3A_175, %select_n3A_168 : vector<1024x128xi1>, vector<1024x128xf32>
      %mul3A_178 = arith.constant 16 : i32
      %mul3A_179 = arith.muli %scan3A_34, %mul3A_178 : i32
      %add3A_180 = arith.constant 14 : i32
      %add3A_181 = arith.addi %mul3A_179, %add3A_180 : i32
      %broadcast_in_dim3A_182 = vector.broadcast %add3A_181 : i32 to vector<1024x128xi32>
      %select_n3A_183 = arith.select %lt3A_176, %broadcast_in_dim3A_182, %select_n3A_174 : vector<1024x128xi1>, vector<1024x128xi32>
      %slice3A_184 = vector.extract_strided_slice %sub3A {offsets = [0, 1920], sizes = [1024, 128], strides = [1, 1]} : vector<1024x2048xf32> to vector<1024x128xf32>
      %lt3A_185 = arith.cmpf olt, %slice3A_184, %select_n3A_177 : vector<1024x128xf32>
      %select_n3A_186 = arith.select %lt3A_185, %slice3A_184, %select_n3A_177 : vector<1024x128xi1>, vector<1024x128xf32>
      %mul3A_187 = arith.constant 16 : i32
      %mul3A_188 = arith.muli %scan3A_34, %mul3A_187 : i32
      %add3A_189 = arith.constant 15 : i32
      %add3A_190 = arith.addi %mul3A_188, %add3A_189 : i32
      %broadcast_in_dim3A_191 = vector.broadcast %add3A_190 : i32 to vector<1024x128xi32>
      %select_n3A_192 = arith.select %lt3A_185, %broadcast_in_dim3A_191, %select_n3A_183 : vector<1024x128xi1>, vector<1024x128xi32>
      scf.yield %select_n3A_186, %select_n3A_192 : vector<1024x128xf32>, vector<1024x128xi32>
    }
    %scan3A_16 = arith.constant 4 : i32
    %mul3A_17 = arith.constant 128 : i32
    %mul3A_18 = vector.broadcast %mul3A_17 : i32 to vector<1024x128xi32>
    %mul3A_19 = arith.muli %scan3A_15#1, %mul3A_18 : vector<1024x128xi32>
    %add3A = vector.broadcast %iota3A : vector<1x128xi32> to vector<1024x128xi32>
    %add3A_20 = arith.addi %mul3A_19, %add3A : vector<1024x128xi32>
    %reduce_min3A = arith.constant dense<0x7F800000> : vector<1024xf32>
    %reduce_min3A_21 = vector.multi_reduction <minimumf>, %scan3A_15#0, %reduce_min3A [1] : vector<1024x128xf32> to vector<1024xf32>
    %broadcast_in_dim3A_22 = vector.shape_cast %reduce_min3A_21 : vector<1024xf32> to vector<1024x1xf32>
    %eq3A_23 = vector.broadcast %broadcast_in_dim3A_22 : vector<1024x1xf32> to vector<1024x128xf32>
    %eq3A_24 = arith.cmpf oeq, %scan3A_15#0, %eq3A_23 : vector<1024x128xf32>
    %jit3A = arith.constant 8192 : i32
    %broadcast_in_dim3A_25 = vector.broadcast %jit3A : i32 to vector<1024x128xi32>
    %select_n3A = arith.select %eq3A_24, %add3A_20, %broadcast_in_dim3A_25 : vector<1024x128xi1>, vector<1024x128xi32>
    %reduce_min3A_26 = arith.constant dense<2147483647> : vector<1024xi32>
    %reduce_min3A_27 = vector.multi_reduction <minsi>, %select_n3A, %reduce_min3A_26 [1] : vector<1024x128xi32> to vector<1024xi32>
    %broadcast_in_dim3A_28 = vector.shape_cast %reduce_min3A_27 : vector<1024xi32> to vector<1024x1xi32>
    %swap3A = arith.constant 0 : index
    %swap3A_29 = arith.constant 0 : index
    %swap3A_30 = arith.constant 0 : index
    %swap3A_31 = vector.load %arg3[%swap3A, %swap3A_29, %swap3A_30] : memref<1x1024x1xi32, #tpu.memory_space<vmem>>, vector<1x1024x1xi32>
    %swap3A_32 = vector.shape_cast %swap3A_31 : vector<1x1024x1xi32> to vector<1024x1xi32>
    %swap3A_33 = vector.shape_cast %broadcast_in_dim3A_28 : vector<1024x1xi32> to vector<1x1024x1xi32>
    tpu.vector_store %arg3[%swap3A, %swap3A_29, %swap3A_30], %swap3A_33 {strides = array<i32>} : memref<1x1024x1xi32, #tpu.memory_space<vmem>>, vector<1x1024x1xi32>,
    return
  }
  func.func @transform_0(%arg0: i32) -> (i32, i32) {
    %c0_i32 = arith.constant 0 : i32
    %c0_i32_0 = arith.constant 0 : i32
    return %arg0, %c0_i32 : i32, i32
  }
  func.func @transform_1(%arg0: i32) -> (i32, i32) {
    %c0_i32 = arith.constant 0 : i32
    %c0_i32_0 = arith.constant 0 : i32
    %c0_i32_1 = arith.constant 0 : i32
    return %c0_i32, %c0_i32_0 : i32, i32
  }
  func.func @transform_2(%arg0: i32) -> (i32, i32, i32) {
    %c0_i32 = arith.constant 0 : i32
    %c0_i32_0 = arith.constant 0 : i32
    %c0_i32_1 = arith.constant 0 : i32
    return %arg0, %c0_i32, %c0_i32_0 : i32, i32, i32
  }
}

module attributes {stable_mosaic.version = 14 : i64} {
  func.func @_combine_body(%arg0: i32, %arg1: memref<8192x1xf32, #tpu.memory_space<vmem>>, %arg2: memref<8192x1xf32, #tpu.memory_space<vmem>>, %arg3: memref<1024x256xf32, #tpu.memory_space<vmem>>, %arg4: memref<1024x256xf32, #tpu.memory_space<vmem>>, %arg5: memref<1024x1xf32, #tpu.memory_space<vmem>>, %arg6: memref<1024x256xf32, #tpu.memory_space<vmem>>, %arg7: memref<1024x256xf32, #tpu.memory_space<vmem>>) attributes {dimension_semantics = [#tpu.dimension_semantics<arbitrary>], iteration_bounds = array<i64: 8>, scalar_prefetch = 0 : i64, scratch_operands = 0 : i64, tpu.core_type = #tpu.core_type<tc>, window_params = [{pipeline_mode = #tpu.pipeline_mode<synchronous>, transform_indices = @transform_0, window_bounds = array<i64: 8192, 1>}, {pipeline_mode = #tpu.pipeline_mode<synchronous>, transform_indices = @transform_1, window_bounds = array<i64: 8192, 1>}, {transform_indices = @transform_2, window_bounds = array<i64: 1024, 256>}, {transform_indices = @transform_3, window_bounds = array<i64: 1024, 256>}, {transform_indices = @transform_4, window_bounds = array<i64: 1024, 1>}, {transform_indices = @transform_5, window_bounds = array<i64: 1024, 256>}, {transform_indices = @transform_6, window_bounds = array<i64: 1024, 256>}]} {
    %get3A = arith.constant 0 : index
    %get3A_0 = arith.constant 0 : index
    %get3A_1 = vector.load %arg2[%get3A, %get3A_0] : memref<8192x1xf32, #tpu.memory_space<vmem>>, vector<8192x1xf32>
    %mul3A = arith.constant 9.900000e-01 : f32
    %mul3A_2 = vector.broadcast %mul3A : f32 to vector<8192x1xf32>
    %mul3A_3 = arith.mulf %get3A_1, %mul3A_2 : vector<8192x1xf32>
    %get3A_4 = arith.constant 0 : index
    %get3A_5 = arith.constant 0 : index
    %get3A_6 = vector.load %arg1[%get3A_4, %get3A_5] : memref<8192x1xf32, #tpu.memory_space<vmem>>, vector<8192x1xf32>
    %mul3A_7 = arith.constant 0.00999999977 : f32
    %mul3A_8 = vector.broadcast %mul3A_7 : f32 to vector<8192x1xf32>
    %mul3A_9 = arith.mulf %get3A_6, %mul3A_8 : vector<8192x1xf32>
    %add3A = arith.addf %mul3A_3, %mul3A_9 : vector<8192x1xf32>
    %reduce_sum3A = vector.shape_cast %add3A : vector<8192x1xf32> to vector<1x8192x1xf32>
    %reduce_sum3A_10 = arith.constant dense<0.000000e+00> : vector<1xf32>
    %reduce_sum3A_11 = vector.multi_reduction <add>, %reduce_sum3A, %reduce_sum3A_10 [1, 2] : vector<1x8192x1xf32> to vector<1xf32>
    %reduce_sum3A_12 = vector.shape_cast %reduce_sum3A_11 : vector<1xf32> to vector<1x1x1xf32>
    %reduce_sum3A_13 = vector.extract %reduce_sum3A_12[0, 0, 0] : f32 from vector<1x1x1xf32>
    %mul3A_14 = arith.constant 1024 : i32
    %mul3A_15 = arith.muli %arg0, %mul3A_14 : i32
    %get3A_16 = arith.index_cast %mul3A_15 : i32 to index
    %get3A_17 = arith.constant 0 : index
    %get3A_18 = vector.load %arg2[%get3A_16, %get3A_17] : memref<8192x1xf32, #tpu.memory_space<vmem>>, vector<1024x1xf32>
    %mul3A_19 = arith.constant 9.900000e-01 : f32
    %mul3A_20 = vector.broadcast %mul3A_19 : f32 to vector<1024x1xf32>
    %mul3A_21 = arith.mulf %get3A_18, %mul3A_20 : vector<1024x1xf32>
    %mul3A_22 = arith.constant 1024 : i32
    %mul3A_23 = arith.muli %arg0, %mul3A_22 : i32
    %get3A_24 = arith.index_cast %mul3A_23 : i32 to index
    %get3A_25 = arith.constant 0 : index
    %get3A_26 = vector.load %arg1[%get3A_24, %get3A_25] : memref<8192x1xf32, #tpu.memory_space<vmem>>, vector<1024x1xf32>
    %mul3A_27 = arith.constant 0.00999999977 : f32
    %mul3A_28 = vector.broadcast %mul3A_27 : f32 to vector<1024x1xf32>
    %mul3A_29 = arith.mulf %get3A_26, %mul3A_28 : vector<1024x1xf32>
    %add3A_30 = arith.addf %mul3A_21, %mul3A_29 : vector<1024x1xf32>
    %swap3A = arith.constant 0 : index
    %swap3A_31 = arith.constant 0 : index
    %swap3A_32 = vector.load %arg5[%swap3A, %swap3A_31] : memref<1024x1xf32, #tpu.memory_space<vmem>>, vector<1024x1xf32>
    tpu.vector_store %arg5[%swap3A, %swap3A_31], %add3A_30 {strides = array<i32>} : memref<1024x1xf32, #tpu.memory_space<vmem>>, vector<1024x1xf32>,
    %add3A_33 = arith.constant 9.99999974E-6 : f32
    %add3A_34 = vector.broadcast %add3A_33 : f32 to vector<1024x1xf32>
    %add3A_35 = arith.addf %add3A_30, %add3A_34 : vector<1024x1xf32>
    %add3A_36 = arith.constant 0.0819199979 : f32
    %add3A_37 = arith.addf %reduce_sum3A_13, %add3A_36 : f32
    %div3A = vector.broadcast %add3A_37 : f32 to vector<1024x1xf32>
    %div3A_38 = arith.divf %add3A_35, %div3A : vector<1024x1xf32>
    %mul3A_39 = vector.broadcast %reduce_sum3A_13 : f32 to vector<1024x1xf32>
    %mul3A_40 = arith.mulf %div3A_38, %mul3A_39 : vector<1024x1xf32>
    %get3A_41 = arith.constant 0 : index
    %get3A_42 = arith.constant 0 : index
    %get3A_43 = vector.load %arg4[%get3A_41, %get3A_42] : memref<1024x256xf32, #tpu.memory_space<vmem>>, vector<1024x256xf32>
    %mul3A_44 = arith.constant 9.900000e-01 : f32
    %mul3A_45 = vector.broadcast %mul3A_44 : f32 to vector<1024x256xf32>
    %mul3A_46 = arith.mulf %get3A_43, %mul3A_45 : vector<1024x256xf32>
    %get3A_47 = arith.constant 0 : index
    %get3A_48 = arith.constant 0 : index
    %get3A_49 = vector.load %arg3[%get3A_47, %get3A_48] : memref<1024x256xf32, #tpu.memory_space<vmem>>, vector<1024x256xf32>
    %mul3A_50 = arith.constant 0.00999999977 : f32
    %mul3A_51 = vector.broadcast %mul3A_50 : f32 to vector<1024x256xf32>
    %mul3A_52 = arith.mulf %get3A_49, %mul3A_51 : vector<1024x256xf32>
    %add3A_53 = arith.addf %mul3A_46, %mul3A_52 : vector<1024x256xf32>
    %swap3A_54 = arith.constant 0 : index
    %swap3A_55 = arith.constant 0 : index
    %swap3A_56 = vector.load %arg6[%swap3A_54, %swap3A_55] : memref<1024x256xf32, #tpu.memory_space<vmem>>, vector<1024x256xf32>
    tpu.vector_store %arg6[%swap3A_54, %swap3A_55], %add3A_53 {strides = array<i32>} : memref<1024x256xf32, #tpu.memory_space<vmem>>, vector<1024x256xf32>,
    %div3A_57 = vector.broadcast %mul3A_40 : vector<1024x1xf32> to vector<1024x256xf32>
    %div3A_58 = arith.divf %add3A_53, %div3A_57 : vector<1024x256xf32>
    %swap3A_59 = arith.constant 0 : index
    %swap3A_60 = arith.constant 0 : index
    %swap3A_61 = vector.load %arg7[%swap3A_59, %swap3A_60] : memref<1024x256xf32, #tpu.memory_space<vmem>>, vector<1024x256xf32>
    tpu.vector_store %arg7[%swap3A_59, %swap3A_60], %div3A_58 {strides = array<i32>} : memref<1024x256xf32, #tpu.memory_space<vmem>>, vector<1024x256xf32>,
    return
  }
  func.func @transform_0(%arg0: i32) -> (i32, i32) {
    %c0_i32 = arith.constant 0 : i32
    %c0_i32_0 = arith.constant 0 : i32
    %c0_i32_1 = arith.constant 0 : i32
    return %c0_i32, %c0_i32_0 : i32, i32
  }
  func.func @transform_1(%arg0: i32) -> (i32, i32) {
    %c0_i32 = arith.constant 0 : i32
    %c0_i32_0 = arith.constant 0 : i32
    %c0_i32_1 = arith.constant 0 : i32
    return %c0_i32, %c0_i32_0 : i32, i32
  }
  func.func @transform_2(%arg0: i32) -> (i32, i32) {
    %c0_i32 = arith.constant 0 : i32
    %c0_i32_0 = arith.constant 0 : i32
    return %arg0, %c0_i32 : i32, i32
  }
  func.func @transform_3(%arg0: i32) -> (i32, i32) {
    %c0_i32 = arith.constant 0 : i32
    %c0_i32_0 = arith.constant 0 : i32
    return %arg0, %c0_i32 : i32, i32
  }
  func.func @transform_4(%arg0: i32) -> (i32, i32) {
    %c0_i32 = arith.constant 0 : i32
    %c0_i32_0 = arith.constant 0 : i32
    return %arg0, %c0_i32 : i32, i32
  }
  func.func @transform_5(%arg0: i32) -> (i32, i32) {
    %c0_i32 = arith.constant 0 : i32
    %c0_i32_0 = arith.constant 0 : i32
    return %arg0, %c0_i32 : i32, i32
  }
  func.func @transform_6(%arg0: i32) -> (i32, i32) {
    %c0_i32 = arith.constant 0 : i32
    %c0_i32_0 = arith.constant 0 : i32
    return %arg0, %c0_i32 : i32, i32
  }
}

</mosaic_0001>

<sc_bundles>
// kernel: kernel.5.cloned.1.call-start
scs
__scs_entry_jumppad:
0x0: {  	(pc) =	sbr.rel $0x88, $3  }
0x1: {  	(tag) =	ssettag $0x0;
	lr =	simm.s32 $0x1  }
0x2: {  	[smem:$0x3F9D] =	sst lr;
	_ =	strace $0xD0000000  }
0x3: {  	_ = 	snop  }
0x4: {  	_ = 	snop  }
0x5: {  	_ = 	snop  }
0x6: {  	_ = 	snop  }
0x7: {  	_ = 	snop  }
__scs_overlays_trampoline_lowered:
0x8: {  	[smem:$0x3FAC] =	sst s0  }
0x9: {  	[smem:$0x3FAD] =	sst s1  }
0xa: {  	[smem:$0x3FAE] =	sst s2  }
0xb: {  	[smem:$0x3FAF] =	sst s3  }
0xc: {  	[smem:$0x3FB0] =	sst s4  }
0xd: {  	[smem:$0x3FB1] =	sst s5  }
0xe: {  	[smem:$0x3FB2] =	sst s6  }
0xf: {  	[smem:$0x3FB3] =	sst s7  }
0x10: {  	[smem:$0x3FB4] =	sst s8  }
0x11: {  	[smem:$0x3FB5] =	sst s9;
	s0 =	simm.s32 @!p0 $0x0  }
0x12: {  	s1 =	sld [smem:$0x3F9B];
	s0 =	simm.s32 @p0 $0x1  }
0x13: {  	[smem:$0x3FB6] =	sst s0;
	s0 =	simm.s32 @!p1 $0x0  }
0x14: {  	s2 =	sld [smem:$0x3F9A];
	s0 =	simm.s32 @p1 $0x1  }
0x15: {  	[smem:$0x3FB7] =	sst s0;
	s0 =	simm.s32 @!p2 $0x0  }
0x16: {  	s3 =	sld [smem:$0x3FDB];
	s0 =	simm.s32 @p2 $0x1  }
0x17: {  	s4 =	simm.s32 $0x1BF5;
	[smem:$0x3FB9] =	sst s0  }
0x18: {  	s0 =	sld [smem:$0x3F9C];
	_ =	swait.ge [sflag:s4], $0x0  }
0x19: {  	s7 =	sld [smem:$0x3F9D]  }
0x1a: {  	s8 =	sadd.s32 $0xFFFFE003, lr  }
0x1b: {  	s9 =	sadd.s32 $0xFFFFFEF7, lr;
	s5 =	simm.s32 $0xFFFFFFFF;
	p2 =	slt.u32 s8, $0xFFFFF086  }
0x1c: {  	p1 =	slt.u32 s9, $0xF7A;
	s5 =	simm.s32 @!p2 $0x0  }
0x1d: {  	s5 =	simm.s32 @p1 $0x1;
	p0 =	seq.s32 s7, s2  }
0x1e: {  	s7 =	smul.u32 @!p0 $0xF7A, s2;
	p2 =	seq.s32 @!p0 s5, $0x0  }
0x1f: {  	s9 =	smul.u32 $0xF7A, s1;
	s8 =	simm.s32 @!p0 $0x1BF5;
	p2 =	por !p2, p0  }
0x20: {  	[sflag:s8] =	ssyncset.s32 @!p0 $0xFFFFF086;
	s6 =	sadd.s32 @!p0 s3, s7;
	s7 =	simm.s32 @!p0 $0x108  }
0x21: {  	s3 =	sadd.s32 s3, s9;
	s6 =	sadd.s32 @!p0 $0x88, s6;
	s7 =	simm.s32 @p2 $0x1082  }
0x22: {  	[simem:s7], [sflag:s8] =	dma.local @!p0 [hbm:s6], $0xF7A  }
0x23: {  	s9 =	sor.u32 $0xD0000000, s2;
	s6 =	simm.s32 $0x108;
	_ =	swait.ge @!p0 [sflag:s8], $0x0  }
0x24: {  	s3 =	sadd.s32 $0x88, s3;
	s6 =	simm.s32 @!p1 $0x1082;
	[sflag:s4] =	ssyncset.s32 $0xFFFFF086  }
0x25: {  	[simem:s6], [sflag:s4] =	dma.local [hbm:s3], $0xF7A  }
0x26: {  	[smem:$0x3F9D] =	sst s1;
	(tag) =	ssettag s2;
	_ =	strace s9  }
0x27: {  	s1 =	sld [smem:$0x3FAD]  }
0x28: {  	s2 =	sld [smem:$0x3FAE]  }
0x29: {  	s4 =	sld [smem:$0x3FB0]  }
0x2a: {  	p0 =	seq.s32 s5, $0x0;
	s5 =	sld [smem:$0x3FB1]  }
0x2b: {  	s6 =	sld [smem:$0x3FB2]  }
0x2c: {  	s7 =	sld [smem:$0x3FB3]  }
0x2d: {  	s3 =	simm.s32 $0x108;
	s8 =	sld [smem:$0x3FB4]  }
0x2e: {  	s3 =	simm.s32 @!p0 $0x1082;
	s9 =	sld [smem:$0x3FB5]  }
0x2f: {  	lr =	sadd.s32 s0, s3;
	s0 =	sld [smem:$0x3FAC]  }
0x30: {  	s3 =	sld [smem:$0x3FAF]  }
0x31: {  	[smem:$0x3FB8] =	sst s10  }
0x32: {  	s10 =	sld [smem:$0x3FB6];
	_ =	sdelay $0x3  }
0x33: {  	p0 =	seq.s32 s10, $0x1;
	s10 =	sld [smem:$0x3FB8];
	_ =	sdelay $0x3  }
0x34: {  	[smem:$0x3FB8] =	sst s10  }
0x35: {  	s10 =	sld [smem:$0x3FB7];
	_ =	sdelay $0x3  }
0x36: {  	p1 =	seq.s32 s10, $0x1;
	s10 =	sld [smem:$0x3FB8];
	_ =	sdelay $0x3  }
0x37: {  	[smem:$0x3FB8] =	sst s10  }
0x38: {  	s10 =	sld [smem:$0x3FB9]  }
0x39: {  	_ = 	snop;
	(pc) =	sbr.ind lr, $3  }
0x3a: {  	_ = 	snop  }
0x3b: {  	_ = 	snop  }
0x3c: {  	p2 =	seq.s32 s10, $0x1;
	s10 =	sld [smem:$0x3FB8]  }
0x3d: {  	_ =	shalt  }
0x3e: {  	_ =	shalt  }
0x3f: {  	_ =	shalt  }
0x40: {  	_ =	shalt  }
0x41: {  	_ =	shalt  }
0x42: {  	_ =	shalt  }
0x43: {  	_ =	shalt  }
0x44: {  	_ =	shalt  }
0x45: {  	_ =	shalt  }
0x46: {  	_ =	shalt  }
0x47: {  	_ =	shalt  }
0x48: {  	_ =	shalt  }
0x49: {  	_ =	shalt  }
0x4a: {  	_ =	shalt  }
0x4b: {  	_ =	shalt  }
0x4c: {  	_ =	shalt  }
0x4d: {  	_ =	shalt  }
0x4e: {  	_ =	shalt  }
0x4f: {  	_ =	shalt  }
0x50: {  	_ =	shalt  }
0x51: {  	_ =	shalt  }
0x52: {  	_ =	shalt  }
0x53: {  	_ =	shalt  }
0x54: {  	_ =	shalt  }
0x55: {  	_ =	shalt  }
0x56: {  	_ =	shalt  }
0x57: {  	_ =	shalt  }
0x58: {  	_ =	shalt  }
0x59: {  	_ =	shalt  }
0x5a: {  	_ =	shalt  }
0x5b: {  	_ =	shalt  }
0x5c: {  	_ =	shalt  }
0x5d: {  	_ =	shalt  }
0x5e: {  	_ =	shalt  }
0x5f: {  	_ =	shalt  }
0x60: {  	_ =	shalt  }
0x61: {  	_ =	shalt  }
0x62: {  	_ =	shalt  }
0x63: {  	_ =	shalt  }
0x64: {  	_ =	shalt  }
0x65: {  	_ =	shalt  }
0x66: {  	_ =	shalt  }
0x67: {  	_ =	shalt  }
0x68: {  	_ =	shalt  }
0x69: {  	_ =	shalt  }
0x6a: {  	_ =	shalt  }
0x6b: {  	_ =	shalt  }
0x6c: {  	_ =	shalt  }
0x6d: {  	_ =	shalt  }
0x6e: {  	_ =	shalt  }
0x6f: {  	_ =	shalt  }
0x70: {  	_ =	shalt  }
0x71: {  	_ =	shalt  }
0x72: {  	_ =	shalt  }
0x73: {  	_ =	shalt  }
0x74: {  	_ =	shalt  }
0x75: {  	_ =	shalt  }
0x76: {  	_ =	shalt  }
0x77: {  	_ =	shalt  }
0x78: {  	_ =	shalt  }
0x79: {  	_ =	shalt  }
0x7a: {  	_ =	shalt  }
0x7b: {  	_ =	shalt  }
0x7c: {  	_ =	shalt  }
0x7d: {  	_ =	shalt  }
0x7e: {  	_ =	shalt  }
0x7f: {  	_ =	shalt  }
0x80: {  	_ =	shalt  }
0x81: {  	_ =	shalt  }
0x82: {  	_ =	shalt  }
0x83: {  	_ =	shalt  }
0x84: {  	_ =	shalt  }
0x85: {  	_ =	shalt  }
0x86: {  	_ =	shalt  }
0x87: {  	_ =	shalt  }
.Lfunc_end0:
.L_simem_size_0:
called_computation_lowered:
.L_overlay_start_0:
0x88: {  	s2 =	sld [smem:$0x3FD9]  }
0x89: {  	s3 =	sld [smem:$0x3FFE];
	_ =	sdelay $0x1  }
0x8a: {  	s1 =	srdreg.scid  }
0x8b: {  	s0 =	sand.u32 $0x1, s1  }
0x8c: {  	s15 =	sshll.u32 s0, $0xA;
	s2 =	sadd.s32 s3, s2  }
0x8d: {  	s2 =	sadd.s32 s2, s15  }
0x8e: {  	[smem:$0x3FC4] =	sst s2  }
0x8f: {  	_ = 	snop  }
0x90: {  	s2 =	sld [smem:$0x3FD0];
	_ =	sdelay $0x1  }
0x91: {  	s16 =	sld [smem:$0x3FC9]  }
0x92: {  	s5 =	simm.s32 $0xA;
	s6 =	simm.s32 $0x10;
	s4 =	sld [smem:$0x3FC8]  }
0x93: {  	[smem:s6], [sflag:s5] =	dma.local [hbm:s2], $0x1  }
0x94: {  	_ =	swait.eq [sflag:s5], $0x1  }
0x95: {  	s17 =	sld [smem:$0x10]  }
0x96: {  	s18 =	sld [smem:$0x11];
	[sflag:s5] =	ssyncset.done $0x0  }
0x97: {  	s7 =	sld [smem:$0x12];
	[sflag:s5] =	ssyncadd.s32 $0xFFFFFFFF  }
0x98: {  	s19 =	sld [smem:$0x13];
	(tm) =	ssettm $0x1  }
0x99: {  	s8 =	sld [smem:$0x3FFB];
	_ =	sdelay $0x3  }
0x9a: {  	_ =	strace s8  }
0x9b: {  	s8 =	sld [smem:$0x3FFC];
	_ =	sdelay $0x3  }
0x9c: {  	_ =	strace s8  }
0x9d: {  	s8 =	sld [smem:$0x3FFD];
	_ =	sdelay $0x3  }
0x9e: {  	_ =	strace s8  }
0x9f: {  	_ =	strace $0x8FFFFFFF  }
0xa0: {  	s20 =	sld [smem:$0x3FDB];
	_ =	sdelay $0x1  }
0xa1: {  	s9 =	simm.s32 $_scs_section_size  }
0xa2: {  	s10 =	simm.s32 $_size__tile_overlayer_lowered;
	s11 =	simm.s32 $_tile_overlayer_lowered  }
0xa3: {  	s23 =	simm.s32 $0x1BFF;
	s22 =	sshll.u32 s11, $0x1;
	s8 =	sadd.s32 s9, s20  }
0xa4: {  	s12 =	simm.s32 $0x0;
	s21 =	sshll.u32 s10, $0x1;
	s10 =	sadd.s32 s22, s8  }
0xa5: {  	[timem:s12], [sflag:s23] =	dma.local [hbm:s10], s21  }
0xa6: {  	_ =	swait.ge [sflag:s23], s21  }
0xa7: {  	s9 =	ssub.s32 $0x0, s21;
	[sflag:s23] =	ssyncset.done $0x0  }
0xa8: {  	[sflag:s23] =	ssyncadd.s32 s9;
	_ =	sdelay $0x1  }
0xa9: {  	s24 =	simm.s32 $0x1B8B  }
0xaa: {  	_ =	swait.ge [sflag:s24], $0x1  }
0xab: {  	[sflag:s24] =	ssyncset.done $0x0  }
0xac: {  	s25 =	simm.s32 $0x1B8E;
	[sflag:s24] =	ssyncadd.s32 $0xFFFFFFFF  }
0xad: {  	s26 =	simm.s32 $execute0_lowered;
	[smem:$0x3FD2] =	sst s25  }
0xae: {  	s9 =	sshll.u32 s26, $0x1;
	_ =	strace $0x80000046;
	[dreg:$0x1] =	wrdreg $0xFFFFFFFF  }
0xaf: {  	s28 =	simm.s32 $_size_execute0_lowered;
	s8 =	sadd.s32 s8, s9;
	[dreg:$0x0] =	wrdreg $0x0  }
0xb0: {  	s9 =	sshll.u32 s28, $0x1;
	[dreg:$0x2] =	wrdreg s8  }
0xb1: {  	[dreg:$0x3] =	wrdreg s9  }
0xb2: {  	[dreg:$0x4] =	wrdreg $0xC0  }
0xb3: {  	_ =	task [dreg:s12], $0x5FFFF  }
0xb4: {  	[dreg:$0x1] =	wrdreg $0xFFFFFFFF  }
0xb5: {  	[dreg:$0x0] =	wrdreg $0x60  }
0xb6: {  	[dreg:$0x2] =	wrdreg s18  }
0xb7: {  	[dreg:$0x3] =	wrdreg s16  }
0xb8: {  	[dreg:$0x4] =	wrdreg s4  }
0xb9: {  	[dreg:$0x5] =	wrdreg s17  }
0xba: {  	[dreg:$0x6] =	wrdreg s7  }
0xbb: {  	[dreg:$0x7] =	wrdreg s19  }
0xbc: {  	[dreg:$0x8] =	wrdreg $0xD4800  }
0xbd: {  	[dreg:$0x9] =	wrdreg $0x1D4800  }
0xbe: {  	[dreg:$0xa] =	wrdreg $0x9  }
0xbf: {  	_ =	task.clear_ibuf [dreg:s12], $0xBFFFF;
	_ =	strace $0x90000046  }
0xc0: {  	s29 =	simm.s32 $0x9;
	_ =	strace $0x80000048  }
0xc1: {  	_ =	swait.ge [sflag:s29], $0x1  }
0xc2: {  	[sflag:s29] =	ssyncadd.s32 $0xFFFFFFFF  }
0xc3: {  	_ =	strace $0x90000048  }
0xc4: {  	_ =	sfence  }
0xc5: {  	s30 =	sld [smem:$0x0];
	_ =	sdelay $0x2  }
0xc6: {  	s31 =	sshll.u32 s1, $0xD;
	s1 =	sshrl.u32 s1, $0x2  }
0xc7: {  	s3 =	sand.u32 $0x4000, s31;
	s1 =	sadd.s32 s1, s30  }
0xc8: {  	s0 =	sor.u32 s3, s0;
	s1 =	sshll.u32 s1, $0x11  }
0xc9: {  	s0 =	sor.u32 s1, s0  }
0xca: {  	s0 =	sadd.s32 $0x8F2B, s0  }
0xcb: {  	[sflag:s0] =	ssyncadd.remote.s32 $0x1  }
0xcc: {  	_ =	sfence.sel $0xFFFF  }
0xcd: {  	[dreg:$0x0] =	wrdreg $0xFFFFFFFF;
	(pc) =	sbr.abs _section_cstart, $3  }
0xce: {  	[dreg:$0x1] =	wrdreg $0xFFFFFFFF  }
0xcf: {  	_ =	task.clear_ibuf [dreg:s12], $0x2FFFF;
	_ =	strace $0x9FFFFFFF  }
0xd0: {  	(tm) =	ssettm $0x7FFFFFFF  }
0xd1: {  	_ =	shalt  }
tec
execute0_lowered:
.L_overlay_start_1:
0x0: {  	(tag) =	ssettag $0x1  }
0x1: {  	s2 =	rddreg [dreg:$0x0]  }
0x2: {  	s9 =	rddreg [dreg:$0x1]  }
0x3: {  	s1 =	rddreg [dreg:$0x2]  }
0x4: {  	s0 =	rddreg [dreg:$0x3]  }
0x5: {  	s10 =	rddreg [dreg:$0x4]  }
0x6: {  	s8 =	rddreg [dreg:$0x5]  }
0x7: {  	s3 =	rddreg [dreg:$0x6]  }
0x8: {  	s4 =	rddreg [dreg:$0x7];
	s23 =	stileid.u32;
	s5 =	simm.s32 $0x0  }
0x9: {  	s30 =	simm.s32 $0x6;
	s31 =	simm.s32 $0x4200;
	s29 =	simm.s32 $0x5200  }
0xa: {  	s28 =	simm.s32 $0x7200;
	s7 =	sshll.u32 s23, $0x9;
	s6 =	sshll.u32 s23, $0x10  }
0xb: {  	[smem:$0x7FF] =	sst s5;
	s6 =	sadd.s32 s6, s3;
	s15 =	sor.u32 $0x40, s7  }
0xc: {  	_ =	strace $0x80000047;
	s11 =	sadd.s32 $0x1000, s6;
	[smem:$0x7E8] =	sst s6  }
0xd: {  	s16 =	sor.u32 $0x80, s7;
	s18 =	sadd.s32 $0x5000, s6;
	[dreg:$0x9] =	wrdreg s11  }
0xe: {  	s17 =	sor.u32 $0xC0, s7;
	s21 =	sadd.s32 $0x7000, s6;
	[dreg:$0xd] =	wrdreg s18  }
0xf: {  	s12 =	sshll.u32 s15, $0x7;
	s25 =	sadd.s32 $0x9000, s6;
	[dreg:$0xf] =	wrdreg s21  }
0x10: {  	s13 =	sshll.u32 s16, $0x7;
	s26 =	sadd.s32 s12, s3;
	[dreg:$0x11] =	wrdreg s25  }
0x11: {  	s19 =	sshll.u32 s17, $0x7;
	s12 =	sadd.s32 $0x3000, s6;
	[dreg:$0xa] =	wrdreg s26  }
0x12: {  	s14 =	sadd.s32 s13, s3;
	s20 =	sadd.s32 s19, s3;
	[dreg:$0xb] =	wrdreg s12  }
0x13: {  	s18 =	sor.u32 $0x100, s7;
	s13 =	sor.u32 $0x180, s7;
	[dreg:$0xc] =	wrdreg s14  }
0x14: {  	s19 =	sadd.s32 $0xB000, s6;
	[dreg:$0xe] =	wrdreg s20;
	s22 =	sshll.u32 s18, $0x7  }
0x15: {  	s20 =	sshll.u32 s13, $0x7;
	[dreg:$0x13] =	wrdreg s19;
	s24 =	sadd.s32 s22, s3  }
0x16: {  	s14 =	sor.u32 $0x140, s7;
	s21 =	sadd.s32 s20, s3;
	[dreg:$0x10] =	wrdreg s24  }
0x17: {  	s26 =	sshll.u32 s14, $0x7;
	s22 =	sadd.s32 $0xD000, s6;
	[dreg:$0x14] =	wrdreg s21  }
0x18: {  	s20 =	srdreg.scid;
	s12 =	sadd.s32 s26, s3;
	[dreg:$0x15] =	wrdreg s22  }
0x19: {  	s11 =	sand.u32 $0x1, s20;
	s24 =	sadd.s32 $0xF000, s6;
	s6 =	sshll.u32 s23, $0x6  }
0x1a: {  	s21 =	sshll.u32 s23, $0x11;
	s22 =	sshrl.u32 s15, $0x3;
	s15 =	sshll.u32 s15, $0x8  }
0x1b: {  	[dreg:$0x12] =	wrdreg s12;
	s12 =	sor.u32 $0x1C0, s7;
	s20 =	sshll.u32 s11, $0xA  }
0x1c: {  	[dreg:$0x17] =	wrdreg s24;
	s25 =	sadd.s32 s2, s6;
	s26 =	sadd.s32 s2, s22  }
0x1d: {  	[smem:$0x7F2] =	sst s6;
	s8 =	sadd.s32 s8, s6;
	p0 =	sne.s32 s11, $0x0  }
0x1e: {  	s19 =	sshll.u32 s12, $0x7;
	s21 =	sor.u32 s20, s21;
	[dreg:$0x18] =	wrdreg s25  }
0x1f: {  	s15 =	sor.u32 s20, s15;
	[dreg:$0x1a] =	wrdreg s26;
	s25 =	sshrl.u32 s17, $0x3  }
0x20: {  	s17 =	sshll.u32 s17, $0x8;
	[smem:$0x7F3] =	sst s8;
	s19 =	sadd.s32 s19, s3  }
0x21: {  	s15 =	sshrl.u32 s15, $0x3;
	s3 =	sshrl.u32 s16, $0x3;
	s16 =	sshll.u32 s16, $0x8  }
0x22: {  	s26 =	sadd.s32 s2, s25;
	[dreg:$0x16] =	wrdreg s19;
	s19 =	sshrl.u32 s21, $0x3  }
0x23: {  	s15 =	sadd.s32 s9, s15;
	s22 =	sadd.s32 s2, s3;
	s16 =	sor.u32 s20, s16  }
0x24: {  	s3 =	sor.u32 s20, s17;
	[dreg:$0x1e] =	wrdreg s26;
	s17 =	sshrl.u32 s18, $0x3  }
0x25: {  	s26 =	sshrl.u32 s14, $0x3;
	s14 =	sshll.u32 s14, $0x8;
	[dreg:$0x1b] =	wrdreg s15  }
0x26: {  	s21 =	sadd.s32 s9, s19;
	[dreg:$0x1c] =	wrdreg s22;
	s24 =	sshrl.u32 s16, $0x3  }
0x27: {  	s16 =	sshrl.u32 s3, $0x3;
	s22 =	sadd.s32 s2, s17;
	[dreg:$0x19] =	wrdreg s21  }
0x28: {  	s3 =	sadd.s32 s2, s26;
	s14 =	sor.u32 s20, s14;
	[smem:$0x7E9] =	sst s22  }
0x29: {  	s15 =	sadd.s32 s9, s24;
	s21 =	sshll.u32 s18, $0x8;
	[smem:$0x7EB] =	sst s3  }
0x2a: {  	s14 =	sshrl.u32 s14, $0x3;
	s18 =	sshll.u32 s12, $0x8;
	s12 =	sshrl.u32 s12, $0x3  }
0x2b: {  	s22 =	sadd.s32 s10, s19;
	[dreg:$0x1d] =	wrdreg s15;
	s15 =	sadd.s32 s9, s16  }
0x2c: {  	s24 =	sor.u32 s20, s21;
	s14 =	sadd.s32 s9, s14;
	[smem:$0x7F1] =	sst s22  }
0x2d: {  	s16 =	sshrl.u32 s13, $0x3;
	s13 =	sshll.u32 s13, $0x8;
	[dreg:$0x1f] =	wrdreg s15  }
0x2e: {  	s12 =	sadd.s32 s2, s12;
	s25 =	sshrl.u32 s24, $0x3;
	[smem:$0x7EC] =	sst s14  }
0x2f: {  	s17 =	sadd.s32 s2, s16;
	s13 =	sor.u32 s20, s13;
	s14 =	sor.u32 s20, s18  }
0x30: {  	[smem:$0x7EF] =	sst s12;
	s24 =	sshll.u32 s11, $0xC;
	s16 =	ssub.s32 $0x2, s11  }
0x31: {  	s15 =	sadd.s32 s9, s25;
	[smem:$0x7ED] =	sst s17;
	s13 =	sshrl.u32 s13, $0x3  }
0x32: {  	s21 =	sshrl.u32 s14, $0x3;
	s25 =	sshll.u32 s23, $0x8;
	s23 =	sshrl.u32 s16, $0x1  }
0x33: {  	[smem:$0x7EA] =	sst s15;
	s13 =	sadd.s32 s9, s13;
	s9 =	sadd.s32 s9, s21  }
0x34: {  	s26 =	sor.u32 s25, s24;
	s24 =	ssub.s32 s16, s23;
	[smem:$0x7EE] =	sst s13  }
0x35: {  	s25 =	sadd.s32 s7, s4;
	s23 =	simm.s32 $0xA;
	[smem:$0x7F0] =	sst s9  }
0x36: {  	s10 =	sshrl.u32 s26, $0x3;
	s12 =	sor.u32 $0x40, s26;
	s13 =	sshll.u32 s26, $0x5  }
0x37: {  	s15 =	sor.u32 $0x80, s26;
	s9 =	sor.u32 $0xC0, s26;
	[smem:$0x7FB] =	sst s25  }
0x38: {  	s26 =	simm.s32 $0xD200;
	s25 =	simm.s32 $0x6A00;
	s3 =	sadd.s32 s2, s10  }
0x39: {  	s6 =	sshrl.u32 s12, $0x3;
	s14 =	sadd.s32 s0, s13;
	s17 =	sshrl.u32 s15, $0x3  }
0x3a: {  	s12 =	sshll.u32 s12, $0x5;
	s19 =	sshrl.u32 s9, $0x3;
	[smem:$0x7FD] =	sst s26  }
0x3b: {  	s20 =	sshll.u32 s15, $0x5;
	s22 =	sshll.u32 s9, $0x5;
	[smem:$0x7F4] =	sst s3  }
0x3c: {  	s9 =	smax.u32 s24, $0x1;
	s10 =	sadd.s32 s2, s6;
	[smem:$0x7F6] =	sst s14  }
0x3d: {  	s15 =	simm.s32 $0x80;
	s8 =	sadd.s32 s2, s17;
	[smem:$0x7F5] =	sst s10  }
0x3e: {  	s26 =	simm.s32 $0x5A00;
	s18 =	sadd.s32 s0, s12;
	[smem:$0x7F7] =	sst s8  }
0x3f: {  	s24 =	simm.s32 $0x8A00;
	s2 =	sadd.s32 s2, s19;
	[smem:$0x7F8] =	sst s18  }
0x40: {  	v0 =	vimm.f32 $0.0e+00;
	v4 =	vlaneseq.u32;
	s21 =	sadd.s32 s0, s20;
	s0 =	sadd.s32 s0, s22;
	[smem:$0x7F9] =	sst s2  }
0x41: {  	v1 =	vimm.f32 $1.000000000e+00;
	vm0 =	vmmov $0xffff;
	v3 =	vshrl.u32 v4, $0x3;
	s14 =	simm.s32 $0x1;
	s19 =	simm.s32 $0x40;
	[smem:$0x7FA] =	sst s21  }
0x42: {  	v2 =	vand.u32 $0x7, v4;
	v4 =	vor.u32 $0x8, v4;
	v3 =	vmul.u32 $0x8, v3;
	s20 =	simm.s32 $0xC;
	[smem:$0x7FC] =	sst s0;
	s10 =	simm.s32 $0xC200  }
.LBB2_1:
0x43: {  	[tilespmem:$0xC200] =	vst v0  }
0x44: {  	[tilespmem:$0xC210] =	vst v0  }
0x45: {  	[tilespmem:$0xC220] =	vst v0  }
0x46: {  	[tilespmem:$0xC230] =	vst v0  }
0x47: {  	[tilespmem:$0xC240] =	vst v0  }
0x48: {  	[tilespmem:$0xC250] =	vst v0  }
0x49: {  	[tilespmem:$0xC260] =	vst v0  }
0x4a: {  	[tilespmem:$0xC270] =	vst v0  }
0x4b: {  	[tilespmem:$0xC280] =	vst v0  }
0x4c: {  	[tilespmem:$0xC290] =	vst v0  }
0x4d: {  	[tilespmem:$0xC2A0] =	vst v0  }
0x4e: {  	[tilespmem:$0xC2B0] =	vst v0  }
0x4f: {  	[tilespmem:$0xC2C0] =	vst v0  }
0x50: {  	[tilespmem:$0xC2D0] =	vst v0  }
0x51: {  	[tilespmem:$0xC2E0] =	vst v0  }
0x52: {  	[tilespmem:$0xC2F0] =	vst v0  }
0x53: {  	[tilespmem:$0xC300] =	vst v0  }
0x54: {  	[tilespmem:$0xC310] =	vst v0  }
0x55: {  	[tilespmem:$0xC320] =	vst v0  }
0x56: {  	[tilespmem:$0xC330] =	vst v0  }
0x57: {  	[tilespmem:$0xC340] =	vst v0  }
0x58: {  	[tilespmem:$0xC350] =	vst v0  }
0x59: {  	[tilespmem:$0xC360] =	vst v0  }
0x5a: {  	[tilespmem:$0xC370] =	vst v0  }
0x5b: {  	[tilespmem:$0xC380] =	vst v0  }
0x5c: {  	[tilespmem:$0xC390] =	vst v0  }
0x5d: {  	[tilespmem:$0xC3A0] =	vst v0  }
0x5e: {  	[tilespmem:$0xC3B0] =	vst v0  }
0x5f: {  	[tilespmem:$0xC3C0] =	vst v0  }
0x60: {  	[tilespmem:$0xC3D0] =	vst v0  }
0x61: {  	[tilespmem:$0xC3E0] =	vst v0  }
0x62: {  	[tilespmem:$0xC3F0] =	vst v0  }
0x63: {  	[tilespmem:$0xC400] =	vst v0  }
0x64: {  	[tilespmem:$0xC410] =	vst v0  }
0x65: {  	[tilespmem:$0xC420] =	vst v0  }
0x66: {  	[tilespmem:$0xC430] =	vst v0  }
0x67: {  	[tilespmem:$0xC440] =	vst v0  }
0x68: {  	[tilespmem:$0xC450] =	vst v0  }
0x69: {  	[tilespmem:$0xC460] =	vst v0  }
0x6a: {  	[tilespmem:$0xC470] =	vst v0  }
0x6b: {  	[tilespmem:$0xC480] =	vst v0  }
0x6c: {  	[tilespmem:$0xC490] =	vst v0  }
0x6d: {  	[tilespmem:$0xC4A0] =	vst v0  }
0x6e: {  	[tilespmem:$0xC4B0] =	vst v0  }
0x6f: {  	[tilespmem:$0xC4C0] =	vst v0  }
0x70: {  	[tilespmem:$0xC4D0] =	vst v0  }
0x71: {  	[tilespmem:$0xC4E0] =	vst v0  }
0x72: {  	[tilespmem:$0xC4F0] =	vst v0  }
0x73: {  	[tilespmem:$0xC500] =	vst v0  }
0x74: {  	[tilespmem:$0xC510] =	vst v0  }
0x75: {  	[tilespmem:$0xC520] =	vst v0  }
0x76: {  	[tilespmem:$0xC530] =	vst v0  }
0x77: {  	[tilespmem:$0xC540] =	vst v0  }
0x78: {  	[tilespmem:$0xC550] =	vst v0  }
0x79: {  	[tilespmem:$0xC560] =	vst v0  }
0x7a: {  	[tilespmem:$0xC570] =	vst v0  }
0x7b: {  	[tilespmem:$0xC580] =	vst v0  }
0x7c: {  	[tilespmem:$0xC590] =	vst v0  }
0x7d: {  	[tilespmem:$0xC5A0] =	vst v0  }
0x7e: {  	[tilespmem:$0xC5B0] =	vst v0  }
0x7f: {  	[tilespmem:$0xC5C0] =	vst v0  }
0x80: {  	[tilespmem:$0xC5D0] =	vst v0  }
0x81: {  	[tilespmem:$0xC5E0] =	vst v0  }
0x82: {  	[tilespmem:$0xC5F0] =	vst v0  }
0x83: {  	[tilespmem:$0xC600] =	vst v0  }
0x84: {  	[tilespmem:$0xC610] =	vst v0  }
0x85: {  	[tilespmem:$0xC620] =	vst v0  }
0x86: {  	[tilespmem:$0xC630] =	vst v0  }
0x87: {  	[tilespmem:$0xC640] =	vst v0  }
0x88: {  	[tilespmem:$0xC650] =	vst v0  }
0x89: {  	[tilespmem:$0xC660] =	vst v0  }
0x8a: {  	[tilespmem:$0xC670] =	vst v0  }
0x8b: {  	[tilespmem:$0xC680] =	vst v0  }
0x8c: {  	[tilespmem:$0xC690] =	vst v0  }
0x8d: {  	[tilespmem:$0xC6A0] =	vst v0  }
0x8e: {  	[tilespmem:$0xC6B0] =	vst v0  }
0x8f: {  	[tilespmem:$0xC6C0] =	vst v0  }
0x90: {  	[tilespmem:$0xC6D0] =	vst v0  }
0x91: {  	[tilespmem:$0xC6E0] =	vst v0  }
0x92: {  	[tilespmem:$0xC6F0] =	vst v0  }
0x93: {  	[tilespmem:$0xC700] =	vst v0  }
0x94: {  	[tilespmem:$0xC710] =	vst v0  }
0x95: {  	[tilespmem:$0xC720] =	vst v0  }
0x96: {  	[tilespmem:$0xC730] =	vst v0  }
0x97: {  	[tilespmem:$0xC740] =	vst v0  }
0x98: {  	[tilespmem:$0xC750] =	vst v0  }
0x99: {  	[tilespmem:$0xC760] =	vst v0  }
0x9a: {  	[tilespmem:$0xC770] =	vst v0  }
0x9b: {  	[tilespmem:$0xC780] =	vst v0  }
0x9c: {  	[tilespmem:$0xC790] =	vst v0  }
0x9d: {  	[tilespmem:$0xC7A0] =	vst v0  }
0x9e: {  	[tilespmem:$0xC7B0] =	vst v0  }
0x9f: {  	[tilespmem:$0xC7C0] =	vst v0  }
0xa0: {  	[tilespmem:$0xC7D0] =	vst v0  }
0xa1: {  	[tilespmem:$0xC7E0] =	vst v0  }
0xa2: {  	[tilespmem:$0xC7F0] =	vst v0  }
0xa3: {  	[tilespmem:$0xC800] =	vst v0  }
0xa4: {  	[tilespmem:$0xC810] =	vst v0  }
0xa5: {  	[tilespmem:$0xC820] =	vst v0  }
0xa6: {  	[tilespmem:$0xC830] =	vst v0  }
0xa7: {  	[tilespmem:$0xC840] =	vst v0  }
0xa8: {  	[tilespmem:$0xC850] =	vst v0  }
0xa9: {  	[tilespmem:$0xC860] =	vst v0  }
0xaa: {  	[tilespmem:$0xC870] =	vst v0  }
0xab: {  	[tilespmem:$0xC880] =	vst v0  }
0xac: {  	[tilespmem:$0xC890] =	vst v0  }
0xad: {  	[tilespmem:$0xC8A0] =	vst v0  }
0xae: {  	[tilespmem:$0xC8B0] =	vst v0  }
0xaf: {  	[tilespmem:$0xC8C0] =	vst v0  }
0xb0: {  	[tilespmem:$0xC8D0] =	vst v0  }
0xb1: {  	[tilespmem:$0xC8E0] =	vst v0  }
0xb2: {  	[tilespmem:$0xC8F0] =	vst v0  }
0xb3: {  	[tilespmem:$0xC900] =	vst v0  }
0xb4: {  	[tilespmem:$0xC910] =	vst v0  }
0xb5: {  	[tilespmem:$0xC920] =	vst v0  }
0xb6: {  	[tilespmem:$0xC930] =	vst v0  }
0xb7: {  	[tilespmem:$0xC940] =	vst v0  }
0xb8: {  	[tilespmem:$0xC950] =	vst v0  }
0xb9: {  	[tilespmem:$0xC960] =	vst v0  }
0xba: {  	[tilespmem:$0xC970] =	vst v0  }
0xbb: {  	[tilespmem:$0xC980] =	vst v0  }
0xbc: {  	[tilespmem:$0xC990] =	vst v0  }
0xbd: {  	[tilespmem:$0xC9A0] =	vst v0  }
0xbe: {  	[tilespmem:$0xC9B0] =	vst v0  }
0xbf: {  	[tilespmem:$0xC9C0] =	vst v0  }
0xc0: {  	[tilespmem:$0xC9D0] =	vst v0  }
0xc1: {  	[tilespmem:$0xC9E0] =	vst v0  }
0xc2: {  	[tilespmem:$0xC9F0] =	vst v0  }
0xc3: {  	[tilespmem:$0xCA00] =	vst v0  }
0xc4: {  	[tilespmem:$0xCA10] =	vst v0  }
0xc5: {  	[tilespmem:$0xCA20] =	vst v0  }
0xc6: {  	[tilespmem:$0xCA30] =	vst v0  }
0xc7: {  	[tilespmem:$0xCA40] =	vst v0  }
0xc8: {  	[tilespmem:$0xCA50] =	vst v0  }
0xc9: {  	[tilespmem:$0xCA60] =	vst v0  }
0xca: {  	[tilespmem:$0xCA70] =	vst v0  }
0xcb: {  	[tilespmem:$0xCA80] =	vst v0  }
0xcc: {  	[tilespmem:$0xCA90] =	vst v0  }
0xcd: {  	[tilespmem:$0xCAA0] =	vst v0  }
0xce: {  	[tilespmem:$0xCAB0] =	vst v0  }
0xcf: {  	[tilespmem:$0xCAC0] =	vst v0  }
0xd0: {  	[tilespmem:$0xCAD0] =	vst v0  }
0xd1: {  	[tilespmem:$0xCAE0] =	vst v0  }
0xd2: {  	[tilespmem:$0xCAF0] =	vst v0  }
0xd3: {  	[tilespmem:$0xCB00] =	vst v0  }
0xd4: {  	[tilespmem:$0xCB10] =	vst v0  }
0xd5: {  	[tilespmem:$0xCB20] =	vst v0  }
0xd6: {  	[tilespmem:$0xCB30] =	vst v0  }
0xd7: {  	[tilespmem:$0xCB40] =	vst v0  }
0xd8: {  	[tilespmem:$0xCB50] =	vst v0  }
0xd9: {  	[tilespmem:$0xCB60] =	vst v0  }
0xda: {  	[tilespmem:$0xCB70] =	vst v0  }
0xdb: {  	[tilespmem:$0xCB80] =	vst v0  }
0xdc: {  	[tilespmem:$0xCB90] =	vst v0  }
0xdd: {  	[tilespmem:$0xCBA0] =	vst v0  }
0xde: {  	[tilespmem:$0xCBB0] =	vst v0  }
0xdf: {  	[tilespmem:$0xCBC0] =	vst v0  }
0xe0: {  	[tilespmem:$0xCBD0] =	vst v0  }
0xe1: {  	[tilespmem:$0xCBE0] =	vst v0  }
0xe2: {  	[tilespmem:$0xCBF0] =	vst v0  }
0xe3: {  	[tilespmem:$0xCC00] =	vst v0  }
0xe4: {  	[tilespmem:$0xCC10] =	vst v0  }
0xe5: {  	[tilespmem:$0xCC20] =	vst v0  }
0xe6: {  	[tilespmem:$0xCC30] =	vst v0  }
0xe7: {  	[tilespmem:$0xCC40] =	vst v0  }
0xe8: {  	[tilespmem:$0xCC50] =	vst v0  }
0xe9: {  	[tilespmem:$0xCC60] =	vst v0  }
0xea: {  	[tilespmem:$0xCC70] =	vst v0  }
0xeb: {  	[tilespmem:$0xCC80] =	vst v0  }
0xec: {  	[tilespmem:$0xCC90] =	vst v0  }
0xed: {  	[tilespmem:$0xCCA0] =	vst v0  }
0xee: {  	[tilespmem:$0xCCB0] =	vst v0  }
0xef: {  	[tilespmem:$0xCCC0] =	vst v0  }
0xf0: {  	[tilespmem:$0xCCD0] =	vst v0  }
0xf1: {  	[tilespmem:$0xCCE0] =	vst v0  }
0xf2: {  	[tilespmem:$0xCCF0] =	vst v0  }
0xf3: {  	[tilespmem:$0xCD00] =	vst v0  }
0xf4: {  	[tilespmem:$0xCD10] =	vst v0  }
0xf5: {  	[tilespmem:$0xCD20] =	vst v0  }
0xf6: {  	[tilespmem:$0xCD30] =	vst v0  }
0xf7: {  	[tilespmem:$0xCD40] =	vst v0  }
0xf8: {  	[tilespmem:$0xCD50] =	vst v0  }
0xf9: {  	[tilespmem:$0xCD60] =	vst v0  }
0xfa: {  	[tilespmem:$0xCD70] =	vst v0  }
0xfb: {  	[tilespmem:$0xCD80] =	vst v0  }
0xfc: {  	[tilespmem:$0xCD90] =	vst v0  }
0xfd: {  	[tilespmem:$0xCDA0] =	vst v0  }
0xfe: {  	[tilespmem:$0xCDB0] =	vst v0  }
0xff: {  	[tilespmem:$0xCDC0] =	vst v0  }
0x100: {  	[tilespmem:$0xCDD0] =	vst v0  }
0x101: {  	[tilespmem:$0xCDE0] =	vst v0  }
0x102: {  	[tilespmem:$0xCDF0] =	vst v0  }
0x103: {  	[tilespmem:$0xCE00] =	vst v0  }
0x104: {  	[tilespmem:$0xCE10] =	vst v0  }
0x105: {  	[tilespmem:$0xCE20] =	vst v0  }
0x106: {  	[tilespmem:$0xCE30] =	vst v0  }
0x107: {  	[tilespmem:$0xCE40] =	vst v0  }
0x108: {  	[tilespmem:$0xCE50] =	vst v0  }
0x109: {  	[tilespmem:$0xCE60] =	vst v0  }
0x10a: {  	[tilespmem:$0xCE70] =	vst v0  }
0x10b: {  	[tilespmem:$0xCE80] =	vst v0  }
0x10c: {  	[tilespmem:$0xCE90] =	vst v0  }
0x10d: {  	[tilespmem:$0xCEA0] =	vst v0  }
0x10e: {  	[tilespmem:$0xCEB0] =	vst v0  }
0x10f: {  	[tilespmem:$0xCEC0] =	vst v0  }
0x110: {  	[tilespmem:$0xCED0] =	vst v0  }
0x111: {  	[tilespmem:$0xCEE0] =	vst v0  }
0x112: {  	[tilespmem:$0xCEF0] =	vst v0  }
0x113: {  	[tilespmem:$0xCF00] =	vst v0  }
0x114: {  	[tilespmem:$0xCF10] =	vst v0  }
0x115: {  	[tilespmem:$0xCF20] =	vst v0  }
0x116: {  	[tilespmem:$0xCF30] =	vst v0  }
0x117: {  	[tilespmem:$0xCF40] =	vst v0  }
0x118: {  	[tilespmem:$0xCF50] =	vst v0  }
0x119: {  	[tilespmem:$0xCF60] =	vst v0  }
0x11a: {  	[tilespmem:$0xCF70] =	vst v0  }
0x11b: {  	[tilespmem:$0xCF80] =	vst v0  }
0x11c: {  	[tilespmem:$0xCF90] =	vst v0  }
0x11d: {  	[tilespmem:$0xCFA0] =	vst v0  }
0x11e: {  	[tilespmem:$0xCFB0] =	vst v0  }
0x11f: {  	[tilespmem:$0xCFC0] =	vst v0  }
0x120: {  	[tilespmem:$0xCFD0] =	vst v0  }
0x121: {  	[tilespmem:$0xCFE0] =	vst v0  }
0x122: {  	[tilespmem:$0xCFF0] =	vst v0  }
0x123: {  	[tilespmem:$0xD000] =	vst v0  }
0x124: {  	[tilespmem:$0xD010] =	vst v0  }
0x125: {  	[tilespmem:$0xD020] =	vst v0  }
0x126: {  	[tilespmem:$0xD030] =	vst v0  }
0x127: {  	[tilespmem:$0xD040] =	vst v0  }
0x128: {  	[tilespmem:$0xD050] =	vst v0  }
0x129: {  	[tilespmem:$0xD060] =	vst v0  }
0x12a: {  	[tilespmem:$0xD070] =	vst v0  }
0x12b: {  	[tilespmem:$0xD080] =	vst v0  }
0x12c: {  	[tilespmem:$0xD090] =	vst v0  }
0x12d: {  	[tilespmem:$0xD0A0] =	vst v0  }
0x12e: {  	[tilespmem:$0xD0B0] =	vst v0  }
0x12f: {  	[tilespmem:$0xD0C0] =	vst v0  }
0x130: {  	[tilespmem:$0xD0D0] =	vst v0  }
0x131: {  	[tilespmem:$0xD0E0] =	vst v0  }
0x132: {  	[tilespmem:$0xD0F0] =	vst v0  }
0x133: {  	[tilespmem:$0xD100] =	vst v0  }
0x134: {  	[tilespmem:$0xD110] =	vst v0  }
0x135: {  	[tilespmem:$0xD120] =	vst v0  }
0x136: {  	[tilespmem:$0xD130] =	vst v0  }
0x137: {  	[tilespmem:$0xD140] =	vst v0  }
0x138: {  	[tilespmem:$0xD150] =	vst v0  }
0x139: {  	[tilespmem:$0xD160] =	vst v0  }
0x13a: {  	[tilespmem:$0xD170] =	vst v0  }
0x13b: {  	[tilespmem:$0xD180] =	vst v0  }
0x13c: {  	[tilespmem:$0xD190] =	vst v0  }
0x13d: {  	[tilespmem:$0xD1A0] =	vst v0  }
0x13e: {  	[tilespmem:$0xD1B0] =	vst v0  }
0x13f: {  	[tilespmem:$0xD1C0] =	vst v0  }
0x140: {  	[tilespmem:$0xD1D0] =	vst v0  }
0x141: {  	[tilespmem:$0xD1E0] =	vst v0  }
0x142: {  	[tilespmem:$0xD1F0] =	vst v0  }
0x143: {  	[tilespmem:$0xD200] =	vst v0  }
0x144: {  	[tilespmem:$0xD210] =	vst v0  }
0x145: {  	[tilespmem:$0xD220] =	vst v0  }
0x146: {  	[tilespmem:$0xD230] =	vst v0  }
0x147: {  	[tilespmem:$0xD240] =	vst v0  }
0x148: {  	[tilespmem:$0xD250] =	vst v0  }
0x149: {  	[tilespmem:$0xD260] =	vst v0  }
0x14a: {  	[tilespmem:$0xD270] =	vst v0  }
0x14b: {  	[tilespmem:$0xD280] =	vst v0  }
0x14c: {  	[tilespmem:$0xD290] =	vst v0  }
0x14d: {  	[tilespmem:$0xD2A0] =	vst v0  }
0x14e: {  	[tilespmem:$0xD2B0] =	vst v0  }
0x14f: {  	[tilespmem:$0xD2C0] =	vst v0  }
0x150: {  	[tilespmem:$0xD2D0] =	vst v0  }
0x151: {  	[tilespmem:$0xD2E0] =	vst v0  }
0x152: {  	[tilespmem:$0xD2F0] =	vst v0  }
0x153: {  	[tilespmem:$0xD300] =	vst v0  }
0x154: {  	[tilespmem:$0xD310] =	vst v0  }
0x155: {  	[tilespmem:$0xD320] =	vst v0  }
0x156: {  	[tilespmem:$0xD330] =	vst v0  }
0x157: {  	[tilespmem:$0xD340] =	vst v0  }
0x158: {  	[tilespmem:$0xD350] =	vst v0  }
0x159: {  	[tilespmem:$0xD360] =	vst v0  }
0x15a: {  	[tilespmem:$0xD370] =	vst v0  }
0x15b: {  	[tilespmem:$0xD380] =	vst v0  }
0x15c: {  	[tilespmem:$0xD390] =	vst v0  }
0x15d: {  	[tilespmem:$0xD3A0] =	vst v0  }
0x15e: {  	[tilespmem:$0xD3B0] =	vst v0  }
0x15f: {  	[tilespmem:$0xD3C0] =	vst v0  }
0x160: {  	[tilespmem:$0xD3D0] =	vst v0  }
0x161: {  	[tilespmem:$0xD3E0] =	vst v0  }
0x162: {  	[tilespmem:$0xD3F0] =	vst v0  }
0x163: {  	[tilespmem:$0xD400] =	vst v1  }
0x164: {  	[tilespmem:$0xD410] =	vst v1;
	s6 =	sld [smem:$0x7E8]  }
0x165: {  	[tilespmem:$0xD420] =	vst v1;
	s0 =	rddreg [dreg:$0x9]  }
0x166: {  	[tilespmem:$0xD430] =	vst v1;
	s2 =	rddreg [dreg:$0xa]  }
0x167: {  	[spmem:s6] =	stream.linear.scatter [tilespmem:s10], [sflag:$0x1], $0x1000, $0x38;
	[tilespmem:$0x1D680] =	vst v63  }
0x168: {  	s11 =	rddreg [dreg:$0xb]  }
0x169: {  	[spmem:s0] =	stream.linear.scatter [tilespmem:s10], [sflag:$0x1], $0x1000, $0x38;
	[tilespmem:$0x1D680] =	vst v63  }
0x16a: {  	s12 =	rddreg [dreg:$0xc]  }
0x16b: {  	[spmem:s2] =	stream.linear.scatter [tilespmem:s10], [sflag:$0x1], $0x1000, $0x38;
	[tilespmem:$0x1D680] =	vst v63  }
0x16c: {  	s13 =	rddreg [dreg:$0xd]  }
0x16d: {  	[spmem:s11] =	stream.linear.scatter [tilespmem:s10], [sflag:$0x1], $0x1000, $0x38;
	[tilespmem:$0x1D680] =	vst v63  }
0x16e: {  	s16 =	rddreg [dreg:$0xe]  }
0x16f: {  	[spmem:s12] =	stream.linear.scatter [tilespmem:s10], [sflag:$0x1], $0x1000, $0x38;
	[tilespmem:$0x1D680] =	vst v63  }
0x170: {  	s17 =	rddreg [dreg:$0xf]  }
0x171: {  	[spmem:s13] =	stream.linear.scatter [tilespmem:s10], [sflag:$0x1], $0x1000, $0x38;
	[tilespmem:$0x1D680] =	vst v63  }
0x172: {  	s18 =	rddreg [dreg:$0x10]  }
0x173: {  	[spmem:s16] =	stream.linear.scatter [tilespmem:s10], [sflag:$0x1], $0x1000, $0x38;
	[tilespmem:$0x1D680] =	vst v63  }
0x174: {  	s21 =	rddreg [dreg:$0x11]  }
0x175: {  	[spmem:s17] =	stream.linear.scatter [tilespmem:s10], [sflag:$0x1], $0x1000, $0x38;
	[tilespmem:$0x1D680] =	vst v63  }
0x176: {  	s22 =	rddreg [dreg:$0x12]  }
0x177: {  	[spmem:s18] =	stream.linear.scatter [tilespmem:s10], [sflag:$0x1], $0x1000, $0x38;
	[tilespmem:$0x1D680] =	vst v63  }
0x178: {  	s3 =	rddreg [dreg:$0x13]  }
0x179: {  	[spmem:s21] =	stream.linear.scatter [tilespmem:s10], [sflag:$0x1], $0x1000, $0x38;
	[tilespmem:$0x1D680] =	vst v63  }
0x17a: {  	s4 =	rddreg [dreg:$0x14]  }
0x17b: {  	[spmem:s22] =	stream.linear.scatter [tilespmem:s10], [sflag:$0x1], $0x1000, $0x38;
	[tilespmem:$0x1D680] =	vst v63  }
0x17c: {  	s7 =	rddreg [dreg:$0x15]  }
0x17d: {  	[spmem:s3] =	stream.linear.scatter [tilespmem:s10], [sflag:$0x1], $0x1000, $0x38;
	[tilespmem:$0x1D680] =	vst v63  }
0x17e: {  	s8 =	rddreg [dreg:$0x16]  }
0x17f: {  	[spmem:s4] =	stream.linear.scatter [tilespmem:s10], [sflag:$0x1], $0x1000, $0x38;
	[tilespmem:$0x1D680] =	vst v63  }
0x180: {  	s11 =	rddreg [dreg:$0x17]  }
0x181: {  	[spmem:s7] =	stream.linear.scatter [tilespmem:s10], [sflag:$0x1], $0x1000, $0x38;
	[tilespmem:$0x1D680] =	vst v63  }
0x182: {  	s12 =	sld [smem:$0x7FD]  }
0x183: {  	[spmem:s8] =	stream.linear.scatter [tilespmem:s10], [sflag:$0x1], $0x1000, $0x38;
	[tilespmem:$0x1D680] =	vst v63  }
0x184: {  	s8 =	sld [smem:$0x7FB]  }
0x185: {  	[spmem:s11] =	stream.linear.scatter [tilespmem:s10], [sflag:$0x1], $0x1000, $0x38;
	[tilespmem:$0x1D680] =	vst v63  }
0x186: {  	s13 =	rddreg [dreg:$0x18]  }
0x187: {  	[spmem:s8] =	stream.linear.scatter [tilespmem:s12], [sflag:$0x1], $0x200, $0x38;
	[tilespmem:$0x1D680] =	vst v63  }
0x188: {  	s16 =	rddreg [dreg:$0x19]  }
0x189: {  	[tilespmem:s5], [sflag:$0x2] =	stream.linear.gather [hbm4b:s13+s5], $0x40, $0x38;
	[tilespmem:$0x1D680] =	vst v63  }
0x18a: {  	s7 =	simm.s32 $0x400;
	s11 =	simm.s32 $0x800;
	s13 =	simm.s32 $0x100  }
0x18b: {  	[tilespmem:s13], [sflag:$0x4] =	stream.strided.gather [hbm4b:s16+s7], $0x2000, s11, s7, $0x38;
	[tilespmem:$0x1D680] =	vst v63  }
0x18c: {  	_ =	swait.ge [sflag:s14], $0x1000  }
0x18d: {  	[sflag:s14] =	ssyncset.done $0x0  }
0x18e: {  	[sflag:s14] =	ssyncadd.s32 $0xFFFFF000  }
0x18f: {  	_ =	swait.ge [sflag:s14], $0x1000  }
0x190: {  	[sflag:s14] =	ssyncset.done $0x0  }
0x191: {  	[sflag:s14] =	ssyncadd.s32 $0xFFFFF000  }
0x192: {  	_ =	swait.ge [sflag:s14], $0x1000  }
0x193: {  	[sflag:s14] =	ssyncset.done $0x0  }
0x194: {  	[sflag:s14] =	ssyncadd.s32 $0xFFFFF000  }
0x195: {  	_ =	swait.ge [sflag:s14], $0x1000  }
0x196: {  	[sflag:s14] =	ssyncset.done $0x0  }
0x197: {  	[sflag:s14] =	ssyncadd.s32 $0xFFFFF000  }
0x198: {  	_ =	swait.ge [sflag:s14], $0x1000  }
0x199: {  	[sflag:s14] =	ssyncset.done $0x0  }
0x19a: {  	[sflag:s14] =	ssyncadd.s32 $0xFFFFF000  }
0x19b: {  	_ =	swait.ge [sflag:s14], $0x1000  }
0x19c: {  	[sflag:s14] =	ssyncset.done $0x0  }
0x19d: {  	[sflag:s14] =	ssyncadd.s32 $0xFFFFF000  }
0x19e: {  	_ =	swait.ge [sflag:s14], $0x1000  }
0x19f: {  	[sflag:s14] =	ssyncset.done $0x0  }
0x1a0: {  	[sflag:s14] =	ssyncadd.s32 $0xFFFFF000  }
0x1a1: {  	_ =	swait.ge [sflag:s14], $0x1000  }
0x1a2: {  	[sflag:s14] =	ssyncset.done $0x0  }
0x1a3: {  	[sflag:s14] =	ssyncadd.s32 $0xFFFFF000  }
0x1a4: {  	_ =	swait.ge [sflag:s14], $0x1000  }
0x1a5: {  	[sflag:s14] =	ssyncset.done $0x0  }
0x1a6: {  	[sflag:s14] =	ssyncadd.s32 $0xFFFFF000  }
0x1a7: {  	_ =	swait.ge [sflag:s14], $0x1000  }
0x1a8: {  	[sflag:s14] =	ssyncset.done $0x0  }
0x1a9: {  	[sflag:s14] =	ssyncadd.s32 $0xFFFFF000  }
0x1aa: {  	_ =	swait.ge [sflag:s14], $0x1000  }
0x1ab: {  	[sflag:s14] =	ssyncset.done $0x0  }
0x1ac: {  	[sflag:s14] =	ssyncadd.s32 $0xFFFFF000  }
0x1ad: {  	_ =	swait.ge [sflag:s14], $0x1000  }
0x1ae: {  	[sflag:s14] =	ssyncset.done $0x0  }
0x1af: {  	[sflag:s14] =	ssyncadd.s32 $0xFFFFF000  }
0x1b0: {  	_ =	swait.ge [sflag:s14], $0x1000  }
0x1b1: {  	[sflag:s14] =	ssyncset.done $0x0  }
0x1b2: {  	[sflag:s14] =	ssyncadd.s32 $0xFFFFF000  }
0x1b3: {  	_ =	swait.ge [sflag:s14], $0x1000  }
0x1b4: {  	[sflag:s14] =	ssyncset.done $0x0  }
0x1b5: {  	[sflag:s14] =	ssyncadd.s32 $0xFFFFF000  }
0x1b6: {  	_ =	swait.ge [sflag:s14], $0x1000  }
0x1b7: {  	[sflag:s14] =	ssyncset.done $0x0  }
0x1b8: {  	[sflag:s14] =	ssyncadd.s32 $0xFFFFF000  }
0x1b9: {  	_ =	swait.ge [sflag:s14], $0x1000  }
0x1ba: {  	[sflag:s14] =	ssyncset.done $0x0  }
0x1bb: {  	[sflag:s14] =	ssyncadd.s32 $0xFFFFF000  }
0x1bc: {  	_ =	swait.ge [sflag:s14], $0x200  }
0x1bd: {  	[sflag:s14] =	ssyncset.done $0x0  }
0x1be: {  	[sflag:s14] =	ssyncadd.s32 $0xFFFFFE00  }
0x1bf: {  	[bflag:$0x0] =	sbarrier.arrive $0xFFFF  }
0x1c0: {  	s17 =	rddreg [dreg:$0x1a]  }
0x1c1: {  	[tilespmem:s15], [sflag:$0x3] =	stream.linear.gather [hbm4b:s17+s5], $0x40, $0x38;
	[tilespmem:$0x1D680] =	vst v63  }
0x1c2: {  	s12 =	simm.s32 $0x2100;
	s18 =	rddreg [dreg:$0x1b];
	s17 =	simm.s32 $0x2  }
0x1c3: {  	[tilespmem:s12], [sflag:$0x5] =	stream.strided.gather [hbm4b:s18+s7], $0x2000, s11, s7, $0x38;
	[tilespmem:$0x1D680] =	vst v63  }
0x1c4: {  	_ =	swait.ge [sflag:s17], $0x40  }
0x1c5: {  	[sflag:s17] =	ssyncset.done $0x0  }
0x1c6: {  	s18 =	simm.s32 $0x4;
	[sflag:s17] =	ssyncadd.s32 $0xFFFFFFC0  }
0x1c7: {  	_ =	swait.ge [sflag:s18], $0x2000  }
0x1c8: {  	[sflag:s18] =	ssyncset.done $0x0  }
0x1c9: {  	[sflag:s18] =	ssyncadd.s32 $0xFFFFE000  }
0x1ca: {  	s3 =	rddreg [dreg:$0x6]  }
0x1cb: {  	[spmem:s3] =	stream.indirect.scatter.add.f32 [tilespmem:s13], [sflag:$0xC], $0x80, s5, s19, $0xb8;
	[tilespmem:$0x1D680] =	vst v63  }
0x1cc: {  	_ =	swait.ge [sflag:s20], $0x2000  }
0x1cd: {  	[sflag:s20] =	ssyncset.done $0x0  }
0x1ce: {  	[sflag:s20] =	ssyncadd.s32 $0xFFFFE000  }
0x1cf: {  	s16 =	simm.s32 $0xD400;
	s4 =	rddreg [dreg:$0x7]  }
0x1d0: {  	[spmem:s4] =	stream.indirect.scatter.add.f32 [tilespmem:s16], [sflag:$0xC], $0x1, s5, s19, $0xb8;
	[tilespmem:$0x1D680] =	vst v63  }
0x1d1: {  	_ =	swait.ge [sflag:s20], $0x40  }
0x1d2: {  	[sflag:s20] =	ssyncset.done $0x0  }
0x1d3: {  	s21 =	rddreg [dreg:$0x1c];
	[sflag:s20] =	ssyncadd.s32 $0xFFFFFFC0  }
0x1d4: {  	[tilespmem:s5], [sflag:$0x2] =	stream.linear.gather [hbm4b:s21+s5], $0x40, $0x38;
	[tilespmem:$0x1D680] =	vst v63  }
0x1d5: {  	s22 =	rddreg [dreg:$0x1d];
	s21 =	simm.s32 $0x3  }
0x1d6: {  	[tilespmem:s13], [sflag:$0x4] =	stream.strided.gather [hbm4b:s22+s7], $0x2000, s11, s7, $0x38;
	[tilespmem:$0x1D680] =	vst v63  }
0x1d7: {  	_ =	swait.ge [sflag:s21], $0x40  }
0x1d8: {  	[sflag:s21] =	ssyncset.done $0x0  }
0x1d9: {  	s22 =	simm.s32 $0x5;
	[sflag:s21] =	ssyncadd.s32 $0xFFFFFFC0  }
0x1da: {  	_ =	swait.ge [sflag:s22], $0x2000  }
0x1db: {  	[sflag:s22] =	ssyncset.done $0x0  }
0x1dc: {  	[sflag:s22] =	ssyncadd.s32 $0xFFFFE000  }
0x1dd: {  	[spmem:s3] =	stream.indirect.scatter.add.f32 [tilespmem:s12], [sflag:$0xC], $0x80, s15, s19, $0xb8;
	[tilespmem:$0x1D680] =	vst v63  }
0x1de: {  	_ =	swait.ge [sflag:s20], $0x2000  }
0x1df: {  	[sflag:s20] =	ssyncset.done $0x0  }
0x1e0: {  	[sflag:s20] =	ssyncadd.s32 $0xFFFFE000  }
0x1e1: {  	[spmem:s4] =	stream.indirect.scatter.add.f32 [tilespmem:s16], [sflag:$0xC], $0x1, s15, s19, $0xb8;
	[tilespmem:$0x1D680] =	vst v63  }
0x1e2: {  	_ =	swait.ge [sflag:s20], $0x40  }
0x1e3: {  	[sflag:s20] =	ssyncset.done $0x0  }
0x1e4: {  	s0 =	rddreg [dreg:$0x1e];
	[sflag:s20] =	ssyncadd.s32 $0xFFFFFFC0  }
0x1e5: {  	[tilespmem:s15], [sflag:$0x3] =	stream.linear.gather [hbm4b:s0+s5], $0x40, $0x38;
	[tilespmem:$0x1D680] =	vst v63  }
0x1e6: {  	s2 =	rddreg [dreg:$0x1f]  }
0x1e7: {  	[tilespmem:s12], [sflag:$0x5] =	stream.strided.gather [hbm4b:s2+s7], $0x2000, s11, s7, $0x38;
	[tilespmem:$0x1D680] =	vst v63  }
0x1e8: {  	_ =	swait.ge [sflag:s17], $0x40  }
0x1e9: {  	[sflag:s17] =	ssyncset.done $0x0  }
0x1ea: {  	[sflag:s17] =	ssyncadd.s32 $0xFFFFFFC0  }
0x1eb: {  	_ =	swait.ge [sflag:s18], $0x2000  }
0x1ec: {  	[sflag:s18] =	ssyncset.done $0x0  }
0x1ed: {  	[sflag:s18] =	ssyncadd.s32 $0xFFFFE000  }
0x1ee: {  	[spmem:s3] =	stream.indirect.scatter.add.f32 [tilespmem:s13], [sflag:$0xC], $0x80, s5, s19, $0xb8;
	[tilespmem:$0x1D680] =	vst v63  }
0x1ef: {  	_ =	swait.ge [sflag:s20], $0x2000  }
0x1f0: {  	[sflag:s20] =	ssyncset.done $0x0  }
0x1f1: {  	[sflag:s20] =	ssyncadd.s32 $0xFFFFE000  }
0x1f2: {  	[spmem:s4] =	stream.indirect.scatter.add.f32 [tilespmem:s16], [sflag:$0xC], $0x1, s5, s19, $0xb8;
	[tilespmem:$0x1D680] =	vst v63  }
0x1f3: {  	_ =	swait.ge [sflag:s20], $0x40  }
0x1f4: {  	s0 =	sld [smem:$0x7E9]  }
0x1f5: {  	[sflag:s20] =	ssyncset.done $0x0  }
0x1f6: {  	s2 =	sld [smem:$0x7EA];
	[sflag:s20] =	ssyncadd.s32 $0xFFFFFFC0  }
0x1f7: {  	[tilespmem:s5], [sflag:$0x2] =	stream.linear.gather [hbm4b:s0+s5], $0x40, $0x38;
	[tilespmem:$0x1D680] =	vst v63  }
0x1f8: {  	_ = 	snop  }
0x1f9: {  	[tilespmem:s13], [sflag:$0x4] =	stream.strided.gather [hbm4b:s2+s7], $0x2000, s11, s7, $0x38;
	[tilespmem:$0x1D680] =	vst v63  }
0x1fa: {  	_ =	swait.ge [sflag:s21], $0x40  }
0x1fb: {  	[sflag:s21] =	ssyncset.done $0x0  }
0x1fc: {  	[sflag:s21] =	ssyncadd.s32 $0xFFFFFFC0  }
0x1fd: {  	_ =	swait.ge [sflag:s22], $0x2000  }
0x1fe: {  	[sflag:s22] =	ssyncset.done $0x0  }
0x1ff: {  	[sflag:s22] =	ssyncadd.s32 $0xFFFFE000  }
0x200: {  	[spmem:s3] =	stream.indirect.scatter.add.f32 [tilespmem:s12], [sflag:$0xC], $0x80, s15, s19, $0xb8;
	[tilespmem:$0x1D680] =	vst v63  }
0x201: {  	_ =	swait.ge [sflag:s20], $0x2000  }
0x202: {  	[sflag:s20] =	ssyncset.done $0x0  }
0x203: {  	[sflag:s20] =	ssyncadd.s32 $0xFFFFE000  }
0x204: {  	[spmem:s4] =	stream.indirect.scatter.add.f32 [tilespmem:s16], [sflag:$0xC], $0x1, s15, s19, $0xb8;
	[tilespmem:$0x1D680] =	vst v63  }
0x205: {  	_ =	swait.ge [sflag:s20], $0x40  }
0x206: {  	s0 =	sld [smem:$0x7EB]  }
0x207: {  	[sflag:s20] =	ssyncset.done $0x0  }
0x208: {  	s2 =	sld [smem:$0x7EC];
	[sflag:s20] =	ssyncadd.s32 $0xFFFFFFC0  }
0x209: {  	[tilespmem:s15], [sflag:$0x3] =	stream.linear.gather [hbm4b:s0+s5], $0x40, $0x38;
	[tilespmem:$0x1D680] =	vst v63  }
0x20a: {  	_ = 	snop  }
0x20b: {  	[tilespmem:s12], [sflag:$0x5] =	stream.strided.gather [hbm4b:s2+s7], $0x2000, s11, s7, $0x38;
	[tilespmem:$0x1D680] =	vst v63  }
0x20c: {  	_ =	swait.ge [sflag:s17], $0x40  }
0x20d: {  	[sflag:s17] =	ssyncset.done $0x0  }
0x20e: {  	[sflag:s17] =	ssyncadd.s32 $0xFFFFFFC0  }
0x20f: {  	_ =	swait.ge [sflag:s18], $0x2000  }
0x210: {  	[sflag:s18] =	ssyncset.done $0x0  }
0x211: {  	[sflag:s18] =	ssyncadd.s32 $0xFFFFE000  }
0x212: {  	[spmem:s3] =	stream.indirect.scatter.add.f32 [tilespmem:s13], [sflag:$0xC], $0x80, s5, s19, $0xb8;
	[tilespmem:$0x1D680] =	vst v63  }
0x213: {  	_ =	swait.ge [sflag:s20], $0x2000  }
0x214: {  	[sflag:s20] =	ssyncset.done $0x0  }
0x215: {  	[sflag:s20] =	ssyncadd.s32 $0xFFFFE000  }
0x216: {  	[spmem:s4] =	stream.indirect.scatter.add.f32 [tilespmem:s16], [sflag:$0xC], $0x1, s5, s19, $0xb8;
	[tilespmem:$0x1D680] =	vst v63  }
0x217: {  	_ =	swait.ge [sflag:s20], $0x40  }
0x218: {  	s0 =	sld [smem:$0x7ED]  }
0x219: {  	[sflag:s20] =	ssyncset.done $0x0  }
0x21a: {  	s2 =	sld [smem:$0x7EE];
	[sflag:s20] =	ssyncadd.s32 $0xFFFFFFC0  }
0x21b: {  	[tilespmem:s5], [sflag:$0x2] =	stream.linear.gather [hbm4b:s0+s5], $0x40, $0x38;
	[tilespmem:$0x1D680] =	vst v63  }
0x21c: {  	_ = 	snop  }
0x21d: {  	[tilespmem:s13], [sflag:$0x4] =	stream.strided.gather [hbm4b:s2+s7], $0x2000, s11, s7, $0x38;
	[tilespmem:$0x1D680] =	vst v63  }
0x21e: {  	_ =	swait.ge [sflag:s21], $0x40  }
0x21f: {  	[sflag:s21] =	ssyncset.done $0x0  }
0x220: {  	[sflag:s21] =	ssyncadd.s32 $0xFFFFFFC0  }
0x221: {  	_ =	swait.ge [sflag:s22], $0x2000  }
0x222: {  	[sflag:s22] =	ssyncset.done $0x0  }
0x223: {  	[sflag:s22] =	ssyncadd.s32 $0xFFFFE000  }
0x224: {  	[spmem:s3] =	stream.indirect.scatter.add.f32 [tilespmem:s12], [sflag:$0xC], $0x80, s15, s19, $0xb8;
	[tilespmem:$0x1D680] =	vst v63  }
0x225: {  	_ =	swait.ge [sflag:s20], $0x2000  }
0x226: {  	[sflag:s20] =	ssyncset.done $0x0  }
0x227: {  	[sflag:s20] =	ssyncadd.s32 $0xFFFFE000  }
0x228: {  	[spmem:s4] =	stream.indirect.scatter.add.f32 [tilespmem:s16], [sflag:$0xC], $0x1, s15, s19, $0xb8;
	[tilespmem:$0x1D680] =	vst v63  }
0x229: {  	_ =	swait.ge [sflag:s20], $0x40  }
0x22a: {  	s0 =	sld [smem:$0x7EF]  }
0x22b: {  	[sflag:s20] =	ssyncset.done $0x0  }
0x22c: {  	s2 =	sld [smem:$0x7F0];
	[sflag:s20] =	ssyncadd.s32 $0xFFFFFFC0  }
0x22d: {  	[tilespmem:s15], [sflag:$0x3] =	stream.linear.gather [hbm4b:s0+s5], $0x40, $0x38;
	[tilespmem:$0x1D680] =	vst v63  }
0x22e: {  	_ = 	snop  }
0x22f: {  	[tilespmem:s12], [sflag:$0x5] =	stream.strided.gather [hbm4b:s2+s7], $0x2000, s11, s7, $0x38;
	[tilespmem:$0x1D680] =	vst v63  }
0x230: {  	_ =	swait.ge [sflag:s17], $0x40  }
0x231: {  	[sflag:s17] =	ssyncset.done $0x0  }
0x232: {  	[sflag:s17] =	ssyncadd.s32 $0xFFFFFFC0  }
0x233: {  	_ =	swait.ge [sflag:s18], $0x2000  }
0x234: {  	[sflag:s18] =	ssyncset.done $0x0  }
0x235: {  	[sflag:s18] =	ssyncadd.s32 $0xFFFFE000  }
0x236: {  	[spmem:s3] =	stream.indirect.scatter.add.f32 [tilespmem:s13], [sflag:$0xC], $0x80, s5, s19, $0xb8;
	[tilespmem:$0x1D680] =	vst v63  }
0x237: {  	_ =	swait.ge [sflag:s20], $0x2000  }
0x238: {  	[sflag:s20] =	ssyncset.done $0x0  }
0x239: {  	[sflag:s20] =	ssyncadd.s32 $0xFFFFE000  }
0x23a: {  	[spmem:s4] =	stream.indirect.scatter.add.f32 [tilespmem:s16], [sflag:$0xC], $0x1, s5, s19, $0xb8;
	[tilespmem:$0x1D680] =	vst v63  }
0x23b: {  	_ =	swait.ge [sflag:s20], $0x40  }
0x23c: {  	[sflag:s20] =	ssyncset.done $0x0  }
0x23d: {  	[sflag:s20] =	ssyncadd.s32 $0xFFFFFFC0  }
0x23e: {  	_ =	swait.ge [sflag:s21], $0x40  }
0x23f: {  	[sflag:s21] =	ssyncset.done $0x0  }
0x240: {  	[sflag:s21] =	ssyncadd.s32 $0xFFFFFFC0  }
0x241: {  	_ =	swait.ge [sflag:s22], $0x2000  }
0x242: {  	[sflag:s22] =	ssyncset.done $0x0  }
0x243: {  	[sflag:s22] =	ssyncadd.s32 $0xFFFFE000  }
0x244: {  	[spmem:s3] =	stream.indirect.scatter.add.f32 [tilespmem:s12], [sflag:$0xC], $0x80, s15, s19, $0xb8;
	[tilespmem:$0x1D680] =	vst v63  }
0x245: {  	_ =	swait.ge [sflag:s20], $0x2000  }
0x246: {  	[sflag:s20] =	ssyncset.done $0x0  }
0x247: {  	[sflag:s20] =	ssyncadd.s32 $0xFFFFE000  }
0x248: {  	[spmem:s4] =	stream.indirect.scatter.add.f32 [tilespmem:s16], [sflag:$0xC], $0x1, s15, s19, $0xb8;
	[tilespmem:$0x1D680] =	vst v63  }
0x249: {  	_ =	swait.ge [sflag:s20], $0x40  }
0x24a: {  	[sflag:s20] =	ssyncset.done $0x0  }
0x24b: {  	[sflag:s20] =	ssyncadd.s32 $0xFFFFFFC0  }
0x24c: {  	[bflag:$0x0] =	sbarrier.arrive $0xFFFF  }
0x24d: {  	s12 =	sld [smem:$0x7F2]  }
0x24e: {  	s7 =	sld [smem:$0x7F1];
	_ =	sdelay $0x1  }
0x24f: {  	s6 =	sshrl.u32 s6, $0x3;
	s11 =	simm.s32 $0x8;
	s2 =	sor.u32 $0x1C01, s12  }
0x250: {  	[hbm:s7@s13], [sflag:s2] =	dma.strided [spmem:s6@s15], $0x2000, s11, $0x10   }
0x251: {  	s2 =	stileid.u32;
	s0 =	sld [smem:$0x7F3]  }
0x252: {  	s2 =	sshll.u32 @!p0 s2, $0x6  }
0x253: {  	s6 =	sshrl.u32 @!p0 s8, $0x3;
	s2 =	sor.u32 @!p0 $0x1C0C, s2  }
0x254: {  	[hbm:s0], [sflag:s2] =	dma.local @!p0 [spmem:s6], $0x40  }
0x255: {  	s0 =	simm.s32 @!p0 $0xC  }
0x256: {  	_ =	swait.ge @!p0 [sflag:s0], $0x40  }
0x257: {  	s16 =	sld [smem:$0x7F4]  }
0x258: {  	[sflag:s0] =	ssyncset.done @!p0 $0x0  }
0x259: {  	s17 =	simm.s32 $0x4100;
	[sflag:s0] =	ssyncadd.s32 @!p0 $0xFFFFFFC0  }
0x25a: {  	[tilespmem:s17], [sflag:$0x6] =	stream.linear.gather [hbm4b:s16+s5], $0x40, $0x38;
	[tilespmem:$0x1D680] =	vst v63  }
0x25b: {  	_ =	swait.ge [sflag:s30], $0x40  }
0x25c: {  	s18 =	sld [smem:$0x7F5]  }
0x25d: {  	[sflag:s30] =	ssyncset.done $0x0  }
0x25e: {  	s2 =	simm.s32 $0x4180;
	[sflag:s30] =	ssyncadd.s32 $0xFFFFFFC0  }
0x25f: {  	[tilespmem:s2], [sflag:$0x7] =	stream.linear.gather [hbm4b:s18+s5], $0x40, $0x38;
	[tilespmem:$0x1D680] =	vst v63  }
0x260: {  	v5 =	vld [tilespmem:$0x4100];
	_ =	sdelay $0x4  }
0x261: {  	v6 =	vshll.u32 v5, $0x1  }
0x262: {  	v5 =	vand.u32 $0x7, v5;
	v6 =	vand.u32 $0xFFFFFFF0, v6  }
0x263: {  	v5 =	vor.u32 v5, v6  }
0x264: {  	v6 =	vperm.xlane v5, v2;
	_ =	sdelay $0x1  }
0x265: {  	v5 =	vperm.xlane v5, v4;
	v6 =	vadd.s32 v3, v6;
	_ =	sdelay $0x1  }
0x266: {  	v5 =	vadd.s32 v3, v5;
	_ =	sdelay $0x2  }
0x267: {  	[tilespmem:s31], [sflag:$0x8] =	stream.indirect_vreg.gather [hbm4b:s1+s5], $0x80, v6, vm0, $0xb8;
	[tilespmem:$0x1D680] =	vst v63  }
0x268: {  	s8 =	simm.s32 $0x4A00  }
0x269: {  	[tilespmem:s8], [sflag:$0x8] =	stream.indirect_vreg.gather [hbm4b:s1+s5], $0x80, v5, vm0, $0xb8;
	[tilespmem:$0x1D680] =	vst v63  }
0x26a: {  	v5 =	vld [tilespmem:$0x4110];
	_ =	sdelay $0x4  }
0x26b: {  	v6 =	vshll.u32 v5, $0x1  }
0x26c: {  	v5 =	vand.u32 $0x7, v5;
	v6 =	vand.u32 $0xFFFFFFF0, v6  }
0x26d: {  	v5 =	vor.u32 v5, v6  }
0x26e: {  	v6 =	vperm.xlane v5, v2;
	_ =	sdelay $0x1  }
0x26f: {  	v5 =	vperm.xlane v5, v4;
	v6 =	vadd.s32 v3, v6;
	_ =	sdelay $0x1  }
0x270: {  	v5 =	vadd.s32 v3, v5;
	_ =	sdelay $0x2  }
0x271: {  	[tilespmem:s29], [sflag:$0x8] =	stream.indirect_vreg.gather [hbm4b:s1+s5], $0x80, v6, vm0, $0xb8;
	[tilespmem:$0x1D680] =	vst v63  }
0x272: {  	_ = 	snop  }
0x273: {  	[tilespmem:s26], [sflag:$0x8] =	stream.indirect_vreg.gather [hbm4b:s1+s5], $0x80, v5, vm0, $0xb8;
	[tilespmem:$0x1D680] =	vst v63  }
0x274: {  	v5 =	vld [tilespmem:$0x4120];
	_ =	sdelay $0x4  }
0x275: {  	v6 =	vshll.u32 v5, $0x1  }
0x276: {  	v5 =	vand.u32 $0x7, v5;
	v6 =	vand.u32 $0xFFFFFFF0, v6  }
0x277: {  	v5 =	vor.u32 v5, v6  }
0x278: {  	v6 =	vperm.xlane v5, v2;
	_ =	sdelay $0x1  }
0x279: {  	v5 =	vperm.xlane v5, v4;
	v6 =	vadd.s32 v3, v6;
	_ =	sdelay $0x1  }
0x27a: {  	v5 =	vadd.s32 v3, v5;
	_ =	sdelay $0x1  }
0x27b: {  	s7 =	simm.s32 $0x6200  }
0x27c: {  	[tilespmem:s7], [sflag:$0x8] =	stream.indirect_vreg.gather [hbm4b:s1+s5], $0x80, v6, vm0, $0xb8;
	[tilespmem:$0x1D680] =	vst v63  }
0x27d: {  	_ = 	snop  }
0x27e: {  	[tilespmem:s25], [sflag:$0x8] =	stream.indirect_vreg.gather [hbm4b:s1+s5], $0x80, v5, vm0, $0xb8;
	[tilespmem:$0x1D680] =	vst v63  }
0x27f: {  	v5 =	vld [tilespmem:$0x4130];
	_ =	sdelay $0x4  }
0x280: {  	v6 =	vshll.u32 v5, $0x1  }
0x281: {  	v5 =	vand.u32 $0x7, v5;
	v6 =	vand.u32 $0xFFFFFFF0, v6  }
0x282: {  	v5 =	vor.u32 v5, v6  }
0x283: {  	v6 =	vperm.xlane v5, v2;
	_ =	sdelay $0x1  }
0x284: {  	v5 =	vperm.xlane v5, v4;
	v6 =	vadd.s32 v3, v6;
	_ =	sdelay $0x1  }
0x285: {  	v5 =	vadd.s32 v3, v5;
	_ =	sdelay $0x2  }
0x286: {  	[tilespmem:s28], [sflag:$0x8] =	stream.indirect_vreg.gather [hbm4b:s1+s5], $0x80, v6, vm0, $0xb8;
	[tilespmem:$0x1D680] =	vst v63  }
0x287: {  	s4 =	simm.s32 $0x7A00  }
0x288: {  	[tilespmem:s4], [sflag:$0x8] =	stream.indirect_vreg.gather [hbm4b:s1+s5], $0x80, v5, vm0, $0xb8;
	[tilespmem:$0x1D680] =	vst v63  }
0x289: {  	_ =	swait.ge [sflag:s11], $0x4000  }
0x28a: {  	s21 =	sld [smem:$0x7F6]  }
0x28b: {  	[sflag:s11] =	ssyncset.done $0x0  }
0x28c: {  	s3 =	simm.s32 $0x7;
	[sflag:s11] =	ssyncadd.s32 $0xFFFFC000  }
0x28d: {  	[hbm4b:s21+s5] =	stream.linear.scatter [tilespmem:s31], [sflag:$0xA], $0x4000, $0x38;
	[tilespmem:$0x1D680] =	vst v63  }
0x28e: {  	_ =	swait.ge [sflag:s3], $0x40  }
0x28f: {  	s22 =	sld [smem:$0x7F7]  }
0x290: {  	[sflag:s3] =	ssyncset.done $0x0  }
0x291: {  	[sflag:s3] =	ssyncadd.s32 $0xFFFFFFC0  }
0x292: {  	[tilespmem:s17], [sflag:$0x6] =	stream.linear.gather [hbm4b:s22+s5], $0x40, $0x38;
	[tilespmem:$0x1D680] =	vst v63  }
0x293: {  	v5 =	vld [tilespmem:$0x4180];
	_ =	sdelay $0x4  }
0x294: {  	v6 =	vshll.u32 v5, $0x1  }
0x295: {  	v5 =	vand.u32 $0x7, v5;
	v6 =	vand.u32 $0xFFFFFFF0, v6  }
0x296: {  	v5 =	vor.u32 v5, v6  }
0x297: {  	v6 =	vperm.xlane v5, v2;
	_ =	sdelay $0x1  }
0x298: {  	v5 =	vperm.xlane v5, v4;
	v6 =	vadd.s32 v3, v6;
	_ =	sdelay $0x1  }
0x299: {  	v5 =	vadd.s32 v3, v5;
	_ =	sdelay $0x1  }
0x29a: {  	s6 =	simm.s32 $0x8200  }
0x29b: {  	[tilespmem:s6], [sflag:$0x9] =	stream.indirect_vreg.gather [hbm4b:s1+s5], $0x80, v6, vm0, $0xb8;
	[tilespmem:$0x1D680] =	vst v63  }
0x29c: {  	_ = 	snop  }
0x29d: {  	[tilespmem:s24], [sflag:$0x9] =	stream.indirect_vreg.gather [hbm4b:s1+s5], $0x80, v5, vm0, $0xb8;
	[tilespmem:$0x1D680] =	vst v63  }
0x29e: {  	v5 =	vld [tilespmem:$0x4190];
	_ =	sdelay $0x4  }
0x29f: {  	v6 =	vshll.u32 v5, $0x1  }
0x2a0: {  	v5 =	vand.u32 $0x7, v5;
	v6 =	vand.u32 $0xFFFFFFF0, v6  }
0x2a1: {  	v5 =	vor.u32 v5, v6  }
0x2a2: {  	v6 =	vperm.xlane v5, v2;
	_ =	sdelay $0x1  }
0x2a3: {  	v5 =	vperm.xlane v5, v4;
	v6 =	vadd.s32 v3, v6;
	_ =	sdelay $0x1  }
0x2a4: {  	v5 =	vadd.s32 v3, v5;
	_ =	sdelay $0x1  }
0x2a5: {  	s12 =	simm.s32 $0x9200  }
0x2a6: {  	[tilespmem:s12], [sflag:$0x9] =	stream.indirect_vreg.gather [hbm4b:s1+s5], $0x80, v6, vm0, $0xb8;
	[tilespmem:$0x1D680] =	vst v63  }
0x2a7: {  	s16 =	simm.s32 $0x9A00  }
0x2a8: {  	[tilespmem:s16], [sflag:$0x9] =	stream.indirect_vreg.gather [hbm4b:s1+s5], $0x80, v5, vm0, $0xb8;
	[tilespmem:$0x1D680] =	vst v63  }
0x2a9: {  	v5 =	vld [tilespmem:$0x41A0];
	_ =	sdelay $0x4  }
0x2aa: {  	v6 =	vshll.u32 v5, $0x1  }
0x2ab: {  	v5 =	vand.u32 $0x7, v5;
	v6 =	vand.u32 $0xFFFFFFF0, v6  }
0x2ac: {  	v5 =	vor.u32 v5, v6  }
0x2ad: {  	v6 =	vperm.xlane v5, v2;
	_ =	sdelay $0x1  }
0x2ae: {  	v5 =	vperm.xlane v5, v4;
	v6 =	vadd.s32 v3, v6;
	_ =	sdelay $0x1  }
0x2af: {  	v5 =	vadd.s32 v3, v5;
	_ =	sdelay $0x1  }
0x2b0: {  	s21 =	simm.s32 $0xA200  }
0x2b1: {  	[tilespmem:s21], [sflag:$0x9] =	stream.indirect_vreg.gather [hbm4b:s1+s5], $0x80, v6, vm0, $0xb8;
	[tilespmem:$0x1D680] =	vst v63  }
0x2b2: {  	s13 =	simm.s32 $0xAA00  }
0x2b3: {  	[tilespmem:s13], [sflag:$0x9] =	stream.indirect_vreg.gather [hbm4b:s1+s5], $0x80, v5, vm0, $0xb8;
	[tilespmem:$0x1D680] =	vst v63  }
0x2b4: {  	v5 =	vld [tilespmem:$0x41B0];
	_ =	sdelay $0x4  }
0x2b5: {  	v6 =	vshll.u32 v5, $0x1  }
0x2b6: {  	v5 =	vand.u32 $0x7, v5;
	v6 =	vand.u32 $0xFFFFFFF0, v6  }
0x2b7: {  	v5 =	vor.u32 v5, v6  }
0x2b8: {  	v6 =	vperm.xlane v5, v2;
	_ =	sdelay $0x1  }
0x2b9: {  	v5 =	vperm.xlane v5, v4;
	v6 =	vadd.s32 v3, v6;
	_ =	sdelay $0x1  }
0x2ba: {  	v5 =	vadd.s32 v3, v5;
	_ =	sdelay $0x1  }
0x2bb: {  	s17 =	simm.s32 $0xB200  }
0x2bc: {  	[tilespmem:s17], [sflag:$0x9] =	stream.indirect_vreg.gather [hbm4b:s1+s5], $0x80, v6, vm0, $0xb8;
	[tilespmem:$0x1D680] =	vst v63  }
0x2bd: {  	s18 =	simm.s32 $0xBA00;
	s22 =	simm.s32 $0x9  }
0x2be: {  	[tilespmem:s18], [sflag:$0x9] =	stream.indirect_vreg.gather [hbm4b:s1+s5], $0x80, v5, vm0, $0xb8;
	[tilespmem:$0x1D680] =	vst v63  }
0x2bf: {  	_ =	swait.ge [sflag:s22], $0x4000  }
0x2c0: {  	s0 =	sld [smem:$0x7F8]  }
0x2c1: {  	[sflag:s22] =	ssyncset.done $0x0  }
0x2c2: {  	[sflag:s22] =	ssyncadd.s32 $0xFFFFC000  }
0x2c3: {  	[hbm4b:s0+s5] =	stream.linear.scatter [tilespmem:s6], [sflag:$0xB], $0x4000, $0x38;
	[tilespmem:$0x1D680] =	vst v63  }
0x2c4: {  	_ =	swait.ge [sflag:s23], $0x4000  }
0x2c5: {  	[sflag:s23] =	ssyncset.done $0x0  }
0x2c6: {  	[sflag:s23] =	ssyncadd.s32 $0xFFFFC000  }
0x2c7: {  	_ =	swait.ge [sflag:s30], $0x40  }
0x2c8: {  	s0 =	sld [smem:$0x7F9]  }
0x2c9: {  	[sflag:s30] =	ssyncset.done $0x0  }
0x2ca: {  	[sflag:s30] =	ssyncadd.s32 $0xFFFFFFC0  }
0x2cb: {  	[tilespmem:s2], [sflag:$0x7] =	stream.linear.gather [hbm4b:s0+s5], $0x40, $0x38;
	[tilespmem:$0x1D680] =	vst v63  }
0x2cc: {  	v5 =	vld [tilespmem:$0x4100];
	_ =	sdelay $0x4  }
0x2cd: {  	v6 =	vshll.u32 v5, $0x1  }
0x2ce: {  	v5 =	vand.u32 $0x7, v5;
	v6 =	vand.u32 $0xFFFFFFF0, v6  }
0x2cf: {  	v5 =	vor.u32 v5, v6  }
0x2d0: {  	v6 =	vperm.xlane v5, v2;
	_ =	sdelay $0x1  }
0x2d1: {  	v5 =	vperm.xlane v5, v4;
	v6 =	vadd.s32 v3, v6;
	_ =	sdelay $0x1  }
0x2d2: {  	v5 =	vadd.s32 v3, v5;
	_ =	sdelay $0x2  }
0x2d3: {  	[tilespmem:s31], [sflag:$0x8] =	stream.indirect_vreg.gather [hbm4b:s1+s5], $0x80, v6, vm0, $0xb8;
	[tilespmem:$0x1D680] =	vst v63  }
0x2d4: {  	_ = 	snop  }
0x2d5: {  	[tilespmem:s8], [sflag:$0x8] =	stream.indirect_vreg.gather [hbm4b:s1+s5], $0x80, v5, vm0, $0xb8;
	[tilespmem:$0x1D680] =	vst v63  }
0x2d6: {  	v5 =	vld [tilespmem:$0x4110];
	_ =	sdelay $0x4  }
0x2d7: {  	v6 =	vshll.u32 v5, $0x1  }
0x2d8: {  	v5 =	vand.u32 $0x7, v5;
	v6 =	vand.u32 $0xFFFFFFF0, v6  }
0x2d9: {  	v5 =	vor.u32 v5, v6  }
0x2da: {  	v6 =	vperm.xlane v5, v2;
	_ =	sdelay $0x1  }
0x2db: {  	v5 =	vperm.xlane v5, v4;
	v6 =	vadd.s32 v3, v6;
	_ =	sdelay $0x1  }
0x2dc: {  	v5 =	vadd.s32 v3, v5;
	_ =	sdelay $0x2  }
0x2dd: {  	[tilespmem:s29], [sflag:$0x8] =	stream.indirect_vreg.gather [hbm4b:s1+s5], $0x80, v6, vm0, $0xb8;
	[tilespmem:$0x1D680] =	vst v63  }
0x2de: {  	_ = 	snop  }
0x2df: {  	[tilespmem:s26], [sflag:$0x8] =	stream.indirect_vreg.gather [hbm4b:s1+s5], $0x80, v5, vm0, $0xb8;
	[tilespmem:$0x1D680] =	vst v63  }
0x2e0: {  	v5 =	vld [tilespmem:$0x4120];
	_ =	sdelay $0x4  }
0x2e1: {  	v6 =	vshll.u32 v5, $0x1  }
0x2e2: {  	v5 =	vand.u32 $0x7, v5;
	v6 =	vand.u32 $0xFFFFFFF0, v6  }
0x2e3: {  	v5 =	vor.u32 v5, v6  }
0x2e4: {  	v6 =	vperm.xlane v5, v2;
	_ =	sdelay $0x1  }
0x2e5: {  	v5 =	vperm.xlane v5, v4;
	v6 =	vadd.s32 v3, v6;
	_ =	sdelay $0x1  }
0x2e6: {  	v5 =	vadd.s32 v3, v5;
	_ =	sdelay $0x2  }
0x2e7: {  	[tilespmem:s7], [sflag:$0x8] =	stream.indirect_vreg.gather [hbm4b:s1+s5], $0x80, v6, vm0, $0xb8;
	[tilespmem:$0x1D680] =	vst v63  }
0x2e8: {  	_ = 	snop  }
0x2e9: {  	[tilespmem:s25], [sflag:$0x8] =	stream.indirect_vreg.gather [hbm4b:s1+s5], $0x80, v5, vm0, $0xb8;
	[tilespmem:$0x1D680] =	vst v63  }
0x2ea: {  	v5 =	vld [tilespmem:$0x4130];
	_ =	sdelay $0x4  }
0x2eb: {  	v6 =	vshll.u32 v5, $0x1  }
0x2ec: {  	v5 =	vand.u32 $0x7, v5;
	v6 =	vand.u32 $0xFFFFFFF0, v6  }
0x2ed: {  	v5 =	vor.u32 v5, v6  }
0x2ee: {  	v6 =	vperm.xlane v5, v2;
	_ =	sdelay $0x1  }
0x2ef: {  	v5 =	vperm.xlane v5, v4;
	v6 =	vadd.s32 v3, v6;
	_ =	sdelay $0x1  }
0x2f0: {  	v5 =	vadd.s32 v3, v5;
	_ =	sdelay $0x2  }
0x2f1: {  	[tilespmem:s28], [sflag:$0x8] =	stream.indirect_vreg.gather [hbm4b:s1+s5], $0x80, v6, vm0, $0xb8;
	[tilespmem:$0x1D680] =	vst v63  }
0x2f2: {  	_ = 	snop  }
0x2f3: {  	[tilespmem:s4], [sflag:$0x8] =	stream.indirect_vreg.gather [hbm4b:s1+s5], $0x80, v5, vm0, $0xb8;
	[tilespmem:$0x1D680] =	vst v63  }
0x2f4: {  	_ =	swait.ge [sflag:s11], $0x4000  }
0x2f5: {  	s8 =	sld [smem:$0x7FA]  }
0x2f6: {  	[sflag:s11] =	ssyncset.done $0x0  }
0x2f7: {  	[sflag:s11] =	ssyncadd.s32 $0xFFFFC000;
	s11 =	simm.s32 $0xB  }
0x2f8: {  	[hbm4b:s8+s5] =	stream.linear.scatter [tilespmem:s31], [sflag:$0xA], $0x4000, $0x38;
	[tilespmem:$0x1D680] =	vst v63  }
0x2f9: {  	_ =	swait.ge [sflag:s11], $0x4000  }
0x2fa: {  	[sflag:s11] =	ssyncset.done $0x0  }
0x2fb: {  	[sflag:s11] =	ssyncadd.s32 $0xFFFFC000  }
0x2fc: {  	_ =	swait.ge [sflag:s3], $0x40  }
0x2fd: {  	[sflag:s3] =	ssyncset.done $0x0  }
0x2fe: {  	[sflag:s3] =	ssyncadd.s32 $0xFFFFFFC0  }
0x2ff: {  	v5 =	vld [tilespmem:$0x4180];
	_ =	sdelay $0x4  }
0x300: {  	v6 =	vshll.u32 v5, $0x1  }
0x301: {  	v5 =	vand.u32 $0x7, v5;
	v6 =	vand.u32 $0xFFFFFFF0, v6  }
0x302: {  	v5 =	vor.u32 v5, v6  }
0x303: {  	v6 =	vperm.xlane v5, v2;
	_ =	sdelay $0x1  }
0x304: {  	v5 =	vperm.xlane v5, v4;
	v6 =	vadd.s32 v3, v6;
	_ =	sdelay $0x1  }
0x305: {  	v5 =	vadd.s32 v3, v5;
	_ =	sdelay $0x2  }
0x306: {  	[tilespmem:s6], [sflag:$0x9] =	stream.indirect_vreg.gather [hbm4b:s1+s5], $0x80, v6, vm0, $0xb8;
	[tilespmem:$0x1D680] =	vst v63  }
0x307: {  	_ = 	snop  }
0x308: {  	[tilespmem:s24], [sflag:$0x9] =	stream.indirect_vreg.gather [hbm4b:s1+s5], $0x80, v5, vm0, $0xb8;
	[tilespmem:$0x1D680] =	vst v63  }
0x309: {  	v5 =	vld [tilespmem:$0x4190];
	_ =	sdelay $0x4  }
0x30a: {  	v6 =	vshll.u32 v5, $0x1  }
0x30b: {  	v5 =	vand.u32 $0x7, v5;
	v6 =	vand.u32 $0xFFFFFFF0, v6  }
0x30c: {  	v5 =	vor.u32 v5, v6  }
0x30d: {  	v6 =	vperm.xlane v5, v2;
	_ =	sdelay $0x1  }
0x30e: {  	v5 =	vperm.xlane v5, v4;
	v6 =	vadd.s32 v3, v6;
	_ =	sdelay $0x1  }
0x30f: {  	v5 =	vadd.s32 v3, v5;
	_ =	sdelay $0x2  }
0x310: {  	[tilespmem:s12], [sflag:$0x9] =	stream.indirect_vreg.gather [hbm4b:s1+s5], $0x80, v6, vm0, $0xb8;
	[tilespmem:$0x1D680] =	vst v63  }
0x311: {  	_ = 	snop  }
0x312: {  	[tilespmem:s16], [sflag:$0x9] =	stream.indirect_vreg.gather [hbm4b:s1+s5], $0x80, v5, vm0, $0xb8;
	[tilespmem:$0x1D680] =	vst v63  }
0x313: {  	v5 =	vld [tilespmem:$0x41A0];
	_ =	sdelay $0x4  }
0x314: {  	v6 =	vshll.u32 v5, $0x1  }
0x315: {  	v5 =	vand.u32 $0x7, v5;
	v6 =	vand.u32 $0xFFFFFFF0, v6  }
0x316: {  	v5 =	vor.u32 v5, v6  }
0x317: {  	v6 =	vperm.xlane v5, v2;
	_ =	sdelay $0x1  }
0x318: {  	v5 =	vperm.xlane v5, v4;
	v6 =	vadd.s32 v3, v6;
	_ =	sdelay $0x1  }
0x319: {  	v5 =	vadd.s32 v3, v5;
	_ =	sdelay $0x2  }
0x31a: {  	[tilespmem:s21], [sflag:$0x9] =	stream.indirect_vreg.gather [hbm4b:s1+s5], $0x80, v6, vm0, $0xb8;
	[tilespmem:$0x1D680] =	vst v63  }
0x31b: {  	_ = 	snop  }
0x31c: {  	[tilespmem:s13], [sflag:$0x9] =	stream.indirect_vreg.gather [hbm4b:s1+s5], $0x80, v5, vm0, $0xb8;
	[tilespmem:$0x1D680] =	vst v63  }
0x31d: {  	v5 =	vld [tilespmem:$0x41B0];
	_ =	sdelay $0x4  }
0x31e: {  	v6 =	vshll.u32 v5, $0x1  }
0x31f: {  	v5 =	vand.u32 $0x7, v5;
	v6 =	vand.u32 $0xFFFFFFF0, v6  }
0x320: {  	v5 =	vor.u32 v5, v6  }
0x321: {  	v6 =	vperm.xlane v5, v2;
	_ =	sdelay $0x1  }
0x322: {  	v5 =	vperm.xlane v5, v4;
	v6 =	vadd.s32 v3, v6;
	_ =	sdelay $0x1  }
0x323: {  	v5 =	vadd.s32 v3, v5;
	_ =	sdelay $0x2  }
0x324: {  	[tilespmem:s17], [sflag:$0x9] =	stream.indirect_vreg.gather [hbm4b:s1+s5], $0x80, v6, vm0, $0xb8;
	[tilespmem:$0x1D680] =	vst v63  }
0x325: {  	_ = 	snop  }
0x326: {  	[tilespmem:s18], [sflag:$0x9] =	stream.indirect_vreg.gather [hbm4b:s1+s5], $0x80, v5, vm0, $0xb8;
	[tilespmem:$0x1D680] =	vst v63  }
0x327: {  	_ =	swait.ge [sflag:s22], $0x4000  }
0x328: {  	s21 =	sld [smem:$0x7FC]  }
0x329: {  	[sflag:s22] =	ssyncset.done $0x0  }
0x32a: {  	[sflag:s22] =	ssyncadd.s32 $0xFFFFC000  }
0x32b: {  	[hbm4b:s21+s5] =	stream.linear.scatter [tilespmem:s6], [sflag:$0xB], $0x4000, $0x38;
	[tilespmem:$0x1D680] =	vst v63  }
0x32c: {  	_ =	swait.ge [sflag:s23], $0x4000  }
0x32d: {  	[sflag:s23] =	ssyncset.done $0x0  }
0x32e: {  	s9 =	sadd.s32 $0xFFFFFFFF, s9;
	[sflag:s23] =	ssyncadd.s32 $0xFFFFC000  }
0x32f: {  	p1 =	sne.s32 s9, $0x0;
	_ =	swait.ge [sflag:s11], $0x4000  }
.Ltmp0:
0x330: {  	[sflag:s11] =	ssyncset.done $0x0;
	(pc) =	sbr.rel @p1 .LBB2_1-.Ltmp0, $4  }
0x331: {  	[sflag:s11] =	ssyncadd.s32 $0xFFFFC000  }
0x332: {  	_ =	swait.ge [sflag:s14], $0x2000  }
0x333: {  	[sflag:s14] =	ssyncset.done $0x0  }
0x334: {  	[sflag:s14] =	ssyncadd.s32 $0xFFFFE000  }
0x335: {  	_ =	sfence.sel $0x180000  }
0x336: {  	[bflag:$0x0] =	sbarrier.arrive $0xFFFF  }
0x337: {  	_ =	strace $0x90000047  }
0x338: {  	s0 =	stileid.u32;
	[bflag:$0x2] =	sbarrier.arrive $0xFFFF  }
0x339: {  	p0 =	sne.s32 s0, $0x0;
	s0 =	rddreg [dreg:$0x8]  }
0x33a: {  	s0 =	sadd.s32 @!p0 $0x100000, s0  }
0x33b: {  	[sflag:s0] =	ssyncadd.tile.s32 @!p0 $0x1;
	_ =	shalt  }
.Lfunc_end2:
_tile_overlayer_lowered:
.L_overlay_start_2:
0x33c: {  	(tag) =	ssettag $0x2  }
0x33d: {  	s0 =	rddreg [dreg:$0x0];
	s2 =	stileid.u32  }
0x33e: {  	s1 =	rddreg [dreg:$0x1];
	p0 =	sne.s32 s2, $0x0  }
0x33f: {  	s3 =	rddreg [dreg:$0x2];
	[bflag:$0x3] =	sbarrier.arrive $0xFFFF;
	s2 =	simm.s32 @!p0 $0x1C0C  }
0x340: {  	[timem:s3], [sflag:s2] =	dma.local @!p0 [hbm:s0], s1  }
0x341: {  	s0 =	simm.s32 @!p0 $0xC  }
0x342: {  	_ =	swait.ge @!p0 [sflag:s0], s1  }
0x343: {  	s1 =	ssub.s32 @!p0 $0x0, s1;
	[sflag:s0] =	ssyncset.done @!p0 $0x0  }
0x344: {  	[sflag:s0] =	ssyncadd.s32 @!p0 s1  }
0x345: {  	[bflag:$0x3] =	sbarrier.arrive $0xFFFF  }
0x346: {  	_ =	shalt  }

</sc_bundles>
